<compile_context>
chip_gen: v7x
topology: tpu7x:2x2x1
jax: 0.10.2.dev20260603
libtpu: 0.0.44.dev20260713+nightly
codegen_flags: <defaults>
</compile_context>

<pallas_src>
import jax
import jax.numpy as jnp
from jax import lax
from jax.experimental import pallas as pl
from jax.experimental.pallas import tpu as pltpu
from jax.experimental.pallas import tpu_sc as plsc

D = 32
N_REFLN = 1000000
GRID = 121

NC = 2
NS = 16
NW = NC * NS

DPAD = 128
CHUNK = 320
SEG = CHUNK // 4
STRIDE = N_REFLN // 4
NCHUNK = N_REFLN // CHUNK
M_MAX = (NCHUNK + NW - 1) // NW
N_IT = ((M_MAX + 3 + 1) // 2) * 2


def _sc_body(source_hbm, rasu_hbm, h_hbm, k_hbm, l_hbm, grid_hbm, out_hbm,
             rasu0, rasu1, hv0, hv1, kv0, kv1, lv0, lv1,
             flat0, flat1, idx0, idx1, rows_v, pack_v,
             sin0, sin1, sg0, sg1, sr0, sr1, so0, so1):
    cid = lax.axis_index("c")
    sid = lax.axis_index("s")
    wid = sid * NC + cid

    sin = (sin0, sin1)
    sg = (sg0, sg1)
    sr = (sr0, sr1)
    so = (so0, so1)
    rasu_s = (rasu0, rasu1)
    h_s = (hv0, hv1)
    k_s = (kv0, kv1)
    l_s = (lv0, lv1)
    flat_s = (flat0, flat1)
    idx_s = (idx0, idx1)

    def chunk_id(jj):
        return wid + jj * NW

    def ok(jj):
        return (jj >= 0) & (chunk_id(jj) < NCHUNK)

    def in_descs(s, jj):
        descs = []
        for q in range(4):
            base = chunk_id(jj) * SEG + q * STRIDE
            for hbm, vbuf in ((rasu_hbm, rasu_s[s]), (h_hbm, h_s[s]),
                              (k_hbm, k_s[s]), (l_hbm, l_s[s])):
                descs.append(pltpu.make_async_copy(
                    hbm.at[pl.ds(base, SEG)],
                    vbuf.at[q, pl.ds(0, SEG)], sin[s]))
        return descs

    def grid_desc(s):
        return pltpu.make_async_copy(grid_hbm.at[flat_s[s]],
                                     idx_s[s], sg[s])

    def rows_desc(s):
        return pltpu.make_async_copy(source_hbm.at[idx_s[s]],
                                     rows_v.at[s], sr[s])

    def out_desc(s, jj):
        obase = pl.multiple_of(chunk_id(jj) * SEG, 8)
        return pltpu.make_async_copy(
            pack_v.at[s], out_hbm.at[pl.ds(obase, SEG)], so[s])

    def body(j, b):
        s3 = (b + 1) % 2

        @pl.when(ok(j - 5))
        def _():
            out_desc(s3, j - 5).wait()

        @pl.when(ok(j - 3))
        def _():
            rows_desc(s3).wait()

            def pack_iter(p, carry):
                for jj in range(4):
                    for c in range(2):
                        v = rows_v[s3, jj * SEG + p, pl.ds(c * 16, 16)]
                        pack_v[s3, p, pl.ds(jj * D + c * 16, 16)] = v
                return carry

            lax.fori_loop(0, SEG, pack_iter, 0, unroll=4)
            out_desc(s3, j - 3).start()

        s2 = b

        @pl.when(ok(j - 2))
        def _():
            grid_desc(s2).wait()
            rows_desc(s2).start()

        s1 = (b + 1) % 2

        @pl.when(ok(j - 1))
        def _():
            for d in in_descs(s1, j - 1):
                d.wait()

            for q in range(4):
                def idx_iter(i, carry, q=q):
                    b16 = i * 16
                    rasu = rasu_s[s1][q, pl.ds(b16, 16)]
                    h = h_s[s1][q, pl.ds(b16, 16)]
                    k = k_s[s1][q, pl.ds(b16, 16)]
                    l = l_s[s1][q, pl.ds(b16, 16)]
                    flat = ((rasu * GRID + h) * GRID + k) * GRID + l
                    flat_s[s1][pl.ds(q * SEG + b16, 16)] = flat
                    return carry

                lax.fori_loop(0, SEG // 16, idx_iter, 0, unroll=5)
            grid_desc(s1).start()

        s0 = b

        @pl.when(ok(j))
        def _():
            for d in in_descs(s0, j):
                d.start()

    def pair_iter(t, carry):
        for b in range(2):
            body(2 * t + b, b)
        return carry

    lax.fori_loop(0, N_IT // 2, pair_iter, 0)

    for e in range(2):
        j = N_IT + e
        s = (j + 1) % 2

        @pl.when(ok(j - 5))
        def _():
            out_desc(s, j - 5).wait()


@jax.jit
def _sc_gather(source_pad, rasu_id, h, k, l, grid_flat):
    mesh = plsc.VectorSubcoreMesh(core_axis_name="c", subcore_axis_name="s")
    kern = pl.kernel(
        _sc_body,
        out_type=jax.ShapeDtypeStruct((N_REFLN // 4, DPAD), jnp.float32),
        mesh=mesh,
        scratch_types=[
        ] + [pltpu.VMEM((4, DPAD), jnp.int32)] * 8
          + [pltpu.VMEM((CHUNK,), jnp.int32)] * 4 + [
            pltpu.VMEM((2, CHUNK, DPAD), jnp.float32),
            pltpu.VMEM((2, SEG, DPAD), jnp.float32),
        ] + [pltpu.SemaphoreType.DMA] * 8,
    )
    return kern(source_pad, rasu_id, h, k, l, grid_flat)


def kernel(source, rasu_id, H, reflection_id_grid):
    h = H[:, 0]
    k = H[:, 1]
    l = H[:, 2]
    grid_flat = reflection_id_grid.reshape(-1)
    source_pad = jnp.pad(source, ((0, 0), (0, DPAD - D)))
    out_pack = _sc_gather(source_pad, rasu_id, h, k, l, grid_flat)
    out_t = out_pack.reshape(STRIDE, 4, D).transpose(2, 1, 0)
    return out_t.reshape(D, N_REFLN).T

# --- scband reference (transcript-rebuilt; emitter-appended) ---
"""Pipeline reference for scband-reciprocal-asucollection-45440753991700 (READ-ONLY COPY).

The authoritative reference and input builder live on the scoring server;
editing this copy changes nothing except your own understanding.
"""

import jax, jax.numpy as jnp
import numpy as np

N_TOTAL = 100000   # total unique reflections across all rasus
D = 32             # per-reflection feature dim carried by `source`
N_REFLN = 1000000  # observed reflections
N_ASUS = 2
GRID = 121         # 2*hmax+1 with hmax=60


def setup_inputs(seed: int = 0) -> dict:
    key = jax.random.key(seed)
    k1, k2, k3, k4 = jax.random.split(key, 4)
    source = jax.random.normal(k1, (N_TOTAL, D), dtype=jnp.float32)
    rasu_id = jax.random.randint(k2, (N_REFLN,), 0, N_ASUS, dtype=jnp.int32)
    H = jax.random.randint(k3, (N_REFLN, 3), 0, GRID, dtype=jnp.int32)
    # In the real module this grid is built from space-group ops (gemmi);
    # here we materialize a synthetic grid with valid ids in [0, N_TOTAL).
    reflection_id_grid = jax.random.randint(
        k4, (N_ASUS, GRID, GRID, GRID), 0, N_TOTAL, dtype=jnp.int32
    )
    return {
        "source": source,
        "rasu_id": rasu_id,
        "H": H,
        "reflection_id_grid": reflection_id_grid,
    }


def reference(source, rasu_id, H, reflection_id_grid):
    # ReciprocalASUCollection.gather:
    #   h, k, l = H.T
    #   idx = self.reflection_id_grid[rasu_id, h, k, l]
    #   gathered = source[idx]
    h = H[:, 0]
    k = H[:, 1]
    l = H[:, 2]
    idx = reflection_id_grid[rasu_id, h, k, l]
    gathered = jnp.take(source, idx, axis=0)
    return gathered

if __name__ == "__main__":
    import jax
    _d = setup_inputs()
    print(jax.jit(kernel)(*tuple(_d.values())))

</pallas_src>

<mosaic_0001>
#map = affine_map<(d0, d1) -> (0, 0)>
#map1 = affine_map<(d0, d1) -> (0)>
module attributes {stable_mosaic.version = 14 : i64} {
  func.func @_sc_body(%arg0: i32, %arg1: i32, %arg2: memref<100000x128xf32, #tpu.memory_space<hbm>>, %arg3: memref<1000000xi32, #tpu.memory_space<hbm>>, %arg4: memref<1000000xi32, #tpu.memory_space<hbm>>, %arg5: memref<1000000xi32, #tpu.memory_space<hbm>>, %arg6: memref<1000000xi32, #tpu.memory_space<hbm>>, %arg7: memref<3543122xi32, #tpu.memory_space<hbm>>, %arg8: memref<250000x128xf32, #tpu.memory_space<hbm>>, %arg9: memref<4x128xi32, #tpu.memory_space<vmem>>, %arg10: memref<4x128xi32, #tpu.memory_space<vmem>>, %arg11: memref<4x128xi32, #tpu.memory_space<vmem>>, %arg12: memref<4x128xi32, #tpu.memory_space<vmem>>, %arg13: memref<4x128xi32, #tpu.memory_space<vmem>>, %arg14: memref<4x128xi32, #tpu.memory_space<vmem>>, %arg15: memref<4x128xi32, #tpu.memory_space<vmem>>, %arg16: memref<4x128xi32, #tpu.memory_space<vmem>>, %arg17: memref<320xi32, #tpu.memory_space<vmem>>, %arg18: memref<320xi32, #tpu.memory_space<vmem>>, %arg19: memref<320xi32, #tpu.memory_space<vmem>>, %arg20: memref<320xi32, #tpu.memory_space<vmem>>, %arg21: memref<2x320x128xf32, #tpu.memory_space<vmem>>, %arg22: memref<2x80x128xf32, #tpu.memory_space<vmem>>, %arg23: memref<!tpu.dma_semaphore, #tpu.memory_space<semaphore_mem>>, %arg24: memref<!tpu.dma_semaphore, #tpu.memory_space<semaphore_mem>>, %arg25: memref<!tpu.dma_semaphore, #tpu.memory_space<semaphore_mem>>, %arg26: memref<!tpu.dma_semaphore, #tpu.memory_space<semaphore_mem>>, %arg27: memref<!tpu.dma_semaphore, #tpu.memory_space<semaphore_mem>>, %arg28: memref<!tpu.dma_semaphore, #tpu.memory_space<semaphore_mem>>, %arg29: memref<!tpu.dma_semaphore, #tpu.memory_space<semaphore_mem>>, %arg30: memref<!tpu.dma_semaphore, #tpu.memory_space<semaphore_mem>>) attributes {dimension_semantics = [#tpu.dimension_semantics<core_parallel>, #tpu.dimension_semantics<subcore_parallel>], iteration_bounds = array<i64: 2, 16>, scalar_prefetch = 0 : i64, scratch_operands = 22 : i64, tpu.core_type = #tpu.core_type<sc_vector_subcore>, window_params = [{transform_indices = #map}, {transform_indices = #map1}, {transform_indices = #map1}, {transform_indices = #map1}, {transform_indices = #map1}, {transform_indices = #map1}, {transform_indices = #map}]} {
    %mul3A = arith.constant 2 : i32
    %mul3A_0 = arith.muli %arg1, %mul3A : i32
    %add3A = arith.addi %mul3A_0, %arg0 : i32
    %scan3A = arith.constant 0 : i32
    %scan3A_1 = arith.constant 0 : i32
    %scan3A_2 = arith.constant 51 : i32
    %scan3A_3 = arith.addi %scan3A_1, %scan3A_2 : i32
    %scan3A_4 = arith.constant 1 : i32
    scf.for %scan3A_20 = %scan3A_1 to %scan3A_3 step %scan3A_4  : i32 {
      %mul3A_21 = arith.constant 2 : i32
      %mul3A_22 = arith.muli %mul3A_21, %scan3A_20 : i32
      %add3A_23 = arith.constant 0 : i32
      %add3A_24 = arith.addi %mul3A_22, %add3A_23 : i32
      %sub3A = arith.constant 5 : i32
      %sub3A_25 = arith.subi %add3A_24, %sub3A : i32
      %ge3A = arith.constant 0 : i32
      %ge3A_26 = arith.cmpi sge, %sub3A_25, %ge3A : i32
      %mul3A_27 = arith.constant 32 : i32
      %mul3A_28 = arith.muli %sub3A_25, %mul3A_27 : i32
      %add3A_29 = arith.addi %add3A, %mul3A_28 : i32
      %lt3A_30 = arith.constant 3125 : i32
      %lt3A_31 = arith.cmpi slt, %add3A_29, %lt3A_30 : i32
      %and3A_32 = arith.andi %ge3A_26, %lt3A_31 : i1
      %convert_element_type3A_33 = arith.extui %and3A_32 : i1 to i32
      %cond3A_34 = arith.constant 0 : i32
      %cond3A_35 = arith.cmpi ne, %convert_element_type3A_33, %cond3A_34 : i32
      scf.if %cond3A_35 {
        %sub3A_153 = arith.constant 5 : i32
        %sub3A_154 = arith.subi %add3A_24, %sub3A_153 : i32
        %mul3A_155 = arith.constant 32 : i32
        %mul3A_156 = arith.muli %sub3A_154, %mul3A_155 : i32
        %add3A_157 = arith.addi %add3A, %mul3A_156 : i32
        %mul3A_158 = arith.constant 80 : i32
        %mul3A_159 = arith.muli %add3A_157, %mul3A_158 : i32
        %multiple_of3A = tpu.assume_multiple %mul3A_159, 8 : i32
        %dma_wait3A = arith.constant 1 : i32
        %dma_wait3A_160 = arith.constant 0 : i32
        %dma_wait3A_161 = arith.constant 0 : i32
        %dma_wait3A_162 = tpu.memref_slice %arg22[%dma_wait3A, %dma_wait3A_160, %dma_wait3A_161] : memref<2x80x128xf32, #tpu.memory_space<vmem>> -> memref<1x80x128xf32, #tpu.memory_space<vmem>>
        %dma_wait3A_163 = tpu.memref_squeeze %dma_wait3A_162 : memref<1x80x128xf32, #tpu.memory_space<vmem>> -> memref<80x128xf32, #tpu.memory_space<vmem>>
        %dma_wait3A_164 = arith.constant 0 : i32
        %dma_wait3A_165 = tpu.memref_slice %arg8[%multiple_of3A, %dma_wait3A_164] : memref<250000x128xf32, #tpu.memory_space<hbm>> -> memref<80x128xf32, #tpu.memory_space<hbm>>
        %dma_wait3A_166 = arith.constant 0 : i32
        %dma_wait3A_167 = tpu.memref_slice %arg8[%multiple_of3A, %dma_wait3A_166] : memref<250000x128xf32, #tpu.memory_space<hbm>> -> memref<80x128xf32, #tpu.memory_space<hbm>>
        %dma_wait3A_168 = arith.constant 0 : i32
        %dma_wait3A_169 = arith.constant 0 : i32
        %dma_wait3A_170 = tpu.memref_slice %arg22[%dma_wait3A, %dma_wait3A_168, %dma_wait3A_169] : memref<2x80x128xf32, #tpu.memory_space<vmem>> -> memref<1x80x128xf32, #tpu.memory_space<vmem>>
        %dma_wait3A_171 = tpu.memref_squeeze %dma_wait3A_170 : memref<1x80x128xf32, #tpu.memory_space<vmem>> -> memref<80x128xf32, #tpu.memory_space<vmem>>
        tpu.wait_dma2 semaphore(%arg30 : memref<!tpu.dma_semaphore, #tpu.memory_space<semaphore_mem>>) src(%dma_wait3A_171 : memref<80x128xf32, #tpu.memory_space<vmem>>) dst(%dma_wait3A_167 : memref<80x128xf32, #tpu.memory_space<hbm>>)
      } else {
      }
      %sub3A_36 = arith.constant 3 : i32
      %sub3A_37 = arith.subi %add3A_24, %sub3A_36 : i32
      %ge3A_38 = arith.constant 0 : i32
      %ge3A_39 = arith.cmpi sge, %sub3A_37, %ge3A_38 : i32
      %mul3A_40 = arith.constant 32 : i32
      %mul3A_41 = arith.muli %sub3A_37, %mul3A_40 : i32
      %add3A_42 = arith.addi %add3A, %mul3A_41 : i32
      %lt3A_43 = arith.constant 3125 : i32
      %lt3A_44 = arith.cmpi slt, %add3A_42, %lt3A_43 : i32
      %and3A_45 = arith.andi %ge3A_39, %lt3A_44 : i1
      %convert_element_type3A_46 = arith.extui %and3A_45 : i1 to i32
      %cond3A_47 = arith.constant 0 : i32
      %cond3A_48 = arith.cmpi ne, %convert_element_type3A_46, %cond3A_47 : i32
      scf.if %cond3A_48 {
        %dma_wait3A = arith.constant 1 : i32
        %dma_wait3A_153 = arith.constant 0 : i32
        %dma_wait3A_154 = arith.constant 0 : i32
        %dma_wait3A_155 = tpu.memref_slice %arg21[%dma_wait3A, %dma_wait3A_153, %dma_wait3A_154] : memref<2x320x128xf32, #tpu.memory_space<vmem>> -> memref<1x320x128xf32, #tpu.memory_space<vmem>>
        %dma_wait3A_156 = tpu.memref_squeeze %dma_wait3A_155 : memref<1x320x128xf32, #tpu.memory_space<vmem>> -> memref<320x128xf32, #tpu.memory_space<vmem>>
        %dma_wait3A_157 = arith.constant 0 : i32
        %dma_wait3A_158 = arith.constant 0 : i32
        %dma_wait3A_159 = tpu.memref_slice %arg2[%dma_wait3A_157, %dma_wait3A_158] : memref<100000x128xf32, #tpu.memory_space<hbm>> -> memref<100000x128xf32, #tpu.memory_space<hbm>>
        tpu.wait_indirect_dma semaphore(%arg28 : memref<!tpu.dma_semaphore, #tpu.memory_space<semaphore_mem>>) src(%dma_wait3A_159 : memref<100000x128xf32, #tpu.memory_space<hbm>>) dst(%dma_wait3A_156 : memref<320x128xf32, #tpu.memory_space<vmem>>)
        %scan3A_160 = arith.constant 0 : i32
        %scan3A_161 = arith.constant 0 : i32
        %scan3A_162 = arith.constant 80 : i32
        %scan3A_163 = arith.addi %scan3A_161, %scan3A_162 : i32
        %scan3A_164 = arith.constant 4 : i32
        scf.for %scan3A_185 = %scan3A_161 to %scan3A_163 step %scan3A_164  : i32 {
          %add3A_186 = arith.constant 0 : i32
          %add3A_187 = arith.addi %add3A_186, %scan3A_185 : i32
          %get3A = arith.constant 1 : i32
          %get3A_188 = arith.index_cast %get3A : i32 to index
          %get3A_189 = arith.index_cast %add3A_187 : i32 to index
          %get3A_190 = arith.constant 0 : index
          %get3A_191 = tpu.vector_load %arg21[%get3A_188, %get3A_189, %get3A_190] {strides = array<i32>} : memref<2x320x128xf32, #tpu.memory_space<vmem>>, vector<1x1x16xf32>,
          %get3A_192 = vector.shape_cast %get3A_191 : vector<1x1x16xf32> to vector<16xf32>
          %swap3A = arith.constant 1 : i32
          %swap3A_193 = arith.index_cast %swap3A : i32 to index
          %swap3A_194 = arith.index_cast %scan3A_185 : i32 to index
          %swap3A_195 = arith.constant 0 : index
          %swap3A_196 = tpu.vector_load %arg22[%swap3A_193, %swap3A_194, %swap3A_195] {strides = array<i32>} : memref<2x80x128xf32, #tpu.memory_space<vmem>>, vector<1x1x16xf32>,
          %swap3A_197 = vector.shape_cast %swap3A_196 : vector<1x1x16xf32> to vector<16xf32>
          %swap3A_198 = vector.shape_cast %get3A_192 : vector<16xf32> to vector<1x1x16xf32>
          tpu.vector_store %arg22[%swap3A_193, %swap3A_194, %swap3A_195], %swap3A_198 {strides = array<i32>} : memref<2x80x128xf32, #tpu.memory_space<vmem>>, vector<1x1x16xf32>,
          %add3A_199 = arith.constant 0 : i32
          %add3A_200 = arith.addi %add3A_199, %scan3A_185 : i32
          %get3A_201 = arith.constant 1 : i32
          %get3A_202 = arith.index_cast %get3A_201 : i32 to index
          %get3A_203 = arith.index_cast %add3A_200 : i32 to index
          %get3A_204 = arith.constant 16 : index
          %get3A_205 = tpu.vector_load %arg21[%get3A_202, %get3A_203, %get3A_204] {strides = array<i32>} : memref<2x320x128xf32, #tpu.memory_space<vmem>>, vector<1x1x16xf32>,
          %get3A_206 = vector.shape_cast %get3A_205 : vector<1x1x16xf32> to vector<16xf32>
          %swap3A_207 = arith.constant 1 : i32
          %swap3A_208 = arith.index_cast %swap3A_207 : i32 to index
          %swap3A_209 = arith.index_cast %scan3A_185 : i32 to index
          %swap3A_210 = arith.constant 16 : index
          %swap3A_211 = tpu.vector_load %arg22[%swap3A_208, %swap3A_209, %swap3A_210] {strides = array<i32>} : memref<2x80x128xf32, #tpu.memory_space<vmem>>, vector<1x1x16xf32>,
          %swap3A_212 = vector.shape_cast %swap3A_211 : vector<1x1x16xf32> to vector<16xf32>
          %swap3A_213 = vector.shape_cast %get3A_206 : vector<16xf32> to vector<1x1x16xf32>
          tpu.vector_store %arg22[%swap3A_208, %swap3A_209, %swap3A_210], %swap3A_213 {strides = array<i32>} : memref<2x80x128xf32, #tpu.memory_space<vmem>>, vector<1x1x16xf32>,
          %add3A_214 = arith.constant 80 : i32
          %add3A_215 = arith.addi %add3A_214, %scan3A_185 : i32
          %get3A_216 = arith.constant 1 : i32
          %get3A_217 = arith.index_cast %get3A_216 : i32 to index
          %get3A_218 = arith.index_cast %add3A_215 : i32 to index
          %get3A_219 = arith.constant 0 : index
          %get3A_220 = tpu.vector_load %arg21[%get3A_217, %get3A_218, %get3A_219] {strides = array<i32>} : memref<2x320x128xf32, #tpu.memory_space<vmem>>, vector<1x1x16xf32>,
          %get3A_221 = vector.shape_cast %get3A_220 : vector<1x1x16xf32> to vector<16xf32>
          %swap3A_222 = arith.constant 1 : i32
          %swap3A_223 = arith.index_cast %swap3A_222 : i32 to index
          %swap3A_224 = arith.index_cast %scan3A_185 : i32 to index
          %swap3A_225 = arith.constant 32 : index
          %swap3A_226 = tpu.vector_load %arg22[%swap3A_223, %swap3A_224, %swap3A_225] {strides = array<i32>} : memref<2x80x128xf32, #tpu.memory_space<vmem>>, vector<1x1x16xf32>,
          %swap3A_227 = vector.shape_cast %swap3A_226 : vector<1x1x16xf32> to vector<16xf32>
          %swap3A_228 = vector.shape_cast %get3A_221 : vector<16xf32> to vector<1x1x16xf32>
          tpu.vector_store %arg22[%swap3A_223, %swap3A_224, %swap3A_225], %swap3A_228 {strides = array<i32>} : memref<2x80x128xf32, #tpu.memory_space<vmem>>, vector<1x1x16xf32>,
          %add3A_229 = arith.constant 80 : i32
          %add3A_230 = arith.addi %add3A_229, %scan3A_185 : i32
          %get3A_231 = arith.constant 1 : i32
          %get3A_232 = arith.index_cast %get3A_231 : i32 to index
          %get3A_233 = arith.index_cast %add3A_230 : i32 to index
          %get3A_234 = arith.constant 16 : index
          %get3A_235 = tpu.vector_load %arg21[%get3A_232, %get3A_233, %get3A_234] {strides = array<i32>} : memref<2x320x128xf32, #tpu.memory_space<vmem>>, vector<1x1x16xf32>,
          %get3A_236 = vector.shape_cast %get3A_235 : vector<1x1x16xf32> to vector<16xf32>
          %swap3A_237 = arith.constant 1 : i32
          %swap3A_238 = arith.index_cast %swap3A_237 : i32 to index
          %swap3A_239 = arith.index_cast %scan3A_185 : i32 to index
          %swap3A_240 = arith.constant 48 : index
          %swap3A_241 = tpu.vector_load %arg22[%swap3A_238, %swap3A_239, %swap3A_240] {strides = array<i32>} : memref<2x80x128xf32, #tpu.memory_space<vmem>>, vector<1x1x16xf32>,
          %swap3A_242 = vector.shape_cast %swap3A_241 : vector<1x1x16xf32> to vector<16xf32>
          %swap3A_243 = vector.shape_cast %get3A_236 : vector<16xf32> to vector<1x1x16xf32>
          tpu.vector_store %arg22[%swap3A_238, %swap3A_239, %swap3A_240], %swap3A_243 {strides = array<i32>} : memref<2x80x128xf32, #tpu.memory_space<vmem>>, vector<1x1x16xf32>,
          %add3A_244 = arith.constant 160 : i32
          %add3A_245 = arith.addi %add3A_244, %scan3A_185 : i32
          %get3A_246 = arith.constant 1 : i32
          %get3A_247 = arith.index_cast %get3A_246 : i32 to index
          %get3A_248 = arith.index_cast %add3A_245 : i32 to index
          %get3A_249 = arith.constant 0 : index
          %get3A_250 = tpu.vector_load %arg21[%get3A_247, %get3A_248, %get3A_249] {strides = array<i32>} : memref<2x320x128xf32, #tpu.memory_space<vmem>>, vector<1x1x16xf32>,
          %get3A_251 = vector.shape_cast %get3A_250 : vector<1x1x16xf32> to vector<16xf32>
          %swap3A_252 = arith.constant 1 : i32
          %swap3A_253 = arith.index_cast %swap3A_252 : i32 to index
          %swap3A_254 = arith.index_cast %scan3A_185 : i32 to index
          %swap3A_255 = arith.constant 64 : index
          %swap3A_256 = tpu.vector_load %arg22[%swap3A_253, %swap3A_254, %swap3A_255] {strides = array<i32>} : memref<2x80x128xf32, #tpu.memory_space<vmem>>, vector<1x1x16xf32>,
          %swap3A_257 = vector.shape_cast %swap3A_256 : vector<1x1x16xf32> to vector<16xf32>
          %swap3A_258 = vector.shape_cast %get3A_251 : vector<16xf32> to vector<1x1x16xf32>
          tpu.vector_store %arg22[%swap3A_253, %swap3A_254, %swap3A_255], %swap3A_258 {strides = array<i32>} : memref<2x80x128xf32, #tpu.memory_space<vmem>>, vector<1x1x16xf32>,
          %add3A_259 = arith.constant 160 : i32
          %add3A_260 = arith.addi %add3A_259, %scan3A_185 : i32
          %get3A_261 = arith.constant 1 : i32
          %get3A_262 = arith.index_cast %get3A_261 : i32 to index
          %get3A_263 = arith.index_cast %add3A_260 : i32 to index
          %get3A_264 = arith.constant 16 : index
          %get3A_265 = tpu.vector_load %arg21[%get3A_262, %get3A_263, %get3A_264] {strides = array<i32>} : memref<2x320x128xf32, #tpu.memory_space<vmem>>, vector<1x1x16xf32>,
          %get3A_266 = vector.shape_cast %get3A_265 : vector<1x1x16xf32> to vector<16xf32>
          %swap3A_267 = arith.constant 1 : i32
          %swap3A_268 = arith.index_cast %swap3A_267 : i32 to index
          %swap3A_269 = arith.index_cast %scan3A_185 : i32 to index
          %swap3A_270 = arith.constant 80 : index
          %swap3A_271 = tpu.vector_load %arg22[%swap3A_268, %swap3A_269, %swap3A_270] {strides = array<i32>} : memref<2x80x128xf32, #tpu.memory_space<vmem>>, vector<1x1x16xf32>,
          %swap3A_272 = vector.shape_cast %swap3A_271 : vector<1x1x16xf32> to vector<16xf32>
          %swap3A_273 = vector.shape_cast %get3A_266 : vector<16xf32> to vector<1x1x16xf32>
          tpu.vector_store %arg22[%swap3A_268, %swap3A_269, %swap3A_270], %swap3A_273 {strides = array<i32>} : memref<2x80x128xf32, #tpu.memory_space<vmem>>, vector<1x1x16xf32>,
          %add3A_274 = arith.constant 240 : i32
          %add3A_275 = arith.addi %add3A_274, %scan3A_185 : i32
          %get3A_276 = arith.constant 1 : i32
          %get3A_277 = arith.index_cast %get3A_276 : i32 to index
          %get3A_278 = arith.index_cast %add3A_275 : i32 to index
          %get3A_279 = arith.constant 0 : index
          %get3A_280 = tpu.vector_load %arg21[%get3A_277, %get3A_278, %get3A_279] {strides = array<i32>} : memref<2x320x128xf32, #tpu.memory_space<vmem>>, vector<1x1x16xf32>,
          %get3A_281 = vector.shape_cast %get3A_280 : vector<1x1x16xf32> to vector<16xf32>
          %swap3A_282 = arith.constant 1 : i32
          %swap3A_283 = arith.index_cast %swap3A_282 : i32 to index
          %swap3A_284 = arith.index_cast %scan3A_185 : i32 to index
          %swap3A_285 = arith.constant 96 : index
          %swap3A_286 = tpu.vector_load %arg22[%swap3A_283, %swap3A_284, %swap3A_285] {strides = array<i32>} : memref<2x80x128xf32, #tpu.memory_space<vmem>>, vector<1x1x16xf32>,
          %swap3A_287 = vector.shape_cast %swap3A_286 : vector<1x1x16xf32> to vector<16xf32>
          %swap3A_288 = vector.shape_cast %get3A_281 : vector<16xf32> to vector<1x1x16xf32>
          tpu.vector_store %arg22[%swap3A_283, %swap3A_284, %swap3A_285], %swap3A_288 {strides = array<i32>} : memref<2x80x128xf32, #tpu.memory_space<vmem>>, vector<1x1x16xf32>,
          %add3A_289 = arith.constant 240 : i32
          %add3A_290 = arith.addi %add3A_289, %scan3A_185 : i32
          %get3A_291 = arith.constant 1 : i32
          %get3A_292 = arith.index_cast %get3A_291 : i32 to index
          %get3A_293 = arith.index_cast %add3A_290 : i32 to index
          %get3A_294 = arith.constant 16 : index
          %get3A_295 = tpu.vector_load %arg21[%get3A_292, %get3A_293, %get3A_294] {strides = array<i32>} : memref<2x320x128xf32, #tpu.memory_space<vmem>>, vector<1x1x16xf32>,
          %get3A_296 = vector.shape_cast %get3A_295 : vector<1x1x16xf32> to vector<16xf32>
          %swap3A_297 = arith.constant 1 : i32
          %swap3A_298 = arith.index_cast %swap3A_297 : i32 to index
          %swap3A_299 = arith.index_cast %scan3A_185 : i32 to index
          %swap3A_300 = arith.constant 112 : index
          %swap3A_301 = tpu.vector_load %arg22[%swap3A_298, %swap3A_299, %swap3A_300] {strides = array<i32>} : memref<2x80x128xf32, #tpu.memory_space<vmem>>, vector<1x1x16xf32>,
          %swap3A_302 = vector.shape_cast %swap3A_301 : vector<1x1x16xf32> to vector<16xf32>
          %swap3A_303 = vector.shape_cast %get3A_296 : vector<16xf32> to vector<1x1x16xf32>
          tpu.vector_store %arg22[%swap3A_298, %swap3A_299, %swap3A_300], %swap3A_303 {strides = array<i32>} : memref<2x80x128xf32, #tpu.memory_space<vmem>>, vector<1x1x16xf32>,
          %scan3A_304 = arith.constant 1 : i32
          %scan3A_305 = arith.addi %scan3A_185, %scan3A_304 : i32
          %add3A_306 = arith.constant 0 : i32
          %add3A_307 = arith.addi %add3A_306, %scan3A_305 : i32
          %get3A_308 = arith.constant 1 : i32
          %get3A_309 = arith.index_cast %get3A_308 : i32 to index
          %get3A_310 = arith.index_cast %add3A_307 : i32 to index
          %get3A_311 = arith.constant 0 : index
          %get3A_312 = tpu.vector_load %arg21[%get3A_309, %get3A_310, %get3A_311] {strides = array<i32>} : memref<2x320x128xf32, #tpu.memory_space<vmem>>, vector<1x1x16xf32>,
          %get3A_313 = vector.shape_cast %get3A_312 : vector<1x1x16xf32> to vector<16xf32>
          %swap3A_314 = arith.constant 1 : i32
          %swap3A_315 = arith.index_cast %swap3A_314 : i32 to index
          %swap3A_316 = arith.index_cast %scan3A_305 : i32 to index
          %swap3A_317 = arith.constant 0 : index
          %swap3A_318 = tpu.vector_load %arg22[%swap3A_315, %swap3A_316, %swap3A_317] {strides = array<i32>} : memref<2x80x128xf32, #tpu.memory_space<vmem>>, vector<1x1x16xf32>,
          %swap3A_319 = vector.shape_cast %swap3A_318 : vector<1x1x16xf32> to vector<16xf32>
          %swap3A_320 = vector.shape_cast %get3A_313 : vector<16xf32> to vector<1x1x16xf32>
          tpu.vector_store %arg22[%swap3A_315, %swap3A_316, %swap3A_317], %swap3A_320 {strides = array<i32>} : memref<2x80x128xf32, #tpu.memory_space<vmem>>, vector<1x1x16xf32>,
          %add3A_321 = arith.constant 0 : i32
          %add3A_322 = arith.addi %add3A_321, %scan3A_305 : i32
          %get3A_323 = arith.constant 1 : i32
          %get3A_324 = arith.index_cast %get3A_323 : i32 to index
          %get3A_325 = arith.index_cast %add3A_322 : i32 to index
          %get3A_326 = arith.constant 16 : index
          %get3A_327 = tpu.vector_load %arg21[%get3A_324, %get3A_325, %get3A_326] {strides = array<i32>} : memref<2x320x128xf32, #tpu.memory_space<vmem>>, vector<1x1x16xf32>,
          %get3A_328 = vector.shape_cast %get3A_327 : vector<1x1x16xf32> to vector<16xf32>
          %swap3A_329 = arith.constant 1 : i32
          %swap3A_330 = arith.index_cast %swap3A_329 : i32 to index
          %swap3A_331 = arith.index_cast %scan3A_305 : i32 to index
          %swap3A_332 = arith.constant 16 : index
          %swap3A_333 = tpu.vector_load %arg22[%swap3A_330, %swap3A_331, %swap3A_332] {strides = array<i32>} : memref<2x80x128xf32, #tpu.memory_space<vmem>>, vector<1x1x16xf32>,
          %swap3A_334 = vector.shape_cast %swap3A_333 : vector<1x1x16xf32> to vector<16xf32>
          %swap3A_335 = vector.shape_cast %get3A_328 : vector<16xf32> to vector<1x1x16xf32>
          tpu.vector_store %arg22[%swap3A_330, %swap3A_331, %swap3A_332], %swap3A_335 {strides = array<i32>} : memref<2x80x128xf32, #tpu.memory_space<vmem>>, vector<1x1x16xf32>,
          %add3A_336 = arith.constant 80 : i32
          %add3A_337 = arith.addi %add3A_336, %scan3A_305 : i32
          %get3A_338 = arith.constant 1 : i32
          %get3A_339 = arith.index_cast %get3A_338 : i32 to index
          %get3A_340 = arith.index_cast %add3A_337 : i32 to index
          %get3A_341 = arith.constant 0 : index
          %get3A_342 = tpu.vector_load %arg21[%get3A_339, %get3A_340, %get3A_341] {strides = array<i32>} : memref<2x320x128xf32, #tpu.memory_space<vmem>>, vector<1x1x16xf32>,
          %get3A_343 = vector.shape_cast %get3A_342 : vector<1x1x16xf32> to vector<16xf32>
          %swap3A_344 = arith.constant 1 : i32
          %swap3A_345 = arith.index_cast %swap3A_344 : i32 to index
          %swap3A_346 = arith.index_cast %scan3A_305 : i32 to index
          %swap3A_347 = arith.constant 32 : index
          %swap3A_348 = tpu.vector_load %arg22[%swap3A_345, %swap3A_346, %swap3A_347] {strides = array<i32>} : memref<2x80x128xf32, #tpu.memory_space<vmem>>, vector<1x1x16xf32>,
          %swap3A_349 = vector.shape_cast %swap3A_348 : vector<1x1x16xf32> to vector<16xf32>
          %swap3A_350 = vector.shape_cast %get3A_343 : vector<16xf32> to vector<1x1x16xf32>
          tpu.vector_store %arg22[%swap3A_345, %swap3A_346, %swap3A_347], %swap3A_350 {strides = array<i32>} : memref<2x80x128xf32, #tpu.memory_space<vmem>>, vector<1x1x16xf32>,
          %add3A_351 = arith.constant 80 : i32
          %add3A_352 = arith.addi %add3A_351, %scan3A_305 : i32
          %get3A_353 = arith.constant 1 : i32
          %get3A_354 = arith.index_cast %get3A_353 : i32 to index
          %get3A_355 = arith.index_cast %add3A_352 : i32 to index
          %get3A_356 = arith.constant 16 : index
          %get3A_357 = tpu.vector_load %arg21[%get3A_354, %get3A_355, %get3A_356] {strides = array<i32>} : memref<2x320x128xf32, #tpu.memory_space<vmem>>, vector<1x1x16xf32>,
          %get3A_358 = vector.shape_cast %get3A_357 : vector<1x1x16xf32> to vector<16xf32>
          %swap3A_359 = arith.constant 1 : i32
          %swap3A_360 = arith.index_cast %swap3A_359 : i32 to index
          %swap3A_361 = arith.index_cast %scan3A_305 : i32 to index
          %swap3A_362 = arith.constant 48 : index
          %swap3A_363 = tpu.vector_load %arg22[%swap3A_360, %swap3A_361, %swap3A_362] {strides = array<i32>} : memref<2x80x128xf32, #tpu.memory_space<vmem>>, vector<1x1x16xf32>,
          %swap3A_364 = vector.shape_cast %swap3A_363 : vector<1x1x16xf32> to vector<16xf32>
          %swap3A_365 = vector.shape_cast %get3A_358 : vector<16xf32> to vector<1x1x16xf32>
          tpu.vector_store %arg22[%swap3A_360, %swap3A_361, %swap3A_362], %swap3A_365 {strides = array<i32>} : memref<2x80x128xf32, #tpu.memory_space<vmem>>, vector<1x1x16xf32>,
          %add3A_366 = arith.constant 160 : i32
          %add3A_367 = arith.addi %add3A_366, %scan3A_305 : i32
          %get3A_368 = arith.constant 1 : i32
          %get3A_369 = arith.index_cast %get3A_368 : i32 to index
          %get3A_370 = arith.index_cast %add3A_367 : i32 to index
          %get3A_371 = arith.constant 0 : index
          %get3A_372 = tpu.vector_load %arg21[%get3A_369, %get3A_370, %get3A_371] {strides = array<i32>} : memref<2x320x128xf32, #tpu.memory_space<vmem>>, vector<1x1x16xf32>,
          %get3A_373 = vector.shape_cast %get3A_372 : vector<1x1x16xf32> to vector<16xf32>
          %swap3A_374 = arith.constant 1 : i32
          %swap3A_375 = arith.index_cast %swap3A_374 : i32 to index
          %swap3A_376 = arith.index_cast %scan3A_305 : i32 to index
          %swap3A_377 = arith.constant 64 : index
          %swap3A_378 = tpu.vector_load %arg22[%swap3A_375, %swap3A_376, %swap3A_377] {strides = array<i32>} : memref<2x80x128xf32, #tpu.memory_space<vmem>>, vector<1x1x16xf32>,
          %swap3A_379 = vector.shape_cast %swap3A_378 : vector<1x1x16xf32> to vector<16xf32>
          %swap3A_380 = vector.shape_cast %get3A_373 : vector<16xf32> to vector<1x1x16xf32>
          tpu.vector_store %arg22[%swap3A_375, %swap3A_376, %swap3A_377], %swap3A_380 {strides = array<i32>} : memref<2x80x128xf32, #tpu.memory_space<vmem>>, vector<1x1x16xf32>,
          %add3A_381 = arith.constant 160 : i32
          %add3A_382 = arith.addi %add3A_381, %scan3A_305 : i32
          %get3A_383 = arith.constant 1 : i32
          %get3A_384 = arith.index_cast %get3A_383 : i32 to index
          %get3A_385 = arith.index_cast %add3A_382 : i32 to index
          %get3A_386 = arith.constant 16 : index
          %get3A_387 = tpu.vector_load %arg21[%get3A_384, %get3A_385, %get3A_386] {strides = array<i32>} : memref<2x320x128xf32, #tpu.memory_space<vmem>>, vector<1x1x16xf32>,
          %get3A_388 = vector.shape_cast %get3A_387 : vector<1x1x16xf32> to vector<16xf32>
          %swap3A_389 = arith.constant 1 : i32
          %swap3A_390 = arith.index_cast %swap3A_389 : i32 to index
          %swap3A_391 = arith.index_cast %scan3A_305 : i32 to index
          %swap3A_392 = arith.constant 80 : index
          %swap3A_393 = tpu.vector_load %arg22[%swap3A_390, %swap3A_391, %swap3A_392] {strides = array<i32>} : memref<2x80x128xf32, #tpu.memory_space<vmem>>, vector<1x1x16xf32>,
          %swap3A_394 = vector.shape_cast %swap3A_393 : vector<1x1x16xf32> to vector<16xf32>
          %swap3A_395 = vector.shape_cast %get3A_388 : vector<16xf32> to vector<1x1x16xf32>
          tpu.vector_store %arg22[%swap3A_390, %swap3A_391, %swap3A_392], %swap3A_395 {strides = array<i32>} : memref<2x80x128xf32, #tpu.memory_space<vmem>>, vector<1x1x16xf32>,
          %add3A_396 = arith.constant 240 : i32
          %add3A_397 = arith.addi %add3A_396, %scan3A_305 : i32
          %get3A_398 = arith.constant 1 : i32
          %get3A_399 = arith.index_cast %get3A_398 : i32 to index
          %get3A_400 = arith.index_cast %add3A_397 : i32 to index
          %get3A_401 = arith.constant 0 : index
          %get3A_402 = tpu.vector_load %arg21[%get3A_399, %get3A_400, %get3A_401] {strides = array<i32>} : memref<2x320x128xf32, #tpu.memory_space<vmem>>, vector<1x1x16xf32>,
          %get3A_403 = vector.shape_cast %get3A_402 : vector<1x1x16xf32> to vector<16xf32>
          %swap3A_404 = arith.constant 1 : i32
          %swap3A_405 = arith.index_cast %swap3A_404 : i32 to index
          %swap3A_406 = arith.index_cast %scan3A_305 : i32 to index
          %swap3A_407 = arith.constant 96 : index
          %swap3A_408 = tpu.vector_load %arg22[%swap3A_405, %swap3A_406, %swap3A_407] {strides = array<i32>} : memref<2x80x128xf32, #tpu.memory_space<vmem>>, vector<1x1x16xf32>,
          %swap3A_409 = vector.shape_cast %swap3A_408 : vector<1x1x16xf32> to vector<16xf32>
          %swap3A_410 = vector.shape_cast %get3A_403 : vector<16xf32> to vector<1x1x16xf32>
          tpu.vector_store %arg22[%swap3A_405, %swap3A_406, %swap3A_407], %swap3A_410 {strides = array<i32>} : memref<2x80x128xf32, #tpu.memory_space<vmem>>, vector<1x1x16xf32>,
          %add3A_411 = arith.constant 240 : i32
          %add3A_412 = arith.addi %add3A_411, %scan3A_305 : i32
          %get3A_413 = arith.constant 1 : i32
          %get3A_414 = arith.index_cast %get3A_413 : i32 to index
          %get3A_415 = arith.index_cast %add3A_412 : i32 to index
          %get3A_416 = arith.constant 16 : index
          %get3A_417 = tpu.vector_load %arg21[%get3A_414, %get3A_415, %get3A_416] {strides = array<i32>} : memref<2x320x128xf32, #tpu.memory_space<vmem>>, vector<1x1x16xf32>,
          %get3A_418 = vector.shape_cast %get3A_417 : vector<1x1x16xf32> to vector<16xf32>
          %swap3A_419 = arith.constant 1 : i32
          %swap3A_420 = arith.index_cast %swap3A_419 : i32 to index
          %swap3A_421 = arith.index_cast %scan3A_305 : i32 to index
          %swap3A_422 = arith.constant 112 : index
          %swap3A_423 = tpu.vector_load %arg22[%swap3A_420, %swap3A_421, %swap3A_422] {strides = array<i32>} : memref<2x80x128xf32, #tpu.memory_space<vmem>>, vector<1x1x16xf32>,
          %swap3A_424 = vector.shape_cast %swap3A_423 : vector<1x1x16xf32> to vector<16xf32>
          %swap3A_425 = vector.shape_cast %get3A_418 : vector<16xf32> to vector<1x1x16xf32>
          tpu.vector_store %arg22[%swap3A_420, %swap3A_421, %swap3A_422], %swap3A_425 {strides = array<i32>} : memref<2x80x128xf32, #tpu.memory_space<vmem>>, vector<1x1x16xf32>,
          %scan3A_426 = arith.constant 2 : i32
          %scan3A_427 = arith.addi %scan3A_185, %scan3A_426 : i32
          %add3A_428 = arith.constant 0 : i32
          %add3A_429 = arith.addi %add3A_428, %scan3A_427 : i32
          %get3A_430 = arith.constant 1 : i32
          %get3A_431 = arith.index_cast %get3A_430 : i32 to index
          %get3A_432 = arith.index_cast %add3A_429 : i32 to index
          %get3A_433 = arith.constant 0 : index
          %get3A_434 = tpu.vector_load %arg21[%get3A_431, %get3A_432, %get3A_433] {strides = array<i32>} : memref<2x320x128xf32, #tpu.memory_space<vmem>>, vector<1x1x16xf32>,
          %get3A_435 = vector.shape_cast %get3A_434 : vector<1x1x16xf32> to vector<16xf32>
          %swap3A_436 = arith.constant 1 : i32
          %swap3A_437 = arith.index_cast %swap3A_436 : i32 to index
          %swap3A_438 = arith.index_cast %scan3A_427 : i32 to index
          %swap3A_439 = arith.constant 0 : index
          %swap3A_440 = tpu.vector_load %arg22[%swap3A_437, %swap3A_438, %swap3A_439] {strides = array<i32>} : memref<2x80x128xf32, #tpu.memory_space<vmem>>, vector<1x1x16xf32>,
          %swap3A_441 = vector.shape_cast %swap3A_440 : vector<1x1x16xf32> to vector<16xf32>
          %swap3A_442 = vector.shape_cast %get3A_435 : vector<16xf32> to vector<1x1x16xf32>
          tpu.vector_store %arg22[%swap3A_437, %swap3A_438, %swap3A_439], %swap3A_442 {strides = array<i32>} : memref<2x80x128xf32, #tpu.memory_space<vmem>>, vector<1x1x16xf32>,
          %add3A_443 = arith.constant 0 : i32
          %add3A_444 = arith.addi %add3A_443, %scan3A_427 : i32
          %get3A_445 = arith.constant 1 : i32
          %get3A_446 = arith.index_cast %get3A_445 : i32 to index
          %get3A_447 = arith.index_cast %add3A_444 : i32 to index
          %get3A_448 = arith.constant 16 : index
          %get3A_449 = tpu.vector_load %arg21[%get3A_446, %get3A_447, %get3A_448] {strides = array<i32>} : memref<2x320x128xf32, #tpu.memory_space<vmem>>, vector<1x1x16xf32>,
          %get3A_450 = vector.shape_cast %get3A_449 : vector<1x1x16xf32> to vector<16xf32>
          %swap3A_451 = arith.constant 1 : i32
          %swap3A_452 = arith.index_cast %swap3A_451 : i32 to index
          %swap3A_453 = arith.index_cast %scan3A_427 : i32 to index
          %swap3A_454 = arith.constant 16 : index
          %swap3A_455 = tpu.vector_load %arg22[%swap3A_452, %swap3A_453, %swap3A_454] {strides = array<i32>} : memref<2x80x128xf32, #tpu.memory_space<vmem>>, vector<1x1x16xf32>,
          %swap3A_456 = vector.shape_cast %swap3A_455 : vector<1x1x16xf32> to vector<16xf32>
          %swap3A_457 = vector.shape_cast %get3A_450 : vector<16xf32> to vector<1x1x16xf32>
          tpu.vector_store %arg22[%swap3A_452, %swap3A_453, %swap3A_454], %swap3A_457 {strides = array<i32>} : memref<2x80x128xf32, #tpu.memory_space<vmem>>, vector<1x1x16xf32>,
          %add3A_458 = arith.constant 80 : i32
          %add3A_459 = arith.addi %add3A_458, %scan3A_427 : i32
          %get3A_460 = arith.constant 1 : i32
          %get3A_461 = arith.index_cast %get3A_460 : i32 to index
          %get3A_462 = arith.index_cast %add3A_459 : i32 to index
          %get3A_463 = arith.constant 0 : index
          %get3A_464 = tpu.vector_load %arg21[%get3A_461, %get3A_462, %get3A_463] {strides = array<i32>} : memref<2x320x128xf32, #tpu.memory_space<vmem>>, vector<1x1x16xf32>,
          %get3A_465 = vector.shape_cast %get3A_464 : vector<1x1x16xf32> to vector<16xf32>
          %swap3A_466 = arith.constant 1 : i32
          %swap3A_467 = arith.index_cast %swap3A_466 : i32 to index
          %swap3A_468 = arith.index_cast %scan3A_427 : i32 to index
          %swap3A_469 = arith.constant 32 : index
          %swap3A_470 = tpu.vector_load %arg22[%swap3A_467, %swap3A_468, %swap3A_469] {strides = array<i32>} : memref<2x80x128xf32, #tpu.memory_space<vmem>>, vector<1x1x16xf32>,
          %swap3A_471 = vector.shape_cast %swap3A_470 : vector<1x1x16xf32> to vector<16xf32>
          %swap3A_472 = vector.shape_cast %get3A_465 : vector<16xf32> to vector<1x1x16xf32>
          tpu.vector_store %arg22[%swap3A_467, %swap3A_468, %swap3A_469], %swap3A_472 {strides = array<i32>} : memref<2x80x128xf32, #tpu.memory_space<vmem>>, vector<1x1x16xf32>,
          %add3A_473 = arith.constant 80 : i32
          %add3A_474 = arith.addi %add3A_473, %scan3A_427 : i32
          %get3A_475 = arith.constant 1 : i32
          %get3A_476 = arith.index_cast %get3A_475 : i32 to index
          %get3A_477 = arith.index_cast %add3A_474 : i32 to index
          %get3A_478 = arith.constant 16 : index
          %get3A_479 = tpu.vector_load %arg21[%get3A_476, %get3A_477, %get3A_478] {strides = array<i32>} : memref<2x320x128xf32, #tpu.memory_space<vmem>>, vector<1x1x16xf32>,
          %get3A_480 = vector.shape_cast %get3A_479 : vector<1x1x16xf32> to vector<16xf32>
          %swap3A_481 = arith.constant 1 : i32
          %swap3A_482 = arith.index_cast %swap3A_481 : i32 to index
          %swap3A_483 = arith.index_cast %scan3A_427 : i32 to index
          %swap3A_484 = arith.constant 48 : index
          %swap3A_485 = tpu.vector_load %arg22[%swap3A_482, %swap3A_483, %swap3A_484] {strides = array<i32>} : memref<2x80x128xf32, #tpu.memory_space<vmem>>, vector<1x1x16xf32>,
          %swap3A_486 = vector.shape_cast %swap3A_485 : vector<1x1x16xf32> to vector<16xf32>
          %swap3A_487 = vector.shape_cast %get3A_480 : vector<16xf32> to vector<1x1x16xf32>
          tpu.vector_store %arg22[%swap3A_482, %swap3A_483, %swap3A_484], %swap3A_487 {strides = array<i32>} : memref<2x80x128xf32, #tpu.memory_space<vmem>>, vector<1x1x16xf32>,
          %add3A_488 = arith.constant 160 : i32
          %add3A_489 = arith.addi %add3A_488, %scan3A_427 : i32
          %get3A_490 = arith.constant 1 : i32
          %get3A_491 = arith.index_cast %get3A_490 : i32 to index
          %get3A_492 = arith.index_cast %add3A_489 : i32 to index
          %get3A_493 = arith.constant 0 : index
          %get3A_494 = tpu.vector_load %arg21[%get3A_491, %get3A_492, %get3A_493] {strides = array<i32>} : memref<2x320x128xf32, #tpu.memory_space<vmem>>, vector<1x1x16xf32>,
          %get3A_495 = vector.shape_cast %get3A_494 : vector<1x1x16xf32> to vector<16xf32>
          %swap3A_496 = arith.constant 1 : i32
          %swap3A_497 = arith.index_cast %swap3A_496 : i32 to index
          %swap3A_498 = arith.index_cast %scan3A_427 : i32 to index
          %swap3A_499 = arith.constant 64 : index
          %swap3A_500 = tpu.vector_load %arg22[%swap3A_497, %swap3A_498, %swap3A_499] {strides = array<i32>} : memref<2x80x128xf32, #tpu.memory_space<vmem>>, vector<1x1x16xf32>,
          %swap3A_501 = vector.shape_cast %swap3A_500 : vector<1x1x16xf32> to vector<16xf32>
          %swap3A_502 = vector.shape_cast %get3A_495 : vector<16xf32> to vector<1x1x16xf32>
          tpu.vector_store %arg22[%swap3A_497, %swap3A_498, %swap3A_499], %swap3A_502 {strides = array<i32>} : memref<2x80x128xf32, #tpu.memory_space<vmem>>, vector<1x1x16xf32>,
          %add3A_503 = arith.constant 160 : i32
          %add3A_504 = arith.addi %add3A_503, %scan3A_427 : i32
          %get3A_505 = arith.constant 1 : i32
          %get3A_506 = arith.index_cast %get3A_505 : i32 to index
          %get3A_507 = arith.index_cast %add3A_504 : i32 to index
          %get3A_508 = arith.constant 16 : index
          %get3A_509 = tpu.vector_load %arg21[%get3A_506, %get3A_507, %get3A_508] {strides = array<i32>} : memref<2x320x128xf32, #tpu.memory_space<vmem>>, vector<1x1x16xf32>,
          %get3A_510 = vector.shape_cast %get3A_509 : vector<1x1x16xf32> to vector<16xf32>
          %swap3A_511 = arith.constant 1 : i32
          %swap3A_512 = arith.index_cast %swap3A_511 : i32 to index
          %swap3A_513 = arith.index_cast %scan3A_427 : i32 to index
          %swap3A_514 = arith.constant 80 : index
          %swap3A_515 = tpu.vector_load %arg22[%swap3A_512, %swap3A_513, %swap3A_514] {strides = array<i32>} : memref<2x80x128xf32, #tpu.memory_space<vmem>>, vector<1x1x16xf32>,
          %swap3A_516 = vector.shape_cast %swap3A_515 : vector<1x1x16xf32> to vector<16xf32>
          %swap3A_517 = vector.shape_cast %get3A_510 : vector<16xf32> to vector<1x1x16xf32>
          tpu.vector_store %arg22[%swap3A_512, %swap3A_513, %swap3A_514], %swap3A_517 {strides = array<i32>} : memref<2x80x128xf32, #tpu.memory_space<vmem>>, vector<1x1x16xf32>,
          %add3A_518 = arith.constant 240 : i32
          %add3A_519 = arith.addi %add3A_518, %scan3A_427 : i32
          %get3A_520 = arith.constant 1 : i32
          %get3A_521 = arith.index_cast %get3A_520 : i32 to index
          %get3A_522 = arith.index_cast %add3A_519 : i32 to index
          %get3A_523 = arith.constant 0 : index
          %get3A_524 = tpu.vector_load %arg21[%get3A_521, %get3A_522, %get3A_523] {strides = array<i32>} : memref<2x320x128xf32, #tpu.memory_space<vmem>>, vector<1x1x16xf32>,
          %get3A_525 = vector.shape_cast %get3A_524 : vector<1x1x16xf32> to vector<16xf32>
          %swap3A_526 = arith.constant 1 : i32
          %swap3A_527 = arith.index_cast %swap3A_526 : i32 to index
          %swap3A_528 = arith.index_cast %scan3A_427 : i32 to index
          %swap3A_529 = arith.constant 96 : index
          %swap3A_530 = tpu.vector_load %arg22[%swap3A_527, %swap3A_528, %swap3A_529] {strides = array<i32>} : memref<2x80x128xf32, #tpu.memory_space<vmem>>, vector<1x1x16xf32>,
          %swap3A_531 = vector.shape_cast %swap3A_530 : vector<1x1x16xf32> to vector<16xf32>
          %swap3A_532 = vector.shape_cast %get3A_525 : vector<16xf32> to vector<1x1x16xf32>
          tpu.vector_store %arg22[%swap3A_527, %swap3A_528, %swap3A_529], %swap3A_532 {strides = array<i32>} : memref<2x80x128xf32, #tpu.memory_space<vmem>>, vector<1x1x16xf32>,
          %add3A_533 = arith.constant 240 : i32
          %add3A_534 = arith.addi %add3A_533, %scan3A_427 : i32
          %get3A_535 = arith.constant 1 : i32
          %get3A_536 = arith.index_cast %get3A_535 : i32 to index
          %get3A_537 = arith.index_cast %add3A_534 : i32 to index
          %get3A_538 = arith.constant 16 : index
          %get3A_539 = tpu.vector_load %arg21[%get3A_536, %get3A_537, %get3A_538] {strides = array<i32>} : memref<2x320x128xf32, #tpu.memory_space<vmem>>, vector<1x1x16xf32>,
          %get3A_540 = vector.shape_cast %get3A_539 : vector<1x1x16xf32> to vector<16xf32>
          %swap3A_541 = arith.constant 1 : i32
          %swap3A_542 = arith.index_cast %swap3A_541 : i32 to index
          %swap3A_543 = arith.index_cast %scan3A_427 : i32 to index
          %swap3A_544 = arith.constant 112 : index
          %swap3A_545 = tpu.vector_load %arg22[%swap3A_542, %swap3A_543, %swap3A_544] {strides = array<i32>} : memref<2x80x128xf32, #tpu.memory_space<vmem>>, vector<1x1x16xf32>,
          %swap3A_546 = vector.shape_cast %swap3A_545 : vector<1x1x16xf32> to vector<16xf32>
          %swap3A_547 = vector.shape_cast %get3A_540 : vector<16xf32> to vector<1x1x16xf32>
          tpu.vector_store %arg22[%swap3A_542, %swap3A_543, %swap3A_544], %swap3A_547 {strides = array<i32>} : memref<2x80x128xf32, #tpu.memory_space<vmem>>, vector<1x1x16xf32>,
          %scan3A_548 = arith.constant 3 : i32
          %scan3A_549 = arith.addi %scan3A_185, %scan3A_548 : i32
          %add3A_550 = arith.constant 0 : i32
          %add3A_551 = arith.addi %add3A_550, %scan3A_549 : i32
          %get3A_552 = arith.constant 1 : i32
          %get3A_553 = arith.index_cast %get3A_552 : i32 to index
          %get3A_554 = arith.index_cast %add3A_551 : i32 to index
          %get3A_555 = arith.constant 0 : index
          %get3A_556 = tpu.vector_load %arg21[%get3A_553, %get3A_554, %get3A_555] {strides = array<i32>} : memref<2x320x128xf32, #tpu.memory_space<vmem>>, vector<1x1x16xf32>,
          %get3A_557 = vector.shape_cast %get3A_556 : vector<1x1x16xf32> to vector<16xf32>
          %swap3A_558 = arith.constant 1 : i32
          %swap3A_559 = arith.index_cast %swap3A_558 : i32 to index
          %swap3A_560 = arith.index_cast %scan3A_549 : i32 to index
          %swap3A_561 = arith.constant 0 : index
          %swap3A_562 = tpu.vector_load %arg22[%swap3A_559, %swap3A_560, %swap3A_561] {strides = array<i32>} : memref<2x80x128xf32, #tpu.memory_space<vmem>>, vector<1x1x16xf32>,
          %swap3A_563 = vector.shape_cast %swap3A_562 : vector<1x1x16xf32> to vector<16xf32>
          %swap3A_564 = vector.shape_cast %get3A_557 : vector<16xf32> to vector<1x1x16xf32>
          tpu.vector_store %arg22[%swap3A_559, %swap3A_560, %swap3A_561], %swap3A_564 {strides = array<i32>} : memref<2x80x128xf32, #tpu.memory_space<vmem>>, vector<1x1x16xf32>,
          %add3A_565 = arith.constant 0 : i32
          %add3A_566 = arith.addi %add3A_565, %scan3A_549 : i32
          %get3A_567 = arith.constant 1 : i32
          %get3A_568 = arith.index_cast %get3A_567 : i32 to index
          %get3A_569 = arith.index_cast %add3A_566 : i32 to index
          %get3A_570 = arith.constant 16 : index
          %get3A_571 = tpu.vector_load %arg21[%get3A_568, %get3A_569, %get3A_570] {strides = array<i32>} : memref<2x320x128xf32, #tpu.memory_space<vmem>>, vector<1x1x16xf32>,
          %get3A_572 = vector.shape_cast %get3A_571 : vector<1x1x16xf32> to vector<16xf32>
          %swap3A_573 = arith.constant 1 : i32
          %swap3A_574 = arith.index_cast %swap3A_573 : i32 to index
          %swap3A_575 = arith.index_cast %scan3A_549 : i32 to index
          %swap3A_576 = arith.constant 16 : index
          %swap3A_577 = tpu.vector_load %arg22[%swap3A_574, %swap3A_575, %swap3A_576] {strides = array<i32>} : memref<2x80x128xf32, #tpu.memory_space<vmem>>, vector<1x1x16xf32>,
          %swap3A_578 = vector.shape_cast %swap3A_577 : vector<1x1x16xf32> to vector<16xf32>
          %swap3A_579 = vector.shape_cast %get3A_572 : vector<16xf32> to vector<1x1x16xf32>
          tpu.vector_store %arg22[%swap3A_574, %swap3A_575, %swap3A_576], %swap3A_579 {strides = array<i32>} : memref<2x80x128xf32, #tpu.memory_space<vmem>>, vector<1x1x16xf32>,
          %add3A_580 = arith.constant 80 : i32
          %add3A_581 = arith.addi %add3A_580, %scan3A_549 : i32
          %get3A_582 = arith.constant 1 : i32
          %get3A_583 = arith.index_cast %get3A_582 : i32 to index
          %get3A_584 = arith.index_cast %add3A_581 : i32 to index
          %get3A_585 = arith.constant 0 : index
          %get3A_586 = tpu.vector_load %arg21[%get3A_583, %get3A_584, %get3A_585] {strides = array<i32>} : memref<2x320x128xf32, #tpu.memory_space<vmem>>, vector<1x1x16xf32>,
          %get3A_587 = vector.shape_cast %get3A_586 : vector<1x1x16xf32> to vector<16xf32>
          %swap3A_588 = arith.constant 1 : i32
          %swap3A_589 = arith.index_cast %swap3A_588 : i32 to index
          %swap3A_590 = arith.index_cast %scan3A_549 : i32 to index
          %swap3A_591 = arith.constant 32 : index
          %swap3A_592 = tpu.vector_load %arg22[%swap3A_589, %swap3A_590, %swap3A_591] {strides = array<i32>} : memref<2x80x128xf32, #tpu.memory_space<vmem>>, vector<1x1x16xf32>,
          %swap3A_593 = vector.shape_cast %swap3A_592 : vector<1x1x16xf32> to vector<16xf32>
          %swap3A_594 = vector.shape_cast %get3A_587 : vector<16xf32> to vector<1x1x16xf32>
          tpu.vector_store %arg22[%swap3A_589, %swap3A_590, %swap3A_591], %swap3A_594 {strides = array<i32>} : memref<2x80x128xf32, #tpu.memory_space<vmem>>, vector<1x1x16xf32>,
          %add3A_595 = arith.constant 80 : i32
          %add3A_596 = arith.addi %add3A_595, %scan3A_549 : i32
          %get3A_597 = arith.constant 1 : i32
          %get3A_598 = arith.index_cast %get3A_597 : i32 to index
          %get3A_599 = arith.index_cast %add3A_596 : i32 to index
          %get3A_600 = arith.constant 16 : index
          %get3A_601 = tpu.vector_load %arg21[%get3A_598, %get3A_599, %get3A_600] {strides = array<i32>} : memref<2x320x128xf32, #tpu.memory_space<vmem>>, vector<1x1x16xf32>,
          %get3A_602 = vector.shape_cast %get3A_601 : vector<1x1x16xf32> to vector<16xf32>
          %swap3A_603 = arith.constant 1 : i32
          %swap3A_604 = arith.index_cast %swap3A_603 : i32 to index
          %swap3A_605 = arith.index_cast %scan3A_549 : i32 to index
          %swap3A_606 = arith.constant 48 : index
          %swap3A_607 = tpu.vector_load %arg22[%swap3A_604, %swap3A_605, %swap3A_606] {strides = array<i32>} : memref<2x80x128xf32, #tpu.memory_space<vmem>>, vector<1x1x16xf32>,
          %swap3A_608 = vector.shape_cast %swap3A_607 : vector<1x1x16xf32> to vector<16xf32>
          %swap3A_609 = vector.shape_cast %get3A_602 : vector<16xf32> to vector<1x1x16xf32>
          tpu.vector_store %arg22[%swap3A_604, %swap3A_605, %swap3A_606], %swap3A_609 {strides = array<i32>} : memref<2x80x128xf32, #tpu.memory_space<vmem>>, vector<1x1x16xf32>,
          %add3A_610 = arith.constant 160 : i32
          %add3A_611 = arith.addi %add3A_610, %scan3A_549 : i32
          %get3A_612 = arith.constant 1 : i32
          %get3A_613 = arith.index_cast %get3A_612 : i32 to index
          %get3A_614 = arith.index_cast %add3A_611 : i32 to index
          %get3A_615 = arith.constant 0 : index
          %get3A_616 = tpu.vector_load %arg21[%get3A_613, %get3A_614, %get3A_615] {strides = array<i32>} : memref<2x320x128xf32, #tpu.memory_space<vmem>>, vector<1x1x16xf32>,
          %get3A_617 = vector.shape_cast %get3A_616 : vector<1x1x16xf32> to vector<16xf32>
          %swap3A_618 = arith.constant 1 : i32
          %swap3A_619 = arith.index_cast %swap3A_618 : i32 to index
          %swap3A_620 = arith.index_cast %scan3A_549 : i32 to index
          %swap3A_621 = arith.constant 64 : index
          %swap3A_622 = tpu.vector_load %arg22[%swap3A_619, %swap3A_620, %swap3A_621] {strides = array<i32>} : memref<2x80x128xf32, #tpu.memory_space<vmem>>, vector<1x1x16xf32>,
          %swap3A_623 = vector.shape_cast %swap3A_622 : vector<1x1x16xf32> to vector<16xf32>
          %swap3A_624 = vector.shape_cast %get3A_617 : vector<16xf32> to vector<1x1x16xf32>
          tpu.vector_store %arg22[%swap3A_619, %swap3A_620, %swap3A_621], %swap3A_624 {strides = array<i32>} : memref<2x80x128xf32, #tpu.memory_space<vmem>>, vector<1x1x16xf32>,
          %add3A_625 = arith.constant 160 : i32
          %add3A_626 = arith.addi %add3A_625, %scan3A_549 : i32
          %get3A_627 = arith.constant 1 : i32
          %get3A_628 = arith.index_cast %get3A_627 : i32 to index
          %get3A_629 = arith.index_cast %add3A_626 : i32 to index
          %get3A_630 = arith.constant 16 : index
          %get3A_631 = tpu.vector_load %arg21[%get3A_628, %get3A_629, %get3A_630] {strides = array<i32>} : memref<2x320x128xf32, #tpu.memory_space<vmem>>, vector<1x1x16xf32>,
          %get3A_632 = vector.shape_cast %get3A_631 : vector<1x1x16xf32> to vector<16xf32>
          %swap3A_633 = arith.constant 1 : i32
          %swap3A_634 = arith.index_cast %swap3A_633 : i32 to index
          %swap3A_635 = arith.index_cast %scan3A_549 : i32 to index
          %swap3A_636 = arith.constant 80 : index
          %swap3A_637 = tpu.vector_load %arg22[%swap3A_634, %swap3A_635, %swap3A_636] {strides = array<i32>} : memref<2x80x128xf32, #tpu.memory_space<vmem>>, vector<1x1x16xf32>,
          %swap3A_638 = vector.shape_cast %swap3A_637 : vector<1x1x16xf32> to vector<16xf32>
          %swap3A_639 = vector.shape_cast %get3A_632 : vector<16xf32> to vector<1x1x16xf32>
          tpu.vector_store %arg22[%swap3A_634, %swap3A_635, %swap3A_636], %swap3A_639 {strides = array<i32>} : memref<2x80x128xf32, #tpu.memory_space<vmem>>, vector<1x1x16xf32>,
          %add3A_640 = arith.constant 240 : i32
          %add3A_641 = arith.addi %add3A_640, %scan3A_549 : i32
          %get3A_642 = arith.constant 1 : i32
          %get3A_643 = arith.index_cast %get3A_642 : i32 to index
          %get3A_644 = arith.index_cast %add3A_641 : i32 to index
          %get3A_645 = arith.constant 0 : index
          %get3A_646 = tpu.vector_load %arg21[%get3A_643, %get3A_644, %get3A_645] {strides = array<i32>} : memref<2x320x128xf32, #tpu.memory_space<vmem>>, vector<1x1x16xf32>,
          %get3A_647 = vector.shape_cast %get3A_646 : vector<1x1x16xf32> to vector<16xf32>
          %swap3A_648 = arith.constant 1 : i32
          %swap3A_649 = arith.index_cast %swap3A_648 : i32 to index
          %swap3A_650 = arith.index_cast %scan3A_549 : i32 to index
          %swap3A_651 = arith.constant 96 : index
          %swap3A_652 = tpu.vector_load %arg22[%swap3A_649, %swap3A_650, %swap3A_651] {strides = array<i32>} : memref<2x80x128xf32, #tpu.memory_space<vmem>>, vector<1x1x16xf32>,
          %swap3A_653 = vector.shape_cast %swap3A_652 : vector<1x1x16xf32> to vector<16xf32>
          %swap3A_654 = vector.shape_cast %get3A_647 : vector<16xf32> to vector<1x1x16xf32>
          tpu.vector_store %arg22[%swap3A_649, %swap3A_650, %swap3A_651], %swap3A_654 {strides = array<i32>} : memref<2x80x128xf32, #tpu.memory_space<vmem>>, vector<1x1x16xf32>,
          %add3A_655 = arith.constant 240 : i32
          %add3A_656 = arith.addi %add3A_655, %scan3A_549 : i32
          %get3A_657 = arith.constant 1 : i32
          %get3A_658 = arith.index_cast %get3A_657 : i32 to index
          %get3A_659 = arith.index_cast %add3A_656 : i32 to index
          %get3A_660 = arith.constant 16 : index
          %get3A_661 = tpu.vector_load %arg21[%get3A_658, %get3A_659, %get3A_660] {strides = array<i32>} : memref<2x320x128xf32, #tpu.memory_space<vmem>>, vector<1x1x16xf32>,
          %get3A_662 = vector.shape_cast %get3A_661 : vector<1x1x16xf32> to vector<16xf32>
          %swap3A_663 = arith.constant 1 : i32
          %swap3A_664 = arith.index_cast %swap3A_663 : i32 to index
          %swap3A_665 = arith.index_cast %scan3A_549 : i32 to index
          %swap3A_666 = arith.constant 112 : index
          %swap3A_667 = tpu.vector_load %arg22[%swap3A_664, %swap3A_665, %swap3A_666] {strides = array<i32>} : memref<2x80x128xf32, #tpu.memory_space<vmem>>, vector<1x1x16xf32>,
          %swap3A_668 = vector.shape_cast %swap3A_667 : vector<1x1x16xf32> to vector<16xf32>
          %swap3A_669 = vector.shape_cast %get3A_662 : vector<16xf32> to vector<1x1x16xf32>
          tpu.vector_store %arg22[%swap3A_664, %swap3A_665, %swap3A_666], %swap3A_669 {strides = array<i32>} : memref<2x80x128xf32, #tpu.memory_space<vmem>>, vector<1x1x16xf32>,
        }
        %scan3A_165 = arith.constant 80 : i32
        %sub3A_166 = arith.constant 3 : i32
        %sub3A_167 = arith.subi %add3A_24, %sub3A_166 : i32
        %mul3A_168 = arith.constant 32 : i32
        %mul3A_169 = arith.muli %sub3A_167, %mul3A_168 : i32
        %add3A_170 = arith.addi %add3A, %mul3A_169 : i32
        %mul3A_171 = arith.constant 80 : i32
        %mul3A_172 = arith.muli %add3A_170, %mul3A_171 : i32
        %multiple_of3A = tpu.assume_multiple %mul3A_172, 8 : i32
        %dma_start3A = arith.constant 1 : i32
        %dma_start3A_173 = arith.constant 0 : i32
        %dma_start3A_174 = arith.constant 0 : i32
        %dma_start3A_175 = tpu.memref_slice %arg22[%dma_start3A, %dma_start3A_173, %dma_start3A_174] : memref<2x80x128xf32, #tpu.memory_space<vmem>> -> memref<1x80x128xf32, #tpu.memory_space<vmem>>
        %dma_start3A_176 = tpu.memref_squeeze %dma_start3A_175 : memref<1x80x128xf32, #tpu.memory_space<vmem>> -> memref<80x128xf32, #tpu.memory_space<vmem>>
        %dma_start3A_177 = arith.constant 0 : i32
        %dma_start3A_178 = tpu.memref_slice %arg8[%multiple_of3A, %dma_start3A_177] : memref<250000x128xf32, #tpu.memory_space<hbm>> -> memref<80x128xf32, #tpu.memory_space<hbm>>
        %dma_start3A_179 = arith.constant 0 : i32
        %dma_start3A_180 = tpu.memref_slice %arg8[%multiple_of3A, %dma_start3A_179] : memref<250000x128xf32, #tpu.memory_space<hbm>> -> memref<80x128xf32, #tpu.memory_space<hbm>>
        %dma_start3A_181 = arith.constant 0 : i32
        %dma_start3A_182 = arith.constant 0 : i32
        %dma_start3A_183 = tpu.memref_slice %arg22[%dma_start3A, %dma_start3A_181, %dma_start3A_182] : memref<2x80x128xf32, #tpu.memory_space<vmem>> -> memref<1x80x128xf32, #tpu.memory_space<vmem>>
        %dma_start3A_184 = tpu.memref_squeeze %dma_start3A_183 : memref<1x80x128xf32, #tpu.memory_space<vmem>> -> memref<80x128xf32, #tpu.memory_space<vmem>>
        tpu.enqueue_dma source(%dma_start3A_184 : memref<80x128xf32, #tpu.memory_space<vmem>>) target(%dma_start3A_180 : memref<80x128xf32, #tpu.memory_space<hbm>>) target_semaphore(%arg30 : memref<!tpu.dma_semaphore, #tpu.memory_space<semaphore_mem>>)
      } else {
      }
      %sub3A_49 = arith.constant 2 : i32
      %sub3A_50 = arith.subi %add3A_24, %sub3A_49 : i32
      %ge3A_51 = arith.constant 0 : i32
      %ge3A_52 = arith.cmpi sge, %sub3A_50, %ge3A_51 : i32
      %mul3A_53 = arith.constant 32 : i32
      %mul3A_54 = arith.muli %sub3A_50, %mul3A_53 : i32
      %add3A_55 = arith.addi %add3A, %mul3A_54 : i32
      %lt3A_56 = arith.constant 3125 : i32
      %lt3A_57 = arith.cmpi slt, %add3A_55, %lt3A_56 : i32
      %and3A_58 = arith.andi %ge3A_52, %lt3A_57 : i1
      %convert_element_type3A_59 = arith.extui %and3A_58 : i1 to i32
      %cond3A_60 = arith.constant 0 : i32
      %cond3A_61 = arith.cmpi ne, %convert_element_type3A_59, %cond3A_60 : i32
      scf.if %cond3A_61 {
        %dma_wait3A = arith.constant 0 : i32
        %dma_wait3A_153 = tpu.memref_slice %arg7[%dma_wait3A] : memref<3543122xi32, #tpu.memory_space<hbm>> -> memref<3543122xi32, #tpu.memory_space<hbm>>
        tpu.wait_indirect_dma semaphore(%arg25 : memref<!tpu.dma_semaphore, #tpu.memory_space<semaphore_mem>>) src(%dma_wait3A_153 : memref<3543122xi32, #tpu.memory_space<hbm>>) dst(%arg19 : memref<320xi32, #tpu.memory_space<vmem>>)
        %dma_start3A = arith.constant 0 : i32
        %dma_start3A_154 = arith.constant 0 : i32
        %dma_start3A_155 = arith.constant 0 : i32
        %dma_start3A_156 = tpu.memref_slice %arg21[%dma_start3A, %dma_start3A_154, %dma_start3A_155] : memref<2x320x128xf32, #tpu.memory_space<vmem>> -> memref<1x320x128xf32, #tpu.memory_space<vmem>>
        %dma_start3A_157 = tpu.memref_squeeze %dma_start3A_156 : memref<1x320x128xf32, #tpu.memory_space<vmem>> -> memref<320x128xf32, #tpu.memory_space<vmem>>
        %dma_start3A_158 = arith.constant 0 : i32
        %dma_start3A_159 = arith.constant 0 : i32
        %dma_start3A_160 = tpu.memref_slice %arg2[%dma_start3A_158, %dma_start3A_159] : memref<100000x128xf32, #tpu.memory_space<hbm>> -> memref<100000x128xf32, #tpu.memory_space<hbm>>
        tpu.enqueue_indirect_dma source(%dma_start3A_160 : memref<100000x128xf32, #tpu.memory_space<hbm>>) target(%dma_start3A_157 : memref<320x128xf32, #tpu.memory_space<vmem>>) offsets(%arg19 : memref<320xi32, #tpu.memory_space<vmem>>) semaphore(%arg27 : memref<!tpu.dma_semaphore, #tpu.memory_space<semaphore_mem>>)
      } else {
      }
      %sub3A_62 = arith.constant 1 : i32
      %sub3A_63 = arith.subi %add3A_24, %sub3A_62 : i32
      %ge3A_64 = arith.constant 0 : i32
      %ge3A_65 = arith.cmpi sge, %sub3A_63, %ge3A_64 : i32
      %mul3A_66 = arith.constant 32 : i32
      %mul3A_67 = arith.muli %sub3A_63, %mul3A_66 : i32
      %add3A_68 = arith.addi %add3A, %mul3A_67 : i32
      %lt3A_69 = arith.constant 3125 : i32
      %lt3A_70 = arith.cmpi slt, %add3A_68, %lt3A_69 : i32
      %and3A_71 = arith.andi %ge3A_65, %lt3A_70 : i1
      %convert_element_type3A_72 = arith.extui %and3A_71 : i1 to i32
      %cond3A_73 = arith.constant 0 : i32
      %cond3A_74 = arith.cmpi ne, %convert_element_type3A_72, %cond3A_73 : i32
      scf.if %cond3A_74 {
        %sub3A_153 = arith.constant 1 : i32
        %sub3A_154 = arith.subi %add3A_24, %sub3A_153 : i32
        %mul3A_155 = arith.constant 32 : i32
        %mul3A_156 = arith.muli %sub3A_154, %mul3A_155 : i32
        %add3A_157 = arith.addi %add3A, %mul3A_156 : i32
        %mul3A_158 = arith.constant 80 : i32
        %mul3A_159 = arith.muli %add3A_157, %mul3A_158 : i32
        %add3A_160 = arith.constant 0 : i32
        %add3A_161 = arith.addi %mul3A_159, %add3A_160 : i32
        %mul3A_162 = arith.constant 32 : i32
        %mul3A_163 = arith.muli %sub3A_154, %mul3A_162 : i32
        %add3A_164 = arith.addi %add3A, %mul3A_163 : i32
        %mul3A_165 = arith.constant 80 : i32
        %mul3A_166 = arith.muli %add3A_164, %mul3A_165 : i32
        %add3A_167 = arith.constant 250000 : i32
        %add3A_168 = arith.addi %mul3A_166, %add3A_167 : i32
        %mul3A_169 = arith.constant 32 : i32
        %mul3A_170 = arith.muli %sub3A_154, %mul3A_169 : i32
        %add3A_171 = arith.addi %add3A, %mul3A_170 : i32
        %mul3A_172 = arith.constant 80 : i32
        %mul3A_173 = arith.muli %add3A_171, %mul3A_172 : i32
        %add3A_174 = arith.constant 500000 : i32
        %add3A_175 = arith.addi %mul3A_173, %add3A_174 : i32
        %mul3A_176 = arith.constant 32 : i32
        %mul3A_177 = arith.muli %sub3A_154, %mul3A_176 : i32
        %add3A_178 = arith.addi %add3A, %mul3A_177 : i32
        %mul3A_179 = arith.constant 80 : i32
        %mul3A_180 = arith.muli %add3A_178, %mul3A_179 : i32
        %add3A_181 = arith.constant 750000 : i32
        %add3A_182 = arith.addi %mul3A_180, %add3A_181 : i32
        %dma_wait3A = arith.constant 0 : i32
        %dma_wait3A_183 = arith.constant 0 : i32
        %dma_wait3A_184 = tpu.memref_slice %arg10[%dma_wait3A, %dma_wait3A_183] : memref<4x128xi32, #tpu.memory_space<vmem>> -> memref<1x80xi32, #tpu.memory_space<vmem>>
        %dma_wait3A_185 = tpu.memref_squeeze %dma_wait3A_184 : memref<1x80xi32, #tpu.memory_space<vmem>> -> memref<80xi32, #tpu.memory_space<vmem>>
        %dma_wait3A_186 = tpu.memref_slice %arg3[%add3A_161] : memref<1000000xi32, #tpu.memory_space<hbm>> -> memref<80xi32, #tpu.memory_space<hbm>>
        %dma_wait3A_187 = arith.constant 0 : i32
        %dma_wait3A_188 = tpu.memref_slice %arg10[%dma_wait3A, %dma_wait3A_187] : memref<4x128xi32, #tpu.memory_space<vmem>> -> memref<1x80xi32, #tpu.memory_space<vmem>>
        %dma_wait3A_189 = tpu.memref_squeeze %dma_wait3A_188 : memref<1x80xi32, #tpu.memory_space<vmem>> -> memref<80xi32, #tpu.memory_space<vmem>>
        %dma_wait3A_190 = tpu.memref_slice %arg3[%add3A_161] : memref<1000000xi32, #tpu.memory_space<hbm>> -> memref<80xi32, #tpu.memory_space<hbm>>
        tpu.wait_dma2 semaphore(%arg24 : memref<!tpu.dma_semaphore, #tpu.memory_space<semaphore_mem>>) src(%dma_wait3A_190 : memref<80xi32, #tpu.memory_space<hbm>>) dst(%dma_wait3A_189 : memref<80xi32, #tpu.memory_space<vmem>>)
        %dma_wait3A_191 = arith.constant 0 : i32
        %dma_wait3A_192 = arith.constant 0 : i32
        %dma_wait3A_193 = tpu.memref_slice %arg12[%dma_wait3A_191, %dma_wait3A_192] : memref<4x128xi32, #tpu.memory_space<vmem>> -> memref<1x80xi32, #tpu.memory_space<vmem>>
        %dma_wait3A_194 = tpu.memref_squeeze %dma_wait3A_193 : memref<1x80xi32, #tpu.memory_space<vmem>> -> memref<80xi32, #tpu.memory_space<vmem>>
        %dma_wait3A_195 = tpu.memref_slice %arg4[%add3A_161] : memref<1000000xi32, #tpu.memory_space<hbm>> -> memref<80xi32, #tpu.memory_space<hbm>>
        %dma_wait3A_196 = arith.constant 0 : i32
        %dma_wait3A_197 = tpu.memref_slice %arg12[%dma_wait3A_191, %dma_wait3A_196] : memref<4x128xi32, #tpu.memory_space<vmem>> -> memref<1x80xi32, #tpu.memory_space<vmem>>
        %dma_wait3A_198 = tpu.memref_squeeze %dma_wait3A_197 : memref<1x80xi32, #tpu.memory_space<vmem>> -> memref<80xi32, #tpu.memory_space<vmem>>
        %dma_wait3A_199 = tpu.memref_slice %arg4[%add3A_161] : memref<1000000xi32, #tpu.memory_space<hbm>> -> memref<80xi32, #tpu.memory_space<hbm>>
        tpu.wait_dma2 semaphore(%arg24 : memref<!tpu.dma_semaphore, #tpu.memory_space<semaphore_mem>>) src(%dma_wait3A_199 : memref<80xi32, #tpu.memory_space<hbm>>) dst(%dma_wait3A_198 : memref<80xi32, #tpu.memory_space<vmem>>)
        %dma_wait3A_200 = arith.constant 0 : i32
        %dma_wait3A_201 = arith.constant 0 : i32
        %dma_wait3A_202 = tpu.memref_slice %arg14[%dma_wait3A_200, %dma_wait3A_201] : memref<4x128xi32, #tpu.memory_space<vmem>> -> memref<1x80xi32, #tpu.memory_space<vmem>>
        %dma_wait3A_203 = tpu.memref_squeeze %dma_wait3A_202 : memref<1x80xi32, #tpu.memory_space<vmem>> -> memref<80xi32, #tpu.memory_space<vmem>>
        %dma_wait3A_204 = tpu.memref_slice %arg5[%add3A_161] : memref<1000000xi32, #tpu.memory_space<hbm>> -> memref<80xi32, #tpu.memory_space<hbm>>
        %dma_wait3A_205 = arith.constant 0 : i32
        %dma_wait3A_206 = tpu.memref_slice %arg14[%dma_wait3A_200, %dma_wait3A_205] : memref<4x128xi32, #tpu.memory_space<vmem>> -> memref<1x80xi32, #tpu.memory_space<vmem>>
        %dma_wait3A_207 = tpu.memref_squeeze %dma_wait3A_206 : memref<1x80xi32, #tpu.memory_space<vmem>> -> memref<80xi32, #tpu.memory_space<vmem>>
        %dma_wait3A_208 = tpu.memref_slice %arg5[%add3A_161] : memref<1000000xi32, #tpu.memory_space<hbm>> -> memref<80xi32, #tpu.memory_space<hbm>>
        tpu.wait_dma2 semaphore(%arg24 : memref<!tpu.dma_semaphore, #tpu.memory_space<semaphore_mem>>) src(%dma_wait3A_208 : memref<80xi32, #tpu.memory_space<hbm>>) dst(%dma_wait3A_207 : memref<80xi32, #tpu.memory_space<vmem>>)
        %dma_wait3A_209 = arith.constant 0 : i32
        %dma_wait3A_210 = arith.constant 0 : i32
        %dma_wait3A_211 = tpu.memref_slice %arg16[%dma_wait3A_209, %dma_wait3A_210] : memref<4x128xi32, #tpu.memory_space<vmem>> -> memref<1x80xi32, #tpu.memory_space<vmem>>
        %dma_wait3A_212 = tpu.memref_squeeze %dma_wait3A_211 : memref<1x80xi32, #tpu.memory_space<vmem>> -> memref<80xi32, #tpu.memory_space<vmem>>
        %dma_wait3A_213 = tpu.memref_slice %arg6[%add3A_161] : memref<1000000xi32, #tpu.memory_space<hbm>> -> memref<80xi32, #tpu.memory_space<hbm>>
        %dma_wait3A_214 = arith.constant 0 : i32
        %dma_wait3A_215 = tpu.memref_slice %arg16[%dma_wait3A_209, %dma_wait3A_214] : memref<4x128xi32, #tpu.memory_space<vmem>> -> memref<1x80xi32, #tpu.memory_space<vmem>>
        %dma_wait3A_216 = tpu.memref_squeeze %dma_wait3A_215 : memref<1x80xi32, #tpu.memory_space<vmem>> -> memref<80xi32, #tpu.memory_space<vmem>>
        %dma_wait3A_217 = tpu.memref_slice %arg6[%add3A_161] : memref<1000000xi32, #tpu.memory_space<hbm>> -> memref<80xi32, #tpu.memory_space<hbm>>
        tpu.wait_dma2 semaphore(%arg24 : memref<!tpu.dma_semaphore, #tpu.memory_space<semaphore_mem>>) src(%dma_wait3A_217 : memref<80xi32, #tpu.memory_space<hbm>>) dst(%dma_wait3A_216 : memref<80xi32, #tpu.memory_space<vmem>>)
        %dma_wait3A_218 = arith.constant 1 : i32
        %dma_wait3A_219 = arith.constant 0 : i32
        %dma_wait3A_220 = tpu.memref_slice %arg10[%dma_wait3A_218, %dma_wait3A_219] : memref<4x128xi32, #tpu.memory_space<vmem>> -> memref<1x80xi32, #tpu.memory_space<vmem>>
        %dma_wait3A_221 = tpu.memref_squeeze %dma_wait3A_220 : memref<1x80xi32, #tpu.memory_space<vmem>> -> memref<80xi32, #tpu.memory_space<vmem>>
        %dma_wait3A_222 = tpu.memref_slice %arg3[%add3A_168] : memref<1000000xi32, #tpu.memory_space<hbm>> -> memref<80xi32, #tpu.memory_space<hbm>>
        %dma_wait3A_223 = arith.constant 0 : i32
        %dma_wait3A_224 = tpu.memref_slice %arg10[%dma_wait3A_218, %dma_wait3A_223] : memref<4x128xi32, #tpu.memory_space<vmem>> -> memref<1x80xi32, #tpu.memory_space<vmem>>
        %dma_wait3A_225 = tpu.memref_squeeze %dma_wait3A_224 : memref<1x80xi32, #tpu.memory_space<vmem>> -> memref<80xi32, #tpu.memory_space<vmem>>
        %dma_wait3A_226 = tpu.memref_slice %arg3[%add3A_168] : memref<1000000xi32, #tpu.memory_space<hbm>> -> memref<80xi32, #tpu.memory_space<hbm>>
        tpu.wait_dma2 semaphore(%arg24 : memref<!tpu.dma_semaphore, #tpu.memory_space<semaphore_mem>>) src(%dma_wait3A_226 : memref<80xi32, #tpu.memory_space<hbm>>) dst(%dma_wait3A_225 : memref<80xi32, #tpu.memory_space<vmem>>)
        %dma_wait3A_227 = arith.constant 1 : i32
        %dma_wait3A_228 = arith.constant 0 : i32
        %dma_wait3A_229 = tpu.memref_slice %arg12[%dma_wait3A_227, %dma_wait3A_228] : memref<4x128xi32, #tpu.memory_space<vmem>> -> memref<1x80xi32, #tpu.memory_space<vmem>>
        %dma_wait3A_230 = tpu.memref_squeeze %dma_wait3A_229 : memref<1x80xi32, #tpu.memory_space<vmem>> -> memref<80xi32, #tpu.memory_space<vmem>>
        %dma_wait3A_231 = tpu.memref_slice %arg4[%add3A_168] : memref<1000000xi32, #tpu.memory_space<hbm>> -> memref<80xi32, #tpu.memory_space<hbm>>
        %dma_wait3A_232 = arith.constant 0 : i32
        %dma_wait3A_233 = tpu.memref_slice %arg12[%dma_wait3A_227, %dma_wait3A_232] : memref<4x128xi32, #tpu.memory_space<vmem>> -> memref<1x80xi32, #tpu.memory_space<vmem>>
        %dma_wait3A_234 = tpu.memref_squeeze %dma_wait3A_233 : memref<1x80xi32, #tpu.memory_space<vmem>> -> memref<80xi32, #tpu.memory_space<vmem>>
        %dma_wait3A_235 = tpu.memref_slice %arg4[%add3A_168] : memref<1000000xi32, #tpu.memory_space<hbm>> -> memref<80xi32, #tpu.memory_space<hbm>>
        tpu.wait_dma2 semaphore(%arg24 : memref<!tpu.dma_semaphore, #tpu.memory_space<semaphore_mem>>) src(%dma_wait3A_235 : memref<80xi32, #tpu.memory_space<hbm>>) dst(%dma_wait3A_234 : memref<80xi32, #tpu.memory_space<vmem>>)
        %dma_wait3A_236 = arith.constant 1 : i32
        %dma_wait3A_237 = arith.constant 0 : i32
        %dma_wait3A_238 = tpu.memref_slice %arg14[%dma_wait3A_236, %dma_wait3A_237] : memref<4x128xi32, #tpu.memory_space<vmem>> -> memref<1x80xi32, #tpu.memory_space<vmem>>
        %dma_wait3A_239 = tpu.memref_squeeze %dma_wait3A_238 : memref<1x80xi32, #tpu.memory_space<vmem>> -> memref<80xi32, #tpu.memory_space<vmem>>
        %dma_wait3A_240 = tpu.memref_slice %arg5[%add3A_168] : memref<1000000xi32, #tpu.memory_space<hbm>> -> memref<80xi32, #tpu.memory_space<hbm>>
        %dma_wait3A_241 = arith.constant 0 : i32
        %dma_wait3A_242 = tpu.memref_slice %arg14[%dma_wait3A_236, %dma_wait3A_241] : memref<4x128xi32, #tpu.memory_space<vmem>> -> memref<1x80xi32, #tpu.memory_space<vmem>>
        %dma_wait3A_243 = tpu.memref_squeeze %dma_wait3A_242 : memref<1x80xi32, #tpu.memory_space<vmem>> -> memref<80xi32, #tpu.memory_space<vmem>>
        %dma_wait3A_244 = tpu.memref_slice %arg5[%add3A_168] : memref<1000000xi32, #tpu.memory_space<hbm>> -> memref<80xi32, #tpu.memory_space<hbm>>
        tpu.wait_dma2 semaphore(%arg24 : memref<!tpu.dma_semaphore, #tpu.memory_space<semaphore_mem>>) src(%dma_wait3A_244 : memref<80xi32, #tpu.memory_space<hbm>>) dst(%dma_wait3A_243 : memref<80xi32, #tpu.memory_space<vmem>>)
        %dma_wait3A_245 = arith.constant 1 : i32
        %dma_wait3A_246 = arith.constant 0 : i32
        %dma_wait3A_247 = tpu.memref_slice %arg16[%dma_wait3A_245, %dma_wait3A_246] : memref<4x128xi32, #tpu.memory_space<vmem>> -> memref<1x80xi32, #tpu.memory_space<vmem>>
        %dma_wait3A_248 = tpu.memref_squeeze %dma_wait3A_247 : memref<1x80xi32, #tpu.memory_space<vmem>> -> memref<80xi32, #tpu.memory_space<vmem>>
        %dma_wait3A_249 = tpu.memref_slice %arg6[%add3A_168] : memref<1000000xi32, #tpu.memory_space<hbm>> -> memref<80xi32, #tpu.memory_space<hbm>>
        %dma_wait3A_250 = arith.constant 0 : i32
        %dma_wait3A_251 = tpu.memref_slice %arg16[%dma_wait3A_245, %dma_wait3A_250] : memref<4x128xi32, #tpu.memory_space<vmem>> -> memref<1x80xi32, #tpu.memory_space<vmem>>
        %dma_wait3A_252 = tpu.memref_squeeze %dma_wait3A_251 : memref<1x80xi32, #tpu.memory_space<vmem>> -> memref<80xi32, #tpu.memory_space<vmem>>
        %dma_wait3A_253 = tpu.memref_slice %arg6[%add3A_168] : memref<1000000xi32, #tpu.memory_space<hbm>> -> memref<80xi32, #tpu.memory_space<hbm>>
        tpu.wait_dma2 semaphore(%arg24 : memref<!tpu.dma_semaphore, #tpu.memory_space<semaphore_mem>>) src(%dma_wait3A_253 : memref<80xi32, #tpu.memory_space<hbm>>) dst(%dma_wait3A_252 : memref<80xi32, #tpu.memory_space<vmem>>)
        %dma_wait3A_254 = arith.constant 2 : i32
        %dma_wait3A_255 = arith.constant 0 : i32
        %dma_wait3A_256 = tpu.memref_slice %arg10[%dma_wait3A_254, %dma_wait3A_255] : memref<4x128xi32, #tpu.memory_space<vmem>> -> memref<1x80xi32, #tpu.memory_space<vmem>>
        %dma_wait3A_257 = tpu.memref_squeeze %dma_wait3A_256 : memref<1x80xi32, #tpu.memory_space<vmem>> -> memref<80xi32, #tpu.memory_space<vmem>>
        %dma_wait3A_258 = tpu.memref_slice %arg3[%add3A_175] : memref<1000000xi32, #tpu.memory_space<hbm>> -> memref<80xi32, #tpu.memory_space<hbm>>
        %dma_wait3A_259 = arith.constant 0 : i32
        %dma_wait3A_260 = tpu.memref_slice %arg10[%dma_wait3A_254, %dma_wait3A_259] : memref<4x128xi32, #tpu.memory_space<vmem>> -> memref<1x80xi32, #tpu.memory_space<vmem>>
        %dma_wait3A_261 = tpu.memref_squeeze %dma_wait3A_260 : memref<1x80xi32, #tpu.memory_space<vmem>> -> memref<80xi32, #tpu.memory_space<vmem>>
        %dma_wait3A_262 = tpu.memref_slice %arg3[%add3A_175] : memref<1000000xi32, #tpu.memory_space<hbm>> -> memref<80xi32, #tpu.memory_space<hbm>>
        tpu.wait_dma2 semaphore(%arg24 : memref<!tpu.dma_semaphore, #tpu.memory_space<semaphore_mem>>) src(%dma_wait3A_262 : memref<80xi32, #tpu.memory_space<hbm>>) dst(%dma_wait3A_261 : memref<80xi32, #tpu.memory_space<vmem>>)
        %dma_wait3A_263 = arith.constant 2 : i32
        %dma_wait3A_264 = arith.constant 0 : i32
        %dma_wait3A_265 = tpu.memref_slice %arg12[%dma_wait3A_263, %dma_wait3A_264] : memref<4x128xi32, #tpu.memory_space<vmem>> -> memref<1x80xi32, #tpu.memory_space<vmem>>
        %dma_wait3A_266 = tpu.memref_squeeze %dma_wait3A_265 : memref<1x80xi32, #tpu.memory_space<vmem>> -> memref<80xi32, #tpu.memory_space<vmem>>
        %dma_wait3A_267 = tpu.memref_slice %arg4[%add3A_175] : memref<1000000xi32, #tpu.memory_space<hbm>> -> memref<80xi32, #tpu.memory_space<hbm>>
        %dma_wait3A_268 = arith.constant 0 : i32
        %dma_wait3A_269 = tpu.memref_slice %arg12[%dma_wait3A_263, %dma_wait3A_268] : memref<4x128xi32, #tpu.memory_space<vmem>> -> memref<1x80xi32, #tpu.memory_space<vmem>>
        %dma_wait3A_270 = tpu.memref_squeeze %dma_wait3A_269 : memref<1x80xi32, #tpu.memory_space<vmem>> -> memref<80xi32, #tpu.memory_space<vmem>>
        %dma_wait3A_271 = tpu.memref_slice %arg4[%add3A_175] : memref<1000000xi32, #tpu.memory_space<hbm>> -> memref<80xi32, #tpu.memory_space<hbm>>
        tpu.wait_dma2 semaphore(%arg24 : memref<!tpu.dma_semaphore, #tpu.memory_space<semaphore_mem>>) src(%dma_wait3A_271 : memref<80xi32, #tpu.memory_space<hbm>>) dst(%dma_wait3A_270 : memref<80xi32, #tpu.memory_space<vmem>>)
        %dma_wait3A_272 = arith.constant 2 : i32
        %dma_wait3A_273 = arith.constant 0 : i32
        %dma_wait3A_274 = tpu.memref_slice %arg14[%dma_wait3A_272, %dma_wait3A_273] : memref<4x128xi32, #tpu.memory_space<vmem>> -> memref<1x80xi32, #tpu.memory_space<vmem>>
        %dma_wait3A_275 = tpu.memref_squeeze %dma_wait3A_274 : memref<1x80xi32, #tpu.memory_space<vmem>> -> memref<80xi32, #tpu.memory_space<vmem>>
        %dma_wait3A_276 = tpu.memref_slice %arg5[%add3A_175] : memref<1000000xi32, #tpu.memory_space<hbm>> -> memref<80xi32, #tpu.memory_space<hbm>>
        %dma_wait3A_277 = arith.constant 0 : i32
        %dma_wait3A_278 = tpu.memref_slice %arg14[%dma_wait3A_272, %dma_wait3A_277] : memref<4x128xi32, #tpu.memory_space<vmem>> -> memref<1x80xi32, #tpu.memory_space<vmem>>
        %dma_wait3A_279 = tpu.memref_squeeze %dma_wait3A_278 : memref<1x80xi32, #tpu.memory_space<vmem>> -> memref<80xi32, #tpu.memory_space<vmem>>
        %dma_wait3A_280 = tpu.memref_slice %arg5[%add3A_175] : memref<1000000xi32, #tpu.memory_space<hbm>> -> memref<80xi32, #tpu.memory_space<hbm>>
        tpu.wait_dma2 semaphore(%arg24 : memref<!tpu.dma_semaphore, #tpu.memory_space<semaphore_mem>>) src(%dma_wait3A_280 : memref<80xi32, #tpu.memory_space<hbm>>) dst(%dma_wait3A_279 : memref<80xi32, #tpu.memory_space<vmem>>)
        %dma_wait3A_281 = arith.constant 2 : i32
        %dma_wait3A_282 = arith.constant 0 : i32
        %dma_wait3A_283 = tpu.memref_slice %arg16[%dma_wait3A_281, %dma_wait3A_282] : memref<4x128xi32, #tpu.memory_space<vmem>> -> memref<1x80xi32, #tpu.memory_space<vmem>>
        %dma_wait3A_284 = tpu.memref_squeeze %dma_wait3A_283 : memref<1x80xi32, #tpu.memory_space<vmem>> -> memref<80xi32, #tpu.memory_space<vmem>>
        %dma_wait3A_285 = tpu.memref_slice %arg6[%add3A_175] : memref<1000000xi32, #tpu.memory_space<hbm>> -> memref<80xi32, #tpu.memory_space<hbm>>
        %dma_wait3A_286 = arith.constant 0 : i32
        %dma_wait3A_287 = tpu.memref_slice %arg16[%dma_wait3A_281, %dma_wait3A_286] : memref<4x128xi32, #tpu.memory_space<vmem>> -> memref<1x80xi32, #tpu.memory_space<vmem>>
        %dma_wait3A_288 = tpu.memref_squeeze %dma_wait3A_287 : memref<1x80xi32, #tpu.memory_space<vmem>> -> memref<80xi32, #tpu.memory_space<vmem>>
        %dma_wait3A_289 = tpu.memref_slice %arg6[%add3A_175] : memref<1000000xi32, #tpu.memory_space<hbm>> -> memref<80xi32, #tpu.memory_space<hbm>>
        tpu.wait_dma2 semaphore(%arg24 : memref<!tpu.dma_semaphore, #tpu.memory_space<semaphore_mem>>) src(%dma_wait3A_289 : memref<80xi32, #tpu.memory_space<hbm>>) dst(%dma_wait3A_288 : memref<80xi32, #tpu.memory_space<vmem>>)
        %dma_wait3A_290 = arith.constant 3 : i32
        %dma_wait3A_291 = arith.constant 0 : i32
        %dma_wait3A_292 = tpu.memref_slice %arg10[%dma_wait3A_290, %dma_wait3A_291] : memref<4x128xi32, #tpu.memory_space<vmem>> -> memref<1x80xi32, #tpu.memory_space<vmem>>
        %dma_wait3A_293 = tpu.memref_squeeze %dma_wait3A_292 : memref<1x80xi32, #tpu.memory_space<vmem>> -> memref<80xi32, #tpu.memory_space<vmem>>
        %dma_wait3A_294 = tpu.memref_slice %arg3[%add3A_182] : memref<1000000xi32, #tpu.memory_space<hbm>> -> memref<80xi32, #tpu.memory_space<hbm>>
        %dma_wait3A_295 = arith.constant 0 : i32
        %dma_wait3A_296 = tpu.memref_slice %arg10[%dma_wait3A_290, %dma_wait3A_295] : memref<4x128xi32, #tpu.memory_space<vmem>> -> memref<1x80xi32, #tpu.memory_space<vmem>>
        %dma_wait3A_297 = tpu.memref_squeeze %dma_wait3A_296 : memref<1x80xi32, #tpu.memory_space<vmem>> -> memref<80xi32, #tpu.memory_space<vmem>>
        %dma_wait3A_298 = tpu.memref_slice %arg3[%add3A_182] : memref<1000000xi32, #tpu.memory_space<hbm>> -> memref<80xi32, #tpu.memory_space<hbm>>
        tpu.wait_dma2 semaphore(%arg24 : memref<!tpu.dma_semaphore, #tpu.memory_space<semaphore_mem>>) src(%dma_wait3A_298 : memref<80xi32, #tpu.memory_space<hbm>>) dst(%dma_wait3A_297 : memref<80xi32, #tpu.memory_space<vmem>>)
        %dma_wait3A_299 = arith.constant 3 : i32
        %dma_wait3A_300 = arith.constant 0 : i32
        %dma_wait3A_301 = tpu.memref_slice %arg12[%dma_wait3A_299, %dma_wait3A_300] : memref<4x128xi32, #tpu.memory_space<vmem>> -> memref<1x80xi32, #tpu.memory_space<vmem>>
        %dma_wait3A_302 = tpu.memref_squeeze %dma_wait3A_301 : memref<1x80xi32, #tpu.memory_space<vmem>> -> memref<80xi32, #tpu.memory_space<vmem>>
        %dma_wait3A_303 = tpu.memref_slice %arg4[%add3A_182] : memref<1000000xi32, #tpu.memory_space<hbm>> -> memref<80xi32, #tpu.memory_space<hbm>>
        %dma_wait3A_304 = arith.constant 0 : i32
        %dma_wait3A_305 = tpu.memref_slice %arg12[%dma_wait3A_299, %dma_wait3A_304] : memref<4x128xi32, #tpu.memory_space<vmem>> -> memref<1x80xi32, #tpu.memory_space<vmem>>
        %dma_wait3A_306 = tpu.memref_squeeze %dma_wait3A_305 : memref<1x80xi32, #tpu.memory_space<vmem>> -> memref<80xi32, #tpu.memory_space<vmem>>
        %dma_wait3A_307 = tpu.memref_slice %arg4[%add3A_182] : memref<1000000xi32, #tpu.memory_space<hbm>> -> memref<80xi32, #tpu.memory_space<hbm>>
        tpu.wait_dma2 semaphore(%arg24 : memref<!tpu.dma_semaphore, #tpu.memory_space<semaphore_mem>>) src(%dma_wait3A_307 : memref<80xi32, #tpu.memory_space<hbm>>) dst(%dma_wait3A_306 : memref<80xi32, #tpu.memory_space<vmem>>)
        %dma_wait3A_308 = arith.constant 3 : i32
        %dma_wait3A_309 = arith.constant 0 : i32
        %dma_wait3A_310 = tpu.memref_slice %arg14[%dma_wait3A_308, %dma_wait3A_309] : memref<4x128xi32, #tpu.memory_space<vmem>> -> memref<1x80xi32, #tpu.memory_space<vmem>>
        %dma_wait3A_311 = tpu.memref_squeeze %dma_wait3A_310 : memref<1x80xi32, #tpu.memory_space<vmem>> -> memref<80xi32, #tpu.memory_space<vmem>>
        %dma_wait3A_312 = tpu.memref_slice %arg5[%add3A_182] : memref<1000000xi32, #tpu.memory_space<hbm>> -> memref<80xi32, #tpu.memory_space<hbm>>
        %dma_wait3A_313 = arith.constant 0 : i32
        %dma_wait3A_314 = tpu.memref_slice %arg14[%dma_wait3A_308, %dma_wait3A_313] : memref<4x128xi32, #tpu.memory_space<vmem>> -> memref<1x80xi32, #tpu.memory_space<vmem>>
        %dma_wait3A_315 = tpu.memref_squeeze %dma_wait3A_314 : memref<1x80xi32, #tpu.memory_space<vmem>> -> memref<80xi32, #tpu.memory_space<vmem>>
        %dma_wait3A_316 = tpu.memref_slice %arg5[%add3A_182] : memref<1000000xi32, #tpu.memory_space<hbm>> -> memref<80xi32, #tpu.memory_space<hbm>>
        tpu.wait_dma2 semaphore(%arg24 : memref<!tpu.dma_semaphore, #tpu.memory_space<semaphore_mem>>) src(%dma_wait3A_316 : memref<80xi32, #tpu.memory_space<hbm>>) dst(%dma_wait3A_315 : memref<80xi32, #tpu.memory_space<vmem>>)
        %dma_wait3A_317 = arith.constant 3 : i32
        %dma_wait3A_318 = arith.constant 0 : i32
        %dma_wait3A_319 = tpu.memref_slice %arg16[%dma_wait3A_317, %dma_wait3A_318] : memref<4x128xi32, #tpu.memory_space<vmem>> -> memref<1x80xi32, #tpu.memory_space<vmem>>
        %dma_wait3A_320 = tpu.memref_squeeze %dma_wait3A_319 : memref<1x80xi32, #tpu.memory_space<vmem>> -> memref<80xi32, #tpu.memory_space<vmem>>
        %dma_wait3A_321 = tpu.memref_slice %arg6[%add3A_182] : memref<1000000xi32, #tpu.memory_space<hbm>> -> memref<80xi32, #tpu.memory_space<hbm>>
        %dma_wait3A_322 = arith.constant 0 : i32
        %dma_wait3A_323 = tpu.memref_slice %arg16[%dma_wait3A_317, %dma_wait3A_322] : memref<4x128xi32, #tpu.memory_space<vmem>> -> memref<1x80xi32, #tpu.memory_space<vmem>>
        %dma_wait3A_324 = tpu.memref_squeeze %dma_wait3A_323 : memref<1x80xi32, #tpu.memory_space<vmem>> -> memref<80xi32, #tpu.memory_space<vmem>>
        %dma_wait3A_325 = tpu.memref_slice %arg6[%add3A_182] : memref<1000000xi32, #tpu.memory_space<hbm>> -> memref<80xi32, #tpu.memory_space<hbm>>
        tpu.wait_dma2 semaphore(%arg24 : memref<!tpu.dma_semaphore, #tpu.memory_space<semaphore_mem>>) src(%dma_wait3A_325 : memref<80xi32, #tpu.memory_space<hbm>>) dst(%dma_wait3A_324 : memref<80xi32, #tpu.memory_space<vmem>>)
        %scan3A_326 = arith.constant 0 : i32
        %scan3A_327 = arith.constant 0 : i32
        %mul3A_328 = arith.constant 16 : i32
        %mul3A_329 = arith.muli %scan3A_327, %mul3A_328 : i32
        %get3A = arith.constant 0 : i32
        %get3A_330 = arith.index_cast %get3A : i32 to index
        %get3A_331 = arith.index_cast %mul3A_329 : i32 to index
        %get3A_332 = tpu.vector_load %arg10[%get3A_330, %get3A_331] {strides = array<i32>} : memref<4x128xi32, #tpu.memory_space<vmem>>, vector<1x16xi32>,
        %get3A_333 = vector.shape_cast %get3A_332 : vector<1x16xi32> to vector<16xi32>
        %get3A_334 = arith.constant 0 : i32
        %get3A_335 = arith.index_cast %get3A_334 : i32 to index
        %get3A_336 = arith.index_cast %mul3A_329 : i32 to index
        %get3A_337 = tpu.vector_load %arg12[%get3A_335, %get3A_336] {strides = array<i32>} : memref<4x128xi32, #tpu.memory_space<vmem>>, vector<1x16xi32>,
        %get3A_338 = vector.shape_cast %get3A_337 : vector<1x16xi32> to vector<16xi32>
        %get3A_339 = arith.constant 0 : i32
        %get3A_340 = arith.index_cast %get3A_339 : i32 to index
        %get3A_341 = arith.index_cast %mul3A_329 : i32 to index
        %get3A_342 = tpu.vector_load %arg14[%get3A_340, %get3A_341] {strides = array<i32>} : memref<4x128xi32, #tpu.memory_space<vmem>>, vector<1x16xi32>,
        %get3A_343 = vector.shape_cast %get3A_342 : vector<1x16xi32> to vector<16xi32>
        %get3A_344 = arith.constant 0 : i32
        %get3A_345 = arith.index_cast %get3A_344 : i32 to index
        %get3A_346 = arith.index_cast %mul3A_329 : i32 to index
        %get3A_347 = tpu.vector_load %arg16[%get3A_345, %get3A_346] {strides = array<i32>} : memref<4x128xi32, #tpu.memory_space<vmem>>, vector<1x16xi32>,
        %get3A_348 = vector.shape_cast %get3A_347 : vector<1x16xi32> to vector<16xi32>
        %mul3A_349 = arith.constant 121 : i32
        %mul3A_350 = vector.broadcast %mul3A_349 : i32 to vector<16xi32>
        %mul3A_351 = arith.muli %get3A_333, %mul3A_350 : vector<16xi32>
        %add3A_352 = arith.addi %mul3A_351, %get3A_338 : vector<16xi32>
        %mul3A_353 = arith.constant 121 : i32
        %mul3A_354 = vector.broadcast %mul3A_353 : i32 to vector<16xi32>
        %mul3A_355 = arith.muli %add3A_352, %mul3A_354 : vector<16xi32>
        %add3A_356 = arith.addi %mul3A_355, %get3A_343 : vector<16xi32>
        %mul3A_357 = arith.constant 121 : i32
        %mul3A_358 = vector.broadcast %mul3A_357 : i32 to vector<16xi32>
        %mul3A_359 = arith.muli %add3A_356, %mul3A_358 : vector<16xi32>
        %add3A_360 = arith.addi %mul3A_359, %get3A_348 : vector<16xi32>
        %add3A_361 = arith.constant 0 : i32
        %add3A_362 = arith.addi %add3A_361, %mul3A_329 : i32
        %swap3A = arith.index_cast %add3A_362 : i32 to index
        %swap3A_363 = tpu.vector_load %arg18[%swap3A] {strides = array<i32>} : memref<320xi32, #tpu.memory_space<vmem>>, vector<16xi32>,
        %swap3A_364 = vector.shape_cast %swap3A_363 : vector<16xi32> to vector<16xi32>
        %swap3A_365 = vector.shape_cast %add3A_360 : vector<16xi32> to vector<16xi32>
        tpu.vector_store %arg18[%swap3A], %swap3A_365 {strides = array<i32>} : memref<320xi32, #tpu.memory_space<vmem>>, vector<16xi32>,
        %scan3A_366 = arith.constant 1 : i32
        %mul3A_367 = arith.constant 16 : i32
        %mul3A_368 = arith.muli %scan3A_366, %mul3A_367 : i32
        %get3A_369 = arith.constant 0 : i32
        %get3A_370 = arith.index_cast %get3A_369 : i32 to index
        %get3A_371 = arith.index_cast %mul3A_368 : i32 to index
        %get3A_372 = tpu.vector_load %arg10[%get3A_370, %get3A_371] {strides = array<i32>} : memref<4x128xi32, #tpu.memory_space<vmem>>, vector<1x16xi32>,
        %get3A_373 = vector.shape_cast %get3A_372 : vector<1x16xi32> to vector<16xi32>
        %get3A_374 = arith.constant 0 : i32
        %get3A_375 = arith.index_cast %get3A_374 : i32 to index
        %get3A_376 = arith.index_cast %mul3A_368 : i32 to index
        %get3A_377 = tpu.vector_load %arg12[%get3A_375, %get3A_376] {strides = array<i32>} : memref<4x128xi32, #tpu.memory_space<vmem>>, vector<1x16xi32>,
        %get3A_378 = vector.shape_cast %get3A_377 : vector<1x16xi32> to vector<16xi32>
        %get3A_379 = arith.constant 0 : i32
        %get3A_380 = arith.index_cast %get3A_379 : i32 to index
        %get3A_381 = arith.index_cast %mul3A_368 : i32 to index
        %get3A_382 = tpu.vector_load %arg14[%get3A_380, %get3A_381] {strides = array<i32>} : memref<4x128xi32, #tpu.memory_space<vmem>>, vector<1x16xi32>,
        %get3A_383 = vector.shape_cast %get3A_382 : vector<1x16xi32> to vector<16xi32>
        %get3A_384 = arith.constant 0 : i32
        %get3A_385 = arith.index_cast %get3A_384 : i32 to index
        %get3A_386 = arith.index_cast %mul3A_368 : i32 to index
        %get3A_387 = tpu.vector_load %arg16[%get3A_385, %get3A_386] {strides = array<i32>} : memref<4x128xi32, #tpu.memory_space<vmem>>, vector<1x16xi32>,
        %get3A_388 = vector.shape_cast %get3A_387 : vector<1x16xi32> to vector<16xi32>
        %mul3A_389 = arith.constant 121 : i32
        %mul3A_390 = vector.broadcast %mul3A_389 : i32 to vector<16xi32>
        %mul3A_391 = arith.muli %get3A_373, %mul3A_390 : vector<16xi32>
        %add3A_392 = arith.addi %mul3A_391, %get3A_378 : vector<16xi32>
        %mul3A_393 = arith.constant 121 : i32
        %mul3A_394 = vector.broadcast %mul3A_393 : i32 to vector<16xi32>
        %mul3A_395 = arith.muli %add3A_392, %mul3A_394 : vector<16xi32>
        %add3A_396 = arith.addi %mul3A_395, %get3A_383 : vector<16xi32>
        %mul3A_397 = arith.constant 121 : i32
        %mul3A_398 = vector.broadcast %mul3A_397 : i32 to vector<16xi32>
        %mul3A_399 = arith.muli %add3A_396, %mul3A_398 : vector<16xi32>
        %add3A_400 = arith.addi %mul3A_399, %get3A_388 : vector<16xi32>
        %add3A_401 = arith.constant 0 : i32
        %add3A_402 = arith.addi %add3A_401, %mul3A_368 : i32
        %swap3A_403 = arith.index_cast %add3A_402 : i32 to index
        %swap3A_404 = tpu.vector_load %arg18[%swap3A_403] {strides = array<i32>} : memref<320xi32, #tpu.memory_space<vmem>>, vector<16xi32>,
        %swap3A_405 = vector.shape_cast %swap3A_404 : vector<16xi32> to vector<16xi32>
        %swap3A_406 = vector.shape_cast %add3A_400 : vector<16xi32> to vector<16xi32>
        tpu.vector_store %arg18[%swap3A_403], %swap3A_406 {strides = array<i32>} : memref<320xi32, #tpu.memory_space<vmem>>, vector<16xi32>,
        %scan3A_407 = arith.constant 2 : i32
        %mul3A_408 = arith.constant 16 : i32
        %mul3A_409 = arith.muli %scan3A_407, %mul3A_408 : i32
        %get3A_410 = arith.constant 0 : i32
        %get3A_411 = arith.index_cast %get3A_410 : i32 to index
        %get3A_412 = arith.index_cast %mul3A_409 : i32 to index
        %get3A_413 = tpu.vector_load %arg10[%get3A_411, %get3A_412] {strides = array<i32>} : memref<4x128xi32, #tpu.memory_space<vmem>>, vector<1x16xi32>,
        %get3A_414 = vector.shape_cast %get3A_413 : vector<1x16xi32> to vector<16xi32>
        %get3A_415 = arith.constant 0 : i32
        %get3A_416 = arith.index_cast %get3A_415 : i32 to index
        %get3A_417 = arith.index_cast %mul3A_409 : i32 to index
        %get3A_418 = tpu.vector_load %arg12[%get3A_416, %get3A_417] {strides = array<i32>} : memref<4x128xi32, #tpu.memory_space<vmem>>, vector<1x16xi32>,
        %get3A_419 = vector.shape_cast %get3A_418 : vector<1x16xi32> to vector<16xi32>
        %get3A_420 = arith.constant 0 : i32
        %get3A_421 = arith.index_cast %get3A_420 : i32 to index
        %get3A_422 = arith.index_cast %mul3A_409 : i32 to index
        %get3A_423 = tpu.vector_load %arg14[%get3A_421, %get3A_422] {strides = array<i32>} : memref<4x128xi32, #tpu.memory_space<vmem>>, vector<1x16xi32>,
        %get3A_424 = vector.shape_cast %get3A_423 : vector<1x16xi32> to vector<16xi32>
        %get3A_425 = arith.constant 0 : i32
        %get3A_426 = arith.index_cast %get3A_425 : i32 to index
        %get3A_427 = arith.index_cast %mul3A_409 : i32 to index
        %get3A_428 = tpu.vector_load %arg16[%get3A_426, %get3A_427] {strides = array<i32>} : memref<4x128xi32, #tpu.memory_space<vmem>>, vector<1x16xi32>,
        %get3A_429 = vector.shape_cast %get3A_428 : vector<1x16xi32> to vector<16xi32>
        %mul3A_430 = arith.constant 121 : i32
        %mul3A_431 = vector.broadcast %mul3A_430 : i32 to vector<16xi32>
        %mul3A_432 = arith.muli %get3A_414, %mul3A_431 : vector<16xi32>
        %add3A_433 = arith.addi %mul3A_432, %get3A_419 : vector<16xi32>
        %mul3A_434 = arith.constant 121 : i32
        %mul3A_435 = vector.broadcast %mul3A_434 : i32 to vector<16xi32>
        %mul3A_436 = arith.muli %add3A_433, %mul3A_435 : vector<16xi32>
        %add3A_437 = arith.addi %mul3A_436, %get3A_424 : vector<16xi32>
        %mul3A_438 = arith.constant 121 : i32
        %mul3A_439 = vector.broadcast %mul3A_438 : i32 to vector<16xi32>
        %mul3A_440 = arith.muli %add3A_437, %mul3A_439 : vector<16xi32>
        %add3A_441 = arith.addi %mul3A_440, %get3A_429 : vector<16xi32>
        %add3A_442 = arith.constant 0 : i32
        %add3A_443 = arith.addi %add3A_442, %mul3A_409 : i32
        %swap3A_444 = arith.index_cast %add3A_443 : i32 to index
        %swap3A_445 = tpu.vector_load %arg18[%swap3A_444] {strides = array<i32>} : memref<320xi32, #tpu.memory_space<vmem>>, vector<16xi32>,
        %swap3A_446 = vector.shape_cast %swap3A_445 : vector<16xi32> to vector<16xi32>
        %swap3A_447 = vector.shape_cast %add3A_441 : vector<16xi32> to vector<16xi32>
        tpu.vector_store %arg18[%swap3A_444], %swap3A_447 {strides = array<i32>} : memref<320xi32, #tpu.memory_space<vmem>>, vector<16xi32>,
        %scan3A_448 = arith.constant 3 : i32
        %mul3A_449 = arith.constant 16 : i32
        %mul3A_450 = arith.muli %scan3A_448, %mul3A_449 : i32
        %get3A_451 = arith.constant 0 : i32
        %get3A_452 = arith.index_cast %get3A_451 : i32 to index
        %get3A_453 = arith.index_cast %mul3A_450 : i32 to index
        %get3A_454 = tpu.vector_load %arg10[%get3A_452, %get3A_453] {strides = array<i32>} : memref<4x128xi32, #tpu.memory_space<vmem>>, vector<1x16xi32>,
        %get3A_455 = vector.shape_cast %get3A_454 : vector<1x16xi32> to vector<16xi32>
        %get3A_456 = arith.constant 0 : i32
        %get3A_457 = arith.index_cast %get3A_456 : i32 to index
        %get3A_458 = arith.index_cast %mul3A_450 : i32 to index
        %get3A_459 = tpu.vector_load %arg12[%get3A_457, %get3A_458] {strides = array<i32>} : memref<4x128xi32, #tpu.memory_space<vmem>>, vector<1x16xi32>,
        %get3A_460 = vector.shape_cast %get3A_459 : vector<1x16xi32> to vector<16xi32>
        %get3A_461 = arith.constant 0 : i32
        %get3A_462 = arith.index_cast %get3A_461 : i32 to index
        %get3A_463 = arith.index_cast %mul3A_450 : i32 to index
        %get3A_464 = tpu.vector_load %arg14[%get3A_462, %get3A_463] {strides = array<i32>} : memref<4x128xi32, #tpu.memory_space<vmem>>, vector<1x16xi32>,
        %get3A_465 = vector.shape_cast %get3A_464 : vector<1x16xi32> to vector<16xi32>
        %get3A_466 = arith.constant 0 : i32
        %get3A_467 = arith.index_cast %get3A_466 : i32 to index
        %get3A_468 = arith.index_cast %mul3A_450 : i32 to index
        %get3A_469 = tpu.vector_load %arg16[%get3A_467, %get3A_468] {strides = array<i32>} : memref<4x128xi32, #tpu.memory_space<vmem>>, vector<1x16xi32>,
        %get3A_470 = vector.shape_cast %get3A_469 : vector<1x16xi32> to vector<16xi32>
        %mul3A_471 = arith.constant 121 : i32
        %mul3A_472 = vector.broadcast %mul3A_471 : i32 to vector<16xi32>
        %mul3A_473 = arith.muli %get3A_455, %mul3A_472 : vector<16xi32>
        %add3A_474 = arith.addi %mul3A_473, %get3A_460 : vector<16xi32>
        %mul3A_475 = arith.constant 121 : i32
        %mul3A_476 = vector.broadcast %mul3A_475 : i32 to vector<16xi32>
        %mul3A_477 = arith.muli %add3A_474, %mul3A_476 : vector<16xi32>
        %add3A_478 = arith.addi %mul3A_477, %get3A_465 : vector<16xi32>
        %mul3A_479 = arith.constant 121 : i32
        %mul3A_480 = vector.broadcast %mul3A_479 : i32 to vector<16xi32>
        %mul3A_481 = arith.muli %add3A_478, %mul3A_480 : vector<16xi32>
        %add3A_482 = arith.addi %mul3A_481, %get3A_470 : vector<16xi32>
        %add3A_483 = arith.constant 0 : i32
        %add3A_484 = arith.addi %add3A_483, %mul3A_450 : i32
        %swap3A_485 = arith.index_cast %add3A_484 : i32 to index
        %swap3A_486 = tpu.vector_load %arg18[%swap3A_485] {strides = array<i32>} : memref<320xi32, #tpu.memory_space<vmem>>, vector<16xi32>,
        %swap3A_487 = vector.shape_cast %swap3A_486 : vector<16xi32> to vector<16xi32>
        %swap3A_488 = vector.shape_cast %add3A_482 : vector<16xi32> to vector<16xi32>
        tpu.vector_store %arg18[%swap3A_485], %swap3A_488 {strides = array<i32>} : memref<320xi32, #tpu.memory_space<vmem>>, vector<16xi32>,
        %scan3A_489 = arith.constant 4 : i32
        %mul3A_490 = arith.constant 16 : i32
        %mul3A_491 = arith.muli %scan3A_489, %mul3A_490 : i32
        %get3A_492 = arith.constant 0 : i32
        %get3A_493 = arith.index_cast %get3A_492 : i32 to index
        %get3A_494 = arith.index_cast %mul3A_491 : i32 to index
        %get3A_495 = tpu.vector_load %arg10[%get3A_493, %get3A_494] {strides = array<i32>} : memref<4x128xi32, #tpu.memory_space<vmem>>, vector<1x16xi32>,
        %get3A_496 = vector.shape_cast %get3A_495 : vector<1x16xi32> to vector<16xi32>
        %get3A_497 = arith.constant 0 : i32
        %get3A_498 = arith.index_cast %get3A_497 : i32 to index
        %get3A_499 = arith.index_cast %mul3A_491 : i32 to index
        %get3A_500 = tpu.vector_load %arg12[%get3A_498, %get3A_499] {strides = array<i32>} : memref<4x128xi32, #tpu.memory_space<vmem>>, vector<1x16xi32>,
        %get3A_501 = vector.shape_cast %get3A_500 : vector<1x16xi32> to vector<16xi32>
        %get3A_502 = arith.constant 0 : i32
        %get3A_503 = arith.index_cast %get3A_502 : i32 to index
        %get3A_504 = arith.index_cast %mul3A_491 : i32 to index
        %get3A_505 = tpu.vector_load %arg14[%get3A_503, %get3A_504] {strides = array<i32>} : memref<4x128xi32, #tpu.memory_space<vmem>>, vector<1x16xi32>,
        %get3A_506 = vector.shape_cast %get3A_505 : vector<1x16xi32> to vector<16xi32>
        %get3A_507 = arith.constant 0 : i32
        %get3A_508 = arith.index_cast %get3A_507 : i32 to index
        %get3A_509 = arith.index_cast %mul3A_491 : i32 to index
        %get3A_510 = tpu.vector_load %arg16[%get3A_508, %get3A_509] {strides = array<i32>} : memref<4x128xi32, #tpu.memory_space<vmem>>, vector<1x16xi32>,
        %get3A_511 = vector.shape_cast %get3A_510 : vector<1x16xi32> to vector<16xi32>
        %mul3A_512 = arith.constant 121 : i32
        %mul3A_513 = vector.broadcast %mul3A_512 : i32 to vector<16xi32>
        %mul3A_514 = arith.muli %get3A_496, %mul3A_513 : vector<16xi32>
        %add3A_515 = arith.addi %mul3A_514, %get3A_501 : vector<16xi32>
        %mul3A_516 = arith.constant 121 : i32
        %mul3A_517 = vector.broadcast %mul3A_516 : i32 to vector<16xi32>
        %mul3A_518 = arith.muli %add3A_515, %mul3A_517 : vector<16xi32>
        %add3A_519 = arith.addi %mul3A_518, %get3A_506 : vector<16xi32>
        %mul3A_520 = arith.constant 121 : i32
        %mul3A_521 = vector.broadcast %mul3A_520 : i32 to vector<16xi32>
        %mul3A_522 = arith.muli %add3A_519, %mul3A_521 : vector<16xi32>
        %add3A_523 = arith.addi %mul3A_522, %get3A_511 : vector<16xi32>
        %add3A_524 = arith.constant 0 : i32
        %add3A_525 = arith.addi %add3A_524, %mul3A_491 : i32
        %swap3A_526 = arith.index_cast %add3A_525 : i32 to index
        %swap3A_527 = tpu.vector_load %arg18[%swap3A_526] {strides = array<i32>} : memref<320xi32, #tpu.memory_space<vmem>>, vector<16xi32>,
        %swap3A_528 = vector.shape_cast %swap3A_527 : vector<16xi32> to vector<16xi32>
        %swap3A_529 = vector.shape_cast %add3A_523 : vector<16xi32> to vector<16xi32>
        tpu.vector_store %arg18[%swap3A_526], %swap3A_529 {strides = array<i32>} : memref<320xi32, #tpu.memory_space<vmem>>, vector<16xi32>,
        %scan3A_530 = arith.constant 5 : i32
        %scan3A_531 = arith.constant 0 : i32
        %scan3A_532 = arith.constant 0 : i32
        %mul3A_533 = arith.constant 16 : i32
        %mul3A_534 = arith.muli %scan3A_532, %mul3A_533 : i32
        %get3A_535 = arith.constant 1 : i32
        %get3A_536 = arith.index_cast %get3A_535 : i32 to index
        %get3A_537 = arith.index_cast %mul3A_534 : i32 to index
        %get3A_538 = tpu.vector_load %arg10[%get3A_536, %get3A_537] {strides = array<i32>} : memref<4x128xi32, #tpu.memory_space<vmem>>, vector<1x16xi32>,
        %get3A_539 = vector.shape_cast %get3A_538 : vector<1x16xi32> to vector<16xi32>
        %get3A_540 = arith.constant 1 : i32
        %get3A_541 = arith.index_cast %get3A_540 : i32 to index
        %get3A_542 = arith.index_cast %mul3A_534 : i32 to index
        %get3A_543 = tpu.vector_load %arg12[%get3A_541, %get3A_542] {strides = array<i32>} : memref<4x128xi32, #tpu.memory_space<vmem>>, vector<1x16xi32>,
        %get3A_544 = vector.shape_cast %get3A_543 : vector<1x16xi32> to vector<16xi32>
        %get3A_545 = arith.constant 1 : i32
        %get3A_546 = arith.index_cast %get3A_545 : i32 to index
        %get3A_547 = arith.index_cast %mul3A_534 : i32 to index
        %get3A_548 = tpu.vector_load %arg14[%get3A_546, %get3A_547] {strides = array<i32>} : memref<4x128xi32, #tpu.memory_space<vmem>>, vector<1x16xi32>,
        %get3A_549 = vector.shape_cast %get3A_548 : vector<1x16xi32> to vector<16xi32>
        %get3A_550 = arith.constant 1 : i32
        %get3A_551 = arith.index_cast %get3A_550 : i32 to index
        %get3A_552 = arith.index_cast %mul3A_534 : i32 to index
        %get3A_553 = tpu.vector_load %arg16[%get3A_551, %get3A_552] {strides = array<i32>} : memref<4x128xi32, #tpu.memory_space<vmem>>, vector<1x16xi32>,
        %get3A_554 = vector.shape_cast %get3A_553 : vector<1x16xi32> to vector<16xi32>
        %mul3A_555 = arith.constant 121 : i32
        %mul3A_556 = vector.broadcast %mul3A_555 : i32 to vector<16xi32>
        %mul3A_557 = arith.muli %get3A_539, %mul3A_556 : vector<16xi32>
        %add3A_558 = arith.addi %mul3A_557, %get3A_544 : vector<16xi32>
        %mul3A_559 = arith.constant 121 : i32
        %mul3A_560 = vector.broadcast %mul3A_559 : i32 to vector<16xi32>
        %mul3A_561 = arith.muli %add3A_558, %mul3A_560 : vector<16xi32>
        %add3A_562 = arith.addi %mul3A_561, %get3A_549 : vector<16xi32>
        %mul3A_563 = arith.constant 121 : i32
        %mul3A_564 = vector.broadcast %mul3A_563 : i32 to vector<16xi32>
        %mul3A_565 = arith.muli %add3A_562, %mul3A_564 : vector<16xi32>
        %add3A_566 = arith.addi %mul3A_565, %get3A_554 : vector<16xi32>
        %add3A_567 = arith.constant 80 : i32
        %add3A_568 = arith.addi %add3A_567, %mul3A_534 : i32
        %swap3A_569 = arith.index_cast %add3A_568 : i32 to index
        %swap3A_570 = tpu.vector_load %arg18[%swap3A_569] {strides = array<i32>} : memref<320xi32, #tpu.memory_space<vmem>>, vector<16xi32>,
        %swap3A_571 = vector.shape_cast %swap3A_570 : vector<16xi32> to vector<16xi32>
        %swap3A_572 = vector.shape_cast %add3A_566 : vector<16xi32> to vector<16xi32>
        tpu.vector_store %arg18[%swap3A_569], %swap3A_572 {strides = array<i32>} : memref<320xi32, #tpu.memory_space<vmem>>, vector<16xi32>,
        %scan3A_573 = arith.constant 1 : i32
        %mul3A_574 = arith.constant 16 : i32
        %mul3A_575 = arith.muli %scan3A_573, %mul3A_574 : i32
        %get3A_576 = arith.constant 1 : i32
        %get3A_577 = arith.index_cast %get3A_576 : i32 to index
        %get3A_578 = arith.index_cast %mul3A_575 : i32 to index
        %get3A_579 = tpu.vector_load %arg10[%get3A_577, %get3A_578] {strides = array<i32>} : memref<4x128xi32, #tpu.memory_space<vmem>>, vector<1x16xi32>,
        %get3A_580 = vector.shape_cast %get3A_579 : vector<1x16xi32> to vector<16xi32>
        %get3A_581 = arith.constant 1 : i32
        %get3A_582 = arith.index_cast %get3A_581 : i32 to index
        %get3A_583 = arith.index_cast %mul3A_575 : i32 to index
        %get3A_584 = tpu.vector_load %arg12[%get3A_582, %get3A_583] {strides = array<i32>} : memref<4x128xi32, #tpu.memory_space<vmem>>, vector<1x16xi32>,
        %get3A_585 = vector.shape_cast %get3A_584 : vector<1x16xi32> to vector<16xi32>
        %get3A_586 = arith.constant 1 : i32
        %get3A_587 = arith.index_cast %get3A_586 : i32 to index
        %get3A_588 = arith.index_cast %mul3A_575 : i32 to index
        %get3A_589 = tpu.vector_load %arg14[%get3A_587, %get3A_588] {strides = array<i32>} : memref<4x128xi32, #tpu.memory_space<vmem>>, vector<1x16xi32>,
        %get3A_590 = vector.shape_cast %get3A_589 : vector<1x16xi32> to vector<16xi32>
        %get3A_591 = arith.constant 1 : i32
        %get3A_592 = arith.index_cast %get3A_591 : i32 to index
        %get3A_593 = arith.index_cast %mul3A_575 : i32 to index
        %get3A_594 = tpu.vector_load %arg16[%get3A_592, %get3A_593] {strides = array<i32>} : memref<4x128xi32, #tpu.memory_space<vmem>>, vector<1x16xi32>,
        %get3A_595 = vector.shape_cast %get3A_594 : vector<1x16xi32> to vector<16xi32>
        %mul3A_596 = arith.constant 121 : i32
        %mul3A_597 = vector.broadcast %mul3A_596 : i32 to vector<16xi32>
        %mul3A_598 = arith.muli %get3A_580, %mul3A_597 : vector<16xi32>
        %add3A_599 = arith.addi %mul3A_598, %get3A_585 : vector<16xi32>
        %mul3A_600 = arith.constant 121 : i32
        %mul3A_601 = vector.broadcast %mul3A_600 : i32 to vector<16xi32>
        %mul3A_602 = arith.muli %add3A_599, %mul3A_601 : vector<16xi32>
        %add3A_603 = arith.addi %mul3A_602, %get3A_590 : vector<16xi32>
        %mul3A_604 = arith.constant 121 : i32
        %mul3A_605 = vector.broadcast %mul3A_604 : i32 to vector<16xi32>
        %mul3A_606 = arith.muli %add3A_603, %mul3A_605 : vector<16xi32>
        %add3A_607 = arith.addi %mul3A_606, %get3A_595 : vector<16xi32>
        %add3A_608 = arith.constant 80 : i32
        %add3A_609 = arith.addi %add3A_608, %mul3A_575 : i32
        %swap3A_610 = arith.index_cast %add3A_609 : i32 to index
        %swap3A_611 = tpu.vector_load %arg18[%swap3A_610] {strides = array<i32>} : memref<320xi32, #tpu.memory_space<vmem>>, vector<16xi32>,
        %swap3A_612 = vector.shape_cast %swap3A_611 : vector<16xi32> to vector<16xi32>
        %swap3A_613 = vector.shape_cast %add3A_607 : vector<16xi32> to vector<16xi32>
        tpu.vector_store %arg18[%swap3A_610], %swap3A_613 {strides = array<i32>} : memref<320xi32, #tpu.memory_space<vmem>>, vector<16xi32>,
        %scan3A_614 = arith.constant 2 : i32
        %mul3A_615 = arith.constant 16 : i32
        %mul3A_616 = arith.muli %scan3A_614, %mul3A_615 : i32
        %get3A_617 = arith.constant 1 : i32
        %get3A_618 = arith.index_cast %get3A_617 : i32 to index
        %get3A_619 = arith.index_cast %mul3A_616 : i32 to index
        %get3A_620 = tpu.vector_load %arg10[%get3A_618, %get3A_619] {strides = array<i32>} : memref<4x128xi32, #tpu.memory_space<vmem>>, vector<1x16xi32>,
        %get3A_621 = vector.shape_cast %get3A_620 : vector<1x16xi32> to vector<16xi32>
        %get3A_622 = arith.constant 1 : i32
        %get3A_623 = arith.index_cast %get3A_622 : i32 to index
        %get3A_624 = arith.index_cast %mul3A_616 : i32 to index
        %get3A_625 = tpu.vector_load %arg12[%get3A_623, %get3A_624] {strides = array<i32>} : memref<4x128xi32, #tpu.memory_space<vmem>>, vector<1x16xi32>,
        %get3A_626 = vector.shape_cast %get3A_625 : vector<1x16xi32> to vector<16xi32>
        %get3A_627 = arith.constant 1 : i32
        %get3A_628 = arith.index_cast %get3A_627 : i32 to index
        %get3A_629 = arith.index_cast %mul3A_616 : i32 to index
        %get3A_630 = tpu.vector_load %arg14[%get3A_628, %get3A_629] {strides = array<i32>} : memref<4x128xi32, #tpu.memory_space<vmem>>, vector<1x16xi32>,
        %get3A_631 = vector.shape_cast %get3A_630 : vector<1x16xi32> to vector<16xi32>
        %get3A_632 = arith.constant 1 : i32
        %get3A_633 = arith.index_cast %get3A_632 : i32 to index
        %get3A_634 = arith.index_cast %mul3A_616 : i32 to index
        %get3A_635 = tpu.vector_load %arg16[%get3A_633, %get3A_634] {strides = array<i32>} : memref<4x128xi32, #tpu.memory_space<vmem>>, vector<1x16xi32>,
        %get3A_636 = vector.shape_cast %get3A_635 : vector<1x16xi32> to vector<16xi32>
        %mul3A_637 = arith.constant 121 : i32
        %mul3A_638 = vector.broadcast %mul3A_637 : i32 to vector<16xi32>
        %mul3A_639 = arith.muli %get3A_621, %mul3A_638 : vector<16xi32>
        %add3A_640 = arith.addi %mul3A_639, %get3A_626 : vector<16xi32>
        %mul3A_641 = arith.constant 121 : i32
        %mul3A_642 = vector.broadcast %mul3A_641 : i32 to vector<16xi32>
        %mul3A_643 = arith.muli %add3A_640, %mul3A_642 : vector<16xi32>
        %add3A_644 = arith.addi %mul3A_643, %get3A_631 : vector<16xi32>
        %mul3A_645 = arith.constant 121 : i32
        %mul3A_646 = vector.broadcast %mul3A_645 : i32 to vector<16xi32>
        %mul3A_647 = arith.muli %add3A_644, %mul3A_646 : vector<16xi32>
        %add3A_648 = arith.addi %mul3A_647, %get3A_636 : vector<16xi32>
        %add3A_649 = arith.constant 80 : i32
        %add3A_650 = arith.addi %add3A_649, %mul3A_616 : i32
        %swap3A_651 = arith.index_cast %add3A_650 : i32 to index
        %swap3A_652 = tpu.vector_load %arg18[%swap3A_651] {strides = array<i32>} : memref<320xi32, #tpu.memory_space<vmem>>, vector<16xi32>,
        %swap3A_653 = vector.shape_cast %swap3A_652 : vector<16xi32> to vector<16xi32>
        %swap3A_654 = vector.shape_cast %add3A_648 : vector<16xi32> to vector<16xi32>
        tpu.vector_store %arg18[%swap3A_651], %swap3A_654 {strides = array<i32>} : memref<320xi32, #tpu.memory_space<vmem>>, vector<16xi32>,
        %scan3A_655 = arith.constant 3 : i32
        %mul3A_656 = arith.constant 16 : i32
        %mul3A_657 = arith.muli %scan3A_655, %mul3A_656 : i32
        %get3A_658 = arith.constant 1 : i32
        %get3A_659 = arith.index_cast %get3A_658 : i32 to index
        %get3A_660 = arith.index_cast %mul3A_657 : i32 to index
        %get3A_661 = tpu.vector_load %arg10[%get3A_659, %get3A_660] {strides = array<i32>} : memref<4x128xi32, #tpu.memory_space<vmem>>, vector<1x16xi32>,
        %get3A_662 = vector.shape_cast %get3A_661 : vector<1x16xi32> to vector<16xi32>
        %get3A_663 = arith.constant 1 : i32
        %get3A_664 = arith.index_cast %get3A_663 : i32 to index
        %get3A_665 = arith.index_cast %mul3A_657 : i32 to index
        %get3A_666 = tpu.vector_load %arg12[%get3A_664, %get3A_665] {strides = array<i32>} : memref<4x128xi32, #tpu.memory_space<vmem>>, vector<1x16xi32>,
        %get3A_667 = vector.shape_cast %get3A_666 : vector<1x16xi32> to vector<16xi32>
        %get3A_668 = arith.constant 1 : i32
        %get3A_669 = arith.index_cast %get3A_668 : i32 to index
        %get3A_670 = arith.index_cast %mul3A_657 : i32 to index
        %get3A_671 = tpu.vector_load %arg14[%get3A_669, %get3A_670] {strides = array<i32>} : memref<4x128xi32, #tpu.memory_space<vmem>>, vector<1x16xi32>,
        %get3A_672 = vector.shape_cast %get3A_671 : vector<1x16xi32> to vector<16xi32>
        %get3A_673 = arith.constant 1 : i32
        %get3A_674 = arith.index_cast %get3A_673 : i32 to index
        %get3A_675 = arith.index_cast %mul3A_657 : i32 to index
        %get3A_676 = tpu.vector_load %arg16[%get3A_674, %get3A_675] {strides = array<i32>} : memref<4x128xi32, #tpu.memory_space<vmem>>, vector<1x16xi32>,
        %get3A_677 = vector.shape_cast %get3A_676 : vector<1x16xi32> to vector<16xi32>
        %mul3A_678 = arith.constant 121 : i32
        %mul3A_679 = vector.broadcast %mul3A_678 : i32 to vector<16xi32>
        %mul3A_680 = arith.muli %get3A_662, %mul3A_679 : vector<16xi32>
        %add3A_681 = arith.addi %mul3A_680, %get3A_667 : vector<16xi32>
        %mul3A_682 = arith.constant 121 : i32
        %mul3A_683 = vector.broadcast %mul3A_682 : i32 to vector<16xi32>
        %mul3A_684 = arith.muli %add3A_681, %mul3A_683 : vector<16xi32>
        %add3A_685 = arith.addi %mul3A_684, %get3A_672 : vector<16xi32>
        %mul3A_686 = arith.constant 121 : i32
        %mul3A_687 = vector.broadcast %mul3A_686 : i32 to vector<16xi32>
        %mul3A_688 = arith.muli %add3A_685, %mul3A_687 : vector<16xi32>
        %add3A_689 = arith.addi %mul3A_688, %get3A_677 : vector<16xi32>
        %add3A_690 = arith.constant 80 : i32
        %add3A_691 = arith.addi %add3A_690, %mul3A_657 : i32
        %swap3A_692 = arith.index_cast %add3A_691 : i32 to index
        %swap3A_693 = tpu.vector_load %arg18[%swap3A_692] {strides = array<i32>} : memref<320xi32, #tpu.memory_space<vmem>>, vector<16xi32>,
        %swap3A_694 = vector.shape_cast %swap3A_693 : vector<16xi32> to vector<16xi32>
        %swap3A_695 = vector.shape_cast %add3A_689 : vector<16xi32> to vector<16xi32>
        tpu.vector_store %arg18[%swap3A_692], %swap3A_695 {strides = array<i32>} : memref<320xi32, #tpu.memory_space<vmem>>, vector<16xi32>,
        %scan3A_696 = arith.constant 4 : i32
        %mul3A_697 = arith.constant 16 : i32
        %mul3A_698 = arith.muli %scan3A_696, %mul3A_697 : i32
        %get3A_699 = arith.constant 1 : i32
        %get3A_700 = arith.index_cast %get3A_699 : i32 to index
        %get3A_701 = arith.index_cast %mul3A_698 : i32 to index
        %get3A_702 = tpu.vector_load %arg10[%get3A_700, %get3A_701] {strides = array<i32>} : memref<4x128xi32, #tpu.memory_space<vmem>>, vector<1x16xi32>,
        %get3A_703 = vector.shape_cast %get3A_702 : vector<1x16xi32> to vector<16xi32>
        %get3A_704 = arith.constant 1 : i32
        %get3A_705 = arith.index_cast %get3A_704 : i32 to index
        %get3A_706 = arith.index_cast %mul3A_698 : i32 to index
        %get3A_707 = tpu.vector_load %arg12[%get3A_705, %get3A_706] {strides = array<i32>} : memref<4x128xi32, #tpu.memory_space<vmem>>, vector<1x16xi32>,
        %get3A_708 = vector.shape_cast %get3A_707 : vector<1x16xi32> to vector<16xi32>
        %get3A_709 = arith.constant 1 : i32
        %get3A_710 = arith.index_cast %get3A_709 : i32 to index
        %get3A_711 = arith.index_cast %mul3A_698 : i32 to index
        %get3A_712 = tpu.vector_load %arg14[%get3A_710, %get3A_711] {strides = array<i32>} : memref<4x128xi32, #tpu.memory_space<vmem>>, vector<1x16xi32>,
        %get3A_713 = vector.shape_cast %get3A_712 : vector<1x16xi32> to vector<16xi32>
        %get3A_714 = arith.constant 1 : i32
        %get3A_715 = arith.index_cast %get3A_714 : i32 to index
        %get3A_716 = arith.index_cast %mul3A_698 : i32 to index
        %get3A_717 = tpu.vector_load %arg16[%get3A_715, %get3A_716] {strides = array<i32>} : memref<4x128xi32, #tpu.memory_space<vmem>>, vector<1x16xi32>,
        %get3A_718 = vector.shape_cast %get3A_717 : vector<1x16xi32> to vector<16xi32>
        %mul3A_719 = arith.constant 121 : i32
        %mul3A_720 = vector.broadcast %mul3A_719 : i32 to vector<16xi32>
        %mul3A_721 = arith.muli %get3A_703, %mul3A_720 : vector<16xi32>
        %add3A_722 = arith.addi %mul3A_721, %get3A_708 : vector<16xi32>
        %mul3A_723 = arith.constant 121 : i32
        %mul3A_724 = vector.broadcast %mul3A_723 : i32 to vector<16xi32>
        %mul3A_725 = arith.muli %add3A_722, %mul3A_724 : vector<16xi32>
        %add3A_726 = arith.addi %mul3A_725, %get3A_713 : vector<16xi32>
        %mul3A_727 = arith.constant 121 : i32
        %mul3A_728 = vector.broadcast %mul3A_727 : i32 to vector<16xi32>
        %mul3A_729 = arith.muli %add3A_726, %mul3A_728 : vector<16xi32>
        %add3A_730 = arith.addi %mul3A_729, %get3A_718 : vector<16xi32>
        %add3A_731 = arith.constant 80 : i32
        %add3A_732 = arith.addi %add3A_731, %mul3A_698 : i32
        %swap3A_733 = arith.index_cast %add3A_732 : i32 to index
        %swap3A_734 = tpu.vector_load %arg18[%swap3A_733] {strides = array<i32>} : memref<320xi32, #tpu.memory_space<vmem>>, vector<16xi32>,
        %swap3A_735 = vector.shape_cast %swap3A_734 : vector<16xi32> to vector<16xi32>
        %swap3A_736 = vector.shape_cast %add3A_730 : vector<16xi32> to vector<16xi32>
        tpu.vector_store %arg18[%swap3A_733], %swap3A_736 {strides = array<i32>} : memref<320xi32, #tpu.memory_space<vmem>>, vector<16xi32>,
        %scan3A_737 = arith.constant 5 : i32
        %scan3A_738 = arith.constant 0 : i32
        %scan3A_739 = arith.constant 0 : i32
        %mul3A_740 = arith.constant 16 : i32
        %mul3A_741 = arith.muli %scan3A_739, %mul3A_740 : i32
        %get3A_742 = arith.constant 2 : i32
        %get3A_743 = arith.index_cast %get3A_742 : i32 to index
        %get3A_744 = arith.index_cast %mul3A_741 : i32 to index
        %get3A_745 = tpu.vector_load %arg10[%get3A_743, %get3A_744] {strides = array<i32>} : memref<4x128xi32, #tpu.memory_space<vmem>>, vector<1x16xi32>,
        %get3A_746 = vector.shape_cast %get3A_745 : vector<1x16xi32> to vector<16xi32>
        %get3A_747 = arith.constant 2 : i32
        %get3A_748 = arith.index_cast %get3A_747 : i32 to index
        %get3A_749 = arith.index_cast %mul3A_741 : i32 to index
        %get3A_750 = tpu.vector_load %arg12[%get3A_748, %get3A_749] {strides = array<i32>} : memref<4x128xi32, #tpu.memory_space<vmem>>, vector<1x16xi32>,
        %get3A_751 = vector.shape_cast %get3A_750 : vector<1x16xi32> to vector<16xi32>
        %get3A_752 = arith.constant 2 : i32
        %get3A_753 = arith.index_cast %get3A_752 : i32 to index
        %get3A_754 = arith.index_cast %mul3A_741 : i32 to index
        %get3A_755 = tpu.vector_load %arg14[%get3A_753, %get3A_754] {strides = array<i32>} : memref<4x128xi32, #tpu.memory_space<vmem>>, vector<1x16xi32>,
        %get3A_756 = vector.shape_cast %get3A_755 : vector<1x16xi32> to vector<16xi32>
        %get3A_757 = arith.constant 2 : i32
        %get3A_758 = arith.index_cast %get3A_757 : i32 to index
        %get3A_759 = arith.index_cast %mul3A_741 : i32 to index
        %get3A_760 = tpu.vector_load %arg16[%get3A_758, %get3A_759] {strides = array<i32>} : memref<4x128xi32, #tpu.memory_space<vmem>>, vector<1x16xi32>,
        %get3A_761 = vector.shape_cast %get3A_760 : vector<1x16xi32> to vector<16xi32>
        %mul3A_762 = arith.constant 121 : i32
        %mul3A_763 = vector.broadcast %mul3A_762 : i32 to vector<16xi32>
        %mul3A_764 = arith.muli %get3A_746, %mul3A_763 : vector<16xi32>
        %add3A_765 = arith.addi %mul3A_764, %get3A_751 : vector<16xi32>
        %mul3A_766 = arith.constant 121 : i32
        %mul3A_767 = vector.broadcast %mul3A_766 : i32 to vector<16xi32>
        %mul3A_768 = arith.muli %add3A_765, %mul3A_767 : vector<16xi32>
        %add3A_769 = arith.addi %mul3A_768, %get3A_756 : vector<16xi32>
        %mul3A_770 = arith.constant 121 : i32
        %mul3A_771 = vector.broadcast %mul3A_770 : i32 to vector<16xi32>
        %mul3A_772 = arith.muli %add3A_769, %mul3A_771 : vector<16xi32>
        %add3A_773 = arith.addi %mul3A_772, %get3A_761 : vector<16xi32>
        %add3A_774 = arith.constant 160 : i32
        %add3A_775 = arith.addi %add3A_774, %mul3A_741 : i32
        %swap3A_776 = arith.index_cast %add3A_775 : i32 to index
        %swap3A_777 = tpu.vector_load %arg18[%swap3A_776] {strides = array<i32>} : memref<320xi32, #tpu.memory_space<vmem>>, vector<16xi32>,
        %swap3A_778 = vector.shape_cast %swap3A_777 : vector<16xi32> to vector<16xi32>
        %swap3A_779 = vector.shape_cast %add3A_773 : vector<16xi32> to vector<16xi32>
        tpu.vector_store %arg18[%swap3A_776], %swap3A_779 {strides = array<i32>} : memref<320xi32, #tpu.memory_space<vmem>>, vector<16xi32>,
        %scan3A_780 = arith.constant 1 : i32
        %mul3A_781 = arith.constant 16 : i32
        %mul3A_782 = arith.muli %scan3A_780, %mul3A_781 : i32
        %get3A_783 = arith.constant 2 : i32
        %get3A_784 = arith.index_cast %get3A_783 : i32 to index
        %get3A_785 = arith.index_cast %mul3A_782 : i32 to index
        %get3A_786 = tpu.vector_load %arg10[%get3A_784, %get3A_785] {strides = array<i32>} : memref<4x128xi32, #tpu.memory_space<vmem>>, vector<1x16xi32>,
        %get3A_787 = vector.shape_cast %get3A_786 : vector<1x16xi32> to vector<16xi32>
        %get3A_788 = arith.constant 2 : i32
        %get3A_789 = arith.index_cast %get3A_788 : i32 to index
        %get3A_790 = arith.index_cast %mul3A_782 : i32 to index
        %get3A_791 = tpu.vector_load %arg12[%get3A_789, %get3A_790] {strides = array<i32>} : memref<4x128xi32, #tpu.memory_space<vmem>>, vector<1x16xi32>,
        %get3A_792 = vector.shape_cast %get3A_791 : vector<1x16xi32> to vector<16xi32>
        %get3A_793 = arith.constant 2 : i32
        %get3A_794 = arith.index_cast %get3A_793 : i32 to index
        %get3A_795 = arith.index_cast %mul3A_782 : i32 to index
        %get3A_796 = tpu.vector_load %arg14[%get3A_794, %get3A_795] {strides = array<i32>} : memref<4x128xi32, #tpu.memory_space<vmem>>, vector<1x16xi32>,
        %get3A_797 = vector.shape_cast %get3A_796 : vector<1x16xi32> to vector<16xi32>
        %get3A_798 = arith.constant 2 : i32
        %get3A_799 = arith.index_cast %get3A_798 : i32 to index
        %get3A_800 = arith.index_cast %mul3A_782 : i32 to index
        %get3A_801 = tpu.vector_load %arg16[%get3A_799, %get3A_800] {strides = array<i32>} : memref<4x128xi32, #tpu.memory_space<vmem>>, vector<1x16xi32>,
        %get3A_802 = vector.shape_cast %get3A_801 : vector<1x16xi32> to vector<16xi32>
        %mul3A_803 = arith.constant 121 : i32
        %mul3A_804 = vector.broadcast %mul3A_803 : i32 to vector<16xi32>
        %mul3A_805 = arith.muli %get3A_787, %mul3A_804 : vector<16xi32>
        %add3A_806 = arith.addi %mul3A_805, %get3A_792 : vector<16xi32>
        %mul3A_807 = arith.constant 121 : i32
        %mul3A_808 = vector.broadcast %mul3A_807 : i32 to vector<16xi32>
        %mul3A_809 = arith.muli %add3A_806, %mul3A_808 : vector<16xi32>
        %add3A_810 = arith.addi %mul3A_809, %get3A_797 : vector<16xi32>
        %mul3A_811 = arith.constant 121 : i32
        %mul3A_812 = vector.broadcast %mul3A_811 : i32 to vector<16xi32>
        %mul3A_813 = arith.muli %add3A_810, %mul3A_812 : vector<16xi32>
        %add3A_814 = arith.addi %mul3A_813, %get3A_802 : vector<16xi32>
        %add3A_815 = arith.constant 160 : i32
        %add3A_816 = arith.addi %add3A_815, %mul3A_782 : i32
        %swap3A_817 = arith.index_cast %add3A_816 : i32 to index
        %swap3A_818 = tpu.vector_load %arg18[%swap3A_817] {strides = array<i32>} : memref<320xi32, #tpu.memory_space<vmem>>, vector<16xi32>,
        %swap3A_819 = vector.shape_cast %swap3A_818 : vector<16xi32> to vector<16xi32>
        %swap3A_820 = vector.shape_cast %add3A_814 : vector<16xi32> to vector<16xi32>
        tpu.vector_store %arg18[%swap3A_817], %swap3A_820 {strides = array<i32>} : memref<320xi32, #tpu.memory_space<vmem>>, vector<16xi32>,
        %scan3A_821 = arith.constant 2 : i32
        %mul3A_822 = arith.constant 16 : i32
        %mul3A_823 = arith.muli %scan3A_821, %mul3A_822 : i32
        %get3A_824 = arith.constant 2 : i32
        %get3A_825 = arith.index_cast %get3A_824 : i32 to index
        %get3A_826 = arith.index_cast %mul3A_823 : i32 to index
        %get3A_827 = tpu.vector_load %arg10[%get3A_825, %get3A_826] {strides = array<i32>} : memref<4x128xi32, #tpu.memory_space<vmem>>, vector<1x16xi32>,
        %get3A_828 = vector.shape_cast %get3A_827 : vector<1x16xi32> to vector<16xi32>
        %get3A_829 = arith.constant 2 : i32
        %get3A_830 = arith.index_cast %get3A_829 : i32 to index
        %get3A_831 = arith.index_cast %mul3A_823 : i32 to index
        %get3A_832 = tpu.vector_load %arg12[%get3A_830, %get3A_831] {strides = array<i32>} : memref<4x128xi32, #tpu.memory_space<vmem>>, vector<1x16xi32>,
        %get3A_833 = vector.shape_cast %get3A_832 : vector<1x16xi32> to vector<16xi32>
        %get3A_834 = arith.constant 2 : i32
        %get3A_835 = arith.index_cast %get3A_834 : i32 to index
        %get3A_836 = arith.index_cast %mul3A_823 : i32 to index
        %get3A_837 = tpu.vector_load %arg14[%get3A_835, %get3A_836] {strides = array<i32>} : memref<4x128xi32, #tpu.memory_space<vmem>>, vector<1x16xi32>,
        %get3A_838 = vector.shape_cast %get3A_837 : vector<1x16xi32> to vector<16xi32>
        %get3A_839 = arith.constant 2 : i32
        %get3A_840 = arith.index_cast %get3A_839 : i32 to index
        %get3A_841 = arith.index_cast %mul3A_823 : i32 to index
        %get3A_842 = tpu.vector_load %arg16[%get3A_840, %get3A_841] {strides = array<i32>} : memref<4x128xi32, #tpu.memory_space<vmem>>, vector<1x16xi32>,
        %get3A_843 = vector.shape_cast %get3A_842 : vector<1x16xi32> to vector<16xi32>
        %mul3A_844 = arith.constant 121 : i32
        %mul3A_845 = vector.broadcast %mul3A_844 : i32 to vector<16xi32>
        %mul3A_846 = arith.muli %get3A_828, %mul3A_845 : vector<16xi32>
        %add3A_847 = arith.addi %mul3A_846, %get3A_833 : vector<16xi32>
        %mul3A_848 = arith.constant 121 : i32
        %mul3A_849 = vector.broadcast %mul3A_848 : i32 to vector<16xi32>
        %mul3A_850 = arith.muli %add3A_847, %mul3A_849 : vector<16xi32>
        %add3A_851 = arith.addi %mul3A_850, %get3A_838 : vector<16xi32>
        %mul3A_852 = arith.constant 121 : i32
        %mul3A_853 = vector.broadcast %mul3A_852 : i32 to vector<16xi32>
        %mul3A_854 = arith.muli %add3A_851, %mul3A_853 : vector<16xi32>
        %add3A_855 = arith.addi %mul3A_854, %get3A_843 : vector<16xi32>
        %add3A_856 = arith.constant 160 : i32
        %add3A_857 = arith.addi %add3A_856, %mul3A_823 : i32
        %swap3A_858 = arith.index_cast %add3A_857 : i32 to index
        %swap3A_859 = tpu.vector_load %arg18[%swap3A_858] {strides = array<i32>} : memref<320xi32, #tpu.memory_space<vmem>>, vector<16xi32>,
        %swap3A_860 = vector.shape_cast %swap3A_859 : vector<16xi32> to vector<16xi32>
        %swap3A_861 = vector.shape_cast %add3A_855 : vector<16xi32> to vector<16xi32>
        tpu.vector_store %arg18[%swap3A_858], %swap3A_861 {strides = array<i32>} : memref<320xi32, #tpu.memory_space<vmem>>, vector<16xi32>,
        %scan3A_862 = arith.constant 3 : i32
        %mul3A_863 = arith.constant 16 : i32
        %mul3A_864 = arith.muli %scan3A_862, %mul3A_863 : i32
        %get3A_865 = arith.constant 2 : i32
        %get3A_866 = arith.index_cast %get3A_865 : i32 to index
        %get3A_867 = arith.index_cast %mul3A_864 : i32 to index
        %get3A_868 = tpu.vector_load %arg10[%get3A_866, %get3A_867] {strides = array<i32>} : memref<4x128xi32, #tpu.memory_space<vmem>>, vector<1x16xi32>,
        %get3A_869 = vector.shape_cast %get3A_868 : vector<1x16xi32> to vector<16xi32>
        %get3A_870 = arith.constant 2 : i32
        %get3A_871 = arith.index_cast %get3A_870 : i32 to index
        %get3A_872 = arith.index_cast %mul3A_864 : i32 to index
        %get3A_873 = tpu.vector_load %arg12[%get3A_871, %get3A_872] {strides = array<i32>} : memref<4x128xi32, #tpu.memory_space<vmem>>, vector<1x16xi32>,
        %get3A_874 = vector.shape_cast %get3A_873 : vector<1x16xi32> to vector<16xi32>
        %get3A_875 = arith.constant 2 : i32
        %get3A_876 = arith.index_cast %get3A_875 : i32 to index
        %get3A_877 = arith.index_cast %mul3A_864 : i32 to index
        %get3A_878 = tpu.vector_load %arg14[%get3A_876, %get3A_877] {strides = array<i32>} : memref<4x128xi32, #tpu.memory_space<vmem>>, vector<1x16xi32>,
        %get3A_879 = vector.shape_cast %get3A_878 : vector<1x16xi32> to vector<16xi32>
        %get3A_880 = arith.constant 2 : i32
        %get3A_881 = arith.index_cast %get3A_880 : i32 to index
        %get3A_882 = arith.index_cast %mul3A_864 : i32 to index
        %get3A_883 = tpu.vector_load %arg16[%get3A_881, %get3A_882] {strides = array<i32>} : memref<4x128xi32, #tpu.memory_space<vmem>>, vector<1x16xi32>,
        %get3A_884 = vector.shape_cast %get3A_883 : vector<1x16xi32> to vector<16xi32>
        %mul3A_885 = arith.constant 121 : i32
        %mul3A_886 = vector.broadcast %mul3A_885 : i32 to vector<16xi32>
        %mul3A_887 = arith.muli %get3A_869, %mul3A_886 : vector<16xi32>
        %add3A_888 = arith.addi %mul3A_887, %get3A_874 : vector<16xi32>
        %mul3A_889 = arith.constant 121 : i32
        %mul3A_890 = vector.broadcast %mul3A_889 : i32 to vector<16xi32>
        %mul3A_891 = arith.muli %add3A_888, %mul3A_890 : vector<16xi32>
        %add3A_892 = arith.addi %mul3A_891, %get3A_879 : vector<16xi32>
        %mul3A_893 = arith.constant 121 : i32
        %mul3A_894 = vector.broadcast %mul3A_893 : i32 to vector<16xi32>
        %mul3A_895 = arith.muli %add3A_892, %mul3A_894 : vector<16xi32>
        %add3A_896 = arith.addi %mul3A_895, %get3A_884 : vector<16xi32>
        %add3A_897 = arith.constant 160 : i32
        %add3A_898 = arith.addi %add3A_897, %mul3A_864 : i32
        %swap3A_899 = arith.index_cast %add3A_898 : i32 to index
        %swap3A_900 = tpu.vector_load %arg18[%swap3A_899] {strides = array<i32>} : memref<320xi32, #tpu.memory_space<vmem>>, vector<16xi32>,
        %swap3A_901 = vector.shape_cast %swap3A_900 : vector<16xi32> to vector<16xi32>
        %swap3A_902 = vector.shape_cast %add3A_896 : vector<16xi32> to vector<16xi32>
        tpu.vector_store %arg18[%swap3A_899], %swap3A_902 {strides = array<i32>} : memref<320xi32, #tpu.memory_space<vmem>>, vector<16xi32>,
        %scan3A_903 = arith.constant 4 : i32
        %mul3A_904 = arith.constant 16 : i32
        %mul3A_905 = arith.muli %scan3A_903, %mul3A_904 : i32
        %get3A_906 = arith.constant 2 : i32
        %get3A_907 = arith.index_cast %get3A_906 : i32 to index
        %get3A_908 = arith.index_cast %mul3A_905 : i32 to index
        %get3A_909 = tpu.vector_load %arg10[%get3A_907, %get3A_908] {strides = array<i32>} : memref<4x128xi32, #tpu.memory_space<vmem>>, vector<1x16xi32>,
        %get3A_910 = vector.shape_cast %get3A_909 : vector<1x16xi32> to vector<16xi32>
        %get3A_911 = arith.constant 2 : i32
        %get3A_912 = arith.index_cast %get3A_911 : i32 to index
        %get3A_913 = arith.index_cast %mul3A_905 : i32 to index
        %get3A_914 = tpu.vector_load %arg12[%get3A_912, %get3A_913] {strides = array<i32>} : memref<4x128xi32, #tpu.memory_space<vmem>>, vector<1x16xi32>,
        %get3A_915 = vector.shape_cast %get3A_914 : vector<1x16xi32> to vector<16xi32>
        %get3A_916 = arith.constant 2 : i32
        %get3A_917 = arith.index_cast %get3A_916 : i32 to index
        %get3A_918 = arith.index_cast %mul3A_905 : i32 to index
        %get3A_919 = tpu.vector_load %arg14[%get3A_917, %get3A_918] {strides = array<i32>} : memref<4x128xi32, #tpu.memory_space<vmem>>, vector<1x16xi32>,
        %get3A_920 = vector.shape_cast %get3A_919 : vector<1x16xi32> to vector<16xi32>
        %get3A_921 = arith.constant 2 : i32
        %get3A_922 = arith.index_cast %get3A_921 : i32 to index
        %get3A_923 = arith.index_cast %mul3A_905 : i32 to index
        %get3A_924 = tpu.vector_load %arg16[%get3A_922, %get3A_923] {strides = array<i32>} : memref<4x128xi32, #tpu.memory_space<vmem>>, vector<1x16xi32>,
        %get3A_925 = vector.shape_cast %get3A_924 : vector<1x16xi32> to vector<16xi32>
        %mul3A_926 = arith.constant 121 : i32
        %mul3A_927 = vector.broadcast %mul3A_926 : i32 to vector<16xi32>
        %mul3A_928 = arith.muli %get3A_910, %mul3A_927 : vector<16xi32>
        %add3A_929 = arith.addi %mul3A_928, %get3A_915 : vector<16xi32>
        %mul3A_930 = arith.constant 121 : i32
        %mul3A_931 = vector.broadcast %mul3A_930 : i32 to vector<16xi32>
        %mul3A_932 = arith.muli %add3A_929, %mul3A_931 : vector<16xi32>
        %add3A_933 = arith.addi %mul3A_932, %get3A_920 : vector<16xi32>
        %mul3A_934 = arith.constant 121 : i32
        %mul3A_935 = vector.broadcast %mul3A_934 : i32 to vector<16xi32>
        %mul3A_936 = arith.muli %add3A_933, %mul3A_935 : vector<16xi32>
        %add3A_937 = arith.addi %mul3A_936, %get3A_925 : vector<16xi32>
        %add3A_938 = arith.constant 160 : i32
        %add3A_939 = arith.addi %add3A_938, %mul3A_905 : i32
        %swap3A_940 = arith.index_cast %add3A_939 : i32 to index
        %swap3A_941 = tpu.vector_load %arg18[%swap3A_940] {strides = array<i32>} : memref<320xi32, #tpu.memory_space<vmem>>, vector<16xi32>,
        %swap3A_942 = vector.shape_cast %swap3A_941 : vector<16xi32> to vector<16xi32>
        %swap3A_943 = vector.shape_cast %add3A_937 : vector<16xi32> to vector<16xi32>
        tpu.vector_store %arg18[%swap3A_940], %swap3A_943 {strides = array<i32>} : memref<320xi32, #tpu.memory_space<vmem>>, vector<16xi32>,
        %scan3A_944 = arith.constant 5 : i32
        %scan3A_945 = arith.constant 0 : i32
        %scan3A_946 = arith.constant 0 : i32
        %mul3A_947 = arith.constant 16 : i32
        %mul3A_948 = arith.muli %scan3A_946, %mul3A_947 : i32
        %get3A_949 = arith.constant 3 : i32
        %get3A_950 = arith.index_cast %get3A_949 : i32 to index
        %get3A_951 = arith.index_cast %mul3A_948 : i32 to index
        %get3A_952 = tpu.vector_load %arg10[%get3A_950, %get3A_951] {strides = array<i32>} : memref<4x128xi32, #tpu.memory_space<vmem>>, vector<1x16xi32>,
        %get3A_953 = vector.shape_cast %get3A_952 : vector<1x16xi32> to vector<16xi32>
        %get3A_954 = arith.constant 3 : i32
        %get3A_955 = arith.index_cast %get3A_954 : i32 to index
        %get3A_956 = arith.index_cast %mul3A_948 : i32 to index
        %get3A_957 = tpu.vector_load %arg12[%get3A_955, %get3A_956] {strides = array<i32>} : memref<4x128xi32, #tpu.memory_space<vmem>>, vector<1x16xi32>,
        %get3A_958 = vector.shape_cast %get3A_957 : vector<1x16xi32> to vector<16xi32>
        %get3A_959 = arith.constant 3 : i32
        %get3A_960 = arith.index_cast %get3A_959 : i32 to index
        %get3A_961 = arith.index_cast %mul3A_948 : i32 to index
        %get3A_962 = tpu.vector_load %arg14[%get3A_960, %get3A_961] {strides = array<i32>} : memref<4x128xi32, #tpu.memory_space<vmem>>, vector<1x16xi32>,
        %get3A_963 = vector.shape_cast %get3A_962 : vector<1x16xi32> to vector<16xi32>
        %get3A_964 = arith.constant 3 : i32
        %get3A_965 = arith.index_cast %get3A_964 : i32 to index
        %get3A_966 = arith.index_cast %mul3A_948 : i32 to index
        %get3A_967 = tpu.vector_load %arg16[%get3A_965, %get3A_966] {strides = array<i32>} : memref<4x128xi32, #tpu.memory_space<vmem>>, vector<1x16xi32>,
        %get3A_968 = vector.shape_cast %get3A_967 : vector<1x16xi32> to vector<16xi32>
        %mul3A_969 = arith.constant 121 : i32
        %mul3A_970 = vector.broadcast %mul3A_969 : i32 to vector<16xi32>
        %mul3A_971 = arith.muli %get3A_953, %mul3A_970 : vector<16xi32>
        %add3A_972 = arith.addi %mul3A_971, %get3A_958 : vector<16xi32>
        %mul3A_973 = arith.constant 121 : i32
        %mul3A_974 = vector.broadcast %mul3A_973 : i32 to vector<16xi32>
        %mul3A_975 = arith.muli %add3A_972, %mul3A_974 : vector<16xi32>
        %add3A_976 = arith.addi %mul3A_975, %get3A_963 : vector<16xi32>
        %mul3A_977 = arith.constant 121 : i32
        %mul3A_978 = vector.broadcast %mul3A_977 : i32 to vector<16xi32>
        %mul3A_979 = arith.muli %add3A_976, %mul3A_978 : vector<16xi32>
        %add3A_980 = arith.addi %mul3A_979, %get3A_968 : vector<16xi32>
        %add3A_981 = arith.constant 240 : i32
        %add3A_982 = arith.addi %add3A_981, %mul3A_948 : i32
        %swap3A_983 = arith.index_cast %add3A_982 : i32 to index
        %swap3A_984 = tpu.vector_load %arg18[%swap3A_983] {strides = array<i32>} : memref<320xi32, #tpu.memory_space<vmem>>, vector<16xi32>,
        %swap3A_985 = vector.shape_cast %swap3A_984 : vector<16xi32> to vector<16xi32>
        %swap3A_986 = vector.shape_cast %add3A_980 : vector<16xi32> to vector<16xi32>
        tpu.vector_store %arg18[%swap3A_983], %swap3A_986 {strides = array<i32>} : memref<320xi32, #tpu.memory_space<vmem>>, vector<16xi32>,
        %scan3A_987 = arith.constant 1 : i32
        %mul3A_988 = arith.constant 16 : i32
        %mul3A_989 = arith.muli %scan3A_987, %mul3A_988 : i32
        %get3A_990 = arith.constant 3 : i32
        %get3A_991 = arith.index_cast %get3A_990 : i32 to index
        %get3A_992 = arith.index_cast %mul3A_989 : i32 to index
        %get3A_993 = tpu.vector_load %arg10[%get3A_991, %get3A_992] {strides = array<i32>} : memref<4x128xi32, #tpu.memory_space<vmem>>, vector<1x16xi32>,
        %get3A_994 = vector.shape_cast %get3A_993 : vector<1x16xi32> to vector<16xi32>
        %get3A_995 = arith.constant 3 : i32
        %get3A_996 = arith.index_cast %get3A_995 : i32 to index
        %get3A_997 = arith.index_cast %mul3A_989 : i32 to index
        %get3A_998 = tpu.vector_load %arg12[%get3A_996, %get3A_997] {strides = array<i32>} : memref<4x128xi32, #tpu.memory_space<vmem>>, vector<1x16xi32>,
        %get3A_999 = vector.shape_cast %get3A_998 : vector<1x16xi32> to vector<16xi32>
        %get3A_1000 = arith.constant 3 : i32
        %get3A_1001 = arith.index_cast %get3A_1000 : i32 to index
        %get3A_1002 = arith.index_cast %mul3A_989 : i32 to index
        %get3A_1003 = tpu.vector_load %arg14[%get3A_1001, %get3A_1002] {strides = array<i32>} : memref<4x128xi32, #tpu.memory_space<vmem>>, vector<1x16xi32>,
        %get3A_1004 = vector.shape_cast %get3A_1003 : vector<1x16xi32> to vector<16xi32>
        %get3A_1005 = arith.constant 3 : i32
        %get3A_1006 = arith.index_cast %get3A_1005 : i32 to index
        %get3A_1007 = arith.index_cast %mul3A_989 : i32 to index
        %get3A_1008 = tpu.vector_load %arg16[%get3A_1006, %get3A_1007] {strides = array<i32>} : memref<4x128xi32, #tpu.memory_space<vmem>>, vector<1x16xi32>,
        %get3A_1009 = vector.shape_cast %get3A_1008 : vector<1x16xi32> to vector<16xi32>
        %mul3A_1010 = arith.constant 121 : i32
        %mul3A_1011 = vector.broadcast %mul3A_1010 : i32 to vector<16xi32>
        %mul3A_1012 = arith.muli %get3A_994, %mul3A_1011 : vector<16xi32>
        %add3A_1013 = arith.addi %mul3A_1012, %get3A_999 : vector<16xi32>
        %mul3A_1014 = arith.constant 121 : i32
        %mul3A_1015 = vector.broadcast %mul3A_1014 : i32 to vector<16xi32>
        %mul3A_1016 = arith.muli %add3A_1013, %mul3A_1015 : vector<16xi32>
        %add3A_1017 = arith.addi %mul3A_1016, %get3A_1004 : vector<16xi32>
        %mul3A_1018 = arith.constant 121 : i32
        %mul3A_1019 = vector.broadcast %mul3A_1018 : i32 to vector<16xi32>
        %mul3A_1020 = arith.muli %add3A_1017, %mul3A_1019 : vector<16xi32>
        %add3A_1021 = arith.addi %mul3A_1020, %get3A_1009 : vector<16xi32>
        %add3A_1022 = arith.constant 240 : i32
        %add3A_1023 = arith.addi %add3A_1022, %mul3A_989 : i32
        %swap3A_1024 = arith.index_cast %add3A_1023 : i32 to index
        %swap3A_1025 = tpu.vector_load %arg18[%swap3A_1024] {strides = array<i32>} : memref<320xi32, #tpu.memory_space<vmem>>, vector<16xi32>,
        %swap3A_1026 = vector.shape_cast %swap3A_1025 : vector<16xi32> to vector<16xi32>
        %swap3A_1027 = vector.shape_cast %add3A_1021 : vector<16xi32> to vector<16xi32>
        tpu.vector_store %arg18[%swap3A_1024], %swap3A_1027 {strides = array<i32>} : memref<320xi32, #tpu.memory_space<vmem>>, vector<16xi32>,
        %scan3A_1028 = arith.constant 2 : i32
        %mul3A_1029 = arith.constant 16 : i32
        %mul3A_1030 = arith.muli %scan3A_1028, %mul3A_1029 : i32
        %get3A_1031 = arith.constant 3 : i32
        %get3A_1032 = arith.index_cast %get3A_1031 : i32 to index
        %get3A_1033 = arith.index_cast %mul3A_1030 : i32 to index
        %get3A_1034 = tpu.vector_load %arg10[%get3A_1032, %get3A_1033] {strides = array<i32>} : memref<4x128xi32, #tpu.memory_space<vmem>>, vector<1x16xi32>,
        %get3A_1035 = vector.shape_cast %get3A_1034 : vector<1x16xi32> to vector<16xi32>
        %get3A_1036 = arith.constant 3 : i32
        %get3A_1037 = arith.index_cast %get3A_1036 : i32 to index
        %get3A_1038 = arith.index_cast %mul3A_1030 : i32 to index
        %get3A_1039 = tpu.vector_load %arg12[%get3A_1037, %get3A_1038] {strides = array<i32>} : memref<4x128xi32, #tpu.memory_space<vmem>>, vector<1x16xi32>,
        %get3A_1040 = vector.shape_cast %get3A_1039 : vector<1x16xi32> to vector<16xi32>
        %get3A_1041 = arith.constant 3 : i32
        %get3A_1042 = arith.index_cast %get3A_1041 : i32 to index
        %get3A_1043 = arith.index_cast %mul3A_1030 : i32 to index
        %get3A_1044 = tpu.vector_load %arg14[%get3A_1042, %get3A_1043] {strides = array<i32>} : memref<4x128xi32, #tpu.memory_space<vmem>>, vector<1x16xi32>,
        %get3A_1045 = vector.shape_cast %get3A_1044 : vector<1x16xi32> to vector<16xi32>
        %get3A_1046 = arith.constant 3 : i32
        %get3A_1047 = arith.index_cast %get3A_1046 : i32 to index
        %get3A_1048 = arith.index_cast %mul3A_1030 : i32 to index
        %get3A_1049 = tpu.vector_load %arg16[%get3A_1047, %get3A_1048] {strides = array<i32>} : memref<4x128xi32, #tpu.memory_space<vmem>>, vector<1x16xi32>,
        %get3A_1050 = vector.shape_cast %get3A_1049 : vector<1x16xi32> to vector<16xi32>
        %mul3A_1051 = arith.constant 121 : i32
        %mul3A_1052 = vector.broadcast %mul3A_1051 : i32 to vector<16xi32>
        %mul3A_1053 = arith.muli %get3A_1035, %mul3A_1052 : vector<16xi32>
        %add3A_1054 = arith.addi %mul3A_1053, %get3A_1040 : vector<16xi32>
        %mul3A_1055 = arith.constant 121 : i32
        %mul3A_1056 = vector.broadcast %mul3A_1055 : i32 to vector<16xi32>
        %mul3A_1057 = arith.muli %add3A_1054, %mul3A_1056 : vector<16xi32>
        %add3A_1058 = arith.addi %mul3A_1057, %get3A_1045 : vector<16xi32>
        %mul3A_1059 = arith.constant 121 : i32
        %mul3A_1060 = vector.broadcast %mul3A_1059 : i32 to vector<16xi32>
        %mul3A_1061 = arith.muli %add3A_1058, %mul3A_1060 : vector<16xi32>
        %add3A_1062 = arith.addi %mul3A_1061, %get3A_1050 : vector<16xi32>
        %add3A_1063 = arith.constant 240 : i32
        %add3A_1064 = arith.addi %add3A_1063, %mul3A_1030 : i32
        %swap3A_1065 = arith.index_cast %add3A_1064 : i32 to index
        %swap3A_1066 = tpu.vector_load %arg18[%swap3A_1065] {strides = array<i32>} : memref<320xi32, #tpu.memory_space<vmem>>, vector<16xi32>,
        %swap3A_1067 = vector.shape_cast %swap3A_1066 : vector<16xi32> to vector<16xi32>
        %swap3A_1068 = vector.shape_cast %add3A_1062 : vector<16xi32> to vector<16xi32>
        tpu.vector_store %arg18[%swap3A_1065], %swap3A_1068 {strides = array<i32>} : memref<320xi32, #tpu.memory_space<vmem>>, vector<16xi32>,
        %scan3A_1069 = arith.constant 3 : i32
        %mul3A_1070 = arith.constant 16 : i32
        %mul3A_1071 = arith.muli %scan3A_1069, %mul3A_1070 : i32
        %get3A_1072 = arith.constant 3 : i32
        %get3A_1073 = arith.index_cast %get3A_1072 : i32 to index
        %get3A_1074 = arith.index_cast %mul3A_1071 : i32 to index
        %get3A_1075 = tpu.vector_load %arg10[%get3A_1073, %get3A_1074] {strides = array<i32>} : memref<4x128xi32, #tpu.memory_space<vmem>>, vector<1x16xi32>,
        %get3A_1076 = vector.shape_cast %get3A_1075 : vector<1x16xi32> to vector<16xi32>
        %get3A_1077 = arith.constant 3 : i32
        %get3A_1078 = arith.index_cast %get3A_1077 : i32 to index
        %get3A_1079 = arith.index_cast %mul3A_1071 : i32 to index
        %get3A_1080 = tpu.vector_load %arg12[%get3A_1078, %get3A_1079] {strides = array<i32>} : memref<4x128xi32, #tpu.memory_space<vmem>>, vector<1x16xi32>,
        %get3A_1081 = vector.shape_cast %get3A_1080 : vector<1x16xi32> to vector<16xi32>
        %get3A_1082 = arith.constant 3 : i32
        %get3A_1083 = arith.index_cast %get3A_1082 : i32 to index
        %get3A_1084 = arith.index_cast %mul3A_1071 : i32 to index
        %get3A_1085 = tpu.vector_load %arg14[%get3A_1083, %get3A_1084] {strides = array<i32>} : memref<4x128xi32, #tpu.memory_space<vmem>>, vector<1x16xi32>,
        %get3A_1086 = vector.shape_cast %get3A_1085 : vector<1x16xi32> to vector<16xi32>
        %get3A_1087 = arith.constant 3 : i32
        %get3A_1088 = arith.index_cast %get3A_1087 : i32 to index
        %get3A_1089 = arith.index_cast %mul3A_1071 : i32 to index
        %get3A_1090 = tpu.vector_load %arg16[%get3A_1088, %get3A_1089] {strides = array<i32>} : memref<4x128xi32, #tpu.memory_space<vmem>>, vector<1x16xi32>,
        %get3A_1091 = vector.shape_cast %get3A_1090 : vector<1x16xi32> to vector<16xi32>
        %mul3A_1092 = arith.constant 121 : i32
        %mul3A_1093 = vector.broadcast %mul3A_1092 : i32 to vector<16xi32>
        %mul3A_1094 = arith.muli %get3A_1076, %mul3A_1093 : vector<16xi32>
        %add3A_1095 = arith.addi %mul3A_1094, %get3A_1081 : vector<16xi32>
        %mul3A_1096 = arith.constant 121 : i32
        %mul3A_1097 = vector.broadcast %mul3A_1096 : i32 to vector<16xi32>
        %mul3A_1098 = arith.muli %add3A_1095, %mul3A_1097 : vector<16xi32>
        %add3A_1099 = arith.addi %mul3A_1098, %get3A_1086 : vector<16xi32>
        %mul3A_1100 = arith.constant 121 : i32
        %mul3A_1101 = vector.broadcast %mul3A_1100 : i32 to vector<16xi32>
        %mul3A_1102 = arith.muli %add3A_1099, %mul3A_1101 : vector<16xi32>
        %add3A_1103 = arith.addi %mul3A_1102, %get3A_1091 : vector<16xi32>
        %add3A_1104 = arith.constant 240 : i32
        %add3A_1105 = arith.addi %add3A_1104, %mul3A_1071 : i32
        %swap3A_1106 = arith.index_cast %add3A_1105 : i32 to index
        %swap3A_1107 = tpu.vector_load %arg18[%swap3A_1106] {strides = array<i32>} : memref<320xi32, #tpu.memory_space<vmem>>, vector<16xi32>,
        %swap3A_1108 = vector.shape_cast %swap3A_1107 : vector<16xi32> to vector<16xi32>
        %swap3A_1109 = vector.shape_cast %add3A_1103 : vector<16xi32> to vector<16xi32>
        tpu.vector_store %arg18[%swap3A_1106], %swap3A_1109 {strides = array<i32>} : memref<320xi32, #tpu.memory_space<vmem>>, vector<16xi32>,
        %scan3A_1110 = arith.constant 4 : i32
        %mul3A_1111 = arith.constant 16 : i32
        %mul3A_1112 = arith.muli %scan3A_1110, %mul3A_1111 : i32
        %get3A_1113 = arith.constant 3 : i32
        %get3A_1114 = arith.index_cast %get3A_1113 : i32 to index
        %get3A_1115 = arith.index_cast %mul3A_1112 : i32 to index
        %get3A_1116 = tpu.vector_load %arg10[%get3A_1114, %get3A_1115] {strides = array<i32>} : memref<4x128xi32, #tpu.memory_space<vmem>>, vector<1x16xi32>,
        %get3A_1117 = vector.shape_cast %get3A_1116 : vector<1x16xi32> to vector<16xi32>
        %get3A_1118 = arith.constant 3 : i32
        %get3A_1119 = arith.index_cast %get3A_1118 : i32 to index
        %get3A_1120 = arith.index_cast %mul3A_1112 : i32 to index
        %get3A_1121 = tpu.vector_load %arg12[%get3A_1119, %get3A_1120] {strides = array<i32>} : memref<4x128xi32, #tpu.memory_space<vmem>>, vector<1x16xi32>,
        %get3A_1122 = vector.shape_cast %get3A_1121 : vector<1x16xi32> to vector<16xi32>
        %get3A_1123 = arith.constant 3 : i32
        %get3A_1124 = arith.index_cast %get3A_1123 : i32 to index
        %get3A_1125 = arith.index_cast %mul3A_1112 : i32 to index
        %get3A_1126 = tpu.vector_load %arg14[%get3A_1124, %get3A_1125] {strides = array<i32>} : memref<4x128xi32, #tpu.memory_space<vmem>>, vector<1x16xi32>,
        %get3A_1127 = vector.shape_cast %get3A_1126 : vector<1x16xi32> to vector<16xi32>
        %get3A_1128 = arith.constant 3 : i32
        %get3A_1129 = arith.index_cast %get3A_1128 : i32 to index
        %get3A_1130 = arith.index_cast %mul3A_1112 : i32 to index
        %get3A_1131 = tpu.vector_load %arg16[%get3A_1129, %get3A_1130] {strides = array<i32>} : memref<4x128xi32, #tpu.memory_space<vmem>>, vector<1x16xi32>,
        %get3A_1132 = vector.shape_cast %get3A_1131 : vector<1x16xi32> to vector<16xi32>
        %mul3A_1133 = arith.constant 121 : i32
        %mul3A_1134 = vector.broadcast %mul3A_1133 : i32 to vector<16xi32>
        %mul3A_1135 = arith.muli %get3A_1117, %mul3A_1134 : vector<16xi32>
        %add3A_1136 = arith.addi %mul3A_1135, %get3A_1122 : vector<16xi32>
        %mul3A_1137 = arith.constant 121 : i32
        %mul3A_1138 = vector.broadcast %mul3A_1137 : i32 to vector<16xi32>
        %mul3A_1139 = arith.muli %add3A_1136, %mul3A_1138 : vector<16xi32>
        %add3A_1140 = arith.addi %mul3A_1139, %get3A_1127 : vector<16xi32>
        %mul3A_1141 = arith.constant 121 : i32
        %mul3A_1142 = vector.broadcast %mul3A_1141 : i32 to vector<16xi32>
        %mul3A_1143 = arith.muli %add3A_1140, %mul3A_1142 : vector<16xi32>
        %add3A_1144 = arith.addi %mul3A_1143, %get3A_1132 : vector<16xi32>
        %add3A_1145 = arith.constant 240 : i32
        %add3A_1146 = arith.addi %add3A_1145, %mul3A_1112 : i32
        %swap3A_1147 = arith.index_cast %add3A_1146 : i32 to index
        %swap3A_1148 = tpu.vector_load %arg18[%swap3A_1147] {strides = array<i32>} : memref<320xi32, #tpu.memory_space<vmem>>, vector<16xi32>,
        %swap3A_1149 = vector.shape_cast %swap3A_1148 : vector<16xi32> to vector<16xi32>
        %swap3A_1150 = vector.shape_cast %add3A_1144 : vector<16xi32> to vector<16xi32>
        tpu.vector_store %arg18[%swap3A_1147], %swap3A_1150 {strides = array<i32>} : memref<320xi32, #tpu.memory_space<vmem>>, vector<16xi32>,
        %scan3A_1151 = arith.constant 5 : i32
        %dma_start3A = arith.constant 0 : i32
        %dma_start3A_1152 = tpu.memref_slice %arg7[%dma_start3A] : memref<3543122xi32, #tpu.memory_space<hbm>> -> memref<3543122xi32, #tpu.memory_space<hbm>>
        tpu.enqueue_indirect_dma source(%dma_start3A_1152 : memref<3543122xi32, #tpu.memory_space<hbm>>) target(%arg20 : memref<320xi32, #tpu.memory_space<vmem>>) offsets(%arg18 : memref<320xi32, #tpu.memory_space<vmem>>) semaphore(%arg26 : memref<!tpu.dma_semaphore, #tpu.memory_space<semaphore_mem>>)
      } else {
      }
      %ge3A_75 = arith.constant 0 : i32
      %ge3A_76 = arith.cmpi sge, %add3A_24, %ge3A_75 : i32
      %mul3A_77 = arith.constant 32 : i32
      %mul3A_78 = arith.muli %add3A_24, %mul3A_77 : i32
      %add3A_79 = arith.addi %add3A, %mul3A_78 : i32
      %lt3A_80 = arith.constant 3125 : i32
      %lt3A_81 = arith.cmpi slt, %add3A_79, %lt3A_80 : i32
      %and3A_82 = arith.andi %ge3A_76, %lt3A_81 : i1
      %convert_element_type3A_83 = arith.extui %and3A_82 : i1 to i32
      %cond3A_84 = arith.constant 0 : i32
      %cond3A_85 = arith.cmpi ne, %convert_element_type3A_83, %cond3A_84 : i32
      scf.if %cond3A_85 {
        %mul3A_153 = arith.constant 32 : i32
        %mul3A_154 = arith.muli %add3A_24, %mul3A_153 : i32
        %add3A_155 = arith.addi %add3A, %mul3A_154 : i32
        %mul3A_156 = arith.constant 80 : i32
        %mul3A_157 = arith.muli %add3A_155, %mul3A_156 : i32
        %add3A_158 = arith.constant 0 : i32
        %add3A_159 = arith.addi %mul3A_157, %add3A_158 : i32
        %mul3A_160 = arith.constant 32 : i32
        %mul3A_161 = arith.muli %add3A_24, %mul3A_160 : i32
        %add3A_162 = arith.addi %add3A, %mul3A_161 : i32
        %mul3A_163 = arith.constant 80 : i32
        %mul3A_164 = arith.muli %add3A_162, %mul3A_163 : i32
        %add3A_165 = arith.constant 250000 : i32
        %add3A_166 = arith.addi %mul3A_164, %add3A_165 : i32
        %mul3A_167 = arith.constant 32 : i32
        %mul3A_168 = arith.muli %add3A_24, %mul3A_167 : i32
        %add3A_169 = arith.addi %add3A, %mul3A_168 : i32
        %mul3A_170 = arith.constant 80 : i32
        %mul3A_171 = arith.muli %add3A_169, %mul3A_170 : i32
        %add3A_172 = arith.constant 500000 : i32
        %add3A_173 = arith.addi %mul3A_171, %add3A_172 : i32
        %mul3A_174 = arith.constant 32 : i32
        %mul3A_175 = arith.muli %add3A_24, %mul3A_174 : i32
        %add3A_176 = arith.addi %add3A, %mul3A_175 : i32
        %mul3A_177 = arith.constant 80 : i32
        %mul3A_178 = arith.muli %add3A_176, %mul3A_177 : i32
        %add3A_179 = arith.constant 750000 : i32
        %add3A_180 = arith.addi %mul3A_178, %add3A_179 : i32
        %dma_start3A = arith.constant 0 : i32
        %dma_start3A_181 = arith.constant 0 : i32
        %dma_start3A_182 = tpu.memref_slice %arg9[%dma_start3A, %dma_start3A_181] : memref<4x128xi32, #tpu.memory_space<vmem>> -> memref<1x80xi32, #tpu.memory_space<vmem>>
        %dma_start3A_183 = tpu.memref_squeeze %dma_start3A_182 : memref<1x80xi32, #tpu.memory_space<vmem>> -> memref<80xi32, #tpu.memory_space<vmem>>
        %dma_start3A_184 = tpu.memref_slice %arg3[%add3A_159] : memref<1000000xi32, #tpu.memory_space<hbm>> -> memref<80xi32, #tpu.memory_space<hbm>>
        %dma_start3A_185 = arith.constant 0 : i32
        %dma_start3A_186 = tpu.memref_slice %arg9[%dma_start3A, %dma_start3A_185] : memref<4x128xi32, #tpu.memory_space<vmem>> -> memref<1x80xi32, #tpu.memory_space<vmem>>
        %dma_start3A_187 = tpu.memref_squeeze %dma_start3A_186 : memref<1x80xi32, #tpu.memory_space<vmem>> -> memref<80xi32, #tpu.memory_space<vmem>>
        %dma_start3A_188 = tpu.memref_slice %arg3[%add3A_159] : memref<1000000xi32, #tpu.memory_space<hbm>> -> memref<80xi32, #tpu.memory_space<hbm>>
        tpu.enqueue_dma source(%dma_start3A_188 : memref<80xi32, #tpu.memory_space<hbm>>) target(%dma_start3A_187 : memref<80xi32, #tpu.memory_space<vmem>>) target_semaphore(%arg23 : memref<!tpu.dma_semaphore, #tpu.memory_space<semaphore_mem>>)
        %dma_start3A_189 = arith.constant 0 : i32
        %dma_start3A_190 = arith.constant 0 : i32
        %dma_start3A_191 = tpu.memref_slice %arg11[%dma_start3A_189, %dma_start3A_190] : memref<4x128xi32, #tpu.memory_space<vmem>> -> memref<1x80xi32, #tpu.memory_space<vmem>>
        %dma_start3A_192 = tpu.memref_squeeze %dma_start3A_191 : memref<1x80xi32, #tpu.memory_space<vmem>> -> memref<80xi32, #tpu.memory_space<vmem>>
        %dma_start3A_193 = tpu.memref_slice %arg4[%add3A_159] : memref<1000000xi32, #tpu.memory_space<hbm>> -> memref<80xi32, #tpu.memory_space<hbm>>
        %dma_start3A_194 = arith.constant 0 : i32
        %dma_start3A_195 = tpu.memref_slice %arg11[%dma_start3A_189, %dma_start3A_194] : memref<4x128xi32, #tpu.memory_space<vmem>> -> memref<1x80xi32, #tpu.memory_space<vmem>>
        %dma_start3A_196 = tpu.memref_squeeze %dma_start3A_195 : memref<1x80xi32, #tpu.memory_space<vmem>> -> memref<80xi32, #tpu.memory_space<vmem>>
        %dma_start3A_197 = tpu.memref_slice %arg4[%add3A_159] : memref<1000000xi32, #tpu.memory_space<hbm>> -> memref<80xi32, #tpu.memory_space<hbm>>
        tpu.enqueue_dma source(%dma_start3A_197 : memref<80xi32, #tpu.memory_space<hbm>>) target(%dma_start3A_196 : memref<80xi32, #tpu.memory_space<vmem>>) target_semaphore(%arg23 : memref<!tpu.dma_semaphore, #tpu.memory_space<semaphore_mem>>)
        %dma_start3A_198 = arith.constant 0 : i32
        %dma_start3A_199 = arith.constant 0 : i32
        %dma_start3A_200 = tpu.memref_slice %arg13[%dma_start3A_198, %dma_start3A_199] : memref<4x128xi32, #tpu.memory_space<vmem>> -> memref<1x80xi32, #tpu.memory_space<vmem>>
        %dma_start3A_201 = tpu.memref_squeeze %dma_start3A_200 : memref<1x80xi32, #tpu.memory_space<vmem>> -> memref<80xi32, #tpu.memory_space<vmem>>
        %dma_start3A_202 = tpu.memref_slice %arg5[%add3A_159] : memref<1000000xi32, #tpu.memory_space<hbm>> -> memref<80xi32, #tpu.memory_space<hbm>>
        %dma_start3A_203 = arith.constant 0 : i32
        %dma_start3A_204 = tpu.memref_slice %arg13[%dma_start3A_198, %dma_start3A_203] : memref<4x128xi32, #tpu.memory_space<vmem>> -> memref<1x80xi32, #tpu.memory_space<vmem>>
        %dma_start3A_205 = tpu.memref_squeeze %dma_start3A_204 : memref<1x80xi32, #tpu.memory_space<vmem>> -> memref<80xi32, #tpu.memory_space<vmem>>
        %dma_start3A_206 = tpu.memref_slice %arg5[%add3A_159] : memref<1000000xi32, #tpu.memory_space<hbm>> -> memref<80xi32, #tpu.memory_space<hbm>>
        tpu.enqueue_dma source(%dma_start3A_206 : memref<80xi32, #tpu.memory_space<hbm>>) target(%dma_start3A_205 : memref<80xi32, #tpu.memory_space<vmem>>) target_semaphore(%arg23 : memref<!tpu.dma_semaphore, #tpu.memory_space<semaphore_mem>>)
        %dma_start3A_207 = arith.constant 0 : i32
        %dma_start3A_208 = arith.constant 0 : i32
        %dma_start3A_209 = tpu.memref_slice %arg15[%dma_start3A_207, %dma_start3A_208] : memref<4x128xi32, #tpu.memory_space<vmem>> -> memref<1x80xi32, #tpu.memory_space<vmem>>
        %dma_start3A_210 = tpu.memref_squeeze %dma_start3A_209 : memref<1x80xi32, #tpu.memory_space<vmem>> -> memref<80xi32, #tpu.memory_space<vmem>>
        %dma_start3A_211 = tpu.memref_slice %arg6[%add3A_159] : memref<1000000xi32, #tpu.memory_space<hbm>> -> memref<80xi32, #tpu.memory_space<hbm>>
        %dma_start3A_212 = arith.constant 0 : i32
        %dma_start3A_213 = tpu.memref_slice %arg15[%dma_start3A_207, %dma_start3A_212] : memref<4x128xi32, #tpu.memory_space<vmem>> -> memref<1x80xi32, #tpu.memory_space<vmem>>
        %dma_start3A_214 = tpu.memref_squeeze %dma_start3A_213 : memref<1x80xi32, #tpu.memory_space<vmem>> -> memref<80xi32, #tpu.memory_space<vmem>>
        %dma_start3A_215 = tpu.memref_slice %arg6[%add3A_159] : memref<1000000xi32, #tpu.memory_space<hbm>> -> memref<80xi32, #tpu.memory_space<hbm>>
        tpu.enqueue_dma source(%dma_start3A_215 : memref<80xi32, #tpu.memory_space<hbm>>) target(%dma_start3A_214 : memref<80xi32, #tpu.memory_space<vmem>>) target_semaphore(%arg23 : memref<!tpu.dma_semaphore, #tpu.memory_space<semaphore_mem>>)
        %dma_start3A_216 = arith.constant 1 : i32
        %dma_start3A_217 = arith.constant 0 : i32
        %dma_start3A_218 = tpu.memref_slice %arg9[%dma_start3A_216, %dma_start3A_217] : memref<4x128xi32, #tpu.memory_space<vmem>> -> memref<1x80xi32, #tpu.memory_space<vmem>>
        %dma_start3A_219 = tpu.memref_squeeze %dma_start3A_218 : memref<1x80xi32, #tpu.memory_space<vmem>> -> memref<80xi32, #tpu.memory_space<vmem>>
        %dma_start3A_220 = tpu.memref_slice %arg3[%add3A_166] : memref<1000000xi32, #tpu.memory_space<hbm>> -> memref<80xi32, #tpu.memory_space<hbm>>
        %dma_start3A_221 = arith.constant 0 : i32
        %dma_start3A_222 = tpu.memref_slice %arg9[%dma_start3A_216, %dma_start3A_221] : memref<4x128xi32, #tpu.memory_space<vmem>> -> memref<1x80xi32, #tpu.memory_space<vmem>>
        %dma_start3A_223 = tpu.memref_squeeze %dma_start3A_222 : memref<1x80xi32, #tpu.memory_space<vmem>> -> memref<80xi32, #tpu.memory_space<vmem>>
        %dma_start3A_224 = tpu.memref_slice %arg3[%add3A_166] : memref<1000000xi32, #tpu.memory_space<hbm>> -> memref<80xi32, #tpu.memory_space<hbm>>
        tpu.enqueue_dma source(%dma_start3A_224 : memref<80xi32, #tpu.memory_space<hbm>>) target(%dma_start3A_223 : memref<80xi32, #tpu.memory_space<vmem>>) target_semaphore(%arg23 : memref<!tpu.dma_semaphore, #tpu.memory_space<semaphore_mem>>)
        %dma_start3A_225 = arith.constant 1 : i32
        %dma_start3A_226 = arith.constant 0 : i32
        %dma_start3A_227 = tpu.memref_slice %arg11[%dma_start3A_225, %dma_start3A_226] : memref<4x128xi32, #tpu.memory_space<vmem>> -> memref<1x80xi32, #tpu.memory_space<vmem>>
        %dma_start3A_228 = tpu.memref_squeeze %dma_start3A_227 : memref<1x80xi32, #tpu.memory_space<vmem>> -> memref<80xi32, #tpu.memory_space<vmem>>
        %dma_start3A_229 = tpu.memref_slice %arg4[%add3A_166] : memref<1000000xi32, #tpu.memory_space<hbm>> -> memref<80xi32, #tpu.memory_space<hbm>>
        %dma_start3A_230 = arith.constant 0 : i32
        %dma_start3A_231 = tpu.memref_slice %arg11[%dma_start3A_225, %dma_start3A_230] : memref<4x128xi32, #tpu.memory_space<vmem>> -> memref<1x80xi32, #tpu.memory_space<vmem>>
        %dma_start3A_232 = tpu.memref_squeeze %dma_start3A_231 : memref<1x80xi32, #tpu.memory_space<vmem>> -> memref<80xi32, #tpu.memory_space<vmem>>
        %dma_start3A_233 = tpu.memref_slice %arg4[%add3A_166] : memref<1000000xi32, #tpu.memory_space<hbm>> -> memref<80xi32, #tpu.memory_space<hbm>>
        tpu.enqueue_dma source(%dma_start3A_233 : memref<80xi32, #tpu.memory_space<hbm>>) target(%dma_start3A_232 : memref<80xi32, #tpu.memory_space<vmem>>) target_semaphore(%arg23 : memref<!tpu.dma_semaphore, #tpu.memory_space<semaphore_mem>>)
        %dma_start3A_234 = arith.constant 1 : i32
        %dma_start3A_235 = arith.constant 0 : i32
        %dma_start3A_236 = tpu.memref_slice %arg13[%dma_start3A_234, %dma_start3A_235] : memref<4x128xi32, #tpu.memory_space<vmem>> -> memref<1x80xi32, #tpu.memory_space<vmem>>
        %dma_start3A_237 = tpu.memref_squeeze %dma_start3A_236 : memref<1x80xi32, #tpu.memory_space<vmem>> -> memref<80xi32, #tpu.memory_space<vmem>>
        %dma_start3A_238 = tpu.memref_slice %arg5[%add3A_166] : memref<1000000xi32, #tpu.memory_space<hbm>> -> memref<80xi32, #tpu.memory_space<hbm>>
        %dma_start3A_239 = arith.constant 0 : i32
        %dma_start3A_240 = tpu.memref_slice %arg13[%dma_start3A_234, %dma_start3A_239] : memref<4x128xi32, #tpu.memory_space<vmem>> -> memref<1x80xi32, #tpu.memory_space<vmem>>
        %dma_start3A_241 = tpu.memref_squeeze %dma_start3A_240 : memref<1x80xi32, #tpu.memory_space<vmem>> -> memref<80xi32, #tpu.memory_space<vmem>>
        %dma_start3A_242 = tpu.memref_slice %arg5[%add3A_166] : memref<1000000xi32, #tpu.memory_space<hbm>> -> memref<80xi32, #tpu.memory_space<hbm>>
        tpu.enqueue_dma source(%dma_start3A_242 : memref<80xi32, #tpu.memory_space<hbm>>) target(%dma_start3A_241 : memref<80xi32, #tpu.memory_space<vmem>>) target_semaphore(%arg23 : memref<!tpu.dma_semaphore, #tpu.memory_space<semaphore_mem>>)
        %dma_start3A_243 = arith.constant 1 : i32
        %dma_start3A_244 = arith.constant 0 : i32
        %dma_start3A_245 = tpu.memref_slice %arg15[%dma_start3A_243, %dma_start3A_244] : memref<4x128xi32, #tpu.memory_space<vmem>> -> memref<1x80xi32, #tpu.memory_space<vmem>>
        %dma_start3A_246 = tpu.memref_squeeze %dma_start3A_245 : memref<1x80xi32, #tpu.memory_space<vmem>> -> memref<80xi32, #tpu.memory_space<vmem>>
        %dma_start3A_247 = tpu.memref_slice %arg6[%add3A_166] : memref<1000000xi32, #tpu.memory_space<hbm>> -> memref<80xi32, #tpu.memory_space<hbm>>
        %dma_start3A_248 = arith.constant 0 : i32
        %dma_start3A_249 = tpu.memref_slice %arg15[%dma_start3A_243, %dma_start3A_248] : memref<4x128xi32, #tpu.memory_space<vmem>> -> memref<1x80xi32, #tpu.memory_space<vmem>>
        %dma_start3A_250 = tpu.memref_squeeze %dma_start3A_249 : memref<1x80xi32, #tpu.memory_space<vmem>> -> memref<80xi32, #tpu.memory_space<vmem>>
        %dma_start3A_251 = tpu.memref_slice %arg6[%add3A_166] : memref<1000000xi32, #tpu.memory_space<hbm>> -> memref<80xi32, #tpu.memory_space<hbm>>
        tpu.enqueue_dma source(%dma_start3A_251 : memref<80xi32, #tpu.memory_space<hbm>>) target(%dma_start3A_250 : memref<80xi32, #tpu.memory_space<vmem>>) target_semaphore(%arg23 : memref<!tpu.dma_semaphore, #tpu.memory_space<semaphore_mem>>)
        %dma_start3A_252 = arith.constant 2 : i32
        %dma_start3A_253 = arith.constant 0 : i32
        %dma_start3A_254 = tpu.memref_slice %arg9[%dma_start3A_252, %dma_start3A_253] : memref<4x128xi32, #tpu.memory_space<vmem>> -> memref<1x80xi32, #tpu.memory_space<vmem>>
        %dma_start3A_255 = tpu.memref_squeeze %dma_start3A_254 : memref<1x80xi32, #tpu.memory_space<vmem>> -> memref<80xi32, #tpu.memory_space<vmem>>
        %dma_start3A_256 = tpu.memref_slice %arg3[%add3A_173] : memref<1000000xi32, #tpu.memory_space<hbm>> -> memref<80xi32, #tpu.memory_space<hbm>>
        %dma_start3A_257 = arith.constant 0 : i32
        %dma_start3A_258 = tpu.memref_slice %arg9[%dma_start3A_252, %dma_start3A_257] : memref<4x128xi32, #tpu.memory_space<vmem>> -> memref<1x80xi32, #tpu.memory_space<vmem>>
        %dma_start3A_259 = tpu.memref_squeeze %dma_start3A_258 : memref<1x80xi32, #tpu.memory_space<vmem>> -> memref<80xi32, #tpu.memory_space<vmem>>
        %dma_start3A_260 = tpu.memref_slice %arg3[%add3A_173] : memref<1000000xi32, #tpu.memory_space<hbm>> -> memref<80xi32, #tpu.memory_space<hbm>>
        tpu.enqueue_dma source(%dma_start3A_260 : memref<80xi32, #tpu.memory_space<hbm>>) target(%dma_start3A_259 : memref<80xi32, #tpu.memory_space<vmem>>) target_semaphore(%arg23 : memref<!tpu.dma_semaphore, #tpu.memory_space<semaphore_mem>>)
        %dma_start3A_261 = arith.constant 2 : i32
        %dma_start3A_262 = arith.constant 0 : i32
        %dma_start3A_263 = tpu.memref_slice %arg11[%dma_start3A_261, %dma_start3A_262] : memref<4x128xi32, #tpu.memory_space<vmem>> -> memref<1x80xi32, #tpu.memory_space<vmem>>
        %dma_start3A_264 = tpu.memref_squeeze %dma_start3A_263 : memref<1x80xi32, #tpu.memory_space<vmem>> -> memref<80xi32, #tpu.memory_space<vmem>>
        %dma_start3A_265 = tpu.memref_slice %arg4[%add3A_173] : memref<1000000xi32, #tpu.memory_space<hbm>> -> memref<80xi32, #tpu.memory_space<hbm>>
        %dma_start3A_266 = arith.constant 0 : i32
        %dma_start3A_267 = tpu.memref_slice %arg11[%dma_start3A_261, %dma_start3A_266] : memref<4x128xi32, #tpu.memory_space<vmem>> -> memref<1x80xi32, #tpu.memory_space<vmem>>
        %dma_start3A_268 = tpu.memref_squeeze %dma_start3A_267 : memref<1x80xi32, #tpu.memory_space<vmem>> -> memref<80xi32, #tpu.memory_space<vmem>>
        %dma_start3A_269 = tpu.memref_slice %arg4[%add3A_173] : memref<1000000xi32, #tpu.memory_space<hbm>> -> memref<80xi32, #tpu.memory_space<hbm>>
        tpu.enqueue_dma source(%dma_start3A_269 : memref<80xi32, #tpu.memory_space<hbm>>) target(%dma_start3A_268 : memref<80xi32, #tpu.memory_space<vmem>>) target_semaphore(%arg23 : memref<!tpu.dma_semaphore, #tpu.memory_space<semaphore_mem>>)
        %dma_start3A_270 = arith.constant 2 : i32
        %dma_start3A_271 = arith.constant 0 : i32
        %dma_start3A_272 = tpu.memref_slice %arg13[%dma_start3A_270, %dma_start3A_271] : memref<4x128xi32, #tpu.memory_space<vmem>> -> memref<1x80xi32, #tpu.memory_space<vmem>>
        %dma_start3A_273 = tpu.memref_squeeze %dma_start3A_272 : memref<1x80xi32, #tpu.memory_space<vmem>> -> memref<80xi32, #tpu.memory_space<vmem>>
        %dma_start3A_274 = tpu.memref_slice %arg5[%add3A_173] : memref<1000000xi32, #tpu.memory_space<hbm>> -> memref<80xi32, #tpu.memory_space<hbm>>
        %dma_start3A_275 = arith.constant 0 : i32
        %dma_start3A_276 = tpu.memref_slice %arg13[%dma_start3A_270, %dma_start3A_275] : memref<4x128xi32, #tpu.memory_space<vmem>> -> memref<1x80xi32, #tpu.memory_space<vmem>>
        %dma_start3A_277 = tpu.memref_squeeze %dma_start3A_276 : memref<1x80xi32, #tpu.memory_space<vmem>> -> memref<80xi32, #tpu.memory_space<vmem>>
        %dma_start3A_278 = tpu.memref_slice %arg5[%add3A_173] : memref<1000000xi32, #tpu.memory_space<hbm>> -> memref<80xi32, #tpu.memory_space<hbm>>
        tpu.enqueue_dma source(%dma_start3A_278 : memref<80xi32, #tpu.memory_space<hbm>>) target(%dma_start3A_277 : memref<80xi32, #tpu.memory_space<vmem>>) target_semaphore(%arg23 : memref<!tpu.dma_semaphore, #tpu.memory_space<semaphore_mem>>)
        %dma_start3A_279 = arith.constant 2 : i32
        %dma_start3A_280 = arith.constant 0 : i32
        %dma_start3A_281 = tpu.memref_slice %arg15[%dma_start3A_279, %dma_start3A_280] : memref<4x128xi32, #tpu.memory_space<vmem>> -> memref<1x80xi32, #tpu.memory_space<vmem>>
        %dma_start3A_282 = tpu.memref_squeeze %dma_start3A_281 : memref<1x80xi32, #tpu.memory_space<vmem>> -> memref<80xi32, #tpu.memory_space<vmem>>
        %dma_start3A_283 = tpu.memref_slice %arg6[%add3A_173] : memref<1000000xi32, #tpu.memory_space<hbm>> -> memref<80xi32, #tpu.memory_space<hbm>>
        %dma_start3A_284 = arith.constant 0 : i32
        %dma_start3A_285 = tpu.memref_slice %arg15[%dma_start3A_279, %dma_start3A_284] : memref<4x128xi32, #tpu.memory_space<vmem>> -> memref<1x80xi32, #tpu.memory_space<vmem>>
        %dma_start3A_286 = tpu.memref_squeeze %dma_start3A_285 : memref<1x80xi32, #tpu.memory_space<vmem>> -> memref<80xi32, #tpu.memory_space<vmem>>
        %dma_start3A_287 = tpu.memref_slice %arg6[%add3A_173] : memref<1000000xi32, #tpu.memory_space<hbm>> -> memref<80xi32, #tpu.memory_space<hbm>>
        tpu.enqueue_dma source(%dma_start3A_287 : memref<80xi32, #tpu.memory_space<hbm>>) target(%dma_start3A_286 : memref<80xi32, #tpu.memory_space<vmem>>) target_semaphore(%arg23 : memref<!tpu.dma_semaphore, #tpu.memory_space<semaphore_mem>>)
        %dma_start3A_288 = arith.constant 3 : i32
        %dma_start3A_289 = arith.constant 0 : i32
        %dma_start3A_290 = tpu.memref_slice %arg9[%dma_start3A_288, %dma_start3A_289] : memref<4x128xi32, #tpu.memory_space<vmem>> -> memref<1x80xi32, #tpu.memory_space<vmem>>
        %dma_start3A_291 = tpu.memref_squeeze %dma_start3A_290 : memref<1x80xi32, #tpu.memory_space<vmem>> -> memref<80xi32, #tpu.memory_space<vmem>>
        %dma_start3A_292 = tpu.memref_slice %arg3[%add3A_180] : memref<1000000xi32, #tpu.memory_space<hbm>> -> memref<80xi32, #tpu.memory_space<hbm>>
        %dma_start3A_293 = arith.constant 0 : i32
        %dma_start3A_294 = tpu.memref_slice %arg9[%dma_start3A_288, %dma_start3A_293] : memref<4x128xi32, #tpu.memory_space<vmem>> -> memref<1x80xi32, #tpu.memory_space<vmem>>
        %dma_start3A_295 = tpu.memref_squeeze %dma_start3A_294 : memref<1x80xi32, #tpu.memory_space<vmem>> -> memref<80xi32, #tpu.memory_space<vmem>>
        %dma_start3A_296 = tpu.memref_slice %arg3[%add3A_180] : memref<1000000xi32, #tpu.memory_space<hbm>> -> memref<80xi32, #tpu.memory_space<hbm>>
        tpu.enqueue_dma source(%dma_start3A_296 : memref<80xi32, #tpu.memory_space<hbm>>) target(%dma_start3A_295 : memref<80xi32, #tpu.memory_space<vmem>>) target_semaphore(%arg23 : memref<!tpu.dma_semaphore, #tpu.memory_space<semaphore_mem>>)
        %dma_start3A_297 = arith.constant 3 : i32
        %dma_start3A_298 = arith.constant 0 : i32
        %dma_start3A_299 = tpu.memref_slice %arg11[%dma_start3A_297, %dma_start3A_298] : memref<4x128xi32, #tpu.memory_space<vmem>> -> memref<1x80xi32, #tpu.memory_space<vmem>>
        %dma_start3A_300 = tpu.memref_squeeze %dma_start3A_299 : memref<1x80xi32, #tpu.memory_space<vmem>> -> memref<80xi32, #tpu.memory_space<vmem>>
        %dma_start3A_301 = tpu.memref_slice %arg4[%add3A_180] : memref<1000000xi32, #tpu.memory_space<hbm>> -> memref<80xi32, #tpu.memory_space<hbm>>
        %dma_start3A_302 = arith.constant 0 : i32
        %dma_start3A_303 = tpu.memref_slice %arg11[%dma_start3A_297, %dma_start3A_302] : memref<4x128xi32, #tpu.memory_space<vmem>> -> memref<1x80xi32, #tpu.memory_space<vmem>>
        %dma_start3A_304 = tpu.memref_squeeze %dma_start3A_303 : memref<1x80xi32, #tpu.memory_space<vmem>> -> memref<80xi32, #tpu.memory_space<vmem>>
        %dma_start3A_305 = tpu.memref_slice %arg4[%add3A_180] : memref<1000000xi32, #tpu.memory_space<hbm>> -> memref<80xi32, #tpu.memory_space<hbm>>
        tpu.enqueue_dma source(%dma_start3A_305 : memref<80xi32, #tpu.memory_space<hbm>>) target(%dma_start3A_304 : memref<80xi32, #tpu.memory_space<vmem>>) target_semaphore(%arg23 : memref<!tpu.dma_semaphore, #tpu.memory_space<semaphore_mem>>)
        %dma_start3A_306 = arith.constant 3 : i32
        %dma_start3A_307 = arith.constant 0 : i32
        %dma_start3A_308 = tpu.memref_slice %arg13[%dma_start3A_306, %dma_start3A_307] : memref<4x128xi32, #tpu.memory_space<vmem>> -> memref<1x80xi32, #tpu.memory_space<vmem>>
        %dma_start3A_309 = tpu.memref_squeeze %dma_start3A_308 : memref<1x80xi32, #tpu.memory_space<vmem>> -> memref<80xi32, #tpu.memory_space<vmem>>
        %dma_start3A_310 = tpu.memref_slice %arg5[%add3A_180] : memref<1000000xi32, #tpu.memory_space<hbm>> -> memref<80xi32, #tpu.memory_space<hbm>>
        %dma_start3A_311 = arith.constant 0 : i32
        %dma_start3A_312 = tpu.memref_slice %arg13[%dma_start3A_306, %dma_start3A_311] : memref<4x128xi32, #tpu.memory_space<vmem>> -> memref<1x80xi32, #tpu.memory_space<vmem>>
        %dma_start3A_313 = tpu.memref_squeeze %dma_start3A_312 : memref<1x80xi32, #tpu.memory_space<vmem>> -> memref<80xi32, #tpu.memory_space<vmem>>
        %dma_start3A_314 = tpu.memref_slice %arg5[%add3A_180] : memref<1000000xi32, #tpu.memory_space<hbm>> -> memref<80xi32, #tpu.memory_space<hbm>>
        tpu.enqueue_dma source(%dma_start3A_314 : memref<80xi32, #tpu.memory_space<hbm>>) target(%dma_start3A_313 : memref<80xi32, #tpu.memory_space<vmem>>) target_semaphore(%arg23 : memref<!tpu.dma_semaphore, #tpu.memory_space<semaphore_mem>>)
        %dma_start3A_315 = arith.constant 3 : i32
        %dma_start3A_316 = arith.constant 0 : i32
        %dma_start3A_317 = tpu.memref_slice %arg15[%dma_start3A_315, %dma_start3A_316] : memref<4x128xi32, #tpu.memory_space<vmem>> -> memref<1x80xi32, #tpu.memory_space<vmem>>
        %dma_start3A_318 = tpu.memref_squeeze %dma_start3A_317 : memref<1x80xi32, #tpu.memory_space<vmem>> -> memref<80xi32, #tpu.memory_space<vmem>>
        %dma_start3A_319 = tpu.memref_slice %arg6[%add3A_180] : memref<1000000xi32, #tpu.memory_space<hbm>> -> memref<80xi32, #tpu.memory_space<hbm>>
        %dma_start3A_320 = arith.constant 0 : i32
        %dma_start3A_321 = tpu.memref_slice %arg15[%dma_start3A_315, %dma_start3A_320] : memref<4x128xi32, #tpu.memory_space<vmem>> -> memref<1x80xi32, #tpu.memory_space<vmem>>
        %dma_start3A_322 = tpu.memref_squeeze %dma_start3A_321 : memref<1x80xi32, #tpu.memory_space<vmem>> -> memref<80xi32, #tpu.memory_space<vmem>>
        %dma_start3A_323 = tpu.memref_slice %arg6[%add3A_180] : memref<1000000xi32, #tpu.memory_space<hbm>> -> memref<80xi32, #tpu.memory_space<hbm>>
        tpu.enqueue_dma source(%dma_start3A_323 : memref<80xi32, #tpu.memory_space<hbm>>) target(%dma_start3A_322 : memref<80xi32, #tpu.memory_space<vmem>>) target_semaphore(%arg23 : memref<!tpu.dma_semaphore, #tpu.memory_space<semaphore_mem>>)
      } else {
      }
      %mul3A_86 = arith.constant 2 : i32
      %mul3A_87 = arith.muli %mul3A_86, %scan3A_20 : i32
      %add3A_88 = arith.constant 1 : i32
      %add3A_89 = arith.addi %mul3A_87, %add3A_88 : i32
      %sub3A_90 = arith.constant 5 : i32
      %sub3A_91 = arith.subi %add3A_89, %sub3A_90 : i32
      %ge3A_92 = arith.constant 0 : i32
      %ge3A_93 = arith.cmpi sge, %sub3A_91, %ge3A_92 : i32
      %mul3A_94 = arith.constant 32 : i32
      %mul3A_95 = arith.muli %sub3A_91, %mul3A_94 : i32
      %add3A_96 = arith.addi %add3A, %mul3A_95 : i32
      %lt3A_97 = arith.constant 3125 : i32
      %lt3A_98 = arith.cmpi slt, %add3A_96, %lt3A_97 : i32
      %and3A_99 = arith.andi %ge3A_93, %lt3A_98 : i1
      %convert_element_type3A_100 = arith.extui %and3A_99 : i1 to i32
      %cond3A_101 = arith.constant 0 : i32
      %cond3A_102 = arith.cmpi ne, %convert_element_type3A_100, %cond3A_101 : i32
      scf.if %cond3A_102 {
        %sub3A_153 = arith.constant 5 : i32
        %sub3A_154 = arith.subi %add3A_89, %sub3A_153 : i32
        %mul3A_155 = arith.constant 32 : i32
        %mul3A_156 = arith.muli %sub3A_154, %mul3A_155 : i32
        %add3A_157 = arith.addi %add3A, %mul3A_156 : i32
        %mul3A_158 = arith.constant 80 : i32
        %mul3A_159 = arith.muli %add3A_157, %mul3A_158 : i32
        %multiple_of3A = tpu.assume_multiple %mul3A_159, 8 : i32
        %dma_wait3A = arith.constant 0 : i32
        %dma_wait3A_160 = arith.constant 0 : i32
        %dma_wait3A_161 = arith.constant 0 : i32
        %dma_wait3A_162 = tpu.memref_slice %arg22[%dma_wait3A, %dma_wait3A_160, %dma_wait3A_161] : memref<2x80x128xf32, #tpu.memory_space<vmem>> -> memref<1x80x128xf32, #tpu.memory_space<vmem>>
        %dma_wait3A_163 = tpu.memref_squeeze %dma_wait3A_162 : memref<1x80x128xf32, #tpu.memory_space<vmem>> -> memref<80x128xf32, #tpu.memory_space<vmem>>
        %dma_wait3A_164 = arith.constant 0 : i32
        %dma_wait3A_165 = tpu.memref_slice %arg8[%multiple_of3A, %dma_wait3A_164] : memref<250000x128xf32, #tpu.memory_space<hbm>> -> memref<80x128xf32, #tpu.memory_space<hbm>>
        %dma_wait3A_166 = arith.constant 0 : i32
        %dma_wait3A_167 = tpu.memref_slice %arg8[%multiple_of3A, %dma_wait3A_166] : memref<250000x128xf32, #tpu.memory_space<hbm>> -> memref<80x128xf32, #tpu.memory_space<hbm>>
        %dma_wait3A_168 = arith.constant 0 : i32
        %dma_wait3A_169 = arith.constant 0 : i32
        %dma_wait3A_170 = tpu.memref_slice %arg22[%dma_wait3A, %dma_wait3A_168, %dma_wait3A_169] : memref<2x80x128xf32, #tpu.memory_space<vmem>> -> memref<1x80x128xf32, #tpu.memory_space<vmem>>
        %dma_wait3A_171 = tpu.memref_squeeze %dma_wait3A_170 : memref<1x80x128xf32, #tpu.memory_space<vmem>> -> memref<80x128xf32, #tpu.memory_space<vmem>>
        tpu.wait_dma2 semaphore(%arg29 : memref<!tpu.dma_semaphore, #tpu.memory_space<semaphore_mem>>) src(%dma_wait3A_171 : memref<80x128xf32, #tpu.memory_space<vmem>>) dst(%dma_wait3A_167 : memref<80x128xf32, #tpu.memory_space<hbm>>)
      } else {
      }
      %sub3A_103 = arith.constant 3 : i32
      %sub3A_104 = arith.subi %add3A_89, %sub3A_103 : i32
      %ge3A_105 = arith.constant 0 : i32
      %ge3A_106 = arith.cmpi sge, %sub3A_104, %ge3A_105 : i32
      %mul3A_107 = arith.constant 32 : i32
      %mul3A_108 = arith.muli %sub3A_104, %mul3A_107 : i32
      %add3A_109 = arith.addi %add3A, %mul3A_108 : i32
      %lt3A_110 = arith.constant 3125 : i32
      %lt3A_111 = arith.cmpi slt, %add3A_109, %lt3A_110 : i32
      %and3A_112 = arith.andi %ge3A_106, %lt3A_111 : i1
      %convert_element_type3A_113 = arith.extui %and3A_112 : i1 to i32
      %cond3A_114 = arith.constant 0 : i32
      %cond3A_115 = arith.cmpi ne, %convert_element_type3A_113, %cond3A_114 : i32
      scf.if %cond3A_115 {
        %dma_wait3A = arith.constant 0 : i32
        %dma_wait3A_153 = arith.constant 0 : i32
        %dma_wait3A_154 = arith.constant 0 : i32
        %dma_wait3A_155 = tpu.memref_slice %arg21[%dma_wait3A, %dma_wait3A_153, %dma_wait3A_154] : memref<2x320x128xf32, #tpu.memory_space<vmem>> -> memref<1x320x128xf32, #tpu.memory_space<vmem>>
        %dma_wait3A_156 = tpu.memref_squeeze %dma_wait3A_155 : memref<1x320x128xf32, #tpu.memory_space<vmem>> -> memref<320x128xf32, #tpu.memory_space<vmem>>
        %dma_wait3A_157 = arith.constant 0 : i32
        %dma_wait3A_158 = arith.constant 0 : i32
        %dma_wait3A_159 = tpu.memref_slice %arg2[%dma_wait3A_157, %dma_wait3A_158] : memref<100000x128xf32, #tpu.memory_space<hbm>> -> memref<100000x128xf32, #tpu.memory_space<hbm>>
        tpu.wait_indirect_dma semaphore(%arg27 : memref<!tpu.dma_semaphore, #tpu.memory_space<semaphore_mem>>) src(%dma_wait3A_159 : memref<100000x128xf32, #tpu.memory_space<hbm>>) dst(%dma_wait3A_156 : memref<320x128xf32, #tpu.memory_space<vmem>>)
        %scan3A_160 = arith.constant 0 : i32
        %scan3A_161 = arith.constant 0 : i32
        %scan3A_162 = arith.constant 80 : i32
        %scan3A_163 = arith.addi %scan3A_161, %scan3A_162 : i32
        %scan3A_164 = arith.constant 4 : i32
        scf.for %scan3A_185 = %scan3A_161 to %scan3A_163 step %scan3A_164  : i32 {
          %add3A_186 = arith.constant 0 : i32
          %add3A_187 = arith.addi %add3A_186, %scan3A_185 : i32
          %get3A = arith.constant 0 : i32
          %get3A_188 = arith.index_cast %get3A : i32 to index
          %get3A_189 = arith.index_cast %add3A_187 : i32 to index
          %get3A_190 = arith.constant 0 : index
          %get3A_191 = tpu.vector_load %arg21[%get3A_188, %get3A_189, %get3A_190] {strides = array<i32>} : memref<2x320x128xf32, #tpu.memory_space<vmem>>, vector<1x1x16xf32>,
          %get3A_192 = vector.shape_cast %get3A_191 : vector<1x1x16xf32> to vector<16xf32>
          %swap3A = arith.constant 0 : i32
          %swap3A_193 = arith.index_cast %swap3A : i32 to index
          %swap3A_194 = arith.index_cast %scan3A_185 : i32 to index
          %swap3A_195 = arith.constant 0 : index
          %swap3A_196 = tpu.vector_load %arg22[%swap3A_193, %swap3A_194, %swap3A_195] {strides = array<i32>} : memref<2x80x128xf32, #tpu.memory_space<vmem>>, vector<1x1x16xf32>,
          %swap3A_197 = vector.shape_cast %swap3A_196 : vector<1x1x16xf32> to vector<16xf32>
          %swap3A_198 = vector.shape_cast %get3A_192 : vector<16xf32> to vector<1x1x16xf32>
          tpu.vector_store %arg22[%swap3A_193, %swap3A_194, %swap3A_195], %swap3A_198 {strides = array<i32>} : memref<2x80x128xf32, #tpu.memory_space<vmem>>, vector<1x1x16xf32>,
          %add3A_199 = arith.constant 0 : i32
          %add3A_200 = arith.addi %add3A_199, %scan3A_185 : i32
          %get3A_201 = arith.constant 0 : i32
          %get3A_202 = arith.index_cast %get3A_201 : i32 to index
          %get3A_203 = arith.index_cast %add3A_200 : i32 to index
          %get3A_204 = arith.constant 16 : index
          %get3A_205 = tpu.vector_load %arg21[%get3A_202, %get3A_203, %get3A_204] {strides = array<i32>} : memref<2x320x128xf32, #tpu.memory_space<vmem>>, vector<1x1x16xf32>,
          %get3A_206 = vector.shape_cast %get3A_205 : vector<1x1x16xf32> to vector<16xf32>
          %swap3A_207 = arith.constant 0 : i32
          %swap3A_208 = arith.index_cast %swap3A_207 : i32 to index
          %swap3A_209 = arith.index_cast %scan3A_185 : i32 to index
          %swap3A_210 = arith.constant 16 : index
          %swap3A_211 = tpu.vector_load %arg22[%swap3A_208, %swap3A_209, %swap3A_210] {strides = array<i32>} : memref<2x80x128xf32, #tpu.memory_space<vmem>>, vector<1x1x16xf32>,
          %swap3A_212 = vector.shape_cast %swap3A_211 : vector<1x1x16xf32> to vector<16xf32>
          %swap3A_213 = vector.shape_cast %get3A_206 : vector<16xf32> to vector<1x1x16xf32>
          tpu.vector_store %arg22[%swap3A_208, %swap3A_209, %swap3A_210], %swap3A_213 {strides = array<i32>} : memref<2x80x128xf32, #tpu.memory_space<vmem>>, vector<1x1x16xf32>,
          %add3A_214 = arith.constant 80 : i32
          %add3A_215 = arith.addi %add3A_214, %scan3A_185 : i32
          %get3A_216 = arith.constant 0 : i32
          %get3A_217 = arith.index_cast %get3A_216 : i32 to index
          %get3A_218 = arith.index_cast %add3A_215 : i32 to index
          %get3A_219 = arith.constant 0 : index
          %get3A_220 = tpu.vector_load %arg21[%get3A_217, %get3A_218, %get3A_219] {strides = array<i32>} : memref<2x320x128xf32, #tpu.memory_space<vmem>>, vector<1x1x16xf32>,
          %get3A_221 = vector.shape_cast %get3A_220 : vector<1x1x16xf32> to vector<16xf32>
          %swap3A_222 = arith.constant 0 : i32
          %swap3A_223 = arith.index_cast %swap3A_222 : i32 to index
          %swap3A_224 = arith.index_cast %scan3A_185 : i32 to index
          %swap3A_225 = arith.constant 32 : index
          %swap3A_226 = tpu.vector_load %arg22[%swap3A_223, %swap3A_224, %swap3A_225] {strides = array<i32>} : memref<2x80x128xf32, #tpu.memory_space<vmem>>, vector<1x1x16xf32>,
          %swap3A_227 = vector.shape_cast %swap3A_226 : vector<1x1x16xf32> to vector<16xf32>
          %swap3A_228 = vector.shape_cast %get3A_221 : vector<16xf32> to vector<1x1x16xf32>
          tpu.vector_store %arg22[%swap3A_223, %swap3A_224, %swap3A_225], %swap3A_228 {strides = array<i32>} : memref<2x80x128xf32, #tpu.memory_space<vmem>>, vector<1x1x16xf32>,
          %add3A_229 = arith.constant 80 : i32
          %add3A_230 = arith.addi %add3A_229, %scan3A_185 : i32
          %get3A_231 = arith.constant 0 : i32
          %get3A_232 = arith.index_cast %get3A_231 : i32 to index
          %get3A_233 = arith.index_cast %add3A_230 : i32 to index
          %get3A_234 = arith.constant 16 : index
          %get3A_235 = tpu.vector_load %arg21[%get3A_232, %get3A_233, %get3A_234] {strides = array<i32>} : memref<2x320x128xf32, #tpu.memory_space<vmem>>, vector<1x1x16xf32>,
          %get3A_236 = vector.shape_cast %get3A_235 : vector<1x1x16xf32> to vector<16xf32>
          %swap3A_237 = arith.constant 0 : i32
          %swap3A_238 = arith.index_cast %swap3A_237 : i32 to index
          %swap3A_239 = arith.index_cast %scan3A_185 : i32 to index
          %swap3A_240 = arith.constant 48 : index
          %swap3A_241 = tpu.vector_load %arg22[%swap3A_238, %swap3A_239, %swap3A_240] {strides = array<i32>} : memref<2x80x128xf32, #tpu.memory_space<vmem>>, vector<1x1x16xf32>,
          %swap3A_242 = vector.shape_cast %swap3A_241 : vector<1x1x16xf32> to vector<16xf32>
          %swap3A_243 = vector.shape_cast %get3A_236 : vector<16xf32> to vector<1x1x16xf32>
          tpu.vector_store %arg22[%swap3A_238, %swap3A_239, %swap3A_240], %swap3A_243 {strides = array<i32>} : memref<2x80x128xf32, #tpu.memory_space<vmem>>, vector<1x1x16xf32>,
          %add3A_244 = arith.constant 160 : i32
          %add3A_245 = arith.addi %add3A_244, %scan3A_185 : i32
          %get3A_246 = arith.constant 0 : i32
          %get3A_247 = arith.index_cast %get3A_246 : i32 to index
          %get3A_248 = arith.index_cast %add3A_245 : i32 to index
          %get3A_249 = arith.constant 0 : index
          %get3A_250 = tpu.vector_load %arg21[%get3A_247, %get3A_248, %get3A_249] {strides = array<i32>} : memref<2x320x128xf32, #tpu.memory_space<vmem>>, vector<1x1x16xf32>,
          %get3A_251 = vector.shape_cast %get3A_250 : vector<1x1x16xf32> to vector<16xf32>
          %swap3A_252 = arith.constant 0 : i32
          %swap3A_253 = arith.index_cast %swap3A_252 : i32 to index
          %swap3A_254 = arith.index_cast %scan3A_185 : i32 to index
          %swap3A_255 = arith.constant 64 : index
          %swap3A_256 = tpu.vector_load %arg22[%swap3A_253, %swap3A_254, %swap3A_255] {strides = array<i32>} : memref<2x80x128xf32, #tpu.memory_space<vmem>>, vector<1x1x16xf32>,
          %swap3A_257 = vector.shape_cast %swap3A_256 : vector<1x1x16xf32> to vector<16xf32>
          %swap3A_258 = vector.shape_cast %get3A_251 : vector<16xf32> to vector<1x1x16xf32>
          tpu.vector_store %arg22[%swap3A_253, %swap3A_254, %swap3A_255], %swap3A_258 {strides = array<i32>} : memref<2x80x128xf32, #tpu.memory_space<vmem>>, vector<1x1x16xf32>,
          %add3A_259 = arith.constant 160 : i32
          %add3A_260 = arith.addi %add3A_259, %scan3A_185 : i32
          %get3A_261 = arith.constant 0 : i32
          %get3A_262 = arith.index_cast %get3A_261 : i32 to index
          %get3A_263 = arith.index_cast %add3A_260 : i32 to index
          %get3A_264 = arith.constant 16 : index
          %get3A_265 = tpu.vector_load %arg21[%get3A_262, %get3A_263, %get3A_264] {strides = array<i32>} : memref<2x320x128xf32, #tpu.memory_space<vmem>>, vector<1x1x16xf32>,
          %get3A_266 = vector.shape_cast %get3A_265 : vector<1x1x16xf32> to vector<16xf32>
          %swap3A_267 = arith.constant 0 : i32
          %swap3A_268 = arith.index_cast %swap3A_267 : i32 to index
          %swap3A_269 = arith.index_cast %scan3A_185 : i32 to index
          %swap3A_270 = arith.constant 80 : index
          %swap3A_271 = tpu.vector_load %arg22[%swap3A_268, %swap3A_269, %swap3A_270] {strides = array<i32>} : memref<2x80x128xf32, #tpu.memory_space<vmem>>, vector<1x1x16xf32>,
          %swap3A_272 = vector.shape_cast %swap3A_271 : vector<1x1x16xf32> to vector<16xf32>
          %swap3A_273 = vector.shape_cast %get3A_266 : vector<16xf32> to vector<1x1x16xf32>
          tpu.vector_store %arg22[%swap3A_268, %swap3A_269, %swap3A_270], %swap3A_273 {strides = array<i32>} : memref<2x80x128xf32, #tpu.memory_space<vmem>>, vector<1x1x16xf32>,
          %add3A_274 = arith.constant 240 : i32
          %add3A_275 = arith.addi %add3A_274, %scan3A_185 : i32
          %get3A_276 = arith.constant 0 : i32
          %get3A_277 = arith.index_cast %get3A_276 : i32 to index
          %get3A_278 = arith.index_cast %add3A_275 : i32 to index
          %get3A_279 = arith.constant 0 : index
          %get3A_280 = tpu.vector_load %arg21[%get3A_277, %get3A_278, %get3A_279] {strides = array<i32>} : memref<2x320x128xf32, #tpu.memory_space<vmem>>, vector<1x1x16xf32>,
          %get3A_281 = vector.shape_cast %get3A_280 : vector<1x1x16xf32> to vector<16xf32>
          %swap3A_282 = arith.constant 0 : i32
          %swap3A_283 = arith.index_cast %swap3A_282 : i32 to index
          %swap3A_284 = arith.index_cast %scan3A_185 : i32 to index
          %swap3A_285 = arith.constant 96 : index
          %swap3A_286 = tpu.vector_load %arg22[%swap3A_283, %swap3A_284, %swap3A_285] {strides = array<i32>} : memref<2x80x128xf32, #tpu.memory_space<vmem>>, vector<1x1x16xf32>,
          %swap3A_287 = vector.shape_cast %swap3A_286 : vector<1x1x16xf32> to vector<16xf32>
          %swap3A_288 = vector.shape_cast %get3A_281 : vector<16xf32> to vector<1x1x16xf32>
          tpu.vector_store %arg22[%swap3A_283, %swap3A_284, %swap3A_285], %swap3A_288 {strides = array<i32>} : memref<2x80x128xf32, #tpu.memory_space<vmem>>, vector<1x1x16xf32>,
          %add3A_289 = arith.constant 240 : i32
          %add3A_290 = arith.addi %add3A_289, %scan3A_185 : i32
          %get3A_291 = arith.constant 0 : i32
          %get3A_292 = arith.index_cast %get3A_291 : i32 to index
          %get3A_293 = arith.index_cast %add3A_290 : i32 to index
          %get3A_294 = arith.constant 16 : index
          %get3A_295 = tpu.vector_load %arg21[%get3A_292, %get3A_293, %get3A_294] {strides = array<i32>} : memref<2x320x128xf32, #tpu.memory_space<vmem>>, vector<1x1x16xf32>,
          %get3A_296 = vector.shape_cast %get3A_295 : vector<1x1x16xf32> to vector<16xf32>
          %swap3A_297 = arith.constant 0 : i32
          %swap3A_298 = arith.index_cast %swap3A_297 : i32 to index
          %swap3A_299 = arith.index_cast %scan3A_185 : i32 to index
          %swap3A_300 = arith.constant 112 : index
          %swap3A_301 = tpu.vector_load %arg22[%swap3A_298, %swap3A_299, %swap3A_300] {strides = array<i32>} : memref<2x80x128xf32, #tpu.memory_space<vmem>>, vector<1x1x16xf32>,
          %swap3A_302 = vector.shape_cast %swap3A_301 : vector<1x1x16xf32> to vector<16xf32>
          %swap3A_303 = vector.shape_cast %get3A_296 : vector<16xf32> to vector<1x1x16xf32>
          tpu.vector_store %arg22[%swap3A_298, %swap3A_299, %swap3A_300], %swap3A_303 {strides = array<i32>} : memref<2x80x128xf32, #tpu.memory_space<vmem>>, vector<1x1x16xf32>,
          %scan3A_304 = arith.constant 1 : i32
          %scan3A_305 = arith.addi %scan3A_185, %scan3A_304 : i32
          %add3A_306 = arith.constant 0 : i32
          %add3A_307 = arith.addi %add3A_306, %scan3A_305 : i32
          %get3A_308 = arith.constant 0 : i32
          %get3A_309 = arith.index_cast %get3A_308 : i32 to index
          %get3A_310 = arith.index_cast %add3A_307 : i32 to index
          %get3A_311 = arith.constant 0 : index
          %get3A_312 = tpu.vector_load %arg21[%get3A_309, %get3A_310, %get3A_311] {strides = array<i32>} : memref<2x320x128xf32, #tpu.memory_space<vmem>>, vector<1x1x16xf32>,
          %get3A_313 = vector.shape_cast %get3A_312 : vector<1x1x16xf32> to vector<16xf32>
          %swap3A_314 = arith.constant 0 : i32
          %swap3A_315 = arith.index_cast %swap3A_314 : i32 to index
          %swap3A_316 = arith.index_cast %scan3A_305 : i32 to index
          %swap3A_317 = arith.constant 0 : index
          %swap3A_318 = tpu.vector_load %arg22[%swap3A_315, %swap3A_316, %swap3A_317] {strides = array<i32>} : memref<2x80x128xf32, #tpu.memory_space<vmem>>, vector<1x1x16xf32>,
          %swap3A_319 = vector.shape_cast %swap3A_318 : vector<1x1x16xf32> to vector<16xf32>
          %swap3A_320 = vector.shape_cast %get3A_313 : vector<16xf32> to vector<1x1x16xf32>
          tpu.vector_store %arg22[%swap3A_315, %swap3A_316, %swap3A_317], %swap3A_320 {strides = array<i32>} : memref<2x80x128xf32, #tpu.memory_space<vmem>>, vector<1x1x16xf32>,
          %add3A_321 = arith.constant 0 : i32
          %add3A_322 = arith.addi %add3A_321, %scan3A_305 : i32
          %get3A_323 = arith.constant 0 : i32
          %get3A_324 = arith.index_cast %get3A_323 : i32 to index
          %get3A_325 = arith.index_cast %add3A_322 : i32 to index
          %get3A_326 = arith.constant 16 : index
          %get3A_327 = tpu.vector_load %arg21[%get3A_324, %get3A_325, %get3A_326] {strides = array<i32>} : memref<2x320x128xf32, #tpu.memory_space<vmem>>, vector<1x1x16xf32>,
          %get3A_328 = vector.shape_cast %get3A_327 : vector<1x1x16xf32> to vector<16xf32>
          %swap3A_329 = arith.constant 0 : i32
          %swap3A_330 = arith.index_cast %swap3A_329 : i32 to index
          %swap3A_331 = arith.index_cast %scan3A_305 : i32 to index
          %swap3A_332 = arith.constant 16 : index
          %swap3A_333 = tpu.vector_load %arg22[%swap3A_330, %swap3A_331, %swap3A_332] {strides = array<i32>} : memref<2x80x128xf32, #tpu.memory_space<vmem>>, vector<1x1x16xf32>,
          %swap3A_334 = vector.shape_cast %swap3A_333 : vector<1x1x16xf32> to vector<16xf32>
          %swap3A_335 = vector.shape_cast %get3A_328 : vector<16xf32> to vector<1x1x16xf32>
          tpu.vector_store %arg22[%swap3A_330, %swap3A_331, %swap3A_332], %swap3A_335 {strides = array<i32>} : memref<2x80x128xf32, #tpu.memory_space<vmem>>, vector<1x1x16xf32>,
          %add3A_336 = arith.constant 80 : i32
          %add3A_337 = arith.addi %add3A_336, %scan3A_305 : i32
          %get3A_338 = arith.constant 0 : i32
          %get3A_339 = arith.index_cast %get3A_338 : i32 to index
          %get3A_340 = arith.index_cast %add3A_337 : i32 to index
          %get3A_341 = arith.constant 0 : index
          %get3A_342 = tpu.vector_load %arg21[%get3A_339, %get3A_340, %get3A_341] {strides = array<i32>} : memref<2x320x128xf32, #tpu.memory_space<vmem>>, vector<1x1x16xf32>,
          %get3A_343 = vector.shape_cast %get3A_342 : vector<1x1x16xf32> to vector<16xf32>
          %swap3A_344 = arith.constant 0 : i32
          %swap3A_345 = arith.index_cast %swap3A_344 : i32 to index
          %swap3A_346 = arith.index_cast %scan3A_305 : i32 to index
          %swap3A_347 = arith.constant 32 : index
          %swap3A_348 = tpu.vector_load %arg22[%swap3A_345, %swap3A_346, %swap3A_347] {strides = array<i32>} : memref<2x80x128xf32, #tpu.memory_space<vmem>>, vector<1x1x16xf32>,
          %swap3A_349 = vector.shape_cast %swap3A_348 : vector<1x1x16xf32> to vector<16xf32>
          %swap3A_350 = vector.shape_cast %get3A_343 : vector<16xf32> to vector<1x1x16xf32>
          tpu.vector_store %arg22[%swap3A_345, %swap3A_346, %swap3A_347], %swap3A_350 {strides = array<i32>} : memref<2x80x128xf32, #tpu.memory_space<vmem>>, vector<1x1x16xf32>,
          %add3A_351 = arith.constant 80 : i32
          %add3A_352 = arith.addi %add3A_351, %scan3A_305 : i32
          %get3A_353 = arith.constant 0 : i32
          %get3A_354 = arith.index_cast %get3A_353 : i32 to index
          %get3A_355 = arith.index_cast %add3A_352 : i32 to index
          %get3A_356 = arith.constant 16 : index
          %get3A_357 = tpu.vector_load %arg21[%get3A_354, %get3A_355, %get3A_356] {strides = array<i32>} : memref<2x320x128xf32, #tpu.memory_space<vmem>>, vector<1x1x16xf32>,
          %get3A_358 = vector.shape_cast %get3A_357 : vector<1x1x16xf32> to vector<16xf32>
          %swap3A_359 = arith.constant 0 : i32
          %swap3A_360 = arith.index_cast %swap3A_359 : i32 to index
          %swap3A_361 = arith.index_cast %scan3A_305 : i32 to index
          %swap3A_362 = arith.constant 48 : index
          %swap3A_363 = tpu.vector_load %arg22[%swap3A_360, %swap3A_361, %swap3A_362] {strides = array<i32>} : memref<2x80x128xf32, #tpu.memory_space<vmem>>, vector<1x1x16xf32>,
          %swap3A_364 = vector.shape_cast %swap3A_363 : vector<1x1x16xf32> to vector<16xf32>
          %swap3A_365 = vector.shape_cast %get3A_358 : vector<16xf32> to vector<1x1x16xf32>
          tpu.vector_store %arg22[%swap3A_360, %swap3A_361, %swap3A_362], %swap3A_365 {strides = array<i32>} : memref<2x80x128xf32, #tpu.memory_space<vmem>>, vector<1x1x16xf32>,
          %add3A_366 = arith.constant 160 : i32
          %add3A_367 = arith.addi %add3A_366, %scan3A_305 : i32
          %get3A_368 = arith.constant 0 : i32
          %get3A_369 = arith.index_cast %get3A_368 : i32 to index
          %get3A_370 = arith.index_cast %add3A_367 : i32 to index
          %get3A_371 = arith.constant 0 : index
          %get3A_372 = tpu.vector_load %arg21[%get3A_369, %get3A_370, %get3A_371] {strides = array<i32>} : memref<2x320x128xf32, #tpu.memory_space<vmem>>, vector<1x1x16xf32>,
          %get3A_373 = vector.shape_cast %get3A_372 : vector<1x1x16xf32> to vector<16xf32>
          %swap3A_374 = arith.constant 0 : i32
          %swap3A_375 = arith.index_cast %swap3A_374 : i32 to index
          %swap3A_376 = arith.index_cast %scan3A_305 : i32 to index
          %swap3A_377 = arith.constant 64 : index
          %swap3A_378 = tpu.vector_load %arg22[%swap3A_375, %swap3A_376, %swap3A_377] {strides = array<i32>} : memref<2x80x128xf32, #tpu.memory_space<vmem>>, vector<1x1x16xf32>,
          %swap3A_379 = vector.shape_cast %swap3A_378 : vector<1x1x16xf32> to vector<16xf32>
          %swap3A_380 = vector.shape_cast %get3A_373 : vector<16xf32> to vector<1x1x16xf32>
          tpu.vector_store %arg22[%swap3A_375, %swap3A_376, %swap3A_377], %swap3A_380 {strides = array<i32>} : memref<2x80x128xf32, #tpu.memory_space<vmem>>, vector<1x1x16xf32>,
          %add3A_381 = arith.constant 160 : i32
          %add3A_382 = arith.addi %add3A_381, %scan3A_305 : i32
          %get3A_383 = arith.constant 0 : i32
          %get3A_384 = arith.index_cast %get3A_383 : i32 to index
          %get3A_385 = arith.index_cast %add3A_382 : i32 to index
          %get3A_386 = arith.constant 16 : index
          %get3A_387 = tpu.vector_load %arg21[%get3A_384, %get3A_385, %get3A_386] {strides = array<i32>} : memref<2x320x128xf32, #tpu.memory_space<vmem>>, vector<1x1x16xf32>,
          %get3A_388 = vector.shape_cast %get3A_387 : vector<1x1x16xf32> to vector<16xf32>
          %swap3A_389 = arith.constant 0 : i32
          %swap3A_390 = arith.index_cast %swap3A_389 : i32 to index
          %swap3A_391 = arith.index_cast %scan3A_305 : i32 to index
          %swap3A_392 = arith.constant 80 : index
          %swap3A_393 = tpu.vector_load %arg22[%swap3A_390, %swap3A_391, %swap3A_392] {strides = array<i32>} : memref<2x80x128xf32, #tpu.memory_space<vmem>>, vector<1x1x16xf32>,
          %swap3A_394 = vector.shape_cast %swap3A_393 : vector<1x1x16xf32> to vector<16xf32>
          %swap3A_395 = vector.shape_cast %get3A_388 : vector<16xf32> to vector<1x1x16xf32>
          tpu.vector_store %arg22[%swap3A_390, %swap3A_391, %swap3A_392], %swap3A_395 {strides = array<i32>} : memref<2x80x128xf32, #tpu.memory_space<vmem>>, vector<1x1x16xf32>,
          %add3A_396 = arith.constant 240 : i32
          %add3A_397 = arith.addi %add3A_396, %scan3A_305 : i32
          %get3A_398 = arith.constant 0 : i32
          %get3A_399 = arith.index_cast %get3A_398 : i32 to index
          %get3A_400 = arith.index_cast %add3A_397 : i32 to index
          %get3A_401 = arith.constant 0 : index
          %get3A_402 = tpu.vector_load %arg21[%get3A_399, %get3A_400, %get3A_401] {strides = array<i32>} : memref<2x320x128xf32, #tpu.memory_space<vmem>>, vector<1x1x16xf32>,
          %get3A_403 = vector.shape_cast %get3A_402 : vector<1x1x16xf32> to vector<16xf32>
          %swap3A_404 = arith.constant 0 : i32
          %swap3A_405 = arith.index_cast %swap3A_404 : i32 to index
          %swap3A_406 = arith.index_cast %scan3A_305 : i32 to index
          %swap3A_407 = arith.constant 96 : index
          %swap3A_408 = tpu.vector_load %arg22[%swap3A_405, %swap3A_406, %swap3A_407] {strides = array<i32>} : memref<2x80x128xf32, #tpu.memory_space<vmem>>, vector<1x1x16xf32>,
          %swap3A_409 = vector.shape_cast %swap3A_408 : vector<1x1x16xf32> to vector<16xf32>
          %swap3A_410 = vector.shape_cast %get3A_403 : vector<16xf32> to vector<1x1x16xf32>
          tpu.vector_store %arg22[%swap3A_405, %swap3A_406, %swap3A_407], %swap3A_410 {strides = array<i32>} : memref<2x80x128xf32, #tpu.memory_space<vmem>>, vector<1x1x16xf32>,
          %add3A_411 = arith.constant 240 : i32
          %add3A_412 = arith.addi %add3A_411, %scan3A_305 : i32
          %get3A_413 = arith.constant 0 : i32
          %get3A_414 = arith.index_cast %get3A_413 : i32 to index
          %get3A_415 = arith.index_cast %add3A_412 : i32 to index
          %get3A_416 = arith.constant 16 : index
          %get3A_417 = tpu.vector_load %arg21[%get3A_414, %get3A_415, %get3A_416] {strides = array<i32>} : memref<2x320x128xf32, #tpu.memory_space<vmem>>, vector<1x1x16xf32>,
          %get3A_418 = vector.shape_cast %get3A_417 : vector<1x1x16xf32> to vector<16xf32>
          %swap3A_419 = arith.constant 0 : i32
          %swap3A_420 = arith.index_cast %swap3A_419 : i32 to index
          %swap3A_421 = arith.index_cast %scan3A_305 : i32 to index
          %swap3A_422 = arith.constant 112 : index
          %swap3A_423 = tpu.vector_load %arg22[%swap3A_420, %swap3A_421, %swap3A_422] {strides = array<i32>} : memref<2x80x128xf32, #tpu.memory_space<vmem>>, vector<1x1x16xf32>,
          %swap3A_424 = vector.shape_cast %swap3A_423 : vector<1x1x16xf32> to vector<16xf32>
          %swap3A_425 = vector.shape_cast %get3A_418 : vector<16xf32> to vector<1x1x16xf32>
          tpu.vector_store %arg22[%swap3A_420, %swap3A_421, %swap3A_422], %swap3A_425 {strides = array<i32>} : memref<2x80x128xf32, #tpu.memory_space<vmem>>, vector<1x1x16xf32>,
          %scan3A_426 = arith.constant 2 : i32
          %scan3A_427 = arith.addi %scan3A_185, %scan3A_426 : i32
          %add3A_428 = arith.constant 0 : i32
          %add3A_429 = arith.addi %add3A_428, %scan3A_427 : i32
          %get3A_430 = arith.constant 0 : i32
          %get3A_431 = arith.index_cast %get3A_430 : i32 to index
          %get3A_432 = arith.index_cast %add3A_429 : i32 to index
          %get3A_433 = arith.constant 0 : index
          %get3A_434 = tpu.vector_load %arg21[%get3A_431, %get3A_432, %get3A_433] {strides = array<i32>} : memref<2x320x128xf32, #tpu.memory_space<vmem>>, vector<1x1x16xf32>,
          %get3A_435 = vector.shape_cast %get3A_434 : vector<1x1x16xf32> to vector<16xf32>
          %swap3A_436 = arith.constant 0 : i32
          %swap3A_437 = arith.index_cast %swap3A_436 : i32 to index
          %swap3A_438 = arith.index_cast %scan3A_427 : i32 to index
          %swap3A_439 = arith.constant 0 : index
          %swap3A_440 = tpu.vector_load %arg22[%swap3A_437, %swap3A_438, %swap3A_439] {strides = array<i32>} : memref<2x80x128xf32, #tpu.memory_space<vmem>>, vector<1x1x16xf32>,
          %swap3A_441 = vector.shape_cast %swap3A_440 : vector<1x1x16xf32> to vector<16xf32>
          %swap3A_442 = vector.shape_cast %get3A_435 : vector<16xf32> to vector<1x1x16xf32>
          tpu.vector_store %arg22[%swap3A_437, %swap3A_438, %swap3A_439], %swap3A_442 {strides = array<i32>} : memref<2x80x128xf32, #tpu.memory_space<vmem>>, vector<1x1x16xf32>,
          %add3A_443 = arith.constant 0 : i32
          %add3A_444 = arith.addi %add3A_443, %scan3A_427 : i32
          %get3A_445 = arith.constant 0 : i32
          %get3A_446 = arith.index_cast %get3A_445 : i32 to index
          %get3A_447 = arith.index_cast %add3A_444 : i32 to index
          %get3A_448 = arith.constant 16 : index
          %get3A_449 = tpu.vector_load %arg21[%get3A_446, %get3A_447, %get3A_448] {strides = array<i32>} : memref<2x320x128xf32, #tpu.memory_space<vmem>>, vector<1x1x16xf32>,
          %get3A_450 = vector.shape_cast %get3A_449 : vector<1x1x16xf32> to vector<16xf32>
          %swap3A_451 = arith.constant 0 : i32
          %swap3A_452 = arith.index_cast %swap3A_451 : i32 to index
          %swap3A_453 = arith.index_cast %scan3A_427 : i32 to index
          %swap3A_454 = arith.constant 16 : index
          %swap3A_455 = tpu.vector_load %arg22[%swap3A_452, %swap3A_453, %swap3A_454] {strides = array<i32>} : memref<2x80x128xf32, #tpu.memory_space<vmem>>, vector<1x1x16xf32>,
          %swap3A_456 = vector.shape_cast %swap3A_455 : vector<1x1x16xf32> to vector<16xf32>
          %swap3A_457 = vector.shape_cast %get3A_450 : vector<16xf32> to vector<1x1x16xf32>
          tpu.vector_store %arg22[%swap3A_452, %swap3A_453, %swap3A_454], %swap3A_457 {strides = array<i32>} : memref<2x80x128xf32, #tpu.memory_space<vmem>>, vector<1x1x16xf32>,
          %add3A_458 = arith.constant 80 : i32
          %add3A_459 = arith.addi %add3A_458, %scan3A_427 : i32
          %get3A_460 = arith.constant 0 : i32
          %get3A_461 = arith.index_cast %get3A_460 : i32 to index
          %get3A_462 = arith.index_cast %add3A_459 : i32 to index
          %get3A_463 = arith.constant 0 : index
          %get3A_464 = tpu.vector_load %arg21[%get3A_461, %get3A_462, %get3A_463] {strides = array<i32>} : memref<2x320x128xf32, #tpu.memory_space<vmem>>, vector<1x1x16xf32>,
          %get3A_465 = vector.shape_cast %get3A_464 : vector<1x1x16xf32> to vector<16xf32>
          %swap3A_466 = arith.constant 0 : i32
          %swap3A_467 = arith.index_cast %swap3A_466 : i32 to index
          %swap3A_468 = arith.index_cast %scan3A_427 : i32 to index
          %swap3A_469 = arith.constant 32 : index
          %swap3A_470 = tpu.vector_load %arg22[%swap3A_467, %swap3A_468, %swap3A_469] {strides = array<i32>} : memref<2x80x128xf32, #tpu.memory_space<vmem>>, vector<1x1x16xf32>,
          %swap3A_471 = vector.shape_cast %swap3A_470 : vector<1x1x16xf32> to vector<16xf32>
          %swap3A_472 = vector.shape_cast %get3A_465 : vector<16xf32> to vector<1x1x16xf32>
          tpu.vector_store %arg22[%swap3A_467, %swap3A_468, %swap3A_469], %swap3A_472 {strides = array<i32>} : memref<2x80x128xf32, #tpu.memory_space<vmem>>, vector<1x1x16xf32>,
          %add3A_473 = arith.constant 80 : i32
          %add3A_474 = arith.addi %add3A_473, %scan3A_427 : i32
          %get3A_475 = arith.constant 0 : i32
          %get3A_476 = arith.index_cast %get3A_475 : i32 to index
          %get3A_477 = arith.index_cast %add3A_474 : i32 to index
          %get3A_478 = arith.constant 16 : index
          %get3A_479 = tpu.vector_load %arg21[%get3A_476, %get3A_477, %get3A_478] {strides = array<i32>} : memref<2x320x128xf32, #tpu.memory_space<vmem>>, vector<1x1x16xf32>,
          %get3A_480 = vector.shape_cast %get3A_479 : vector<1x1x16xf32> to vector<16xf32>
          %swap3A_481 = arith.constant 0 : i32
          %swap3A_482 = arith.index_cast %swap3A_481 : i32 to index
          %swap3A_483 = arith.index_cast %scan3A_427 : i32 to index
          %swap3A_484 = arith.constant 48 : index
          %swap3A_485 = tpu.vector_load %arg22[%swap3A_482, %swap3A_483, %swap3A_484] {strides = array<i32>} : memref<2x80x128xf32, #tpu.memory_space<vmem>>, vector<1x1x16xf32>,
          %swap3A_486 = vector.shape_cast %swap3A_485 : vector<1x1x16xf32> to vector<16xf32>
          %swap3A_487 = vector.shape_cast %get3A_480 : vector<16xf32> to vector<1x1x16xf32>
          tpu.vector_store %arg22[%swap3A_482, %swap3A_483, %swap3A_484], %swap3A_487 {strides = array<i32>} : memref<2x80x128xf32, #tpu.memory_space<vmem>>, vector<1x1x16xf32>,
          %add3A_488 = arith.constant 160 : i32
          %add3A_489 = arith.addi %add3A_488, %scan3A_427 : i32
          %get3A_490 = arith.constant 0 : i32
          %get3A_491 = arith.index_cast %get3A_490 : i32 to index
          %get3A_492 = arith.index_cast %add3A_489 : i32 to index
          %get3A_493 = arith.constant 0 : index
          %get3A_494 = tpu.vector_load %arg21[%get3A_491, %get3A_492, %get3A_493] {strides = array<i32>} : memref<2x320x128xf32, #tpu.memory_space<vmem>>, vector<1x1x16xf32>,
          %get3A_495 = vector.shape_cast %get3A_494 : vector<1x1x16xf32> to vector<16xf32>
          %swap3A_496 = arith.constant 0 : i32
          %swap3A_497 = arith.index_cast %swap3A_496 : i32 to index
          %swap3A_498 = arith.index_cast %scan3A_427 : i32 to index
          %swap3A_499 = arith.constant 64 : index
          %swap3A_500 = tpu.vector_load %arg22[%swap3A_497, %swap3A_498, %swap3A_499] {strides = array<i32>} : memref<2x80x128xf32, #tpu.memory_space<vmem>>, vector<1x1x16xf32>,
          %swap3A_501 = vector.shape_cast %swap3A_500 : vector<1x1x16xf32> to vector<16xf32>
          %swap3A_502 = vector.shape_cast %get3A_495 : vector<16xf32> to vector<1x1x16xf32>
          tpu.vector_store %arg22[%swap3A_497, %swap3A_498, %swap3A_499], %swap3A_502 {strides = array<i32>} : memref<2x80x128xf32, #tpu.memory_space<vmem>>, vector<1x1x16xf32>,
          %add3A_503 = arith.constant 160 : i32
          %add3A_504 = arith.addi %add3A_503, %scan3A_427 : i32
          %get3A_505 = arith.constant 0 : i32
          %get3A_506 = arith.index_cast %get3A_505 : i32 to index
          %get3A_507 = arith.index_cast %add3A_504 : i32 to index
          %get3A_508 = arith.constant 16 : index
          %get3A_509 = tpu.vector_load %arg21[%get3A_506, %get3A_507, %get3A_508] {strides = array<i32>} : memref<2x320x128xf32, #tpu.memory_space<vmem>>, vector<1x1x16xf32>,
          %get3A_510 = vector.shape_cast %get3A_509 : vector<1x1x16xf32> to vector<16xf32>
          %swap3A_511 = arith.constant 0 : i32
          %swap3A_512 = arith.index_cast %swap3A_511 : i32 to index
          %swap3A_513 = arith.index_cast %scan3A_427 : i32 to index
          %swap3A_514 = arith.constant 80 : index
          %swap3A_515 = tpu.vector_load %arg22[%swap3A_512, %swap3A_513, %swap3A_514] {strides = array<i32>} : memref<2x80x128xf32, #tpu.memory_space<vmem>>, vector<1x1x16xf32>,
          %swap3A_516 = vector.shape_cast %swap3A_515 : vector<1x1x16xf32> to vector<16xf32>
          %swap3A_517 = vector.shape_cast %get3A_510 : vector<16xf32> to vector<1x1x16xf32>
          tpu.vector_store %arg22[%swap3A_512, %swap3A_513, %swap3A_514], %swap3A_517 {strides = array<i32>} : memref<2x80x128xf32, #tpu.memory_space<vmem>>, vector<1x1x16xf32>,
          %add3A_518 = arith.constant 240 : i32
          %add3A_519 = arith.addi %add3A_518, %scan3A_427 : i32
          %get3A_520 = arith.constant 0 : i32
          %get3A_521 = arith.index_cast %get3A_520 : i32 to index
          %get3A_522 = arith.index_cast %add3A_519 : i32 to index
          %get3A_523 = arith.constant 0 : index
          %get3A_524 = tpu.vector_load %arg21[%get3A_521, %get3A_522, %get3A_523] {strides = array<i32>} : memref<2x320x128xf32, #tpu.memory_space<vmem>>, vector<1x1x16xf32>,
          %get3A_525 = vector.shape_cast %get3A_524 : vector<1x1x16xf32> to vector<16xf32>
          %swap3A_526 = arith.constant 0 : i32
          %swap3A_527 = arith.index_cast %swap3A_526 : i32 to index
          %swap3A_528 = arith.index_cast %scan3A_427 : i32 to index
          %swap3A_529 = arith.constant 96 : index
          %swap3A_530 = tpu.vector_load %arg22[%swap3A_527, %swap3A_528, %swap3A_529] {strides = array<i32>} : memref<2x80x128xf32, #tpu.memory_space<vmem>>, vector<1x1x16xf32>,
          %swap3A_531 = vector.shape_cast %swap3A_530 : vector<1x1x16xf32> to vector<16xf32>
          %swap3A_532 = vector.shape_cast %get3A_525 : vector<16xf32> to vector<1x1x16xf32>
          tpu.vector_store %arg22[%swap3A_527, %swap3A_528, %swap3A_529], %swap3A_532 {strides = array<i32>} : memref<2x80x128xf32, #tpu.memory_space<vmem>>, vector<1x1x16xf32>,
          %add3A_533 = arith.constant 240 : i32
          %add3A_534 = arith.addi %add3A_533, %scan3A_427 : i32
          %get3A_535 = arith.constant 0 : i32
          %get3A_536 = arith.index_cast %get3A_535 : i32 to index
          %get3A_537 = arith.index_cast %add3A_534 : i32 to index
          %get3A_538 = arith.constant 16 : index
          %get3A_539 = tpu.vector_load %arg21[%get3A_536, %get3A_537, %get3A_538] {strides = array<i32>} : memref<2x320x128xf32, #tpu.memory_space<vmem>>, vector<1x1x16xf32>,
          %get3A_540 = vector.shape_cast %get3A_539 : vector<1x1x16xf32> to vector<16xf32>
          %swap3A_541 = arith.constant 0 : i32
          %swap3A_542 = arith.index_cast %swap3A_541 : i32 to index
          %swap3A_543 = arith.index_cast %scan3A_427 : i32 to index
          %swap3A_544 = arith.constant 112 : index
          %swap3A_545 = tpu.vector_load %arg22[%swap3A_542, %swap3A_543, %swap3A_544] {strides = array<i32>} : memref<2x80x128xf32, #tpu.memory_space<vmem>>, vector<1x1x16xf32>,
          %swap3A_546 = vector.shape_cast %swap3A_545 : vector<1x1x16xf32> to vector<16xf32>
          %swap3A_547 = vector.shape_cast %get3A_540 : vector<16xf32> to vector<1x1x16xf32>
          tpu.vector_store %arg22[%swap3A_542, %swap3A_543, %swap3A_544], %swap3A_547 {strides = array<i32>} : memref<2x80x128xf32, #tpu.memory_space<vmem>>, vector<1x1x16xf32>,
          %scan3A_548 = arith.constant 3 : i32
          %scan3A_549 = arith.addi %scan3A_185, %scan3A_548 : i32
          %add3A_550 = arith.constant 0 : i32
          %add3A_551 = arith.addi %add3A_550, %scan3A_549 : i32
          %get3A_552 = arith.constant 0 : i32
          %get3A_553 = arith.index_cast %get3A_552 : i32 to index
          %get3A_554 = arith.index_cast %add3A_551 : i32 to index
          %get3A_555 = arith.constant 0 : index
          %get3A_556 = tpu.vector_load %arg21[%get3A_553, %get3A_554, %get3A_555] {strides = array<i32>} : memref<2x320x128xf32, #tpu.memory_space<vmem>>, vector<1x1x16xf32>,
          %get3A_557 = vector.shape_cast %get3A_556 : vector<1x1x16xf32> to vector<16xf32>
          %swap3A_558 = arith.constant 0 : i32
          %swap3A_559 = arith.index_cast %swap3A_558 : i32 to index
          %swap3A_560 = arith.index_cast %scan3A_549 : i32 to index
          %swap3A_561 = arith.constant 0 : index
          %swap3A_562 = tpu.vector_load %arg22[%swap3A_559, %swap3A_560, %swap3A_561] {strides = array<i32>} : memref<2x80x128xf32, #tpu.memory_space<vmem>>, vector<1x1x16xf32>,
          %swap3A_563 = vector.shape_cast %swap3A_562 : vector<1x1x16xf32> to vector<16xf32>
          %swap3A_564 = vector.shape_cast %get3A_557 : vector<16xf32> to vector<1x1x16xf32>
          tpu.vector_store %arg22[%swap3A_559, %swap3A_560, %swap3A_561], %swap3A_564 {strides = array<i32>} : memref<2x80x128xf32, #tpu.memory_space<vmem>>, vector<1x1x16xf32>,
          %add3A_565 = arith.constant 0 : i32
          %add3A_566 = arith.addi %add3A_565, %scan3A_549 : i32
          %get3A_567 = arith.constant 0 : i32
          %get3A_568 = arith.index_cast %get3A_567 : i32 to index
          %get3A_569 = arith.index_cast %add3A_566 : i32 to index
          %get3A_570 = arith.constant 16 : index
          %get3A_571 = tpu.vector_load %arg21[%get3A_568, %get3A_569, %get3A_570] {strides = array<i32>} : memref<2x320x128xf32, #tpu.memory_space<vmem>>, vector<1x1x16xf32>,
          %get3A_572 = vector.shape_cast %get3A_571 : vector<1x1x16xf32> to vector<16xf32>
          %swap3A_573 = arith.constant 0 : i32
          %swap3A_574 = arith.index_cast %swap3A_573 : i32 to index
          %swap3A_575 = arith.index_cast %scan3A_549 : i32 to index
          %swap3A_576 = arith.constant 16 : index
          %swap3A_577 = tpu.vector_load %arg22[%swap3A_574, %swap3A_575, %swap3A_576] {strides = array<i32>} : memref<2x80x128xf32, #tpu.memory_space<vmem>>, vector<1x1x16xf32>,
          %swap3A_578 = vector.shape_cast %swap3A_577 : vector<1x1x16xf32> to vector<16xf32>
          %swap3A_579 = vector.shape_cast %get3A_572 : vector<16xf32> to vector<1x1x16xf32>
          tpu.vector_store %arg22[%swap3A_574, %swap3A_575, %swap3A_576], %swap3A_579 {strides = array<i32>} : memref<2x80x128xf32, #tpu.memory_space<vmem>>, vector<1x1x16xf32>,
          %add3A_580 = arith.constant 80 : i32
          %add3A_581 = arith.addi %add3A_580, %scan3A_549 : i32
          %get3A_582 = arith.constant 0 : i32
          %get3A_583 = arith.index_cast %get3A_582 : i32 to index
          %get3A_584 = arith.index_cast %add3A_581 : i32 to index
          %get3A_585 = arith.constant 0 : index
          %get3A_586 = tpu.vector_load %arg21[%get3A_583, %get3A_584, %get3A_585] {strides = array<i32>} : memref<2x320x128xf32, #tpu.memory_space<vmem>>, vector<1x1x16xf32>,
          %get3A_587 = vector.shape_cast %get3A_586 : vector<1x1x16xf32> to vector<16xf32>
          %swap3A_588 = arith.constant 0 : i32
          %swap3A_589 = arith.index_cast %swap3A_588 : i32 to index
          %swap3A_590 = arith.index_cast %scan3A_549 : i32 to index
          %swap3A_591 = arith.constant 32 : index
          %swap3A_592 = tpu.vector_load %arg22[%swap3A_589, %swap3A_590, %swap3A_591] {strides = array<i32>} : memref<2x80x128xf32, #tpu.memory_space<vmem>>, vector<1x1x16xf32>,
          %swap3A_593 = vector.shape_cast %swap3A_592 : vector<1x1x16xf32> to vector<16xf32>
          %swap3A_594 = vector.shape_cast %get3A_587 : vector<16xf32> to vector<1x1x16xf32>
          tpu.vector_store %arg22[%swap3A_589, %swap3A_590, %swap3A_591], %swap3A_594 {strides = array<i32>} : memref<2x80x128xf32, #tpu.memory_space<vmem>>, vector<1x1x16xf32>,
          %add3A_595 = arith.constant 80 : i32
          %add3A_596 = arith.addi %add3A_595, %scan3A_549 : i32
          %get3A_597 = arith.constant 0 : i32
          %get3A_598 = arith.index_cast %get3A_597 : i32 to index
          %get3A_599 = arith.index_cast %add3A_596 : i32 to index
          %get3A_600 = arith.constant 16 : index
          %get3A_601 = tpu.vector_load %arg21[%get3A_598, %get3A_599, %get3A_600] {strides = array<i32>} : memref<2x320x128xf32, #tpu.memory_space<vmem>>, vector<1x1x16xf32>,
          %get3A_602 = vector.shape_cast %get3A_601 : vector<1x1x16xf32> to vector<16xf32>
          %swap3A_603 = arith.constant 0 : i32
          %swap3A_604 = arith.index_cast %swap3A_603 : i32 to index
          %swap3A_605 = arith.index_cast %scan3A_549 : i32 to index
          %swap3A_606 = arith.constant 48 : index
          %swap3A_607 = tpu.vector_load %arg22[%swap3A_604, %swap3A_605, %swap3A_606] {strides = array<i32>} : memref<2x80x128xf32, #tpu.memory_space<vmem>>, vector<1x1x16xf32>,
          %swap3A_608 = vector.shape_cast %swap3A_607 : vector<1x1x16xf32> to vector<16xf32>
          %swap3A_609 = vector.shape_cast %get3A_602 : vector<16xf32> to vector<1x1x16xf32>
          tpu.vector_store %arg22[%swap3A_604, %swap3A_605, %swap3A_606], %swap3A_609 {strides = array<i32>} : memref<2x80x128xf32, #tpu.memory_space<vmem>>, vector<1x1x16xf32>,
          %add3A_610 = arith.constant 160 : i32
          %add3A_611 = arith.addi %add3A_610, %scan3A_549 : i32
          %get3A_612 = arith.constant 0 : i32
          %get3A_613 = arith.index_cast %get3A_612 : i32 to index
          %get3A_614 = arith.index_cast %add3A_611 : i32 to index
          %get3A_615 = arith.constant 0 : index
          %get3A_616 = tpu.vector_load %arg21[%get3A_613, %get3A_614, %get3A_615] {strides = array<i32>} : memref<2x320x128xf32, #tpu.memory_space<vmem>>, vector<1x1x16xf32>,
          %get3A_617 = vector.shape_cast %get3A_616 : vector<1x1x16xf32> to vector<16xf32>
          %swap3A_618 = arith.constant 0 : i32
          %swap3A_619 = arith.index_cast %swap3A_618 : i32 to index
          %swap3A_620 = arith.index_cast %scan3A_549 : i32 to index
          %swap3A_621 = arith.constant 64 : index
          %swap3A_622 = tpu.vector_load %arg22[%swap3A_619, %swap3A_620, %swap3A_621] {strides = array<i32>} : memref<2x80x128xf32, #tpu.memory_space<vmem>>, vector<1x1x16xf32>,
          %swap3A_623 = vector.shape_cast %swap3A_622 : vector<1x1x16xf32> to vector<16xf32>
          %swap3A_624 = vector.shape_cast %get3A_617 : vector<16xf32> to vector<1x1x16xf32>
          tpu.vector_store %arg22[%swap3A_619, %swap3A_620, %swap3A_621], %swap3A_624 {strides = array<i32>} : memref<2x80x128xf32, #tpu.memory_space<vmem>>, vector<1x1x16xf32>,
          %add3A_625 = arith.constant 160 : i32
          %add3A_626 = arith.addi %add3A_625, %scan3A_549 : i32
          %get3A_627 = arith.constant 0 : i32
          %get3A_628 = arith.index_cast %get3A_627 : i32 to index
          %get3A_629 = arith.index_cast %add3A_626 : i32 to index
          %get3A_630 = arith.constant 16 : index
          %get3A_631 = tpu.vector_load %arg21[%get3A_628, %get3A_629, %get3A_630] {strides = array<i32>} : memref<2x320x128xf32, #tpu.memory_space<vmem>>, vector<1x1x16xf32>,
          %get3A_632 = vector.shape_cast %get3A_631 : vector<1x1x16xf32> to vector<16xf32>
          %swap3A_633 = arith.constant 0 : i32
          %swap3A_634 = arith.index_cast %swap3A_633 : i32 to index
          %swap3A_635 = arith.index_cast %scan3A_549 : i32 to index
          %swap3A_636 = arith.constant 80 : index
          %swap3A_637 = tpu.vector_load %arg22[%swap3A_634, %swap3A_635, %swap3A_636] {strides = array<i32>} : memref<2x80x128xf32, #tpu.memory_space<vmem>>, vector<1x1x16xf32>,
          %swap3A_638 = vector.shape_cast %swap3A_637 : vector<1x1x16xf32> to vector<16xf32>
          %swap3A_639 = vector.shape_cast %get3A_632 : vector<16xf32> to vector<1x1x16xf32>
          tpu.vector_store %arg22[%swap3A_634, %swap3A_635, %swap3A_636], %swap3A_639 {strides = array<i32>} : memref<2x80x128xf32, #tpu.memory_space<vmem>>, vector<1x1x16xf32>,
          %add3A_640 = arith.constant 240 : i32
          %add3A_641 = arith.addi %add3A_640, %scan3A_549 : i32
          %get3A_642 = arith.constant 0 : i32
          %get3A_643 = arith.index_cast %get3A_642 : i32 to index
          %get3A_644 = arith.index_cast %add3A_641 : i32 to index
          %get3A_645 = arith.constant 0 : index
          %get3A_646 = tpu.vector_load %arg21[%get3A_643, %get3A_644, %get3A_645] {strides = array<i32>} : memref<2x320x128xf32, #tpu.memory_space<vmem>>, vector<1x1x16xf32>,
          %get3A_647 = vector.shape_cast %get3A_646 : vector<1x1x16xf32> to vector<16xf32>
          %swap3A_648 = arith.constant 0 : i32
          %swap3A_649 = arith.index_cast %swap3A_648 : i32 to index
          %swap3A_650 = arith.index_cast %scan3A_549 : i32 to index
          %swap3A_651 = arith.constant 96 : index
          %swap3A_652 = tpu.vector_load %arg22[%swap3A_649, %swap3A_650, %swap3A_651] {strides = array<i32>} : memref<2x80x128xf32, #tpu.memory_space<vmem>>, vector<1x1x16xf32>,
          %swap3A_653 = vector.shape_cast %swap3A_652 : vector<1x1x16xf32> to vector<16xf32>
          %swap3A_654 = vector.shape_cast %get3A_647 : vector<16xf32> to vector<1x1x16xf32>
          tpu.vector_store %arg22[%swap3A_649, %swap3A_650, %swap3A_651], %swap3A_654 {strides = array<i32>} : memref<2x80x128xf32, #tpu.memory_space<vmem>>, vector<1x1x16xf32>,
          %add3A_655 = arith.constant 240 : i32
          %add3A_656 = arith.addi %add3A_655, %scan3A_549 : i32
          %get3A_657 = arith.constant 0 : i32
          %get3A_658 = arith.index_cast %get3A_657 : i32 to index
          %get3A_659 = arith.index_cast %add3A_656 : i32 to index
          %get3A_660 = arith.constant 16 : index
          %get3A_661 = tpu.vector_load %arg21[%get3A_658, %get3A_659, %get3A_660] {strides = array<i32>} : memref<2x320x128xf32, #tpu.memory_space<vmem>>, vector<1x1x16xf32>,
          %get3A_662 = vector.shape_cast %get3A_661 : vector<1x1x16xf32> to vector<16xf32>
          %swap3A_663 = arith.constant 0 : i32
          %swap3A_664 = arith.index_cast %swap3A_663 : i32 to index
          %swap3A_665 = arith.index_cast %scan3A_549 : i32 to index
          %swap3A_666 = arith.constant 112 : index
          %swap3A_667 = tpu.vector_load %arg22[%swap3A_664, %swap3A_665, %swap3A_666] {strides = array<i32>} : memref<2x80x128xf32, #tpu.memory_space<vmem>>, vector<1x1x16xf32>,
          %swap3A_668 = vector.shape_cast %swap3A_667 : vector<1x1x16xf32> to vector<16xf32>
          %swap3A_669 = vector.shape_cast %get3A_662 : vector<16xf32> to vector<1x1x16xf32>
          tpu.vector_store %arg22[%swap3A_664, %swap3A_665, %swap3A_666], %swap3A_669 {strides = array<i32>} : memref<2x80x128xf32, #tpu.memory_space<vmem>>, vector<1x1x16xf32>,
        }
        %scan3A_165 = arith.constant 80 : i32
        %sub3A_166 = arith.constant 3 : i32
        %sub3A_167 = arith.subi %add3A_89, %sub3A_166 : i32
        %mul3A_168 = arith.constant 32 : i32
        %mul3A_169 = arith.muli %sub3A_167, %mul3A_168 : i32
        %add3A_170 = arith.addi %add3A, %mul3A_169 : i32
        %mul3A_171 = arith.constant 80 : i32
        %mul3A_172 = arith.muli %add3A_170, %mul3A_171 : i32
        %multiple_of3A = tpu.assume_multiple %mul3A_172, 8 : i32
        %dma_start3A = arith.constant 0 : i32
        %dma_start3A_173 = arith.constant 0 : i32
        %dma_start3A_174 = arith.constant 0 : i32
        %dma_start3A_175 = tpu.memref_slice %arg22[%dma_start3A, %dma_start3A_173, %dma_start3A_174] : memref<2x80x128xf32, #tpu.memory_space<vmem>> -> memref<1x80x128xf32, #tpu.memory_space<vmem>>
        %dma_start3A_176 = tpu.memref_squeeze %dma_start3A_175 : memref<1x80x128xf32, #tpu.memory_space<vmem>> -> memref<80x128xf32, #tpu.memory_space<vmem>>
        %dma_start3A_177 = arith.constant 0 : i32
        %dma_start3A_178 = tpu.memref_slice %arg8[%multiple_of3A, %dma_start3A_177] : memref<250000x128xf32, #tpu.memory_space<hbm>> -> memref<80x128xf32, #tpu.memory_space<hbm>>
        %dma_start3A_179 = arith.constant 0 : i32
        %dma_start3A_180 = tpu.memref_slice %arg8[%multiple_of3A, %dma_start3A_179] : memref<250000x128xf32, #tpu.memory_space<hbm>> -> memref<80x128xf32, #tpu.memory_space<hbm>>
        %dma_start3A_181 = arith.constant 0 : i32
        %dma_start3A_182 = arith.constant 0 : i32
        %dma_start3A_183 = tpu.memref_slice %arg22[%dma_start3A, %dma_start3A_181, %dma_start3A_182] : memref<2x80x128xf32, #tpu.memory_space<vmem>> -> memref<1x80x128xf32, #tpu.memory_space<vmem>>
        %dma_start3A_184 = tpu.memref_squeeze %dma_start3A_183 : memref<1x80x128xf32, #tpu.memory_space<vmem>> -> memref<80x128xf32, #tpu.memory_space<vmem>>
        tpu.enqueue_dma source(%dma_start3A_184 : memref<80x128xf32, #tpu.memory_space<vmem>>) target(%dma_start3A_180 : memref<80x128xf32, #tpu.memory_space<hbm>>) target_semaphore(%arg29 : memref<!tpu.dma_semaphore, #tpu.memory_space<semaphore_mem>>)
      } else {
      }
      %sub3A_116 = arith.constant 2 : i32
      %sub3A_117 = arith.subi %add3A_89, %sub3A_116 : i32
      %ge3A_118 = arith.constant 0 : i32
      %ge3A_119 = arith.cmpi sge, %sub3A_117, %ge3A_118 : i32
      %mul3A_120 = arith.constant 32 : i32
      %mul3A_121 = arith.muli %sub3A_117, %mul3A_120 : i32
      %add3A_122 = arith.addi %add3A, %mul3A_121 : i32
      %lt3A_123 = arith.constant 3125 : i32
      %lt3A_124 = arith.cmpi slt, %add3A_122, %lt3A_123 : i32
      %and3A_125 = arith.andi %ge3A_119, %lt3A_124 : i1
      %convert_element_type3A_126 = arith.extui %and3A_125 : i1 to i32
      %cond3A_127 = arith.constant 0 : i32
      %cond3A_128 = arith.cmpi ne, %convert_element_type3A_126, %cond3A_127 : i32
      scf.if %cond3A_128 {
        %dma_wait3A = arith.constant 0 : i32
        %dma_wait3A_153 = tpu.memref_slice %arg7[%dma_wait3A] : memref<3543122xi32, #tpu.memory_space<hbm>> -> memref<3543122xi32, #tpu.memory_space<hbm>>
        tpu.wait_indirect_dma semaphore(%arg26 : memref<!tpu.dma_semaphore, #tpu.memory_space<semaphore_mem>>) src(%dma_wait3A_153 : memref<3543122xi32, #tpu.memory_space<hbm>>) dst(%arg20 : memref<320xi32, #tpu.memory_space<vmem>>)
        %dma_start3A = arith.constant 1 : i32
        %dma_start3A_154 = arith.constant 0 : i32
        %dma_start3A_155 = arith.constant 0 : i32
        %dma_start3A_156 = tpu.memref_slice %arg21[%dma_start3A, %dma_start3A_154, %dma_start3A_155] : memref<2x320x128xf32, #tpu.memory_space<vmem>> -> memref<1x320x128xf32, #tpu.memory_space<vmem>>
        %dma_start3A_157 = tpu.memref_squeeze %dma_start3A_156 : memref<1x320x128xf32, #tpu.memory_space<vmem>> -> memref<320x128xf32, #tpu.memory_space<vmem>>
        %dma_start3A_158 = arith.constant 0 : i32
        %dma_start3A_159 = arith.constant 0 : i32
        %dma_start3A_160 = tpu.memref_slice %arg2[%dma_start3A_158, %dma_start3A_159] : memref<100000x128xf32, #tpu.memory_space<hbm>> -> memref<100000x128xf32, #tpu.memory_space<hbm>>
        tpu.enqueue_indirect_dma source(%dma_start3A_160 : memref<100000x128xf32, #tpu.memory_space<hbm>>) target(%dma_start3A_157 : memref<320x128xf32, #tpu.memory_space<vmem>>) offsets(%arg20 : memref<320xi32, #tpu.memory_space<vmem>>) semaphore(%arg28 : memref<!tpu.dma_semaphore, #tpu.memory_space<semaphore_mem>>)
      } else {
      }
      %sub3A_129 = arith.constant 1 : i32
      %sub3A_130 = arith.subi %add3A_89, %sub3A_129 : i32
      %ge3A_131 = arith.constant 0 : i32
      %ge3A_132 = arith.cmpi sge, %sub3A_130, %ge3A_131 : i32
      %mul3A_133 = arith.constant 32 : i32
      %mul3A_134 = arith.muli %sub3A_130, %mul3A_133 : i32
      %add3A_135 = arith.addi %add3A, %mul3A_134 : i32
      %lt3A_136 = arith.constant 3125 : i32
      %lt3A_137 = arith.cmpi slt, %add3A_135, %lt3A_136 : i32
      %and3A_138 = arith.andi %ge3A_132, %lt3A_137 : i1
      %convert_element_type3A_139 = arith.extui %and3A_138 : i1 to i32
      %cond3A_140 = arith.constant 0 : i32
      %cond3A_141 = arith.cmpi ne, %convert_element_type3A_139, %cond3A_140 : i32
      scf.if %cond3A_141 {
        %sub3A_153 = arith.constant 1 : i32
        %sub3A_154 = arith.subi %add3A_89, %sub3A_153 : i32
        %mul3A_155 = arith.constant 32 : i32
        %mul3A_156 = arith.muli %sub3A_154, %mul3A_155 : i32
        %add3A_157 = arith.addi %add3A, %mul3A_156 : i32
        %mul3A_158 = arith.constant 80 : i32
        %mul3A_159 = arith.muli %add3A_157, %mul3A_158 : i32
        %add3A_160 = arith.constant 0 : i32
        %add3A_161 = arith.addi %mul3A_159, %add3A_160 : i32
        %mul3A_162 = arith.constant 32 : i32
        %mul3A_163 = arith.muli %sub3A_154, %mul3A_162 : i32
        %add3A_164 = arith.addi %add3A, %mul3A_163 : i32
        %mul3A_165 = arith.constant 80 : i32
        %mul3A_166 = arith.muli %add3A_164, %mul3A_165 : i32
        %add3A_167 = arith.constant 250000 : i32
        %add3A_168 = arith.addi %mul3A_166, %add3A_167 : i32
        %mul3A_169 = arith.constant 32 : i32
        %mul3A_170 = arith.muli %sub3A_154, %mul3A_169 : i32
        %add3A_171 = arith.addi %add3A, %mul3A_170 : i32
        %mul3A_172 = arith.constant 80 : i32
        %mul3A_173 = arith.muli %add3A_171, %mul3A_172 : i32
        %add3A_174 = arith.constant 500000 : i32
        %add3A_175 = arith.addi %mul3A_173, %add3A_174 : i32
        %mul3A_176 = arith.constant 32 : i32
        %mul3A_177 = arith.muli %sub3A_154, %mul3A_176 : i32
        %add3A_178 = arith.addi %add3A, %mul3A_177 : i32
        %mul3A_179 = arith.constant 80 : i32
        %mul3A_180 = arith.muli %add3A_178, %mul3A_179 : i32
        %add3A_181 = arith.constant 750000 : i32
        %add3A_182 = arith.addi %mul3A_180, %add3A_181 : i32
        %dma_wait3A = arith.constant 0 : i32
        %dma_wait3A_183 = arith.constant 0 : i32
        %dma_wait3A_184 = tpu.memref_slice %arg9[%dma_wait3A, %dma_wait3A_183] : memref<4x128xi32, #tpu.memory_space<vmem>> -> memref<1x80xi32, #tpu.memory_space<vmem>>
        %dma_wait3A_185 = tpu.memref_squeeze %dma_wait3A_184 : memref<1x80xi32, #tpu.memory_space<vmem>> -> memref<80xi32, #tpu.memory_space<vmem>>
        %dma_wait3A_186 = tpu.memref_slice %arg3[%add3A_161] : memref<1000000xi32, #tpu.memory_space<hbm>> -> memref<80xi32, #tpu.memory_space<hbm>>
        %dma_wait3A_187 = arith.constant 0 : i32
        %dma_wait3A_188 = tpu.memref_slice %arg9[%dma_wait3A, %dma_wait3A_187] : memref<4x128xi32, #tpu.memory_space<vmem>> -> memref<1x80xi32, #tpu.memory_space<vmem>>
        %dma_wait3A_189 = tpu.memref_squeeze %dma_wait3A_188 : memref<1x80xi32, #tpu.memory_space<vmem>> -> memref<80xi32, #tpu.memory_space<vmem>>
        %dma_wait3A_190 = tpu.memref_slice %arg3[%add3A_161] : memref<1000000xi32, #tpu.memory_space<hbm>> -> memref<80xi32, #tpu.memory_space<hbm>>
        tpu.wait_dma2 semaphore(%arg23 : memref<!tpu.dma_semaphore, #tpu.memory_space<semaphore_mem>>) src(%dma_wait3A_190 : memref<80xi32, #tpu.memory_space<hbm>>) dst(%dma_wait3A_189 : memref<80xi32, #tpu.memory_space<vmem>>)
        %dma_wait3A_191 = arith.constant 0 : i32
        %dma_wait3A_192 = arith.constant 0 : i32
        %dma_wait3A_193 = tpu.memref_slice %arg11[%dma_wait3A_191, %dma_wait3A_192] : memref<4x128xi32, #tpu.memory_space<vmem>> -> memref<1x80xi32, #tpu.memory_space<vmem>>
        %dma_wait3A_194 = tpu.memref_squeeze %dma_wait3A_193 : memref<1x80xi32, #tpu.memory_space<vmem>> -> memref<80xi32, #tpu.memory_space<vmem>>
        %dma_wait3A_195 = tpu.memref_slice %arg4[%add3A_161] : memref<1000000xi32, #tpu.memory_space<hbm>> -> memref<80xi32, #tpu.memory_space<hbm>>
        %dma_wait3A_196 = arith.constant 0 : i32
        %dma_wait3A_197 = tpu.memref_slice %arg11[%dma_wait3A_191, %dma_wait3A_196] : memref<4x128xi32, #tpu.memory_space<vmem>> -> memref<1x80xi32, #tpu.memory_space<vmem>>
        %dma_wait3A_198 = tpu.memref_squeeze %dma_wait3A_197 : memref<1x80xi32, #tpu.memory_space<vmem>> -> memref<80xi32, #tpu.memory_space<vmem>>
        %dma_wait3A_199 = tpu.memref_slice %arg4[%add3A_161] : memref<1000000xi32, #tpu.memory_space<hbm>> -> memref<80xi32, #tpu.memory_space<hbm>>
        tpu.wait_dma2 semaphore(%arg23 : memref<!tpu.dma_semaphore, #tpu.memory_space<semaphore_mem>>) src(%dma_wait3A_199 : memref<80xi32, #tpu.memory_space<hbm>>) dst(%dma_wait3A_198 : memref<80xi32, #tpu.memory_space<vmem>>)
        %dma_wait3A_200 = arith.constant 0 : i32
        %dma_wait3A_201 = arith.constant 0 : i32
        %dma_wait3A_202 = tpu.memref_slice %arg13[%dma_wait3A_200, %dma_wait3A_201] : memref<4x128xi32, #tpu.memory_space<vmem>> -> memref<1x80xi32, #tpu.memory_space<vmem>>
        %dma_wait3A_203 = tpu.memref_squeeze %dma_wait3A_202 : memref<1x80xi32, #tpu.memory_space<vmem>> -> memref<80xi32, #tpu.memory_space<vmem>>
        %dma_wait3A_204 = tpu.memref_slice %arg5[%add3A_161] : memref<1000000xi32, #tpu.memory_space<hbm>> -> memref<80xi32, #tpu.memory_space<hbm>>
        %dma_wait3A_205 = arith.constant 0 : i32
        %dma_wait3A_206 = tpu.memref_slice %arg13[%dma_wait3A_200, %dma_wait3A_205] : memref<4x128xi32, #tpu.memory_space<vmem>> -> memref<1x80xi32, #tpu.memory_space<vmem>>
        %dma_wait3A_207 = tpu.memref_squeeze %dma_wait3A_206 : memref<1x80xi32, #tpu.memory_space<vmem>> -> memref<80xi32, #tpu.memory_space<vmem>>
        %dma_wait3A_208 = tpu.memref_slice %arg5[%add3A_161] : memref<1000000xi32, #tpu.memory_space<hbm>> -> memref<80xi32, #tpu.memory_space<hbm>>
        tpu.wait_dma2 semaphore(%arg23 : memref<!tpu.dma_semaphore, #tpu.memory_space<semaphore_mem>>) src(%dma_wait3A_208 : memref<80xi32, #tpu.memory_space<hbm>>) dst(%dma_wait3A_207 : memref<80xi32, #tpu.memory_space<vmem>>)
        %dma_wait3A_209 = arith.constant 0 : i32
        %dma_wait3A_210 = arith.constant 0 : i32
        %dma_wait3A_211 = tpu.memref_slice %arg15[%dma_wait3A_209, %dma_wait3A_210] : memref<4x128xi32, #tpu.memory_space<vmem>> -> memref<1x80xi32, #tpu.memory_space<vmem>>
        %dma_wait3A_212 = tpu.memref_squeeze %dma_wait3A_211 : memref<1x80xi32, #tpu.memory_space<vmem>> -> memref<80xi32, #tpu.memory_space<vmem>>
        %dma_wait3A_213 = tpu.memref_slice %arg6[%add3A_161] : memref<1000000xi32, #tpu.memory_space<hbm>> -> memref<80xi32, #tpu.memory_space<hbm>>
        %dma_wait3A_214 = arith.constant 0 : i32
        %dma_wait3A_215 = tpu.memref_slice %arg15[%dma_wait3A_209, %dma_wait3A_214] : memref<4x128xi32, #tpu.memory_space<vmem>> -> memref<1x80xi32, #tpu.memory_space<vmem>>
        %dma_wait3A_216 = tpu.memref_squeeze %dma_wait3A_215 : memref<1x80xi32, #tpu.memory_space<vmem>> -> memref<80xi32, #tpu.memory_space<vmem>>
        %dma_wait3A_217 = tpu.memref_slice %arg6[%add3A_161] : memref<1000000xi32, #tpu.memory_space<hbm>> -> memref<80xi32, #tpu.memory_space<hbm>>
        tpu.wait_dma2 semaphore(%arg23 : memref<!tpu.dma_semaphore, #tpu.memory_space<semaphore_mem>>) src(%dma_wait3A_217 : memref<80xi32, #tpu.memory_space<hbm>>) dst(%dma_wait3A_216 : memref<80xi32, #tpu.memory_space<vmem>>)
        %dma_wait3A_218 = arith.constant 1 : i32
        %dma_wait3A_219 = arith.constant 0 : i32
        %dma_wait3A_220 = tpu.memref_slice %arg9[%dma_wait3A_218, %dma_wait3A_219] : memref<4x128xi32, #tpu.memory_space<vmem>> -> memref<1x80xi32, #tpu.memory_space<vmem>>
        %dma_wait3A_221 = tpu.memref_squeeze %dma_wait3A_220 : memref<1x80xi32, #tpu.memory_space<vmem>> -> memref<80xi32, #tpu.memory_space<vmem>>
        %dma_wait3A_222 = tpu.memref_slice %arg3[%add3A_168] : memref<1000000xi32, #tpu.memory_space<hbm>> -> memref<80xi32, #tpu.memory_space<hbm>>
        %dma_wait3A_223 = arith.constant 0 : i32
        %dma_wait3A_224 = tpu.memref_slice %arg9[%dma_wait3A_218, %dma_wait3A_223] : memref<4x128xi32, #tpu.memory_space<vmem>> -> memref<1x80xi32, #tpu.memory_space<vmem>>
        %dma_wait3A_225 = tpu.memref_squeeze %dma_wait3A_224 : memref<1x80xi32, #tpu.memory_space<vmem>> -> memref<80xi32, #tpu.memory_space<vmem>>
        %dma_wait3A_226 = tpu.memref_slice %arg3[%add3A_168] : memref<1000000xi32, #tpu.memory_space<hbm>> -> memref<80xi32, #tpu.memory_space<hbm>>
        tpu.wait_dma2 semaphore(%arg23 : memref<!tpu.dma_semaphore, #tpu.memory_space<semaphore_mem>>) src(%dma_wait3A_226 : memref<80xi32, #tpu.memory_space<hbm>>) dst(%dma_wait3A_225 : memref<80xi32, #tpu.memory_space<vmem>>)
        %dma_wait3A_227 = arith.constant 1 : i32
        %dma_wait3A_228 = arith.constant 0 : i32
        %dma_wait3A_229 = tpu.memref_slice %arg11[%dma_wait3A_227, %dma_wait3A_228] : memref<4x128xi32, #tpu.memory_space<vmem>> -> memref<1x80xi32, #tpu.memory_space<vmem>>
        %dma_wait3A_230 = tpu.memref_squeeze %dma_wait3A_229 : memref<1x80xi32, #tpu.memory_space<vmem>> -> memref<80xi32, #tpu.memory_space<vmem>>
        %dma_wait3A_231 = tpu.memref_slice %arg4[%add3A_168] : memref<1000000xi32, #tpu.memory_space<hbm>> -> memref<80xi32, #tpu.memory_space<hbm>>
        %dma_wait3A_232 = arith.constant 0 : i32
        %dma_wait3A_233 = tpu.memref_slice %arg11[%dma_wait3A_227, %dma_wait3A_232] : memref<4x128xi32, #tpu.memory_space<vmem>> -> memref<1x80xi32, #tpu.memory_space<vmem>>
        %dma_wait3A_234 = tpu.memref_squeeze %dma_wait3A_233 : memref<1x80xi32, #tpu.memory_space<vmem>> -> memref<80xi32, #tpu.memory_space<vmem>>
        %dma_wait3A_235 = tpu.memref_slice %arg4[%add3A_168] : memref<1000000xi32, #tpu.memory_space<hbm>> -> memref<80xi32, #tpu.memory_space<hbm>>
        tpu.wait_dma2 semaphore(%arg23 : memref<!tpu.dma_semaphore, #tpu.memory_space<semaphore_mem>>) src(%dma_wait3A_235 : memref<80xi32, #tpu.memory_space<hbm>>) dst(%dma_wait3A_234 : memref<80xi32, #tpu.memory_space<vmem>>)
        %dma_wait3A_236 = arith.constant 1 : i32
        %dma_wait3A_237 = arith.constant 0 : i32
        %dma_wait3A_238 = tpu.memref_slice %arg13[%dma_wait3A_236, %dma_wait3A_237] : memref<4x128xi32, #tpu.memory_space<vmem>> -> memref<1x80xi32, #tpu.memory_space<vmem>>
        %dma_wait3A_239 = tpu.memref_squeeze %dma_wait3A_238 : memref<1x80xi32, #tpu.memory_space<vmem>> -> memref<80xi32, #tpu.memory_space<vmem>>
        %dma_wait3A_240 = tpu.memref_slice %arg5[%add3A_168] : memref<1000000xi32, #tpu.memory_space<hbm>> -> memref<80xi32, #tpu.memory_space<hbm>>
        %dma_wait3A_241 = arith.constant 0 : i32
        %dma_wait3A_242 = tpu.memref_slice %arg13[%dma_wait3A_236, %dma_wait3A_241] : memref<4x128xi32, #tpu.memory_space<vmem>> -> memref<1x80xi32, #tpu.memory_space<vmem>>
        %dma_wait3A_243 = tpu.memref_squeeze %dma_wait3A_242 : memref<1x80xi32, #tpu.memory_space<vmem>> -> memref<80xi32, #tpu.memory_space<vmem>>
        %dma_wait3A_244 = tpu.memref_slice %arg5[%add3A_168] : memref<1000000xi32, #tpu.memory_space<hbm>> -> memref<80xi32, #tpu.memory_space<hbm>>
        tpu.wait_dma2 semaphore(%arg23 : memref<!tpu.dma_semaphore, #tpu.memory_space<semaphore_mem>>) src(%dma_wait3A_244 : memref<80xi32, #tpu.memory_space<hbm>>) dst(%dma_wait3A_243 : memref<80xi32, #tpu.memory_space<vmem>>)
        %dma_wait3A_245 = arith.constant 1 : i32
        %dma_wait3A_246 = arith.constant 0 : i32
        %dma_wait3A_247 = tpu.memref_slice %arg15[%dma_wait3A_245, %dma_wait3A_246] : memref<4x128xi32, #tpu.memory_space<vmem>> -> memref<1x80xi32, #tpu.memory_space<vmem>>
        %dma_wait3A_248 = tpu.memref_squeeze %dma_wait3A_247 : memref<1x80xi32, #tpu.memory_space<vmem>> -> memref<80xi32, #tpu.memory_space<vmem>>
        %dma_wait3A_249 = tpu.memref_slice %arg6[%add3A_168] : memref<1000000xi32, #tpu.memory_space<hbm>> -> memref<80xi32, #tpu.memory_space<hbm>>
        %dma_wait3A_250 = arith.constant 0 : i32
        %dma_wait3A_251 = tpu.memref_slice %arg15[%dma_wait3A_245, %dma_wait3A_250] : memref<4x128xi32, #tpu.memory_space<vmem>> -> memref<1x80xi32, #tpu.memory_space<vmem>>
        %dma_wait3A_252 = tpu.memref_squeeze %dma_wait3A_251 : memref<1x80xi32, #tpu.memory_space<vmem>> -> memref<80xi32, #tpu.memory_space<vmem>>
        %dma_wait3A_253 = tpu.memref_slice %arg6[%add3A_168] : memref<1000000xi32, #tpu.memory_space<hbm>> -> memref<80xi32, #tpu.memory_space<hbm>>
        tpu.wait_dma2 semaphore(%arg23 : memref<!tpu.dma_semaphore, #tpu.memory_space<semaphore_mem>>) src(%dma_wait3A_253 : memref<80xi32, #tpu.memory_space<hbm>>) dst(%dma_wait3A_252 : memref<80xi32, #tpu.memory_space<vmem>>)
        %dma_wait3A_254 = arith.constant 2 : i32
        %dma_wait3A_255 = arith.constant 0 : i32
        %dma_wait3A_256 = tpu.memref_slice %arg9[%dma_wait3A_254, %dma_wait3A_255] : memref<4x128xi32, #tpu.memory_space<vmem>> -> memref<1x80xi32, #tpu.memory_space<vmem>>
        %dma_wait3A_257 = tpu.memref_squeeze %dma_wait3A_256 : memref<1x80xi32, #tpu.memory_space<vmem>> -> memref<80xi32, #tpu.memory_space<vmem>>
        %dma_wait3A_258 = tpu.memref_slice %arg3[%add3A_175] : memref<1000000xi32, #tpu.memory_space<hbm>> -> memref<80xi32, #tpu.memory_space<hbm>>
        %dma_wait3A_259 = arith.constant 0 : i32
        %dma_wait3A_260 = tpu.memref_slice %arg9[%dma_wait3A_254, %dma_wait3A_259] : memref<4x128xi32, #tpu.memory_space<vmem>> -> memref<1x80xi32, #tpu.memory_space<vmem>>
        %dma_wait3A_261 = tpu.memref_squeeze %dma_wait3A_260 : memref<1x80xi32, #tpu.memory_space<vmem>> -> memref<80xi32, #tpu.memory_space<vmem>>
        %dma_wait3A_262 = tpu.memref_slice %arg3[%add3A_175] : memref<1000000xi32, #tpu.memory_space<hbm>> -> memref<80xi32, #tpu.memory_space<hbm>>
        tpu.wait_dma2 semaphore(%arg23 : memref<!tpu.dma_semaphore, #tpu.memory_space<semaphore_mem>>) src(%dma_wait3A_262 : memref<80xi32, #tpu.memory_space<hbm>>) dst(%dma_wait3A_261 : memref<80xi32, #tpu.memory_space<vmem>>)
        %dma_wait3A_263 = arith.constant 2 : i32
        %dma_wait3A_264 = arith.constant 0 : i32
        %dma_wait3A_265 = tpu.memref_slice %arg11[%dma_wait3A_263, %dma_wait3A_264] : memref<4x128xi32, #tpu.memory_space<vmem>> -> memref<1x80xi32, #tpu.memory_space<vmem>>
        %dma_wait3A_266 = tpu.memref_squeeze %dma_wait3A_265 : memref<1x80xi32, #tpu.memory_space<vmem>> -> memref<80xi32, #tpu.memory_space<vmem>>
        %dma_wait3A_267 = tpu.memref_slice %arg4[%add3A_175] : memref<1000000xi32, #tpu.memory_space<hbm>> -> memref<80xi32, #tpu.memory_space<hbm>>
        %dma_wait3A_268 = arith.constant 0 : i32
        %dma_wait3A_269 = tpu.memref_slice %arg11[%dma_wait3A_263, %dma_wait3A_268] : memref<4x128xi32, #tpu.memory_space<vmem>> -> memref<1x80xi32, #tpu.memory_space<vmem>>
        %dma_wait3A_270 = tpu.memref_squeeze %dma_wait3A_269 : memref<1x80xi32, #tpu.memory_space<vmem>> -> memref<80xi32, #tpu.memory_space<vmem>>
        %dma_wait3A_271 = tpu.memref_slice %arg4[%add3A_175] : memref<1000000xi32, #tpu.memory_space<hbm>> -> memref<80xi32, #tpu.memory_space<hbm>>
        tpu.wait_dma2 semaphore(%arg23 : memref<!tpu.dma_semaphore, #tpu.memory_space<semaphore_mem>>) src(%dma_wait3A_271 : memref<80xi32, #tpu.memory_space<hbm>>) dst(%dma_wait3A_270 : memref<80xi32, #tpu.memory_space<vmem>>)
        %dma_wait3A_272 = arith.constant 2 : i32
        %dma_wait3A_273 = arith.constant 0 : i32
        %dma_wait3A_274 = tpu.memref_slice %arg13[%dma_wait3A_272, %dma_wait3A_273] : memref<4x128xi32, #tpu.memory_space<vmem>> -> memref<1x80xi32, #tpu.memory_space<vmem>>
        %dma_wait3A_275 = tpu.memref_squeeze %dma_wait3A_274 : memref<1x80xi32, #tpu.memory_space<vmem>> -> memref<80xi32, #tpu.memory_space<vmem>>
        %dma_wait3A_276 = tpu.memref_slice %arg5[%add3A_175] : memref<1000000xi32, #tpu.memory_space<hbm>> -> memref<80xi32, #tpu.memory_space<hbm>>
        %dma_wait3A_277 = arith.constant 0 : i32
        %dma_wait3A_278 = tpu.memref_slice %arg13[%dma_wait3A_272, %dma_wait3A_277] : memref<4x128xi32, #tpu.memory_space<vmem>> -> memref<1x80xi32, #tpu.memory_space<vmem>>
        %dma_wait3A_279 = tpu.memref_squeeze %dma_wait3A_278 : memref<1x80xi32, #tpu.memory_space<vmem>> -> memref<80xi32, #tpu.memory_space<vmem>>
        %dma_wait3A_280 = tpu.memref_slice %arg5[%add3A_175] : memref<1000000xi32, #tpu.memory_space<hbm>> -> memref<80xi32, #tpu.memory_space<hbm>>
        tpu.wait_dma2 semaphore(%arg23 : memref<!tpu.dma_semaphore, #tpu.memory_space<semaphore_mem>>) src(%dma_wait3A_280 : memref<80xi32, #tpu.memory_space<hbm>>) dst(%dma_wait3A_279 : memref<80xi32, #tpu.memory_space<vmem>>)
        %dma_wait3A_281 = arith.constant 2 : i32
        %dma_wait3A_282 = arith.constant 0 : i32
        %dma_wait3A_283 = tpu.memref_slice %arg15[%dma_wait3A_281, %dma_wait3A_282] : memref<4x128xi32, #tpu.memory_space<vmem>> -> memref<1x80xi32, #tpu.memory_space<vmem>>
        %dma_wait3A_284 = tpu.memref_squeeze %dma_wait3A_283 : memref<1x80xi32, #tpu.memory_space<vmem>> -> memref<80xi32, #tpu.memory_space<vmem>>
        %dma_wait3A_285 = tpu.memref_slice %arg6[%add3A_175] : memref<1000000xi32, #tpu.memory_space<hbm>> -> memref<80xi32, #tpu.memory_space<hbm>>
        %dma_wait3A_286 = arith.constant 0 : i32
        %dma_wait3A_287 = tpu.memref_slice %arg15[%dma_wait3A_281, %dma_wait3A_286] : memref<4x128xi32, #tpu.memory_space<vmem>> -> memref<1x80xi32, #tpu.memory_space<vmem>>
        %dma_wait3A_288 = tpu.memref_squeeze %dma_wait3A_287 : memref<1x80xi32, #tpu.memory_space<vmem>> -> memref<80xi32, #tpu.memory_space<vmem>>
        %dma_wait3A_289 = tpu.memref_slice %arg6[%add3A_175] : memref<1000000xi32, #tpu.memory_space<hbm>> -> memref<80xi32, #tpu.memory_space<hbm>>
        tpu.wait_dma2 semaphore(%arg23 : memref<!tpu.dma_semaphore, #tpu.memory_space<semaphore_mem>>) src(%dma_wait3A_289 : memref<80xi32, #tpu.memory_space<hbm>>) dst(%dma_wait3A_288 : memref<80xi32, #tpu.memory_space<vmem>>)
        %dma_wait3A_290 = arith.constant 3 : i32
        %dma_wait3A_291 = arith.constant 0 : i32
        %dma_wait3A_292 = tpu.memref_slice %arg9[%dma_wait3A_290, %dma_wait3A_291] : memref<4x128xi32, #tpu.memory_space<vmem>> -> memref<1x80xi32, #tpu.memory_space<vmem>>
        %dma_wait3A_293 = tpu.memref_squeeze %dma_wait3A_292 : memref<1x80xi32, #tpu.memory_space<vmem>> -> memref<80xi32, #tpu.memory_space<vmem>>
        %dma_wait3A_294 = tpu.memref_slice %arg3[%add3A_182] : memref<1000000xi32, #tpu.memory_space<hbm>> -> memref<80xi32, #tpu.memory_space<hbm>>
        %dma_wait3A_295 = arith.constant 0 : i32
        %dma_wait3A_296 = tpu.memref_slice %arg9[%dma_wait3A_290, %dma_wait3A_295] : memref<4x128xi32, #tpu.memory_space<vmem>> -> memref<1x80xi32, #tpu.memory_space<vmem>>
        %dma_wait3A_297 = tpu.memref_squeeze %dma_wait3A_296 : memref<1x80xi32, #tpu.memory_space<vmem>> -> memref<80xi32, #tpu.memory_space<vmem>>
        %dma_wait3A_298 = tpu.memref_slice %arg3[%add3A_182] : memref<1000000xi32, #tpu.memory_space<hbm>> -> memref<80xi32, #tpu.memory_space<hbm>>
        tpu.wait_dma2 semaphore(%arg23 : memref<!tpu.dma_semaphore, #tpu.memory_space<semaphore_mem>>) src(%dma_wait3A_298 : memref<80xi32, #tpu.memory_space<hbm>>) dst(%dma_wait3A_297 : memref<80xi32, #tpu.memory_space<vmem>>)
        %dma_wait3A_299 = arith.constant 3 : i32
        %dma_wait3A_300 = arith.constant 0 : i32
        %dma_wait3A_301 = tpu.memref_slice %arg11[%dma_wait3A_299, %dma_wait3A_300] : memref<4x128xi32, #tpu.memory_space<vmem>> -> memref<1x80xi32, #tpu.memory_space<vmem>>
        %dma_wait3A_302 = tpu.memref_squeeze %dma_wait3A_301 : memref<1x80xi32, #tpu.memory_space<vmem>> -> memref<80xi32, #tpu.memory_space<vmem>>
        %dma_wait3A_303 = tpu.memref_slice %arg4[%add3A_182] : memref<1000000xi32, #tpu.memory_space<hbm>> -> memref<80xi32, #tpu.memory_space<hbm>>
        %dma_wait3A_304 = arith.constant 0 : i32
        %dma_wait3A_305 = tpu.memref_slice %arg11[%dma_wait3A_299, %dma_wait3A_304] : memref<4x128xi32, #tpu.memory_space<vmem>> -> memref<1x80xi32, #tpu.memory_space<vmem>>
        %dma_wait3A_306 = tpu.memref_squeeze %dma_wait3A_305 : memref<1x80xi32, #tpu.memory_space<vmem>> -> memref<80xi32, #tpu.memory_space<vmem>>
        %dma_wait3A_307 = tpu.memref_slice %arg4[%add3A_182] : memref<1000000xi32, #tpu.memory_space<hbm>> -> memref<80xi32, #tpu.memory_space<hbm>>
        tpu.wait_dma2 semaphore(%arg23 : memref<!tpu.dma_semaphore, #tpu.memory_space<semaphore_mem>>) src(%dma_wait3A_307 : memref<80xi32, #tpu.memory_space<hbm>>) dst(%dma_wait3A_306 : memref<80xi32, #tpu.memory_space<vmem>>)
        %dma_wait3A_308 = arith.constant 3 : i32
        %dma_wait3A_309 = arith.constant 0 : i32
        %dma_wait3A_310 = tpu.memref_slice %arg13[%dma_wait3A_308, %dma_wait3A_309] : memref<4x128xi32, #tpu.memory_space<vmem>> -> memref<1x80xi32, #tpu.memory_space<vmem>>
        %dma_wait3A_311 = tpu.memref_squeeze %dma_wait3A_310 : memref<1x80xi32, #tpu.memory_space<vmem>> -> memref<80xi32, #tpu.memory_space<vmem>>
        %dma_wait3A_312 = tpu.memref_slice %arg5[%add3A_182] : memref<1000000xi32, #tpu.memory_space<hbm>> -> memref<80xi32, #tpu.memory_space<hbm>>
        %dma_wait3A_313 = arith.constant 0 : i32
        %dma_wait3A_314 = tpu.memref_slice %arg13[%dma_wait3A_308, %dma_wait3A_313] : memref<4x128xi32, #tpu.memory_space<vmem>> -> memref<1x80xi32, #tpu.memory_space<vmem>>
        %dma_wait3A_315 = tpu.memref_squeeze %dma_wait3A_314 : memref<1x80xi32, #tpu.memory_space<vmem>> -> memref<80xi32, #tpu.memory_space<vmem>>
        %dma_wait3A_316 = tpu.memref_slice %arg5[%add3A_182] : memref<1000000xi32, #tpu.memory_space<hbm>> -> memref<80xi32, #tpu.memory_space<hbm>>
        tpu.wait_dma2 semaphore(%arg23 : memref<!tpu.dma_semaphore, #tpu.memory_space<semaphore_mem>>) src(%dma_wait3A_316 : memref<80xi32, #tpu.memory_space<hbm>>) dst(%dma_wait3A_315 : memref<80xi32, #tpu.memory_space<vmem>>)
        %dma_wait3A_317 = arith.constant 3 : i32
        %dma_wait3A_318 = arith.constant 0 : i32
        %dma_wait3A_319 = tpu.memref_slice %arg15[%dma_wait3A_317, %dma_wait3A_318] : memref<4x128xi32, #tpu.memory_space<vmem>> -> memref<1x80xi32, #tpu.memory_space<vmem>>
        %dma_wait3A_320 = tpu.memref_squeeze %dma_wait3A_319 : memref<1x80xi32, #tpu.memory_space<vmem>> -> memref<80xi32, #tpu.memory_space<vmem>>
        %dma_wait3A_321 = tpu.memref_slice %arg6[%add3A_182] : memref<1000000xi32, #tpu.memory_space<hbm>> -> memref<80xi32, #tpu.memory_space<hbm>>
        %dma_wait3A_322 = arith.constant 0 : i32
        %dma_wait3A_323 = tpu.memref_slice %arg15[%dma_wait3A_317, %dma_wait3A_322] : memref<4x128xi32, #tpu.memory_space<vmem>> -> memref<1x80xi32, #tpu.memory_space<vmem>>
        %dma_wait3A_324 = tpu.memref_squeeze %dma_wait3A_323 : memref<1x80xi32, #tpu.memory_space<vmem>> -> memref<80xi32, #tpu.memory_space<vmem>>
        %dma_wait3A_325 = tpu.memref_slice %arg6[%add3A_182] : memref<1000000xi32, #tpu.memory_space<hbm>> -> memref<80xi32, #tpu.memory_space<hbm>>
        tpu.wait_dma2 semaphore(%arg23 : memref<!tpu.dma_semaphore, #tpu.memory_space<semaphore_mem>>) src(%dma_wait3A_325 : memref<80xi32, #tpu.memory_space<hbm>>) dst(%dma_wait3A_324 : memref<80xi32, #tpu.memory_space<vmem>>)
        %scan3A_326 = arith.constant 0 : i32
        %scan3A_327 = arith.constant 0 : i32
        %mul3A_328 = arith.constant 16 : i32
        %mul3A_329 = arith.muli %scan3A_327, %mul3A_328 : i32
        %get3A = arith.constant 0 : i32
        %get3A_330 = arith.index_cast %get3A : i32 to index
        %get3A_331 = arith.index_cast %mul3A_329 : i32 to index
        %get3A_332 = tpu.vector_load %arg9[%get3A_330, %get3A_331] {strides = array<i32>} : memref<4x128xi32, #tpu.memory_space<vmem>>, vector<1x16xi32>,
        %get3A_333 = vector.shape_cast %get3A_332 : vector<1x16xi32> to vector<16xi32>
        %get3A_334 = arith.constant 0 : i32
        %get3A_335 = arith.index_cast %get3A_334 : i32 to index
        %get3A_336 = arith.index_cast %mul3A_329 : i32 to index
        %get3A_337 = tpu.vector_load %arg11[%get3A_335, %get3A_336] {strides = array<i32>} : memref<4x128xi32, #tpu.memory_space<vmem>>, vector<1x16xi32>,
        %get3A_338 = vector.shape_cast %get3A_337 : vector<1x16xi32> to vector<16xi32>
        %get3A_339 = arith.constant 0 : i32
        %get3A_340 = arith.index_cast %get3A_339 : i32 to index
        %get3A_341 = arith.index_cast %mul3A_329 : i32 to index
        %get3A_342 = tpu.vector_load %arg13[%get3A_340, %get3A_341] {strides = array<i32>} : memref<4x128xi32, #tpu.memory_space<vmem>>, vector<1x16xi32>,
        %get3A_343 = vector.shape_cast %get3A_342 : vector<1x16xi32> to vector<16xi32>
        %get3A_344 = arith.constant 0 : i32
        %get3A_345 = arith.index_cast %get3A_344 : i32 to index
        %get3A_346 = arith.index_cast %mul3A_329 : i32 to index
        %get3A_347 = tpu.vector_load %arg15[%get3A_345, %get3A_346] {strides = array<i32>} : memref<4x128xi32, #tpu.memory_space<vmem>>, vector<1x16xi32>,
        %get3A_348 = vector.shape_cast %get3A_347 : vector<1x16xi32> to vector<16xi32>
        %mul3A_349 = arith.constant 121 : i32
        %mul3A_350 = vector.broadcast %mul3A_349 : i32 to vector<16xi32>
        %mul3A_351 = arith.muli %get3A_333, %mul3A_350 : vector<16xi32>
        %add3A_352 = arith.addi %mul3A_351, %get3A_338 : vector<16xi32>
        %mul3A_353 = arith.constant 121 : i32
        %mul3A_354 = vector.broadcast %mul3A_353 : i32 to vector<16xi32>
        %mul3A_355 = arith.muli %add3A_352, %mul3A_354 : vector<16xi32>
        %add3A_356 = arith.addi %mul3A_355, %get3A_343 : vector<16xi32>
        %mul3A_357 = arith.constant 121 : i32
        %mul3A_358 = vector.broadcast %mul3A_357 : i32 to vector<16xi32>
        %mul3A_359 = arith.muli %add3A_356, %mul3A_358 : vector<16xi32>
        %add3A_360 = arith.addi %mul3A_359, %get3A_348 : vector<16xi32>
        %add3A_361 = arith.constant 0 : i32
        %add3A_362 = arith.addi %add3A_361, %mul3A_329 : i32
        %swap3A = arith.index_cast %add3A_362 : i32 to index
        %swap3A_363 = tpu.vector_load %arg17[%swap3A] {strides = array<i32>} : memref<320xi32, #tpu.memory_space<vmem>>, vector<16xi32>,
        %swap3A_364 = vector.shape_cast %swap3A_363 : vector<16xi32> to vector<16xi32>
        %swap3A_365 = vector.shape_cast %add3A_360 : vector<16xi32> to vector<16xi32>
        tpu.vector_store %arg17[%swap3A], %swap3A_365 {strides = array<i32>} : memref<320xi32, #tpu.memory_space<vmem>>, vector<16xi32>,
        %scan3A_366 = arith.constant 1 : i32
        %mul3A_367 = arith.constant 16 : i32
        %mul3A_368 = arith.muli %scan3A_366, %mul3A_367 : i32
        %get3A_369 = arith.constant 0 : i32
        %get3A_370 = arith.index_cast %get3A_369 : i32 to index
        %get3A_371 = arith.index_cast %mul3A_368 : i32 to index
        %get3A_372 = tpu.vector_load %arg9[%get3A_370, %get3A_371] {strides = array<i32>} : memref<4x128xi32, #tpu.memory_space<vmem>>, vector<1x16xi32>,
        %get3A_373 = vector.shape_cast %get3A_372 : vector<1x16xi32> to vector<16xi32>
        %get3A_374 = arith.constant 0 : i32
        %get3A_375 = arith.index_cast %get3A_374 : i32 to index
        %get3A_376 = arith.index_cast %mul3A_368 : i32 to index
        %get3A_377 = tpu.vector_load %arg11[%get3A_375, %get3A_376] {strides = array<i32>} : memref<4x128xi32, #tpu.memory_space<vmem>>, vector<1x16xi32>,
        %get3A_378 = vector.shape_cast %get3A_377 : vector<1x16xi32> to vector<16xi32>
        %get3A_379 = arith.constant 0 : i32
        %get3A_380 = arith.index_cast %get3A_379 : i32 to index
        %get3A_381 = arith.index_cast %mul3A_368 : i32 to index
        %get3A_382 = tpu.vector_load %arg13[%get3A_380, %get3A_381] {strides = array<i32>} : memref<4x128xi32, #tpu.memory_space<vmem>>, vector<1x16xi32>,
        %get3A_383 = vector.shape_cast %get3A_382 : vector<1x16xi32> to vector<16xi32>
        %get3A_384 = arith.constant 0 : i32
        %get3A_385 = arith.index_cast %get3A_384 : i32 to index
        %get3A_386 = arith.index_cast %mul3A_368 : i32 to index
        %get3A_387 = tpu.vector_load %arg15[%get3A_385, %get3A_386] {strides = array<i32>} : memref<4x128xi32, #tpu.memory_space<vmem>>, vector<1x16xi32>,
        %get3A_388 = vector.shape_cast %get3A_387 : vector<1x16xi32> to vector<16xi32>
        %mul3A_389 = arith.constant 121 : i32
        %mul3A_390 = vector.broadcast %mul3A_389 : i32 to vector<16xi32>
        %mul3A_391 = arith.muli %get3A_373, %mul3A_390 : vector<16xi32>
        %add3A_392 = arith.addi %mul3A_391, %get3A_378 : vector<16xi32>
        %mul3A_393 = arith.constant 121 : i32
        %mul3A_394 = vector.broadcast %mul3A_393 : i32 to vector<16xi32>
        %mul3A_395 = arith.muli %add3A_392, %mul3A_394 : vector<16xi32>
        %add3A_396 = arith.addi %mul3A_395, %get3A_383 : vector<16xi32>
        %mul3A_397 = arith.constant 121 : i32
        %mul3A_398 = vector.broadcast %mul3A_397 : i32 to vector<16xi32>
        %mul3A_399 = arith.muli %add3A_396, %mul3A_398 : vector<16xi32>
        %add3A_400 = arith.addi %mul3A_399, %get3A_388 : vector<16xi32>
        %add3A_401 = arith.constant 0 : i32
        %add3A_402 = arith.addi %add3A_401, %mul3A_368 : i32
        %swap3A_403 = arith.index_cast %add3A_402 : i32 to index
        %swap3A_404 = tpu.vector_load %arg17[%swap3A_403] {strides = array<i32>} : memref<320xi32, #tpu.memory_space<vmem>>, vector<16xi32>,
        %swap3A_405 = vector.shape_cast %swap3A_404 : vector<16xi32> to vector<16xi32>
        %swap3A_406 = vector.shape_cast %add3A_400 : vector<16xi32> to vector<16xi32>
        tpu.vector_store %arg17[%swap3A_403], %swap3A_406 {strides = array<i32>} : memref<320xi32, #tpu.memory_space<vmem>>, vector<16xi32>,
        %scan3A_407 = arith.constant 2 : i32
        %mul3A_408 = arith.constant 16 : i32
        %mul3A_409 = arith.muli %scan3A_407, %mul3A_408 : i32
        %get3A_410 = arith.constant 0 : i32
        %get3A_411 = arith.index_cast %get3A_410 : i32 to index
        %get3A_412 = arith.index_cast %mul3A_409 : i32 to index
        %get3A_413 = tpu.vector_load %arg9[%get3A_411, %get3A_412] {strides = array<i32>} : memref<4x128xi32, #tpu.memory_space<vmem>>, vector<1x16xi32>,
        %get3A_414 = vector.shape_cast %get3A_413 : vector<1x16xi32> to vector<16xi32>
        %get3A_415 = arith.constant 0 : i32
        %get3A_416 = arith.index_cast %get3A_415 : i32 to index
        %get3A_417 = arith.index_cast %mul3A_409 : i32 to index
        %get3A_418 = tpu.vector_load %arg11[%get3A_416, %get3A_417] {strides = array<i32>} : memref<4x128xi32, #tpu.memory_space<vmem>>, vector<1x16xi32>,
        %get3A_419 = vector.shape_cast %get3A_418 : vector<1x16xi32> to vector<16xi32>
        %get3A_420 = arith.constant 0 : i32
        %get3A_421 = arith.index_cast %get3A_420 : i32 to index
        %get3A_422 = arith.index_cast %mul3A_409 : i32 to index
        %get3A_423 = tpu.vector_load %arg13[%get3A_421, %get3A_422] {strides = array<i32>} : memref<4x128xi32, #tpu.memory_space<vmem>>, vector<1x16xi32>,
        %get3A_424 = vector.shape_cast %get3A_423 : vector<1x16xi32> to vector<16xi32>
        %get3A_425 = arith.constant 0 : i32
        %get3A_426 = arith.index_cast %get3A_425 : i32 to index
        %get3A_427 = arith.index_cast %mul3A_409 : i32 to index
        %get3A_428 = tpu.vector_load %arg15[%get3A_426, %get3A_427] {strides = array<i32>} : memref<4x128xi32, #tpu.memory_space<vmem>>, vector<1x16xi32>,
        %get3A_429 = vector.shape_cast %get3A_428 : vector<1x16xi32> to vector<16xi32>
        %mul3A_430 = arith.constant 121 : i32
        %mul3A_431 = vector.broadcast %mul3A_430 : i32 to vector<16xi32>
        %mul3A_432 = arith.muli %get3A_414, %mul3A_431 : vector<16xi32>
        %add3A_433 = arith.addi %mul3A_432, %get3A_419 : vector<16xi32>
        %mul3A_434 = arith.constant 121 : i32
        %mul3A_435 = vector.broadcast %mul3A_434 : i32 to vector<16xi32>
        %mul3A_436 = arith.muli %add3A_433, %mul3A_435 : vector<16xi32>
        %add3A_437 = arith.addi %mul3A_436, %get3A_424 : vector<16xi32>
        %mul3A_438 = arith.constant 121 : i32
        %mul3A_439 = vector.broadcast %mul3A_438 : i32 to vector<16xi32>
        %mul3A_440 = arith.muli %add3A_437, %mul3A_439 : vector<16xi32>
        %add3A_441 = arith.addi %mul3A_440, %get3A_429 : vector<16xi32>
        %add3A_442 = arith.constant 0 : i32
        %add3A_443 = arith.addi %add3A_442, %mul3A_409 : i32
        %swap3A_444 = arith.index_cast %add3A_443 : i32 to index
        %swap3A_445 = tpu.vector_load %arg17[%swap3A_444] {strides = array<i32>} : memref<320xi32, #tpu.memory_space<vmem>>, vector<16xi32>,
        %swap3A_446 = vector.shape_cast %swap3A_445 : vector<16xi32> to vector<16xi32>
        %swap3A_447 = vector.shape_cast %add3A_441 : vector<16xi32> to vector<16xi32>
        tpu.vector_store %arg17[%swap3A_444], %swap3A_447 {strides = array<i32>} : memref<320xi32, #tpu.memory_space<vmem>>, vector<16xi32>,
        %scan3A_448 = arith.constant 3 : i32
        %mul3A_449 = arith.constant 16 : i32
        %mul3A_450 = arith.muli %scan3A_448, %mul3A_449 : i32
        %get3A_451 = arith.constant 0 : i32
        %get3A_452 = arith.index_cast %get3A_451 : i32 to index
        %get3A_453 = arith.index_cast %mul3A_450 : i32 to index
        %get3A_454 = tpu.vector_load %arg9[%get3A_452, %get3A_453] {strides = array<i32>} : memref<4x128xi32, #tpu.memory_space<vmem>>, vector<1x16xi32>,
        %get3A_455 = vector.shape_cast %get3A_454 : vector<1x16xi32> to vector<16xi32>
        %get3A_456 = arith.constant 0 : i32
        %get3A_457 = arith.index_cast %get3A_456 : i32 to index
        %get3A_458 = arith.index_cast %mul3A_450 : i32 to index
        %get3A_459 = tpu.vector_load %arg11[%get3A_457, %get3A_458] {strides = array<i32>} : memref<4x128xi32, #tpu.memory_space<vmem>>, vector<1x16xi32>,
        %get3A_460 = vector.shape_cast %get3A_459 : vector<1x16xi32> to vector<16xi32>
        %get3A_461 = arith.constant 0 : i32
        %get3A_462 = arith.index_cast %get3A_461 : i32 to index
        %get3A_463 = arith.index_cast %mul3A_450 : i32 to index
        %get3A_464 = tpu.vector_load %arg13[%get3A_462, %get3A_463] {strides = array<i32>} : memref<4x128xi32, #tpu.memory_space<vmem>>, vector<1x16xi32>,
        %get3A_465 = vector.shape_cast %get3A_464 : vector<1x16xi32> to vector<16xi32>
        %get3A_466 = arith.constant 0 : i32
        %get3A_467 = arith.index_cast %get3A_466 : i32 to index
        %get3A_468 = arith.index_cast %mul3A_450 : i32 to index
        %get3A_469 = tpu.vector_load %arg15[%get3A_467, %get3A_468] {strides = array<i32>} : memref<4x128xi32, #tpu.memory_space<vmem>>, vector<1x16xi32>,
        %get3A_470 = vector.shape_cast %get3A_469 : vector<1x16xi32> to vector<16xi32>
        %mul3A_471 = arith.constant 121 : i32
        %mul3A_472 = vector.broadcast %mul3A_471 : i32 to vector<16xi32>
        %mul3A_473 = arith.muli %get3A_455, %mul3A_472 : vector<16xi32>
        %add3A_474 = arith.addi %mul3A_473, %get3A_460 : vector<16xi32>
        %mul3A_475 = arith.constant 121 : i32
        %mul3A_476 = vector.broadcast %mul3A_475 : i32 to vector<16xi32>
        %mul3A_477 = arith.muli %add3A_474, %mul3A_476 : vector<16xi32>
        %add3A_478 = arith.addi %mul3A_477, %get3A_465 : vector<16xi32>
        %mul3A_479 = arith.constant 121 : i32
        %mul3A_480 = vector.broadcast %mul3A_479 : i32 to vector<16xi32>
        %mul3A_481 = arith.muli %add3A_478, %mul3A_480 : vector<16xi32>
        %add3A_482 = arith.addi %mul3A_481, %get3A_470 : vector<16xi32>
        %add3A_483 = arith.constant 0 : i32
        %add3A_484 = arith.addi %add3A_483, %mul3A_450 : i32
        %swap3A_485 = arith.index_cast %add3A_484 : i32 to index
        %swap3A_486 = tpu.vector_load %arg17[%swap3A_485] {strides = array<i32>} : memref<320xi32, #tpu.memory_space<vmem>>, vector<16xi32>,
        %swap3A_487 = vector.shape_cast %swap3A_486 : vector<16xi32> to vector<16xi32>
        %swap3A_488 = vector.shape_cast %add3A_482 : vector<16xi32> to vector<16xi32>
        tpu.vector_store %arg17[%swap3A_485], %swap3A_488 {strides = array<i32>} : memref<320xi32, #tpu.memory_space<vmem>>, vector<16xi32>,
        %scan3A_489 = arith.constant 4 : i32
        %mul3A_490 = arith.constant 16 : i32
        %mul3A_491 = arith.muli %scan3A_489, %mul3A_490 : i32
        %get3A_492 = arith.constant 0 : i32
        %get3A_493 = arith.index_cast %get3A_492 : i32 to index
        %get3A_494 = arith.index_cast %mul3A_491 : i32 to index
        %get3A_495 = tpu.vector_load %arg9[%get3A_493, %get3A_494] {strides = array<i32>} : memref<4x128xi32, #tpu.memory_space<vmem>>, vector<1x16xi32>,
        %get3A_496 = vector.shape_cast %get3A_495 : vector<1x16xi32> to vector<16xi32>
        %get3A_497 = arith.constant 0 : i32
        %get3A_498 = arith.index_cast %get3A_497 : i32 to index
        %get3A_499 = arith.index_cast %mul3A_491 : i32 to index
        %get3A_500 = tpu.vector_load %arg11[%get3A_498, %get3A_499] {strides = array<i32>} : memref<4x128xi32, #tpu.memory_space<vmem>>, vector<1x16xi32>,
        %get3A_501 = vector.shape_cast %get3A_500 : vector<1x16xi32> to vector<16xi32>
        %get3A_502 = arith.constant 0 : i32
        %get3A_503 = arith.index_cast %get3A_502 : i32 to index
        %get3A_504 = arith.index_cast %mul3A_491 : i32 to index
        %get3A_505 = tpu.vector_load %arg13[%get3A_503, %get3A_504] {strides = array<i32>} : memref<4x128xi32, #tpu.memory_space<vmem>>, vector<1x16xi32>,
        %get3A_506 = vector.shape_cast %get3A_505 : vector<1x16xi32> to vector<16xi32>
        %get3A_507 = arith.constant 0 : i32
        %get3A_508 = arith.index_cast %get3A_507 : i32 to index
        %get3A_509 = arith.index_cast %mul3A_491 : i32 to index
        %get3A_510 = tpu.vector_load %arg15[%get3A_508, %get3A_509] {strides = array<i32>} : memref<4x128xi32, #tpu.memory_space<vmem>>, vector<1x16xi32>,
        %get3A_511 = vector.shape_cast %get3A_510 : vector<1x16xi32> to vector<16xi32>
        %mul3A_512 = arith.constant 121 : i32
        %mul3A_513 = vector.broadcast %mul3A_512 : i32 to vector<16xi32>
        %mul3A_514 = arith.muli %get3A_496, %mul3A_513 : vector<16xi32>
        %add3A_515 = arith.addi %mul3A_514, %get3A_501 : vector<16xi32>
        %mul3A_516 = arith.constant 121 : i32
        %mul3A_517 = vector.broadcast %mul3A_516 : i32 to vector<16xi32>
        %mul3A_518 = arith.muli %add3A_515, %mul3A_517 : vector<16xi32>
        %add3A_519 = arith.addi %mul3A_518, %get3A_506 : vector<16xi32>
        %mul3A_520 = arith.constant 121 : i32
        %mul3A_521 = vector.broadcast %mul3A_520 : i32 to vector<16xi32>
        %mul3A_522 = arith.muli %add3A_519, %mul3A_521 : vector<16xi32>
        %add3A_523 = arith.addi %mul3A_522, %get3A_511 : vector<16xi32>
        %add3A_524 = arith.constant 0 : i32
        %add3A_525 = arith.addi %add3A_524, %mul3A_491 : i32
        %swap3A_526 = arith.index_cast %add3A_525 : i32 to index
        %swap3A_527 = tpu.vector_load %arg17[%swap3A_526] {strides = array<i32>} : memref<320xi32, #tpu.memory_space<vmem>>, vector<16xi32>,
        %swap3A_528 = vector.shape_cast %swap3A_527 : vector<16xi32> to vector<16xi32>
        %swap3A_529 = vector.shape_cast %add3A_523 : vector<16xi32> to vector<16xi32>
        tpu.vector_store %arg17[%swap3A_526], %swap3A_529 {strides = array<i32>} : memref<320xi32, #tpu.memory_space<vmem>>, vector<16xi32>,
        %scan3A_530 = arith.constant 5 : i32
        %scan3A_531 = arith.constant 0 : i32
        %scan3A_532 = arith.constant 0 : i32
        %mul3A_533 = arith.constant 16 : i32
        %mul3A_534 = arith.muli %scan3A_532, %mul3A_533 : i32
        %get3A_535 = arith.constant 1 : i32
        %get3A_536 = arith.index_cast %get3A_535 : i32 to index
        %get3A_537 = arith.index_cast %mul3A_534 : i32 to index
        %get3A_538 = tpu.vector_load %arg9[%get3A_536, %get3A_537] {strides = array<i32>} : memref<4x128xi32, #tpu.memory_space<vmem>>, vector<1x16xi32>,
        %get3A_539 = vector.shape_cast %get3A_538 : vector<1x16xi32> to vector<16xi32>
        %get3A_540 = arith.constant 1 : i32
        %get3A_541 = arith.index_cast %get3A_540 : i32 to index
        %get3A_542 = arith.index_cast %mul3A_534 : i32 to index
        %get3A_543 = tpu.vector_load %arg11[%get3A_541, %get3A_542] {strides = array<i32>} : memref<4x128xi32, #tpu.memory_space<vmem>>, vector<1x16xi32>,
        %get3A_544 = vector.shape_cast %get3A_543 : vector<1x16xi32> to vector<16xi32>
        %get3A_545 = arith.constant 1 : i32
        %get3A_546 = arith.index_cast %get3A_545 : i32 to index
        %get3A_547 = arith.index_cast %mul3A_534 : i32 to index
        %get3A_548 = tpu.vector_load %arg13[%get3A_546, %get3A_547] {strides = array<i32>} : memref<4x128xi32, #tpu.memory_space<vmem>>, vector<1x16xi32>,
        %get3A_549 = vector.shape_cast %get3A_548 : vector<1x16xi32> to vector<16xi32>
        %get3A_550 = arith.constant 1 : i32
        %get3A_551 = arith.index_cast %get3A_550 : i32 to index
        %get3A_552 = arith.index_cast %mul3A_534 : i32 to index
        %get3A_553 = tpu.vector_load %arg15[%get3A_551, %get3A_552] {strides = array<i32>} : memref<4x128xi32, #tpu.memory_space<vmem>>, vector<1x16xi32>,
        %get3A_554 = vector.shape_cast %get3A_553 : vector<1x16xi32> to vector<16xi32>
        %mul3A_555 = arith.constant 121 : i32
        %mul3A_556 = vector.broadcast %mul3A_555 : i32 to vector<16xi32>
        %mul3A_557 = arith.muli %get3A_539, %mul3A_556 : vector<16xi32>
        %add3A_558 = arith.addi %mul3A_557, %get3A_544 : vector<16xi32>
        %mul3A_559 = arith.constant 121 : i32
        %mul3A_560 = vector.broadcast %mul3A_559 : i32 to vector<16xi32>
        %mul3A_561 = arith.muli %add3A_558, %mul3A_560 : vector<16xi32>
        %add3A_562 = arith.addi %mul3A_561, %get3A_549 : vector<16xi32>
        %mul3A_563 = arith.constant 121 : i32
        %mul3A_564 = vector.broadcast %mul3A_563 : i32 to vector<16xi32>
        %mul3A_565 = arith.muli %add3A_562, %mul3A_564 : vector<16xi32>
        %add3A_566 = arith.addi %mul3A_565, %get3A_554 : vector<16xi32>
        %add3A_567 = arith.constant 80 : i32
        %add3A_568 = arith.addi %add3A_567, %mul3A_534 : i32
        %swap3A_569 = arith.index_cast %add3A_568 : i32 to index
        %swap3A_570 = tpu.vector_load %arg17[%swap3A_569] {strides = array<i32>} : memref<320xi32, #tpu.memory_space<vmem>>, vector<16xi32>,
        %swap3A_571 = vector.shape_cast %swap3A_570 : vector<16xi32> to vector<16xi32>
        %swap3A_572 = vector.shape_cast %add3A_566 : vector<16xi32> to vector<16xi32>
        tpu.vector_store %arg17[%swap3A_569], %swap3A_572 {strides = array<i32>} : memref<320xi32, #tpu.memory_space<vmem>>, vector<16xi32>,
        %scan3A_573 = arith.constant 1 : i32
        %mul3A_574 = arith.constant 16 : i32
        %mul3A_575 = arith.muli %scan3A_573, %mul3A_574 : i32
        %get3A_576 = arith.constant 1 : i32
        %get3A_577 = arith.index_cast %get3A_576 : i32 to index
        %get3A_578 = arith.index_cast %mul3A_575 : i32 to index
        %get3A_579 = tpu.vector_load %arg9[%get3A_577, %get3A_578] {strides = array<i32>} : memref<4x128xi32, #tpu.memory_space<vmem>>, vector<1x16xi32>,
        %get3A_580 = vector.shape_cast %get3A_579 : vector<1x16xi32> to vector<16xi32>
        %get3A_581 = arith.constant 1 : i32
        %get3A_582 = arith.index_cast %get3A_581 : i32 to index
        %get3A_583 = arith.index_cast %mul3A_575 : i32 to index
        %get3A_584 = tpu.vector_load %arg11[%get3A_582, %get3A_583] {strides = array<i32>} : memref<4x128xi32, #tpu.memory_space<vmem>>, vector<1x16xi32>,
        %get3A_585 = vector.shape_cast %get3A_584 : vector<1x16xi32> to vector<16xi32>
        %get3A_586 = arith.constant 1 : i32
        %get3A_587 = arith.index_cast %get3A_586 : i32 to index
        %get3A_588 = arith.index_cast %mul3A_575 : i32 to index
        %get3A_589 = tpu.vector_load %arg13[%get3A_587, %get3A_588] {strides = array<i32>} : memref<4x128xi32, #tpu.memory_space<vmem>>, vector<1x16xi32>,
        %get3A_590 = vector.shape_cast %get3A_589 : vector<1x16xi32> to vector<16xi32>
        %get3A_591 = arith.constant 1 : i32
        %get3A_592 = arith.index_cast %get3A_591 : i32 to index
        %get3A_593 = arith.index_cast %mul3A_575 : i32 to index
        %get3A_594 = tpu.vector_load %arg15[%get3A_592, %get3A_593] {strides = array<i32>} : memref<4x128xi32, #tpu.memory_space<vmem>>, vector<1x16xi32>,
        %get3A_595 = vector.shape_cast %get3A_594 : vector<1x16xi32> to vector<16xi32>
        %mul3A_596 = arith.constant 121 : i32
        %mul3A_597 = vector.broadcast %mul3A_596 : i32 to vector<16xi32>
        %mul3A_598 = arith.muli %get3A_580, %mul3A_597 : vector<16xi32>
        %add3A_599 = arith.addi %mul3A_598, %get3A_585 : vector<16xi32>
        %mul3A_600 = arith.constant 121 : i32
        %mul3A_601 = vector.broadcast %mul3A_600 : i32 to vector<16xi32>
        %mul3A_602 = arith.muli %add3A_599, %mul3A_601 : vector<16xi32>
        %add3A_603 = arith.addi %mul3A_602, %get3A_590 : vector<16xi32>
        %mul3A_604 = arith.constant 121 : i32
        %mul3A_605 = vector.broadcast %mul3A_604 : i32 to vector<16xi32>
        %mul3A_606 = arith.muli %add3A_603, %mul3A_605 : vector<16xi32>
        %add3A_607 = arith.addi %mul3A_606, %get3A_595 : vector<16xi32>
        %add3A_608 = arith.constant 80 : i32
        %add3A_609 = arith.addi %add3A_608, %mul3A_575 : i32
        %swap3A_610 = arith.index_cast %add3A_609 : i32 to index
        %swap3A_611 = tpu.vector_load %arg17[%swap3A_610] {strides = array<i32>} : memref<320xi32, #tpu.memory_space<vmem>>, vector<16xi32>,
        %swap3A_612 = vector.shape_cast %swap3A_611 : vector<16xi32> to vector<16xi32>
        %swap3A_613 = vector.shape_cast %add3A_607 : vector<16xi32> to vector<16xi32>
        tpu.vector_store %arg17[%swap3A_610], %swap3A_613 {strides = array<i32>} : memref<320xi32, #tpu.memory_space<vmem>>, vector<16xi32>,
        %scan3A_614 = arith.constant 2 : i32
        %mul3A_615 = arith.constant 16 : i32
        %mul3A_616 = arith.muli %scan3A_614, %mul3A_615 : i32
        %get3A_617 = arith.constant 1 : i32
        %get3A_618 = arith.index_cast %get3A_617 : i32 to index
        %get3A_619 = arith.index_cast %mul3A_616 : i32 to index
        %get3A_620 = tpu.vector_load %arg9[%get3A_618, %get3A_619] {strides = array<i32>} : memref<4x128xi32, #tpu.memory_space<vmem>>, vector<1x16xi32>,
        %get3A_621 = vector.shape_cast %get3A_620 : vector<1x16xi32> to vector<16xi32>
        %get3A_622 = arith.constant 1 : i32
        %get3A_623 = arith.index_cast %get3A_622 : i32 to index
        %get3A_624 = arith.index_cast %mul3A_616 : i32 to index
        %get3A_625 = tpu.vector_load %arg11[%get3A_623, %get3A_624] {strides = array<i32>} : memref<4x128xi32, #tpu.memory_space<vmem>>, vector<1x16xi32>,
        %get3A_626 = vector.shape_cast %get3A_625 : vector<1x16xi32> to vector<16xi32>
        %get3A_627 = arith.constant 1 : i32
        %get3A_628 = arith.index_cast %get3A_627 : i32 to index
        %get3A_629 = arith.index_cast %mul3A_616 : i32 to index
        %get3A_630 = tpu.vector_load %arg13[%get3A_628, %get3A_629] {strides = array<i32>} : memref<4x128xi32, #tpu.memory_space<vmem>>, vector<1x16xi32>,
        %get3A_631 = vector.shape_cast %get3A_630 : vector<1x16xi32> to vector<16xi32>
        %get3A_632 = arith.constant 1 : i32
        %get3A_633 = arith.index_cast %get3A_632 : i32 to index
        %get3A_634 = arith.index_cast %mul3A_616 : i32 to index
        %get3A_635 = tpu.vector_load %arg15[%get3A_633, %get3A_634] {strides = array<i32>} : memref<4x128xi32, #tpu.memory_space<vmem>>, vector<1x16xi32>,
        %get3A_636 = vector.shape_cast %get3A_635 : vector<1x16xi32> to vector<16xi32>
        %mul3A_637 = arith.constant 121 : i32
        %mul3A_638 = vector.broadcast %mul3A_637 : i32 to vector<16xi32>
        %mul3A_639 = arith.muli %get3A_621, %mul3A_638 : vector<16xi32>
        %add3A_640 = arith.addi %mul3A_639, %get3A_626 : vector<16xi32>
        %mul3A_641 = arith.constant 121 : i32
        %mul3A_642 = vector.broadcast %mul3A_641 : i32 to vector<16xi32>
        %mul3A_643 = arith.muli %add3A_640, %mul3A_642 : vector<16xi32>
        %add3A_644 = arith.addi %mul3A_643, %get3A_631 : vector<16xi32>
        %mul3A_645 = arith.constant 121 : i32
        %mul3A_646 = vector.broadcast %mul3A_645 : i32 to vector<16xi32>
        %mul3A_647 = arith.muli %add3A_644, %mul3A_646 : vector<16xi32>
        %add3A_648 = arith.addi %mul3A_647, %get3A_636 : vector<16xi32>
        %add3A_649 = arith.constant 80 : i32
        %add3A_650 = arith.addi %add3A_649, %mul3A_616 : i32
        %swap3A_651 = arith.index_cast %add3A_650 : i32 to index
        %swap3A_652 = tpu.vector_load %arg17[%swap3A_651] {strides = array<i32>} : memref<320xi32, #tpu.memory_space<vmem>>, vector<16xi32>,
        %swap3A_653 = vector.shape_cast %swap3A_652 : vector<16xi32> to vector<16xi32>
        %swap3A_654 = vector.shape_cast %add3A_648 : vector<16xi32> to vector<16xi32>
        tpu.vector_store %arg17[%swap3A_651], %swap3A_654 {strides = array<i32>} : memref<320xi32, #tpu.memory_space<vmem>>, vector<16xi32>,
        %scan3A_655 = arith.constant 3 : i32
        %mul3A_656 = arith.constant 16 : i32
        %mul3A_657 = arith.muli %scan3A_655, %mul3A_656 : i32
        %get3A_658 = arith.constant 1 : i32
        %get3A_659 = arith.index_cast %get3A_658 : i32 to index
        %get3A_660 = arith.index_cast %mul3A_657 : i32 to index
        %get3A_661 = tpu.vector_load %arg9[%get3A_659, %get3A_660] {strides = array<i32>} : memref<4x128xi32, #tpu.memory_space<vmem>>, vector<1x16xi32>,
        %get3A_662 = vector.shape_cast %get3A_661 : vector<1x16xi32> to vector<16xi32>
        %get3A_663 = arith.constant 1 : i32
        %get3A_664 = arith.index_cast %get3A_663 : i32 to index
        %get3A_665 = arith.index_cast %mul3A_657 : i32 to index
        %get3A_666 = tpu.vector_load %arg11[%get3A_664, %get3A_665] {strides = array<i32>} : memref<4x128xi32, #tpu.memory_space<vmem>>, vector<1x16xi32>,
        %get3A_667 = vector.shape_cast %get3A_666 : vector<1x16xi32> to vector<16xi32>
        %get3A_668 = arith.constant 1 : i32
        %get3A_669 = arith.index_cast %get3A_668 : i32 to index
        %get3A_670 = arith.index_cast %mul3A_657 : i32 to index
        %get3A_671 = tpu.vector_load %arg13[%get3A_669, %get3A_670] {strides = array<i32>} : memref<4x128xi32, #tpu.memory_space<vmem>>, vector<1x16xi32>,
        %get3A_672 = vector.shape_cast %get3A_671 : vector<1x16xi32> to vector<16xi32>
        %get3A_673 = arith.constant 1 : i32
        %get3A_674 = arith.index_cast %get3A_673 : i32 to index
        %get3A_675 = arith.index_cast %mul3A_657 : i32 to index
        %get3A_676 = tpu.vector_load %arg15[%get3A_674, %get3A_675] {strides = array<i32>} : memref<4x128xi32, #tpu.memory_space<vmem>>, vector<1x16xi32>,
        %get3A_677 = vector.shape_cast %get3A_676 : vector<1x16xi32> to vector<16xi32>
        %mul3A_678 = arith.constant 121 : i32
        %mul3A_679 = vector.broadcast %mul3A_678 : i32 to vector<16xi32>
        %mul3A_680 = arith.muli %get3A_662, %mul3A_679 : vector<16xi32>
        %add3A_681 = arith.addi %mul3A_680, %get3A_667 : vector<16xi32>
        %mul3A_682 = arith.constant 121 : i32
        %mul3A_683 = vector.broadcast %mul3A_682 : i32 to vector<16xi32>
        %mul3A_684 = arith.muli %add3A_681, %mul3A_683 : vector<16xi32>
        %add3A_685 = arith.addi %mul3A_684, %get3A_672 : vector<16xi32>
        %mul3A_686 = arith.constant 121 : i32
        %mul3A_687 = vector.broadcast %mul3A_686 : i32 to vector<16xi32>
        %mul3A_688 = arith.muli %add3A_685, %mul3A_687 : vector<16xi32>
        %add3A_689 = arith.addi %mul3A_688, %get3A_677 : vector<16xi32>
        %add3A_690 = arith.constant 80 : i32
        %add3A_691 = arith.addi %add3A_690, %mul3A_657 : i32
        %swap3A_692 = arith.index_cast %add3A_691 : i32 to index
        %swap3A_693 = tpu.vector_load %arg17[%swap3A_692] {strides = array<i32>} : memref<320xi32, #tpu.memory_space<vmem>>, vector<16xi32>,
        %swap3A_694 = vector.shape_cast %swap3A_693 : vector<16xi32> to vector<16xi32>
        %swap3A_695 = vector.shape_cast %add3A_689 : vector<16xi32> to vector<16xi32>
        tpu.vector_store %arg17[%swap3A_692], %swap3A_695 {strides = array<i32>} : memref<320xi32, #tpu.memory_space<vmem>>, vector<16xi32>,
        %scan3A_696 = arith.constant 4 : i32
        %mul3A_697 = arith.constant 16 : i32
        %mul3A_698 = arith.muli %scan3A_696, %mul3A_697 : i32
        %get3A_699 = arith.constant 1 : i32
        %get3A_700 = arith.index_cast %get3A_699 : i32 to index
        %get3A_701 = arith.index_cast %mul3A_698 : i32 to index
        %get3A_702 = tpu.vector_load %arg9[%get3A_700, %get3A_701] {strides = array<i32>} : memref<4x128xi32, #tpu.memory_space<vmem>>, vector<1x16xi32>,
        %get3A_703 = vector.shape_cast %get3A_702 : vector<1x16xi32> to vector<16xi32>
        %get3A_704 = arith.constant 1 : i32
        %get3A_705 = arith.index_cast %get3A_704 : i32 to index
        %get3A_706 = arith.index_cast %mul3A_698 : i32 to index
        %get3A_707 = tpu.vector_load %arg11[%get3A_705, %get3A_706] {strides = array<i32>} : memref<4x128xi32, #tpu.memory_space<vmem>>, vector<1x16xi32>,
        %get3A_708 = vector.shape_cast %get3A_707 : vector<1x16xi32> to vector<16xi32>
        %get3A_709 = arith.constant 1 : i32
        %get3A_710 = arith.index_cast %get3A_709 : i32 to index
        %get3A_711 = arith.index_cast %mul3A_698 : i32 to index
        %get3A_712 = tpu.vector_load %arg13[%get3A_710, %get3A_711] {strides = array<i32>} : memref<4x128xi32, #tpu.memory_space<vmem>>, vector<1x16xi32>,
        %get3A_713 = vector.shape_cast %get3A_712 : vector<1x16xi32> to vector<16xi32>
        %get3A_714 = arith.constant 1 : i32
        %get3A_715 = arith.index_cast %get3A_714 : i32 to index
        %get3A_716 = arith.index_cast %mul3A_698 : i32 to index
        %get3A_717 = tpu.vector_load %arg15[%get3A_715, %get3A_716] {strides = array<i32>} : memref<4x128xi32, #tpu.memory_space<vmem>>, vector<1x16xi32>,
        %get3A_718 = vector.shape_cast %get3A_717 : vector<1x16xi32> to vector<16xi32>
        %mul3A_719 = arith.constant 121 : i32
        %mul3A_720 = vector.broadcast %mul3A_719 : i32 to vector<16xi32>
        %mul3A_721 = arith.muli %get3A_703, %mul3A_720 : vector<16xi32>
        %add3A_722 = arith.addi %mul3A_721, %get3A_708 : vector<16xi32>
        %mul3A_723 = arith.constant 121 : i32
        %mul3A_724 = vector.broadcast %mul3A_723 : i32 to vector<16xi32>
        %mul3A_725 = arith.muli %add3A_722, %mul3A_724 : vector<16xi32>
        %add3A_726 = arith.addi %mul3A_725, %get3A_713 : vector<16xi32>
        %mul3A_727 = arith.constant 121 : i32
        %mul3A_728 = vector.broadcast %mul3A_727 : i32 to vector<16xi32>
        %mul3A_729 = arith.muli %add3A_726, %mul3A_728 : vector<16xi32>
        %add3A_730 = arith.addi %mul3A_729, %get3A_718 : vector<16xi32>
        %add3A_731 = arith.constant 80 : i32
        %add3A_732 = arith.addi %add3A_731, %mul3A_698 : i32
        %swap3A_733 = arith.index_cast %add3A_732 : i32 to index
        %swap3A_734 = tpu.vector_load %arg17[%swap3A_733] {strides = array<i32>} : memref<320xi32, #tpu.memory_space<vmem>>, vector<16xi32>,
        %swap3A_735 = vector.shape_cast %swap3A_734 : vector<16xi32> to vector<16xi32>
        %swap3A_736 = vector.shape_cast %add3A_730 : vector<16xi32> to vector<16xi32>
        tpu.vector_store %arg17[%swap3A_733], %swap3A_736 {strides = array<i32>} : memref<320xi32, #tpu.memory_space<vmem>>, vector<16xi32>,
        %scan3A_737 = arith.constant 5 : i32
        %scan3A_738 = arith.constant 0 : i32
        %scan3A_739 = arith.constant 0 : i32
        %mul3A_740 = arith.constant 16 : i32
        %mul3A_741 = arith.muli %scan3A_739, %mul3A_740 : i32
        %get3A_742 = arith.constant 2 : i32
        %get3A_743 = arith.index_cast %get3A_742 : i32 to index
        %get3A_744 = arith.index_cast %mul3A_741 : i32 to index
        %get3A_745 = tpu.vector_load %arg9[%get3A_743, %get3A_744] {strides = array<i32>} : memref<4x128xi32, #tpu.memory_space<vmem>>, vector<1x16xi32>,
        %get3A_746 = vector.shape_cast %get3A_745 : vector<1x16xi32> to vector<16xi32>
        %get3A_747 = arith.constant 2 : i32
        %get3A_748 = arith.index_cast %get3A_747 : i32 to index
        %get3A_749 = arith.index_cast %mul3A_741 : i32 to index
        %get3A_750 = tpu.vector_load %arg11[%get3A_748, %get3A_749] {strides = array<i32>} : memref<4x128xi32, #tpu.memory_space<vmem>>, vector<1x16xi32>,
        %get3A_751 = vector.shape_cast %get3A_750 : vector<1x16xi32> to vector<16xi32>
        %get3A_752 = arith.constant 2 : i32
        %get3A_753 = arith.index_cast %get3A_752 : i32 to index
        %get3A_754 = arith.index_cast %mul3A_741 : i32 to index
        %get3A_755 = tpu.vector_load %arg13[%get3A_753, %get3A_754] {strides = array<i32>} : memref<4x128xi32, #tpu.memory_space<vmem>>, vector<1x16xi32>,
        %get3A_756 = vector.shape_cast %get3A_755 : vector<1x16xi32> to vector<16xi32>
        %get3A_757 = arith.constant 2 : i32
        %get3A_758 = arith.index_cast %get3A_757 : i32 to index
        %get3A_759 = arith.index_cast %mul3A_741 : i32 to index
        %get3A_760 = tpu.vector_load %arg15[%get3A_758, %get3A_759] {strides = array<i32>} : memref<4x128xi32, #tpu.memory_space<vmem>>, vector<1x16xi32>,
        %get3A_761 = vector.shape_cast %get3A_760 : vector<1x16xi32> to vector<16xi32>
        %mul3A_762 = arith.constant 121 : i32
        %mul3A_763 = vector.broadcast %mul3A_762 : i32 to vector<16xi32>
        %mul3A_764 = arith.muli %get3A_746, %mul3A_763 : vector<16xi32>
        %add3A_765 = arith.addi %mul3A_764, %get3A_751 : vector<16xi32>
        %mul3A_766 = arith.constant 121 : i32
        %mul3A_767 = vector.broadcast %mul3A_766 : i32 to vector<16xi32>
        %mul3A_768 = arith.muli %add3A_765, %mul3A_767 : vector<16xi32>
        %add3A_769 = arith.addi %mul3A_768, %get3A_756 : vector<16xi32>
        %mul3A_770 = arith.constant 121 : i32
        %mul3A_771 = vector.broadcast %mul3A_770 : i32 to vector<16xi32>
        %mul3A_772 = arith.muli %add3A_769, %mul3A_771 : vector<16xi32>
        %add3A_773 = arith.addi %mul3A_772, %get3A_761 : vector<16xi32>
        %add3A_774 = arith.constant 160 : i32
        %add3A_775 = arith.addi %add3A_774, %mul3A_741 : i32
        %swap3A_776 = arith.index_cast %add3A_775 : i32 to index
        %swap3A_777 = tpu.vector_load %arg17[%swap3A_776] {strides = array<i32>} : memref<320xi32, #tpu.memory_space<vmem>>, vector<16xi32>,
        %swap3A_778 = vector.shape_cast %swap3A_777 : vector<16xi32> to vector<16xi32>
        %swap3A_779 = vector.shape_cast %add3A_773 : vector<16xi32> to vector<16xi32>
        tpu.vector_store %arg17[%swap3A_776], %swap3A_779 {strides = array<i32>} : memref<320xi32, #tpu.memory_space<vmem>>, vector<16xi32>,
        %scan3A_780 = arith.constant 1 : i32
        %mul3A_781 = arith.constant 16 : i32
        %mul3A_782 = arith.muli %scan3A_780, %mul3A_781 : i32
        %get3A_783 = arith.constant 2 : i32
        %get3A_784 = arith.index_cast %get3A_783 : i32 to index
        %get3A_785 = arith.index_cast %mul3A_782 : i32 to index
        %get3A_786 = tpu.vector_load %arg9[%get3A_784, %get3A_785] {strides = array<i32>} : memref<4x128xi32, #tpu.memory_space<vmem>>, vector<1x16xi32>,
        %get3A_787 = vector.shape_cast %get3A_786 : vector<1x16xi32> to vector<16xi32>
        %get3A_788 = arith.constant 2 : i32
        %get3A_789 = arith.index_cast %get3A_788 : i32 to index
        %get3A_790 = arith.index_cast %mul3A_782 : i32 to index
        %get3A_791 = tpu.vector_load %arg11[%get3A_789, %get3A_790] {strides = array<i32>} : memref<4x128xi32, #tpu.memory_space<vmem>>, vector<1x16xi32>,
        %get3A_792 = vector.shape_cast %get3A_791 : vector<1x16xi32> to vector<16xi32>
        %get3A_793 = arith.constant 2 : i32
        %get3A_794 = arith.index_cast %get3A_793 : i32 to index
        %get3A_795 = arith.index_cast %mul3A_782 : i32 to index
        %get3A_796 = tpu.vector_load %arg13[%get3A_794, %get3A_795] {strides = array<i32>} : memref<4x128xi32, #tpu.memory_space<vmem>>, vector<1x16xi32>,
        %get3A_797 = vector.shape_cast %get3A_796 : vector<1x16xi32> to vector<16xi32>
        %get3A_798 = arith.constant 2 : i32
        %get3A_799 = arith.index_cast %get3A_798 : i32 to index
        %get3A_800 = arith.index_cast %mul3A_782 : i32 to index
        %get3A_801 = tpu.vector_load %arg15[%get3A_799, %get3A_800] {strides = array<i32>} : memref<4x128xi32, #tpu.memory_space<vmem>>, vector<1x16xi32>,
        %get3A_802 = vector.shape_cast %get3A_801 : vector<1x16xi32> to vector<16xi32>
        %mul3A_803 = arith.constant 121 : i32
        %mul3A_804 = vector.broadcast %mul3A_803 : i32 to vector<16xi32>
        %mul3A_805 = arith.muli %get3A_787, %mul3A_804 : vector<16xi32>
        %add3A_806 = arith.addi %mul3A_805, %get3A_792 : vector<16xi32>
        %mul3A_807 = arith.constant 121 : i32
        %mul3A_808 = vector.broadcast %mul3A_807 : i32 to vector<16xi32>
        %mul3A_809 = arith.muli %add3A_806, %mul3A_808 : vector<16xi32>
        %add3A_810 = arith.addi %mul3A_809, %get3A_797 : vector<16xi32>
        %mul3A_811 = arith.constant 121 : i32
        %mul3A_812 = vector.broadcast %mul3A_811 : i32 to vector<16xi32>
        %mul3A_813 = arith.muli %add3A_810, %mul3A_812 : vector<16xi32>
        %add3A_814 = arith.addi %mul3A_813, %get3A_802 : vector<16xi32>
        %add3A_815 = arith.constant 160 : i32
        %add3A_816 = arith.addi %add3A_815, %mul3A_782 : i32
        %swap3A_817 = arith.index_cast %add3A_816 : i32 to index
        %swap3A_818 = tpu.vector_load %arg17[%swap3A_817] {strides = array<i32>} : memref<320xi32, #tpu.memory_space<vmem>>, vector<16xi32>,
        %swap3A_819 = vector.shape_cast %swap3A_818 : vector<16xi32> to vector<16xi32>
        %swap3A_820 = vector.shape_cast %add3A_814 : vector<16xi32> to vector<16xi32>
        tpu.vector_store %arg17[%swap3A_817], %swap3A_820 {strides = array<i32>} : memref<320xi32, #tpu.memory_space<vmem>>, vector<16xi32>,
        %scan3A_821 = arith.constant 2 : i32
        %mul3A_822 = arith.constant 16 : i32
        %mul3A_823 = arith.muli %scan3A_821, %mul3A_822 : i32
        %get3A_824 = arith.constant 2 : i32
        %get3A_825 = arith.index_cast %get3A_824 : i32 to index
        %get3A_826 = arith.index_cast %mul3A_823 : i32 to index
        %get3A_827 = tpu.vector_load %arg9[%get3A_825, %get3A_826] {strides = array<i32>} : memref<4x128xi32, #tpu.memory_space<vmem>>, vector<1x16xi32>,
        %get3A_828 = vector.shape_cast %get3A_827 : vector<1x16xi32> to vector<16xi32>
        %get3A_829 = arith.constant 2 : i32
        %get3A_830 = arith.index_cast %get3A_829 : i32 to index
        %get3A_831 = arith.index_cast %mul3A_823 : i32 to index
        %get3A_832 = tpu.vector_load %arg11[%get3A_830, %get3A_831] {strides = array<i32>} : memref<4x128xi32, #tpu.memory_space<vmem>>, vector<1x16xi32>,
        %get3A_833 = vector.shape_cast %get3A_832 : vector<1x16xi32> to vector<16xi32>
        %get3A_834 = arith.constant 2 : i32
        %get3A_835 = arith.index_cast %get3A_834 : i32 to index
        %get3A_836 = arith.index_cast %mul3A_823 : i32 to index
        %get3A_837 = tpu.vector_load %arg13[%get3A_835, %get3A_836] {strides = array<i32>} : memref<4x128xi32, #tpu.memory_space<vmem>>, vector<1x16xi32>,
        %get3A_838 = vector.shape_cast %get3A_837 : vector<1x16xi32> to vector<16xi32>
        %get3A_839 = arith.constant 2 : i32
        %get3A_840 = arith.index_cast %get3A_839 : i32 to index
        %get3A_841 = arith.index_cast %mul3A_823 : i32 to index
        %get3A_842 = tpu.vector_load %arg15[%get3A_840, %get3A_841] {strides = array<i32>} : memref<4x128xi32, #tpu.memory_space<vmem>>, vector<1x16xi32>,
        %get3A_843 = vector.shape_cast %get3A_842 : vector<1x16xi32> to vector<16xi32>
        %mul3A_844 = arith.constant 121 : i32
        %mul3A_845 = vector.broadcast %mul3A_844 : i32 to vector<16xi32>
        %mul3A_846 = arith.muli %get3A_828, %mul3A_845 : vector<16xi32>
        %add3A_847 = arith.addi %mul3A_846, %get3A_833 : vector<16xi32>
        %mul3A_848 = arith.constant 121 : i32
        %mul3A_849 = vector.broadcast %mul3A_848 : i32 to vector<16xi32>
        %mul3A_850 = arith.muli %add3A_847, %mul3A_849 : vector<16xi32>
        %add3A_851 = arith.addi %mul3A_850, %get3A_838 : vector<16xi32>
        %mul3A_852 = arith.constant 121 : i32
        %mul3A_853 = vector.broadcast %mul3A_852 : i32 to vector<16xi32>
        %mul3A_854 = arith.muli %add3A_851, %mul3A_853 : vector<16xi32>
        %add3A_855 = arith.addi %mul3A_854, %get3A_843 : vector<16xi32>
        %add3A_856 = arith.constant 160 : i32
        %add3A_857 = arith.addi %add3A_856, %mul3A_823 : i32
        %swap3A_858 = arith.index_cast %add3A_857 : i32 to index
        %swap3A_859 = tpu.vector_load %arg17[%swap3A_858] {strides = array<i32>} : memref<320xi32, #tpu.memory_space<vmem>>, vector<16xi32>,
        %swap3A_860 = vector.shape_cast %swap3A_859 : vector<16xi32> to vector<16xi32>
        %swap3A_861 = vector.shape_cast %add3A_855 : vector<16xi32> to vector<16xi32>
        tpu.vector_store %arg17[%swap3A_858], %swap3A_861 {strides = array<i32>} : memref<320xi32, #tpu.memory_space<vmem>>, vector<16xi32>,
        %scan3A_862 = arith.constant 3 : i32
        %mul3A_863 = arith.constant 16 : i32
        %mul3A_864 = arith.muli %scan3A_862, %mul3A_863 : i32
        %get3A_865 = arith.constant 2 : i32
        %get3A_866 = arith.index_cast %get3A_865 : i32 to index
        %get3A_867 = arith.index_cast %mul3A_864 : i32 to index
        %get3A_868 = tpu.vector_load %arg9[%get3A_866, %get3A_867] {strides = array<i32>} : memref<4x128xi32, #tpu.memory_space<vmem>>, vector<1x16xi32>,
        %get3A_869 = vector.shape_cast %get3A_868 : vector<1x16xi32> to vector<16xi32>
        %get3A_870 = arith.constant 2 : i32
        %get3A_871 = arith.index_cast %get3A_870 : i32 to index
        %get3A_872 = arith.index_cast %mul3A_864 : i32 to index
        %get3A_873 = tpu.vector_load %arg11[%get3A_871, %get3A_872] {strides = array<i32>} : memref<4x128xi32, #tpu.memory_space<vmem>>, vector<1x16xi32>,
        %get3A_874 = vector.shape_cast %get3A_873 : vector<1x16xi32> to vector<16xi32>
        %get3A_875 = arith.constant 2 : i32
        %get3A_876 = arith.index_cast %get3A_875 : i32 to index
        %get3A_877 = arith.index_cast %mul3A_864 : i32 to index
        %get3A_878 = tpu.vector_load %arg13[%get3A_876, %get3A_877] {strides = array<i32>} : memref<4x128xi32, #tpu.memory_space<vmem>>, vector<1x16xi32>,
        %get3A_879 = vector.shape_cast %get3A_878 : vector<1x16xi32> to vector<16xi32>
        %get3A_880 = arith.constant 2 : i32
        %get3A_881 = arith.index_cast %get3A_880 : i32 to index
        %get3A_882 = arith.index_cast %mul3A_864 : i32 to index
        %get3A_883 = tpu.vector_load %arg15[%get3A_881, %get3A_882] {strides = array<i32>} : memref<4x128xi32, #tpu.memory_space<vmem>>, vector<1x16xi32>,
        %get3A_884 = vector.shape_cast %get3A_883 : vector<1x16xi32> to vector<16xi32>
        %mul3A_885 = arith.constant 121 : i32
        %mul3A_886 = vector.broadcast %mul3A_885 : i32 to vector<16xi32>
        %mul3A_887 = arith.muli %get3A_869, %mul3A_886 : vector<16xi32>
        %add3A_888 = arith.addi %mul3A_887, %get3A_874 : vector<16xi32>
        %mul3A_889 = arith.constant 121 : i32
        %mul3A_890 = vector.broadcast %mul3A_889 : i32 to vector<16xi32>
        %mul3A_891 = arith.muli %add3A_888, %mul3A_890 : vector<16xi32>
        %add3A_892 = arith.addi %mul3A_891, %get3A_879 : vector<16xi32>
        %mul3A_893 = arith.constant 121 : i32
        %mul3A_894 = vector.broadcast %mul3A_893 : i32 to vector<16xi32>
        %mul3A_895 = arith.muli %add3A_892, %mul3A_894 : vector<16xi32>
        %add3A_896 = arith.addi %mul3A_895, %get3A_884 : vector<16xi32>
        %add3A_897 = arith.constant 160 : i32
        %add3A_898 = arith.addi %add3A_897, %mul3A_864 : i32
        %swap3A_899 = arith.index_cast %add3A_898 : i32 to index
        %swap3A_900 = tpu.vector_load %arg17[%swap3A_899] {strides = array<i32>} : memref<320xi32, #tpu.memory_space<vmem>>, vector<16xi32>,
        %swap3A_901 = vector.shape_cast %swap3A_900 : vector<16xi32> to vector<16xi32>
        %swap3A_902 = vector.shape_cast %add3A_896 : vector<16xi32> to vector<16xi32>
        tpu.vector_store %arg17[%swap3A_899], %swap3A_902 {strides = array<i32>} : memref<320xi32, #tpu.memory_space<vmem>>, vector<16xi32>,
        %scan3A_903 = arith.constant 4 : i32
        %mul3A_904 = arith.constant 16 : i32
        %mul3A_905 = arith.muli %scan3A_903, %mul3A_904 : i32
        %get3A_906 = arith.constant 2 : i32
        %get3A_907 = arith.index_cast %get3A_906 : i32 to index
        %get3A_908 = arith.index_cast %mul3A_905 : i32 to index
        %get3A_909 = tpu.vector_load %arg9[%get3A_907, %get3A_908] {strides = array<i32>} : memref<4x128xi32, #tpu.memory_space<vmem>>, vector<1x16xi32>,
        %get3A_910 = vector.shape_cast %get3A_909 : vector<1x16xi32> to vector<16xi32>
        %get3A_911 = arith.constant 2 : i32
        %get3A_912 = arith.index_cast %get3A_911 : i32 to index
        %get3A_913 = arith.index_cast %mul3A_905 : i32 to index
        %get3A_914 = tpu.vector_load %arg11[%get3A_912, %get3A_913] {strides = array<i32>} : memref<4x128xi32, #tpu.memory_space<vmem>>, vector<1x16xi32>,
        %get3A_915 = vector.shape_cast %get3A_914 : vector<1x16xi32> to vector<16xi32>
        %get3A_916 = arith.constant 2 : i32
        %get3A_917 = arith.index_cast %get3A_916 : i32 to index
        %get3A_918 = arith.index_cast %mul3A_905 : i32 to index
        %get3A_919 = tpu.vector_load %arg13[%get3A_917, %get3A_918] {strides = array<i32>} : memref<4x128xi32, #tpu.memory_space<vmem>>, vector<1x16xi32>,
        %get3A_920 = vector.shape_cast %get3A_919 : vector<1x16xi32> to vector<16xi32>
        %get3A_921 = arith.constant 2 : i32
        %get3A_922 = arith.index_cast %get3A_921 : i32 to index
        %get3A_923 = arith.index_cast %mul3A_905 : i32 to index
        %get3A_924 = tpu.vector_load %arg15[%get3A_922, %get3A_923] {strides = array<i32>} : memref<4x128xi32, #tpu.memory_space<vmem>>, vector<1x16xi32>,
        %get3A_925 = vector.shape_cast %get3A_924 : vector<1x16xi32> to vector<16xi32>
        %mul3A_926 = arith.constant 121 : i32
        %mul3A_927 = vector.broadcast %mul3A_926 : i32 to vector<16xi32>
        %mul3A_928 = arith.muli %get3A_910, %mul3A_927 : vector<16xi32>
        %add3A_929 = arith.addi %mul3A_928, %get3A_915 : vector<16xi32>
        %mul3A_930 = arith.constant 121 : i32
        %mul3A_931 = vector.broadcast %mul3A_930 : i32 to vector<16xi32>
        %mul3A_932 = arith.muli %add3A_929, %mul3A_931 : vector<16xi32>
        %add3A_933 = arith.addi %mul3A_932, %get3A_920 : vector<16xi32>
        %mul3A_934 = arith.constant 121 : i32
        %mul3A_935 = vector.broadcast %mul3A_934 : i32 to vector<16xi32>
        %mul3A_936 = arith.muli %add3A_933, %mul3A_935 : vector<16xi32>
        %add3A_937 = arith.addi %mul3A_936, %get3A_925 : vector<16xi32>
        %add3A_938 = arith.constant 160 : i32
        %add3A_939 = arith.addi %add3A_938, %mul3A_905 : i32
        %swap3A_940 = arith.index_cast %add3A_939 : i32 to index
        %swap3A_941 = tpu.vector_load %arg17[%swap3A_940] {strides = array<i32>} : memref<320xi32, #tpu.memory_space<vmem>>, vector<16xi32>,
        %swap3A_942 = vector.shape_cast %swap3A_941 : vector<16xi32> to vector<16xi32>
        %swap3A_943 = vector.shape_cast %add3A_937 : vector<16xi32> to vector<16xi32>
        tpu.vector_store %arg17[%swap3A_940], %swap3A_943 {strides = array<i32>} : memref<320xi32, #tpu.memory_space<vmem>>, vector<16xi32>,
        %scan3A_944 = arith.constant 5 : i32
        %scan3A_945 = arith.constant 0 : i32
        %scan3A_946 = arith.constant 0 : i32
        %mul3A_947 = arith.constant 16 : i32
        %mul3A_948 = arith.muli %scan3A_946, %mul3A_947 : i32
        %get3A_949 = arith.constant 3 : i32
        %get3A_950 = arith.index_cast %get3A_949 : i32 to index
        %get3A_951 = arith.index_cast %mul3A_948 : i32 to index
        %get3A_952 = tpu.vector_load %arg9[%get3A_950, %get3A_951] {strides = array<i32>} : memref<4x128xi32, #tpu.memory_space<vmem>>, vector<1x16xi32>,
        %get3A_953 = vector.shape_cast %get3A_952 : vector<1x16xi32> to vector<16xi32>
        %get3A_954 = arith.constant 3 : i32
        %get3A_955 = arith.index_cast %get3A_954 : i32 to index
        %get3A_956 = arith.index_cast %mul3A_948 : i32 to index
        %get3A_957 = tpu.vector_load %arg11[%get3A_955, %get3A_956] {strides = array<i32>} : memref<4x128xi32, #tpu.memory_space<vmem>>, vector<1x16xi32>,
        %get3A_958 = vector.shape_cast %get3A_957 : vector<1x16xi32> to vector<16xi32>
        %get3A_959 = arith.constant 3 : i32
        %get3A_960 = arith.index_cast %get3A_959 : i32 to index
        %get3A_961 = arith.index_cast %mul3A_948 : i32 to index
        %get3A_962 = tpu.vector_load %arg13[%get3A_960, %get3A_961] {strides = array<i32>} : memref<4x128xi32, #tpu.memory_space<vmem>>, vector<1x16xi32>,
        %get3A_963 = vector.shape_cast %get3A_962 : vector<1x16xi32> to vector<16xi32>
        %get3A_964 = arith.constant 3 : i32
        %get3A_965 = arith.index_cast %get3A_964 : i32 to index
        %get3A_966 = arith.index_cast %mul3A_948 : i32 to index
        %get3A_967 = tpu.vector_load %arg15[%get3A_965, %get3A_966] {strides = array<i32>} : memref<4x128xi32, #tpu.memory_space<vmem>>, vector<1x16xi32>,
        %get3A_968 = vector.shape_cast %get3A_967 : vector<1x16xi32> to vector<16xi32>
        %mul3A_969 = arith.constant 121 : i32
        %mul3A_970 = vector.broadcast %mul3A_969 : i32 to vector<16xi32>
        %mul3A_971 = arith.muli %get3A_953, %mul3A_970 : vector<16xi32>
        %add3A_972 = arith.addi %mul3A_971, %get3A_958 : vector<16xi32>
        %mul3A_973 = arith.constant 121 : i32
        %mul3A_974 = vector.broadcast %mul3A_973 : i32 to vector<16xi32>
        %mul3A_975 = arith.muli %add3A_972, %mul3A_974 : vector<16xi32>
        %add3A_976 = arith.addi %mul3A_975, %get3A_963 : vector<16xi32>
        %mul3A_977 = arith.constant 121 : i32
        %mul3A_978 = vector.broadcast %mul3A_977 : i32 to vector<16xi32>
        %mul3A_979 = arith.muli %add3A_976, %mul3A_978 : vector<16xi32>
        %add3A_980 = arith.addi %mul3A_979, %get3A_968 : vector<16xi32>
        %add3A_981 = arith.constant 240 : i32
        %add3A_982 = arith.addi %add3A_981, %mul3A_948 : i32
        %swap3A_983 = arith.index_cast %add3A_982 : i32 to index
        %swap3A_984 = tpu.vector_load %arg17[%swap3A_983] {strides = array<i32>} : memref<320xi32, #tpu.memory_space<vmem>>, vector<16xi32>,
        %swap3A_985 = vector.shape_cast %swap3A_984 : vector<16xi32> to vector<16xi32>
        %swap3A_986 = vector.shape_cast %add3A_980 : vector<16xi32> to vector<16xi32>
        tpu.vector_store %arg17[%swap3A_983], %swap3A_986 {strides = array<i32>} : memref<320xi32, #tpu.memory_space<vmem>>, vector<16xi32>,
        %scan3A_987 = arith.constant 1 : i32
        %mul3A_988 = arith.constant 16 : i32
        %mul3A_989 = arith.muli %scan3A_987, %mul3A_988 : i32
        %get3A_990 = arith.constant 3 : i32
        %get3A_991 = arith.index_cast %get3A_990 : i32 to index
        %get3A_992 = arith.index_cast %mul3A_989 : i32 to index
        %get3A_993 = tpu.vector_load %arg9[%get3A_991, %get3A_992] {strides = array<i32>} : memref<4x128xi32, #tpu.memory_space<vmem>>, vector<1x16xi32>,
        %get3A_994 = vector.shape_cast %get3A_993 : vector<1x16xi32> to vector<16xi32>
        %get3A_995 = arith.constant 3 : i32
        %get3A_996 = arith.index_cast %get3A_995 : i32 to index
        %get3A_997 = arith.index_cast %mul3A_989 : i32 to index
        %get3A_998 = tpu.vector_load %arg11[%get3A_996, %get3A_997] {strides = array<i32>} : memref<4x128xi32, #tpu.memory_space<vmem>>, vector<1x16xi32>,
        %get3A_999 = vector.shape_cast %get3A_998 : vector<1x16xi32> to vector<16xi32>
        %get3A_1000 = arith.constant 3 : i32
        %get3A_1001 = arith.index_cast %get3A_1000 : i32 to index
        %get3A_1002 = arith.index_cast %mul3A_989 : i32 to index
        %get3A_1003 = tpu.vector_load %arg13[%get3A_1001, %get3A_1002] {strides = array<i32>} : memref<4x128xi32, #tpu.memory_space<vmem>>, vector<1x16xi32>,
        %get3A_1004 = vector.shape_cast %get3A_1003 : vector<1x16xi32> to vector<16xi32>
        %get3A_1005 = arith.constant 3 : i32
        %get3A_1006 = arith.index_cast %get3A_1005 : i32 to index
        %get3A_1007 = arith.index_cast %mul3A_989 : i32 to index
        %get3A_1008 = tpu.vector_load %arg15[%get3A_1006, %get3A_1007] {strides = array<i32>} : memref<4x128xi32, #tpu.memory_space<vmem>>, vector<1x16xi32>,
        %get3A_1009 = vector.shape_cast %get3A_1008 : vector<1x16xi32> to vector<16xi32>
        %mul3A_1010 = arith.constant 121 : i32
        %mul3A_1011 = vector.broadcast %mul3A_1010 : i32 to vector<16xi32>
        %mul3A_1012 = arith.muli %get3A_994, %mul3A_1011 : vector<16xi32>
        %add3A_1013 = arith.addi %mul3A_1012, %get3A_999 : vector<16xi32>
        %mul3A_1014 = arith.constant 121 : i32
        %mul3A_1015 = vector.broadcast %mul3A_1014 : i32 to vector<16xi32>
        %mul3A_1016 = arith.muli %add3A_1013, %mul3A_1015 : vector<16xi32>
        %add3A_1017 = arith.addi %mul3A_1016, %get3A_1004 : vector<16xi32>
        %mul3A_1018 = arith.constant 121 : i32
        %mul3A_1019 = vector.broadcast %mul3A_1018 : i32 to vector<16xi32>
        %mul3A_1020 = arith.muli %add3A_1017, %mul3A_1019 : vector<16xi32>
        %add3A_1021 = arith.addi %mul3A_1020, %get3A_1009 : vector<16xi32>
        %add3A_1022 = arith.constant 240 : i32
        %add3A_1023 = arith.addi %add3A_1022, %mul3A_989 : i32
        %swap3A_1024 = arith.index_cast %add3A_1023 : i32 to index
        %swap3A_1025 = tpu.vector_load %arg17[%swap3A_1024] {strides = array<i32>} : memref<320xi32, #tpu.memory_space<vmem>>, vector<16xi32>,
        %swap3A_1026 = vector.shape_cast %swap3A_1025 : vector<16xi32> to vector<16xi32>
        %swap3A_1027 = vector.shape_cast %add3A_1021 : vector<16xi32> to vector<16xi32>
        tpu.vector_store %arg17[%swap3A_1024], %swap3A_1027 {strides = array<i32>} : memref<320xi32, #tpu.memory_space<vmem>>, vector<16xi32>,
        %scan3A_1028 = arith.constant 2 : i32
        %mul3A_1029 = arith.constant 16 : i32
        %mul3A_1030 = arith.muli %scan3A_1028, %mul3A_1029 : i32
        %get3A_1031 = arith.constant 3 : i32
        %get3A_1032 = arith.index_cast %get3A_1031 : i32 to index
        %get3A_1033 = arith.index_cast %mul3A_1030 : i32 to index
        %get3A_1034 = tpu.vector_load %arg9[%get3A_1032, %get3A_1033] {strides = array<i32>} : memref<4x128xi32, #tpu.memory_space<vmem>>, vector<1x16xi32>,
        %get3A_1035 = vector.shape_cast %get3A_1034 : vector<1x16xi32> to vector<16xi32>
        %get3A_1036 = arith.constant 3 : i32
        %get3A_1037 = arith.index_cast %get3A_1036 : i32 to index
        %get3A_1038 = arith.index_cast %mul3A_1030 : i32 to index
        %get3A_1039 = tpu.vector_load %arg11[%get3A_1037, %get3A_1038] {strides = array<i32>} : memref<4x128xi32, #tpu.memory_space<vmem>>, vector<1x16xi32>,
        %get3A_1040 = vector.shape_cast %get3A_1039 : vector<1x16xi32> to vector<16xi32>
        %get3A_1041 = arith.constant 3 : i32
        %get3A_1042 = arith.index_cast %get3A_1041 : i32 to index
        %get3A_1043 = arith.index_cast %mul3A_1030 : i32 to index
        %get3A_1044 = tpu.vector_load %arg13[%get3A_1042, %get3A_1043] {strides = array<i32>} : memref<4x128xi32, #tpu.memory_space<vmem>>, vector<1x16xi32>,
        %get3A_1045 = vector.shape_cast %get3A_1044 : vector<1x16xi32> to vector<16xi32>
        %get3A_1046 = arith.constant 3 : i32
        %get3A_1047 = arith.index_cast %get3A_1046 : i32 to index
        %get3A_1048 = arith.index_cast %mul3A_1030 : i32 to index
        %get3A_1049 = tpu.vector_load %arg15[%get3A_1047, %get3A_1048] {strides = array<i32>} : memref<4x128xi32, #tpu.memory_space<vmem>>, vector<1x16xi32>,
        %get3A_1050 = vector.shape_cast %get3A_1049 : vector<1x16xi32> to vector<16xi32>
        %mul3A_1051 = arith.constant 121 : i32
        %mul3A_1052 = vector.broadcast %mul3A_1051 : i32 to vector<16xi32>
        %mul3A_1053 = arith.muli %get3A_1035, %mul3A_1052 : vector<16xi32>
        %add3A_1054 = arith.addi %mul3A_1053, %get3A_1040 : vector<16xi32>
        %mul3A_1055 = arith.constant 121 : i32
        %mul3A_1056 = vector.broadcast %mul3A_1055 : i32 to vector<16xi32>
        %mul3A_1057 = arith.muli %add3A_1054, %mul3A_1056 : vector<16xi32>
        %add3A_1058 = arith.addi %mul3A_1057, %get3A_1045 : vector<16xi32>
        %mul3A_1059 = arith.constant 121 : i32
        %mul3A_1060 = vector.broadcast %mul3A_1059 : i32 to vector<16xi32>
        %mul3A_1061 = arith.muli %add3A_1058, %mul3A_1060 : vector<16xi32>
        %add3A_1062 = arith.addi %mul3A_1061, %get3A_1050 : vector<16xi32>
        %add3A_1063 = arith.constant 240 : i32
        %add3A_1064 = arith.addi %add3A_1063, %mul3A_1030 : i32
        %swap3A_1065 = arith.index_cast %add3A_1064 : i32 to index
        %swap3A_1066 = tpu.vector_load %arg17[%swap3A_1065] {strides = array<i32>} : memref<320xi32, #tpu.memory_space<vmem>>, vector<16xi32>,
        %swap3A_1067 = vector.shape_cast %swap3A_1066 : vector<16xi32> to vector<16xi32>
        %swap3A_1068 = vector.shape_cast %add3A_1062 : vector<16xi32> to vector<16xi32>
        tpu.vector_store %arg17[%swap3A_1065], %swap3A_1068 {strides = array<i32>} : memref<320xi32, #tpu.memory_space<vmem>>, vector<16xi32>,
        %scan3A_1069 = arith.constant 3 : i32
        %mul3A_1070 = arith.constant 16 : i32
        %mul3A_1071 = arith.muli %scan3A_1069, %mul3A_1070 : i32
        %get3A_1072 = arith.constant 3 : i32
        %get3A_1073 = arith.index_cast %get3A_1072 : i32 to index
        %get3A_1074 = arith.index_cast %mul3A_1071 : i32 to index
        %get3A_1075 = tpu.vector_load %arg9[%get3A_1073, %get3A_1074] {strides = array<i32>} : memref<4x128xi32, #tpu.memory_space<vmem>>, vector<1x16xi32>,
        %get3A_1076 = vector.shape_cast %get3A_1075 : vector<1x16xi32> to vector<16xi32>
        %get3A_1077 = arith.constant 3 : i32
        %get3A_1078 = arith.index_cast %get3A_1077 : i32 to index
        %get3A_1079 = arith.index_cast %mul3A_1071 : i32 to index
        %get3A_1080 = tpu.vector_load %arg11[%get3A_1078, %get3A_1079] {strides = array<i32>} : memref<4x128xi32, #tpu.memory_space<vmem>>, vector<1x16xi32>,
        %get3A_1081 = vector.shape_cast %get3A_1080 : vector<1x16xi32> to vector<16xi32>
        %get3A_1082 = arith.constant 3 : i32
        %get3A_1083 = arith.index_cast %get3A_1082 : i32 to index
        %get3A_1084 = arith.index_cast %mul3A_1071 : i32 to index
        %get3A_1085 = tpu.vector_load %arg13[%get3A_1083, %get3A_1084] {strides = array<i32>} : memref<4x128xi32, #tpu.memory_space<vmem>>, vector<1x16xi32>,
        %get3A_1086 = vector.shape_cast %get3A_1085 : vector<1x16xi32> to vector<16xi32>
        %get3A_1087 = arith.constant 3 : i32
        %get3A_1088 = arith.index_cast %get3A_1087 : i32 to index
        %get3A_1089 = arith.index_cast %mul3A_1071 : i32 to index
        %get3A_1090 = tpu.vector_load %arg15[%get3A_1088, %get3A_1089] {strides = array<i32>} : memref<4x128xi32, #tpu.memory_space<vmem>>, vector<1x16xi32>,
        %get3A_1091 = vector.shape_cast %get3A_1090 : vector<1x16xi32> to vector<16xi32>
        %mul3A_1092 = arith.constant 121 : i32
        %mul3A_1093 = vector.broadcast %mul3A_1092 : i32 to vector<16xi32>
        %mul3A_1094 = arith.muli %get3A_1076, %mul3A_1093 : vector<16xi32>
        %add3A_1095 = arith.addi %mul3A_1094, %get3A_1081 : vector<16xi32>
        %mul3A_1096 = arith.constant 121 : i32
        %mul3A_1097 = vector.broadcast %mul3A_1096 : i32 to vector<16xi32>
        %mul3A_1098 = arith.muli %add3A_1095, %mul3A_1097 : vector<16xi32>
        %add3A_1099 = arith.addi %mul3A_1098, %get3A_1086 : vector<16xi32>
        %mul3A_1100 = arith.constant 121 : i32
        %mul3A_1101 = vector.broadcast %mul3A_1100 : i32 to vector<16xi32>
        %mul3A_1102 = arith.muli %add3A_1099, %mul3A_1101 : vector<16xi32>
        %add3A_1103 = arith.addi %mul3A_1102, %get3A_1091 : vector<16xi32>
        %add3A_1104 = arith.constant 240 : i32
        %add3A_1105 = arith.addi %add3A_1104, %mul3A_1071 : i32
        %swap3A_1106 = arith.index_cast %add3A_1105 : i32 to index
        %swap3A_1107 = tpu.vector_load %arg17[%swap3A_1106] {strides = array<i32>} : memref<320xi32, #tpu.memory_space<vmem>>, vector<16xi32>,
        %swap3A_1108 = vector.shape_cast %swap3A_1107 : vector<16xi32> to vector<16xi32>
        %swap3A_1109 = vector.shape_cast %add3A_1103 : vector<16xi32> to vector<16xi32>
        tpu.vector_store %arg17[%swap3A_1106], %swap3A_1109 {strides = array<i32>} : memref<320xi32, #tpu.memory_space<vmem>>, vector<16xi32>,
        %scan3A_1110 = arith.constant 4 : i32
        %mul3A_1111 = arith.constant 16 : i32
        %mul3A_1112 = arith.muli %scan3A_1110, %mul3A_1111 : i32
        %get3A_1113 = arith.constant 3 : i32
        %get3A_1114 = arith.index_cast %get3A_1113 : i32 to index
        %get3A_1115 = arith.index_cast %mul3A_1112 : i32 to index
        %get3A_1116 = tpu.vector_load %arg9[%get3A_1114, %get3A_1115] {strides = array<i32>} : memref<4x128xi32, #tpu.memory_space<vmem>>, vector<1x16xi32>,
        %get3A_1117 = vector.shape_cast %get3A_1116 : vector<1x16xi32> to vector<16xi32>
        %get3A_1118 = arith.constant 3 : i32
        %get3A_1119 = arith.index_cast %get3A_1118 : i32 to index
        %get3A_1120 = arith.index_cast %mul3A_1112 : i32 to index
        %get3A_1121 = tpu.vector_load %arg11[%get3A_1119, %get3A_1120] {strides = array<i32>} : memref<4x128xi32, #tpu.memory_space<vmem>>, vector<1x16xi32>,
        %get3A_1122 = vector.shape_cast %get3A_1121 : vector<1x16xi32> to vector<16xi32>
        %get3A_1123 = arith.constant 3 : i32
        %get3A_1124 = arith.index_cast %get3A_1123 : i32 to index
        %get3A_1125 = arith.index_cast %mul3A_1112 : i32 to index
        %get3A_1126 = tpu.vector_load %arg13[%get3A_1124, %get3A_1125] {strides = array<i32>} : memref<4x128xi32, #tpu.memory_space<vmem>>, vector<1x16xi32>,
        %get3A_1127 = vector.shape_cast %get3A_1126 : vector<1x16xi32> to vector<16xi32>
        %get3A_1128 = arith.constant 3 : i32
        %get3A_1129 = arith.index_cast %get3A_1128 : i32 to index
        %get3A_1130 = arith.index_cast %mul3A_1112 : i32 to index
        %get3A_1131 = tpu.vector_load %arg15[%get3A_1129, %get3A_1130] {strides = array<i32>} : memref<4x128xi32, #tpu.memory_space<vmem>>, vector<1x16xi32>,
        %get3A_1132 = vector.shape_cast %get3A_1131 : vector<1x16xi32> to vector<16xi32>
        %mul3A_1133 = arith.constant 121 : i32
        %mul3A_1134 = vector.broadcast %mul3A_1133 : i32 to vector<16xi32>
        %mul3A_1135 = arith.muli %get3A_1117, %mul3A_1134 : vector<16xi32>
        %add3A_1136 = arith.addi %mul3A_1135, %get3A_1122 : vector<16xi32>
        %mul3A_1137 = arith.constant 121 : i32
        %mul3A_1138 = vector.broadcast %mul3A_1137 : i32 to vector<16xi32>
        %mul3A_1139 = arith.muli %add3A_1136, %mul3A_1138 : vector<16xi32>
        %add3A_1140 = arith.addi %mul3A_1139, %get3A_1127 : vector<16xi32>
        %mul3A_1141 = arith.constant 121 : i32
        %mul3A_1142 = vector.broadcast %mul3A_1141 : i32 to vector<16xi32>
        %mul3A_1143 = arith.muli %add3A_1140, %mul3A_1142 : vector<16xi32>
        %add3A_1144 = arith.addi %mul3A_1143, %get3A_1132 : vector<16xi32>
        %add3A_1145 = arith.constant 240 : i32
        %add3A_1146 = arith.addi %add3A_1145, %mul3A_1112 : i32
        %swap3A_1147 = arith.index_cast %add3A_1146 : i32 to index
        %swap3A_1148 = tpu.vector_load %arg17[%swap3A_1147] {strides = array<i32>} : memref<320xi32, #tpu.memory_space<vmem>>, vector<16xi32>,
        %swap3A_1149 = vector.shape_cast %swap3A_1148 : vector<16xi32> to vector<16xi32>
        %swap3A_1150 = vector.shape_cast %add3A_1144 : vector<16xi32> to vector<16xi32>
        tpu.vector_store %arg17[%swap3A_1147], %swap3A_1150 {strides = array<i32>} : memref<320xi32, #tpu.memory_space<vmem>>, vector<16xi32>,
        %scan3A_1151 = arith.constant 5 : i32
        %dma_start3A = arith.constant 0 : i32
        %dma_start3A_1152 = tpu.memref_slice %arg7[%dma_start3A] : memref<3543122xi32, #tpu.memory_space<hbm>> -> memref<3543122xi32, #tpu.memory_space<hbm>>
        tpu.enqueue_indirect_dma source(%dma_start3A_1152 : memref<3543122xi32, #tpu.memory_space<hbm>>) target(%arg19 : memref<320xi32, #tpu.memory_space<vmem>>) offsets(%arg17 : memref<320xi32, #tpu.memory_space<vmem>>) semaphore(%arg25 : memref<!tpu.dma_semaphore, #tpu.memory_space<semaphore_mem>>)
      } else {
      }
      %ge3A_142 = arith.constant 0 : i32
      %ge3A_143 = arith.cmpi sge, %add3A_89, %ge3A_142 : i32
      %mul3A_144 = arith.constant 32 : i32
      %mul3A_145 = arith.muli %add3A_89, %mul3A_144 : i32
      %add3A_146 = arith.addi %add3A, %mul3A_145 : i32
      %lt3A_147 = arith.constant 3125 : i32
      %lt3A_148 = arith.cmpi slt, %add3A_146, %lt3A_147 : i32
      %and3A_149 = arith.andi %ge3A_143, %lt3A_148 : i1
      %convert_element_type3A_150 = arith.extui %and3A_149 : i1 to i32
      %cond3A_151 = arith.constant 0 : i32
      %cond3A_152 = arith.cmpi ne, %convert_element_type3A_150, %cond3A_151 : i32
      scf.if %cond3A_152 {
        %mul3A_153 = arith.constant 32 : i32
        %mul3A_154 = arith.muli %add3A_89, %mul3A_153 : i32
        %add3A_155 = arith.addi %add3A, %mul3A_154 : i32
        %mul3A_156 = arith.constant 80 : i32
        %mul3A_157 = arith.muli %add3A_155, %mul3A_156 : i32
        %add3A_158 = arith.constant 0 : i32
        %add3A_159 = arith.addi %mul3A_157, %add3A_158 : i32
        %mul3A_160 = arith.constant 32 : i32
        %mul3A_161 = arith.muli %add3A_89, %mul3A_160 : i32
        %add3A_162 = arith.addi %add3A, %mul3A_161 : i32
        %mul3A_163 = arith.constant 80 : i32
        %mul3A_164 = arith.muli %add3A_162, %mul3A_163 : i32
        %add3A_165 = arith.constant 250000 : i32
        %add3A_166 = arith.addi %mul3A_164, %add3A_165 : i32
        %mul3A_167 = arith.constant 32 : i32
        %mul3A_168 = arith.muli %add3A_89, %mul3A_167 : i32
        %add3A_169 = arith.addi %add3A, %mul3A_168 : i32
        %mul3A_170 = arith.constant 80 : i32
        %mul3A_171 = arith.muli %add3A_169, %mul3A_170 : i32
        %add3A_172 = arith.constant 500000 : i32
        %add3A_173 = arith.addi %mul3A_171, %add3A_172 : i32
        %mul3A_174 = arith.constant 32 : i32
        %mul3A_175 = arith.muli %add3A_89, %mul3A_174 : i32
        %add3A_176 = arith.addi %add3A, %mul3A_175 : i32
        %mul3A_177 = arith.constant 80 : i32
        %mul3A_178 = arith.muli %add3A_176, %mul3A_177 : i32
        %add3A_179 = arith.constant 750000 : i32
        %add3A_180 = arith.addi %mul3A_178, %add3A_179 : i32
        %dma_start3A = arith.constant 0 : i32
        %dma_start3A_181 = arith.constant 0 : i32
        %dma_start3A_182 = tpu.memref_slice %arg10[%dma_start3A, %dma_start3A_181] : memref<4x128xi32, #tpu.memory_space<vmem>> -> memref<1x80xi32, #tpu.memory_space<vmem>>
        %dma_start3A_183 = tpu.memref_squeeze %dma_start3A_182 : memref<1x80xi32, #tpu.memory_space<vmem>> -> memref<80xi32, #tpu.memory_space<vmem>>
        %dma_start3A_184 = tpu.memref_slice %arg3[%add3A_159] : memref<1000000xi32, #tpu.memory_space<hbm>> -> memref<80xi32, #tpu.memory_space<hbm>>
        %dma_start3A_185 = arith.constant 0 : i32
        %dma_start3A_186 = tpu.memref_slice %arg10[%dma_start3A, %dma_start3A_185] : memref<4x128xi32, #tpu.memory_space<vmem>> -> memref<1x80xi32, #tpu.memory_space<vmem>>
        %dma_start3A_187 = tpu.memref_squeeze %dma_start3A_186 : memref<1x80xi32, #tpu.memory_space<vmem>> -> memref<80xi32, #tpu.memory_space<vmem>>
        %dma_start3A_188 = tpu.memref_slice %arg3[%add3A_159] : memref<1000000xi32, #tpu.memory_space<hbm>> -> memref<80xi32, #tpu.memory_space<hbm>>
        tpu.enqueue_dma source(%dma_start3A_188 : memref<80xi32, #tpu.memory_space<hbm>>) target(%dma_start3A_187 : memref<80xi32, #tpu.memory_space<vmem>>) target_semaphore(%arg24 : memref<!tpu.dma_semaphore, #tpu.memory_space<semaphore_mem>>)
        %dma_start3A_189 = arith.constant 0 : i32
        %dma_start3A_190 = arith.constant 0 : i32
        %dma_start3A_191 = tpu.memref_slice %arg12[%dma_start3A_189, %dma_start3A_190] : memref<4x128xi32, #tpu.memory_space<vmem>> -> memref<1x80xi32, #tpu.memory_space<vmem>>
        %dma_start3A_192 = tpu.memref_squeeze %dma_start3A_191 : memref<1x80xi32, #tpu.memory_space<vmem>> -> memref<80xi32, #tpu.memory_space<vmem>>
        %dma_start3A_193 = tpu.memref_slice %arg4[%add3A_159] : memref<1000000xi32, #tpu.memory_space<hbm>> -> memref<80xi32, #tpu.memory_space<hbm>>
        %dma_start3A_194 = arith.constant 0 : i32
        %dma_start3A_195 = tpu.memref_slice %arg12[%dma_start3A_189, %dma_start3A_194] : memref<4x128xi32, #tpu.memory_space<vmem>> -> memref<1x80xi32, #tpu.memory_space<vmem>>
        %dma_start3A_196 = tpu.memref_squeeze %dma_start3A_195 : memref<1x80xi32, #tpu.memory_space<vmem>> -> memref<80xi32, #tpu.memory_space<vmem>>
        %dma_start3A_197 = tpu.memref_slice %arg4[%add3A_159] : memref<1000000xi32, #tpu.memory_space<hbm>> -> memref<80xi32, #tpu.memory_space<hbm>>
        tpu.enqueue_dma source(%dma_start3A_197 : memref<80xi32, #tpu.memory_space<hbm>>) target(%dma_start3A_196 : memref<80xi32, #tpu.memory_space<vmem>>) target_semaphore(%arg24 : memref<!tpu.dma_semaphore, #tpu.memory_space<semaphore_mem>>)
        %dma_start3A_198 = arith.constant 0 : i32
        %dma_start3A_199 = arith.constant 0 : i32
        %dma_start3A_200 = tpu.memref_slice %arg14[%dma_start3A_198, %dma_start3A_199] : memref<4x128xi32, #tpu.memory_space<vmem>> -> memref<1x80xi32, #tpu.memory_space<vmem>>
        %dma_start3A_201 = tpu.memref_squeeze %dma_start3A_200 : memref<1x80xi32, #tpu.memory_space<vmem>> -> memref<80xi32, #tpu.memory_space<vmem>>
        %dma_start3A_202 = tpu.memref_slice %arg5[%add3A_159] : memref<1000000xi32, #tpu.memory_space<hbm>> -> memref<80xi32, #tpu.memory_space<hbm>>
        %dma_start3A_203 = arith.constant 0 : i32
        %dma_start3A_204 = tpu.memref_slice %arg14[%dma_start3A_198, %dma_start3A_203] : memref<4x128xi32, #tpu.memory_space<vmem>> -> memref<1x80xi32, #tpu.memory_space<vmem>>
        %dma_start3A_205 = tpu.memref_squeeze %dma_start3A_204 : memref<1x80xi32, #tpu.memory_space<vmem>> -> memref<80xi32, #tpu.memory_space<vmem>>
        %dma_start3A_206 = tpu.memref_slice %arg5[%add3A_159] : memref<1000000xi32, #tpu.memory_space<hbm>> -> memref<80xi32, #tpu.memory_space<hbm>>
        tpu.enqueue_dma source(%dma_start3A_206 : memref<80xi32, #tpu.memory_space<hbm>>) target(%dma_start3A_205 : memref<80xi32, #tpu.memory_space<vmem>>) target_semaphore(%arg24 : memref<!tpu.dma_semaphore, #tpu.memory_space<semaphore_mem>>)
        %dma_start3A_207 = arith.constant 0 : i32
        %dma_start3A_208 = arith.constant 0 : i32
        %dma_start3A_209 = tpu.memref_slice %arg16[%dma_start3A_207, %dma_start3A_208] : memref<4x128xi32, #tpu.memory_space<vmem>> -> memref<1x80xi32, #tpu.memory_space<vmem>>
        %dma_start3A_210 = tpu.memref_squeeze %dma_start3A_209 : memref<1x80xi32, #tpu.memory_space<vmem>> -> memref<80xi32, #tpu.memory_space<vmem>>
        %dma_start3A_211 = tpu.memref_slice %arg6[%add3A_159] : memref<1000000xi32, #tpu.memory_space<hbm>> -> memref<80xi32, #tpu.memory_space<hbm>>
        %dma_start3A_212 = arith.constant 0 : i32
        %dma_start3A_213 = tpu.memref_slice %arg16[%dma_start3A_207, %dma_start3A_212] : memref<4x128xi32, #tpu.memory_space<vmem>> -> memref<1x80xi32, #tpu.memory_space<vmem>>
        %dma_start3A_214 = tpu.memref_squeeze %dma_start3A_213 : memref<1x80xi32, #tpu.memory_space<vmem>> -> memref<80xi32, #tpu.memory_space<vmem>>
        %dma_start3A_215 = tpu.memref_slice %arg6[%add3A_159] : memref<1000000xi32, #tpu.memory_space<hbm>> -> memref<80xi32, #tpu.memory_space<hbm>>
        tpu.enqueue_dma source(%dma_start3A_215 : memref<80xi32, #tpu.memory_space<hbm>>) target(%dma_start3A_214 : memref<80xi32, #tpu.memory_space<vmem>>) target_semaphore(%arg24 : memref<!tpu.dma_semaphore, #tpu.memory_space<semaphore_mem>>)
        %dma_start3A_216 = arith.constant 1 : i32
        %dma_start3A_217 = arith.constant 0 : i32
        %dma_start3A_218 = tpu.memref_slice %arg10[%dma_start3A_216, %dma_start3A_217] : memref<4x128xi32, #tpu.memory_space<vmem>> -> memref<1x80xi32, #tpu.memory_space<vmem>>
        %dma_start3A_219 = tpu.memref_squeeze %dma_start3A_218 : memref<1x80xi32, #tpu.memory_space<vmem>> -> memref<80xi32, #tpu.memory_space<vmem>>
        %dma_start3A_220 = tpu.memref_slice %arg3[%add3A_166] : memref<1000000xi32, #tpu.memory_space<hbm>> -> memref<80xi32, #tpu.memory_space<hbm>>
        %dma_start3A_221 = arith.constant 0 : i32
        %dma_start3A_222 = tpu.memref_slice %arg10[%dma_start3A_216, %dma_start3A_221] : memref<4x128xi32, #tpu.memory_space<vmem>> -> memref<1x80xi32, #tpu.memory_space<vmem>>
        %dma_start3A_223 = tpu.memref_squeeze %dma_start3A_222 : memref<1x80xi32, #tpu.memory_space<vmem>> -> memref<80xi32, #tpu.memory_space<vmem>>
        %dma_start3A_224 = tpu.memref_slice %arg3[%add3A_166] : memref<1000000xi32, #tpu.memory_space<hbm>> -> memref<80xi32, #tpu.memory_space<hbm>>
        tpu.enqueue_dma source(%dma_start3A_224 : memref<80xi32, #tpu.memory_space<hbm>>) target(%dma_start3A_223 : memref<80xi32, #tpu.memory_space<vmem>>) target_semaphore(%arg24 : memref<!tpu.dma_semaphore, #tpu.memory_space<semaphore_mem>>)
        %dma_start3A_225 = arith.constant 1 : i32
        %dma_start3A_226 = arith.constant 0 : i32
        %dma_start3A_227 = tpu.memref_slice %arg12[%dma_start3A_225, %dma_start3A_226] : memref<4x128xi32, #tpu.memory_space<vmem>> -> memref<1x80xi32, #tpu.memory_space<vmem>>
        %dma_start3A_228 = tpu.memref_squeeze %dma_start3A_227 : memref<1x80xi32, #tpu.memory_space<vmem>> -> memref<80xi32, #tpu.memory_space<vmem>>
        %dma_start3A_229 = tpu.memref_slice %arg4[%add3A_166] : memref<1000000xi32, #tpu.memory_space<hbm>> -> memref<80xi32, #tpu.memory_space<hbm>>
        %dma_start3A_230 = arith.constant 0 : i32
        %dma_start3A_231 = tpu.memref_slice %arg12[%dma_start3A_225, %dma_start3A_230] : memref<4x128xi32, #tpu.memory_space<vmem>> -> memref<1x80xi32, #tpu.memory_space<vmem>>
        %dma_start3A_232 = tpu.memref_squeeze %dma_start3A_231 : memref<1x80xi32, #tpu.memory_space<vmem>> -> memref<80xi32, #tpu.memory_space<vmem>>
        %dma_start3A_233 = tpu.memref_slice %arg4[%add3A_166] : memref<1000000xi32, #tpu.memory_space<hbm>> -> memref<80xi32, #tpu.memory_space<hbm>>
        tpu.enqueue_dma source(%dma_start3A_233 : memref<80xi32, #tpu.memory_space<hbm>>) target(%dma_start3A_232 : memref<80xi32, #tpu.memory_space<vmem>>) target_semaphore(%arg24 : memref<!tpu.dma_semaphore, #tpu.memory_space<semaphore_mem>>)
        %dma_start3A_234 = arith.constant 1 : i32
        %dma_start3A_235 = arith.constant 0 : i32
        %dma_start3A_236 = tpu.memref_slice %arg14[%dma_start3A_234, %dma_start3A_235] : memref<4x128xi32, #tpu.memory_space<vmem>> -> memref<1x80xi32, #tpu.memory_space<vmem>>
        %dma_start3A_237 = tpu.memref_squeeze %dma_start3A_236 : memref<1x80xi32, #tpu.memory_space<vmem>> -> memref<80xi32, #tpu.memory_space<vmem>>
        %dma_start3A_238 = tpu.memref_slice %arg5[%add3A_166] : memref<1000000xi32, #tpu.memory_space<hbm>> -> memref<80xi32, #tpu.memory_space<hbm>>
        %dma_start3A_239 = arith.constant 0 : i32
        %dma_start3A_240 = tpu.memref_slice %arg14[%dma_start3A_234, %dma_start3A_239] : memref<4x128xi32, #tpu.memory_space<vmem>> -> memref<1x80xi32, #tpu.memory_space<vmem>>
        %dma_start3A_241 = tpu.memref_squeeze %dma_start3A_240 : memref<1x80xi32, #tpu.memory_space<vmem>> -> memref<80xi32, #tpu.memory_space<vmem>>
        %dma_start3A_242 = tpu.memref_slice %arg5[%add3A_166] : memref<1000000xi32, #tpu.memory_space<hbm>> -> memref<80xi32, #tpu.memory_space<hbm>>
        tpu.enqueue_dma source(%dma_start3A_242 : memref<80xi32, #tpu.memory_space<hbm>>) target(%dma_start3A_241 : memref<80xi32, #tpu.memory_space<vmem>>) target_semaphore(%arg24 : memref<!tpu.dma_semaphore, #tpu.memory_space<semaphore_mem>>)
        %dma_start3A_243 = arith.constant 1 : i32
        %dma_start3A_244 = arith.constant 0 : i32
        %dma_start3A_245 = tpu.memref_slice %arg16[%dma_start3A_243, %dma_start3A_244] : memref<4x128xi32, #tpu.memory_space<vmem>> -> memref<1x80xi32, #tpu.memory_space<vmem>>
        %dma_start3A_246 = tpu.memref_squeeze %dma_start3A_245 : memref<1x80xi32, #tpu.memory_space<vmem>> -> memref<80xi32, #tpu.memory_space<vmem>>
        %dma_start3A_247 = tpu.memref_slice %arg6[%add3A_166] : memref<1000000xi32, #tpu.memory_space<hbm>> -> memref<80xi32, #tpu.memory_space<hbm>>
        %dma_start3A_248 = arith.constant 0 : i32
        %dma_start3A_249 = tpu.memref_slice %arg16[%dma_start3A_243, %dma_start3A_248] : memref<4x128xi32, #tpu.memory_space<vmem>> -> memref<1x80xi32, #tpu.memory_space<vmem>>
        %dma_start3A_250 = tpu.memref_squeeze %dma_start3A_249 : memref<1x80xi32, #tpu.memory_space<vmem>> -> memref<80xi32, #tpu.memory_space<vmem>>
        %dma_start3A_251 = tpu.memref_slice %arg6[%add3A_166] : memref<1000000xi32, #tpu.memory_space<hbm>> -> memref<80xi32, #tpu.memory_space<hbm>>
        tpu.enqueue_dma source(%dma_start3A_251 : memref<80xi32, #tpu.memory_space<hbm>>) target(%dma_start3A_250 : memref<80xi32, #tpu.memory_space<vmem>>) target_semaphore(%arg24 : memref<!tpu.dma_semaphore, #tpu.memory_space<semaphore_mem>>)
        %dma_start3A_252 = arith.constant 2 : i32
        %dma_start3A_253 = arith.constant 0 : i32
        %dma_start3A_254 = tpu.memref_slice %arg10[%dma_start3A_252, %dma_start3A_253] : memref<4x128xi32, #tpu.memory_space<vmem>> -> memref<1x80xi32, #tpu.memory_space<vmem>>
        %dma_start3A_255 = tpu.memref_squeeze %dma_start3A_254 : memref<1x80xi32, #tpu.memory_space<vmem>> -> memref<80xi32, #tpu.memory_space<vmem>>
        %dma_start3A_256 = tpu.memref_slice %arg3[%add3A_173] : memref<1000000xi32, #tpu.memory_space<hbm>> -> memref<80xi32, #tpu.memory_space<hbm>>
        %dma_start3A_257 = arith.constant 0 : i32
        %dma_start3A_258 = tpu.memref_slice %arg10[%dma_start3A_252, %dma_start3A_257] : memref<4x128xi32, #tpu.memory_space<vmem>> -> memref<1x80xi32, #tpu.memory_space<vmem>>
        %dma_start3A_259 = tpu.memref_squeeze %dma_start3A_258 : memref<1x80xi32, #tpu.memory_space<vmem>> -> memref<80xi32, #tpu.memory_space<vmem>>
        %dma_start3A_260 = tpu.memref_slice %arg3[%add3A_173] : memref<1000000xi32, #tpu.memory_space<hbm>> -> memref<80xi32, #tpu.memory_space<hbm>>
        tpu.enqueue_dma source(%dma_start3A_260 : memref<80xi32, #tpu.memory_space<hbm>>) target(%dma_start3A_259 : memref<80xi32, #tpu.memory_space<vmem>>) target_semaphore(%arg24 : memref<!tpu.dma_semaphore, #tpu.memory_space<semaphore_mem>>)
        %dma_start3A_261 = arith.constant 2 : i32
        %dma_start3A_262 = arith.constant 0 : i32
        %dma_start3A_263 = tpu.memref_slice %arg12[%dma_start3A_261, %dma_start3A_262] : memref<4x128xi32, #tpu.memory_space<vmem>> -> memref<1x80xi32, #tpu.memory_space<vmem>>
        %dma_start3A_264 = tpu.memref_squeeze %dma_start3A_263 : memref<1x80xi32, #tpu.memory_space<vmem>> -> memref<80xi32, #tpu.memory_space<vmem>>
        %dma_start3A_265 = tpu.memref_slice %arg4[%add3A_173] : memref<1000000xi32, #tpu.memory_space<hbm>> -> memref<80xi32, #tpu.memory_space<hbm>>
        %dma_start3A_266 = arith.constant 0 : i32
        %dma_start3A_267 = tpu.memref_slice %arg12[%dma_start3A_261, %dma_start3A_266] : memref<4x128xi32, #tpu.memory_space<vmem>> -> memref<1x80xi32, #tpu.memory_space<vmem>>
        %dma_start3A_268 = tpu.memref_squeeze %dma_start3A_267 : memref<1x80xi32, #tpu.memory_space<vmem>> -> memref<80xi32, #tpu.memory_space<vmem>>
        %dma_start3A_269 = tpu.memref_slice %arg4[%add3A_173] : memref<1000000xi32, #tpu.memory_space<hbm>> -> memref<80xi32, #tpu.memory_space<hbm>>
        tpu.enqueue_dma source(%dma_start3A_269 : memref<80xi32, #tpu.memory_space<hbm>>) target(%dma_start3A_268 : memref<80xi32, #tpu.memory_space<vmem>>) target_semaphore(%arg24 : memref<!tpu.dma_semaphore, #tpu.memory_space<semaphore_mem>>)
        %dma_start3A_270 = arith.constant 2 : i32
        %dma_start3A_271 = arith.constant 0 : i32
        %dma_start3A_272 = tpu.memref_slice %arg14[%dma_start3A_270, %dma_start3A_271] : memref<4x128xi32, #tpu.memory_space<vmem>> -> memref<1x80xi32, #tpu.memory_space<vmem>>
        %dma_start3A_273 = tpu.memref_squeeze %dma_start3A_272 : memref<1x80xi32, #tpu.memory_space<vmem>> -> memref<80xi32, #tpu.memory_space<vmem>>
        %dma_start3A_274 = tpu.memref_slice %arg5[%add3A_173] : memref<1000000xi32, #tpu.memory_space<hbm>> -> memref<80xi32, #tpu.memory_space<hbm>>
        %dma_start3A_275 = arith.constant 0 : i32
        %dma_start3A_276 = tpu.memref_slice %arg14[%dma_start3A_270, %dma_start3A_275] : memref<4x128xi32, #tpu.memory_space<vmem>> -> memref<1x80xi32, #tpu.memory_space<vmem>>
        %dma_start3A_277 = tpu.memref_squeeze %dma_start3A_276 : memref<1x80xi32, #tpu.memory_space<vmem>> -> memref<80xi32, #tpu.memory_space<vmem>>
        %dma_start3A_278 = tpu.memref_slice %arg5[%add3A_173] : memref<1000000xi32, #tpu.memory_space<hbm>> -> memref<80xi32, #tpu.memory_space<hbm>>
        tpu.enqueue_dma source(%dma_start3A_278 : memref<80xi32, #tpu.memory_space<hbm>>) target(%dma_start3A_277 : memref<80xi32, #tpu.memory_space<vmem>>) target_semaphore(%arg24 : memref<!tpu.dma_semaphore, #tpu.memory_space<semaphore_mem>>)
        %dma_start3A_279 = arith.constant 2 : i32
        %dma_start3A_280 = arith.constant 0 : i32
        %dma_start3A_281 = tpu.memref_slice %arg16[%dma_start3A_279, %dma_start3A_280] : memref<4x128xi32, #tpu.memory_space<vmem>> -> memref<1x80xi32, #tpu.memory_space<vmem>>
        %dma_start3A_282 = tpu.memref_squeeze %dma_start3A_281 : memref<1x80xi32, #tpu.memory_space<vmem>> -> memref<80xi32, #tpu.memory_space<vmem>>
        %dma_start3A_283 = tpu.memref_slice %arg6[%add3A_173] : memref<1000000xi32, #tpu.memory_space<hbm>> -> memref<80xi32, #tpu.memory_space<hbm>>
        %dma_start3A_284 = arith.constant 0 : i32
        %dma_start3A_285 = tpu.memref_slice %arg16[%dma_start3A_279, %dma_start3A_284] : memref<4x128xi32, #tpu.memory_space<vmem>> -> memref<1x80xi32, #tpu.memory_space<vmem>>
        %dma_start3A_286 = tpu.memref_squeeze %dma_start3A_285 : memref<1x80xi32, #tpu.memory_space<vmem>> -> memref<80xi32, #tpu.memory_space<vmem>>
        %dma_start3A_287 = tpu.memref_slice %arg6[%add3A_173] : memref<1000000xi32, #tpu.memory_space<hbm>> -> memref<80xi32, #tpu.memory_space<hbm>>
        tpu.enqueue_dma source(%dma_start3A_287 : memref<80xi32, #tpu.memory_space<hbm>>) target(%dma_start3A_286 : memref<80xi32, #tpu.memory_space<vmem>>) target_semaphore(%arg24 : memref<!tpu.dma_semaphore, #tpu.memory_space<semaphore_mem>>)
        %dma_start3A_288 = arith.constant 3 : i32
        %dma_start3A_289 = arith.constant 0 : i32
        %dma_start3A_290 = tpu.memref_slice %arg10[%dma_start3A_288, %dma_start3A_289] : memref<4x128xi32, #tpu.memory_space<vmem>> -> memref<1x80xi32, #tpu.memory_space<vmem>>
        %dma_start3A_291 = tpu.memref_squeeze %dma_start3A_290 : memref<1x80xi32, #tpu.memory_space<vmem>> -> memref<80xi32, #tpu.memory_space<vmem>>
        %dma_start3A_292 = tpu.memref_slice %arg3[%add3A_180] : memref<1000000xi32, #tpu.memory_space<hbm>> -> memref<80xi32, #tpu.memory_space<hbm>>
        %dma_start3A_293 = arith.constant 0 : i32
        %dma_start3A_294 = tpu.memref_slice %arg10[%dma_start3A_288, %dma_start3A_293] : memref<4x128xi32, #tpu.memory_space<vmem>> -> memref<1x80xi32, #tpu.memory_space<vmem>>
        %dma_start3A_295 = tpu.memref_squeeze %dma_start3A_294 : memref<1x80xi32, #tpu.memory_space<vmem>> -> memref<80xi32, #tpu.memory_space<vmem>>
        %dma_start3A_296 = tpu.memref_slice %arg3[%add3A_180] : memref<1000000xi32, #tpu.memory_space<hbm>> -> memref<80xi32, #tpu.memory_space<hbm>>
        tpu.enqueue_dma source(%dma_start3A_296 : memref<80xi32, #tpu.memory_space<hbm>>) target(%dma_start3A_295 : memref<80xi32, #tpu.memory_space<vmem>>) target_semaphore(%arg24 : memref<!tpu.dma_semaphore, #tpu.memory_space<semaphore_mem>>)
        %dma_start3A_297 = arith.constant 3 : i32
        %dma_start3A_298 = arith.constant 0 : i32
        %dma_start3A_299 = tpu.memref_slice %arg12[%dma_start3A_297, %dma_start3A_298] : memref<4x128xi32, #tpu.memory_space<vmem>> -> memref<1x80xi32, #tpu.memory_space<vmem>>
        %dma_start3A_300 = tpu.memref_squeeze %dma_start3A_299 : memref<1x80xi32, #tpu.memory_space<vmem>> -> memref<80xi32, #tpu.memory_space<vmem>>
        %dma_start3A_301 = tpu.memref_slice %arg4[%add3A_180] : memref<1000000xi32, #tpu.memory_space<hbm>> -> memref<80xi32, #tpu.memory_space<hbm>>
        %dma_start3A_302 = arith.constant 0 : i32
        %dma_start3A_303 = tpu.memref_slice %arg12[%dma_start3A_297, %dma_start3A_302] : memref<4x128xi32, #tpu.memory_space<vmem>> -> memref<1x80xi32, #tpu.memory_space<vmem>>
        %dma_start3A_304 = tpu.memref_squeeze %dma_start3A_303 : memref<1x80xi32, #tpu.memory_space<vmem>> -> memref<80xi32, #tpu.memory_space<vmem>>
        %dma_start3A_305 = tpu.memref_slice %arg4[%add3A_180] : memref<1000000xi32, #tpu.memory_space<hbm>> -> memref<80xi32, #tpu.memory_space<hbm>>
        tpu.enqueue_dma source(%dma_start3A_305 : memref<80xi32, #tpu.memory_space<hbm>>) target(%dma_start3A_304 : memref<80xi32, #tpu.memory_space<vmem>>) target_semaphore(%arg24 : memref<!tpu.dma_semaphore, #tpu.memory_space<semaphore_mem>>)
        %dma_start3A_306 = arith.constant 3 : i32
        %dma_start3A_307 = arith.constant 0 : i32
        %dma_start3A_308 = tpu.memref_slice %arg14[%dma_start3A_306, %dma_start3A_307] : memref<4x128xi32, #tpu.memory_space<vmem>> -> memref<1x80xi32, #tpu.memory_space<vmem>>
        %dma_start3A_309 = tpu.memref_squeeze %dma_start3A_308 : memref<1x80xi32, #tpu.memory_space<vmem>> -> memref<80xi32, #tpu.memory_space<vmem>>
        %dma_start3A_310 = tpu.memref_slice %arg5[%add3A_180] : memref<1000000xi32, #tpu.memory_space<hbm>> -> memref<80xi32, #tpu.memory_space<hbm>>
        %dma_start3A_311 = arith.constant 0 : i32
        %dma_start3A_312 = tpu.memref_slice %arg14[%dma_start3A_306, %dma_start3A_311] : memref<4x128xi32, #tpu.memory_space<vmem>> -> memref<1x80xi32, #tpu.memory_space<vmem>>
        %dma_start3A_313 = tpu.memref_squeeze %dma_start3A_312 : memref<1x80xi32, #tpu.memory_space<vmem>> -> memref<80xi32, #tpu.memory_space<vmem>>
        %dma_start3A_314 = tpu.memref_slice %arg5[%add3A_180] : memref<1000000xi32, #tpu.memory_space<hbm>> -> memref<80xi32, #tpu.memory_space<hbm>>
        tpu.enqueue_dma source(%dma_start3A_314 : memref<80xi32, #tpu.memory_space<hbm>>) target(%dma_start3A_313 : memref<80xi32, #tpu.memory_space<vmem>>) target_semaphore(%arg24 : memref<!tpu.dma_semaphore, #tpu.memory_space<semaphore_mem>>)
        %dma_start3A_315 = arith.constant 3 : i32
        %dma_start3A_316 = arith.constant 0 : i32
        %dma_start3A_317 = tpu.memref_slice %arg16[%dma_start3A_315, %dma_start3A_316] : memref<4x128xi32, #tpu.memory_space<vmem>> -> memref<1x80xi32, #tpu.memory_space<vmem>>
        %dma_start3A_318 = tpu.memref_squeeze %dma_start3A_317 : memref<1x80xi32, #tpu.memory_space<vmem>> -> memref<80xi32, #tpu.memory_space<vmem>>
        %dma_start3A_319 = tpu.memref_slice %arg6[%add3A_180] : memref<1000000xi32, #tpu.memory_space<hbm>> -> memref<80xi32, #tpu.memory_space<hbm>>
        %dma_start3A_320 = arith.constant 0 : i32
        %dma_start3A_321 = tpu.memref_slice %arg16[%dma_start3A_315, %dma_start3A_320] : memref<4x128xi32, #tpu.memory_space<vmem>> -> memref<1x80xi32, #tpu.memory_space<vmem>>
        %dma_start3A_322 = tpu.memref_squeeze %dma_start3A_321 : memref<1x80xi32, #tpu.memory_space<vmem>> -> memref<80xi32, #tpu.memory_space<vmem>>
        %dma_start3A_323 = tpu.memref_slice %arg6[%add3A_180] : memref<1000000xi32, #tpu.memory_space<hbm>> -> memref<80xi32, #tpu.memory_space<hbm>>
        tpu.enqueue_dma source(%dma_start3A_323 : memref<80xi32, #tpu.memory_space<hbm>>) target(%dma_start3A_322 : memref<80xi32, #tpu.memory_space<vmem>>) target_semaphore(%arg24 : memref<!tpu.dma_semaphore, #tpu.memory_space<semaphore_mem>>)
      } else {
      }
    }
    %scan3A_5 = arith.constant 51 : i32
    %add3A_6 = arith.constant 3104 : i32
    %add3A_7 = arith.addi %add3A, %add3A_6 : i32
    %lt3A = arith.constant 3125 : i32
    %lt3A_8 = arith.cmpi slt, %add3A_7, %lt3A : i32
    %and3A = arith.constant true
    %and3A_9 = arith.andi %and3A, %lt3A_8 : i1
    %convert_element_type3A = arith.extui %and3A_9 : i1 to i32
    %cond3A = arith.constant 0 : i32
    %cond3A_10 = arith.cmpi ne, %convert_element_type3A, %cond3A : i32
    scf.if %cond3A_10 {
      %add3A_20 = arith.constant 3104 : i32
      %add3A_21 = arith.addi %add3A, %add3A_20 : i32
      %mul3A_22 = arith.constant 80 : i32
      %mul3A_23 = arith.muli %add3A_21, %mul3A_22 : i32
      %multiple_of3A = tpu.assume_multiple %mul3A_23, 8 : i32
      %dma_wait3A = arith.constant 1 : i32
      %dma_wait3A_24 = arith.constant 0 : i32
      %dma_wait3A_25 = arith.constant 0 : i32
      %dma_wait3A_26 = tpu.memref_slice %arg22[%dma_wait3A, %dma_wait3A_24, %dma_wait3A_25] : memref<2x80x128xf32, #tpu.memory_space<vmem>> -> memref<1x80x128xf32, #tpu.memory_space<vmem>>
      %dma_wait3A_27 = tpu.memref_squeeze %dma_wait3A_26 : memref<1x80x128xf32, #tpu.memory_space<vmem>> -> memref<80x128xf32, #tpu.memory_space<vmem>>
      %dma_wait3A_28 = arith.constant 0 : i32
      %dma_wait3A_29 = tpu.memref_slice %arg8[%multiple_of3A, %dma_wait3A_28] : memref<250000x128xf32, #tpu.memory_space<hbm>> -> memref<80x128xf32, #tpu.memory_space<hbm>>
      %dma_wait3A_30 = arith.constant 0 : i32
      %dma_wait3A_31 = tpu.memref_slice %arg8[%multiple_of3A, %dma_wait3A_30] : memref<250000x128xf32, #tpu.memory_space<hbm>> -> memref<80x128xf32, #tpu.memory_space<hbm>>
      %dma_wait3A_32 = arith.constant 0 : i32
      %dma_wait3A_33 = arith.constant 0 : i32
      %dma_wait3A_34 = tpu.memref_slice %arg22[%dma_wait3A, %dma_wait3A_32, %dma_wait3A_33] : memref<2x80x128xf32, #tpu.memory_space<vmem>> -> memref<1x80x128xf32, #tpu.memory_space<vmem>>
      %dma_wait3A_35 = tpu.memref_squeeze %dma_wait3A_34 : memref<1x80x128xf32, #tpu.memory_space<vmem>> -> memref<80x128xf32, #tpu.memory_space<vmem>>
      tpu.wait_dma2 semaphore(%arg30 : memref<!tpu.dma_semaphore, #tpu.memory_space<semaphore_mem>>) src(%dma_wait3A_35 : memref<80x128xf32, #tpu.memory_space<vmem>>) dst(%dma_wait3A_31 : memref<80x128xf32, #tpu.memory_space<hbm>>)
    } else {
    }
    %add3A_11 = arith.constant 3136 : i32
    %add3A_12 = arith.addi %add3A, %add3A_11 : i32
    %lt3A_13 = arith.constant 3125 : i32
    %lt3A_14 = arith.cmpi slt, %add3A_12, %lt3A_13 : i32
    %and3A_15 = arith.constant true
    %and3A_16 = arith.andi %and3A_15, %lt3A_14 : i1
    %convert_element_type3A_17 = arith.extui %and3A_16 : i1 to i32
    %cond3A_18 = arith.constant 0 : i32
    %cond3A_19 = arith.cmpi ne, %convert_element_type3A_17, %cond3A_18 : i32
    scf.if %cond3A_19 {
      %add3A_20 = arith.constant 3136 : i32
      %add3A_21 = arith.addi %add3A, %add3A_20 : i32
      %mul3A_22 = arith.constant 80 : i32
      %mul3A_23 = arith.muli %add3A_21, %mul3A_22 : i32
      %multiple_of3A = tpu.assume_multiple %mul3A_23, 8 : i32
      %dma_wait3A = arith.constant 0 : i32
      %dma_wait3A_24 = arith.constant 0 : i32
      %dma_wait3A_25 = arith.constant 0 : i32
      %dma_wait3A_26 = tpu.memref_slice %arg22[%dma_wait3A, %dma_wait3A_24, %dma_wait3A_25] : memref<2x80x128xf32, #tpu.memory_space<vmem>> -> memref<1x80x128xf32, #tpu.memory_space<vmem>>
      %dma_wait3A_27 = tpu.memref_squeeze %dma_wait3A_26 : memref<1x80x128xf32, #tpu.memory_space<vmem>> -> memref<80x128xf32, #tpu.memory_space<vmem>>
      %dma_wait3A_28 = arith.constant 0 : i32
      %dma_wait3A_29 = tpu.memref_slice %arg8[%multiple_of3A, %dma_wait3A_28] : memref<250000x128xf32, #tpu.memory_space<hbm>> -> memref<80x128xf32, #tpu.memory_space<hbm>>
      %dma_wait3A_30 = arith.constant 0 : i32
      %dma_wait3A_31 = tpu.memref_slice %arg8[%multiple_of3A, %dma_wait3A_30] : memref<250000x128xf32, #tpu.memory_space<hbm>> -> memref<80x128xf32, #tpu.memory_space<hbm>>
      %dma_wait3A_32 = arith.constant 0 : i32
      %dma_wait3A_33 = arith.constant 0 : i32
      %dma_wait3A_34 = tpu.memref_slice %arg22[%dma_wait3A, %dma_wait3A_32, %dma_wait3A_33] : memref<2x80x128xf32, #tpu.memory_space<vmem>> -> memref<1x80x128xf32, #tpu.memory_space<vmem>>
      %dma_wait3A_35 = tpu.memref_squeeze %dma_wait3A_34 : memref<1x80x128xf32, #tpu.memory_space<vmem>> -> memref<80x128xf32, #tpu.memory_space<vmem>>
      tpu.wait_dma2 semaphore(%arg29 : memref<!tpu.dma_semaphore, #tpu.memory_space<semaphore_mem>>) src(%dma_wait3A_35 : memref<80x128xf32, #tpu.memory_space<vmem>>) dst(%dma_wait3A_31 : memref<80x128xf32, #tpu.memory_space<hbm>>)
    } else {
    }
    return
  }
}

</mosaic_0001>

<sc_bundles>
// kernel: _sc_gather.3.cloned.1.call-start
scs
__scs_entry_jumppad:
0x0: {  	(pc) =	sbr.rel $0x88, $3  }
0x1: {  	(tag) =	ssettag $0x0;
	lr =	simm.s32 $0x1  }
0x2: {  	[smem:$0x3F9B] =	sst lr;
	_ =	strace $0xD0000000  }
0x3: {  	_ = 	snop  }
0x4: {  	_ = 	snop  }
0x5: {  	_ = 	snop  }
0x6: {  	_ = 	snop  }
0x7: {  	_ = 	snop  }
__scs_overlays_trampoline_lowered:
0x8: {  	[smem:$0x3FAA] =	sst s0  }
0x9: {  	[smem:$0x3FAB] =	sst s1  }
0xa: {  	[smem:$0x3FAC] =	sst s2  }
0xb: {  	[smem:$0x3FAD] =	sst s3  }
0xc: {  	[smem:$0x3FAE] =	sst s4  }
0xd: {  	[smem:$0x3FAF] =	sst s5  }
0xe: {  	[smem:$0x3FB0] =	sst s6  }
0xf: {  	[smem:$0x3FB1] =	sst s7  }
0x10: {  	[smem:$0x3FB2] =	sst s8  }
0x11: {  	[smem:$0x3FB3] =	sst s9;
	s0 =	simm.s32 @!p0 $0x0  }
0x12: {  	s1 =	sld [smem:$0x3F99];
	s0 =	simm.s32 @p0 $0x1  }
0x13: {  	[smem:$0x3FB4] =	sst s0;
	s0 =	simm.s32 @!p1 $0x0  }
0x14: {  	s2 =	sld [smem:$0x3F98];
	s0 =	simm.s32 @p1 $0x1  }
0x15: {  	[smem:$0x3FB5] =	sst s0;
	s0 =	simm.s32 @!p2 $0x0  }
0x16: {  	s3 =	sld [smem:$0x3FDB];
	s0 =	simm.s32 @p2 $0x1  }
0x17: {  	s4 =	simm.s32 $0x1BF5;
	[smem:$0x3FB7] =	sst s0  }
0x18: {  	s0 =	sld [smem:$0x3F9A];
	_ =	swait.ge [sflag:s4], $0x0  }
0x19: {  	s7 =	sld [smem:$0x3F9B]  }
0x1a: {  	s8 =	sadd.s32 $0xFFFFE003, lr  }
0x1b: {  	s9 =	sadd.s32 $0xFFFFFEF7, lr;
	s5 =	simm.s32 $0xFFFFFFFF;
	p2 =	slt.u32 s8, $0xFFFFF086  }
0x1c: {  	p1 =	slt.u32 s9, $0xF7A;
	s5 =	simm.s32 @!p2 $0x0  }
0x1d: {  	s5 =	simm.s32 @p1 $0x1;
	p0 =	seq.s32 s7, s2  }
0x1e: {  	s7 =	smul.u32 @!p0 $0xF7A, s2;
	p2 =	seq.s32 @!p0 s5, $0x0  }
0x1f: {  	s9 =	smul.u32 $0xF7A, s1;
	s8 =	simm.s32 @!p0 $0x1BF5;
	p2 =	por !p2, p0  }
0x20: {  	[sflag:s8] =	ssyncset.s32 @!p0 $0xFFFFF086;
	s6 =	sadd.s32 @!p0 s3, s7;
	s7 =	simm.s32 @!p0 $0x108  }
0x21: {  	s3 =	sadd.s32 s3, s9;
	s6 =	sadd.s32 @!p0 $0x88, s6;
	s7 =	simm.s32 @p2 $0x1082  }
0x22: {  	[simem:s7], [sflag:s8] =	dma.local @!p0 [hbm:s6], $0xF7A  }
0x23: {  	s9 =	sor.u32 $0xD0000000, s2;
	s6 =	simm.s32 $0x108;
	_ =	swait.ge @!p0 [sflag:s8], $0x0  }
0x24: {  	s3 =	sadd.s32 $0x88, s3;
	s6 =	simm.s32 @!p1 $0x1082;
	[sflag:s4] =	ssyncset.s32 $0xFFFFF086  }
0x25: {  	[simem:s6], [sflag:s4] =	dma.local [hbm:s3], $0xF7A  }
0x26: {  	[smem:$0x3F9B] =	sst s1;
	(tag) =	ssettag s2;
	_ =	strace s9  }
0x27: {  	s1 =	sld [smem:$0x3FAB]  }
0x28: {  	s2 =	sld [smem:$0x3FAC]  }
0x29: {  	s4 =	sld [smem:$0x3FAE]  }
0x2a: {  	p0 =	seq.s32 s5, $0x0;
	s5 =	sld [smem:$0x3FAF]  }
0x2b: {  	s6 =	sld [smem:$0x3FB0]  }
0x2c: {  	s7 =	sld [smem:$0x3FB1]  }
0x2d: {  	s3 =	simm.s32 $0x108;
	s8 =	sld [smem:$0x3FB2]  }
0x2e: {  	s3 =	simm.s32 @!p0 $0x1082;
	s9 =	sld [smem:$0x3FB3]  }
0x2f: {  	lr =	sadd.s32 s0, s3;
	s0 =	sld [smem:$0x3FAA]  }
0x30: {  	s3 =	sld [smem:$0x3FAD]  }
0x31: {  	[smem:$0x3FB6] =	sst s10  }
0x32: {  	s10 =	sld [smem:$0x3FB4];
	_ =	sdelay $0x3  }
0x33: {  	p0 =	seq.s32 s10, $0x1;
	s10 =	sld [smem:$0x3FB6];
	_ =	sdelay $0x3  }
0x34: {  	[smem:$0x3FB6] =	sst s10  }
0x35: {  	s10 =	sld [smem:$0x3FB5];
	_ =	sdelay $0x3  }
0x36: {  	p1 =	seq.s32 s10, $0x1;
	s10 =	sld [smem:$0x3FB6];
	_ =	sdelay $0x3  }
0x37: {  	[smem:$0x3FB6] =	sst s10  }
0x38: {  	s10 =	sld [smem:$0x3FB7]  }
0x39: {  	_ = 	snop;
	(pc) =	sbr.ind lr, $3  }
0x3a: {  	_ = 	snop  }
0x3b: {  	_ = 	snop  }
0x3c: {  	p2 =	seq.s32 s10, $0x1;
	s10 =	sld [smem:$0x3FB6]  }
0x3d: {  	_ =	shalt  }
0x3e: {  	_ =	shalt  }
0x3f: {  	_ =	shalt  }
0x40: {  	_ =	shalt  }
0x41: {  	_ =	shalt  }
0x42: {  	_ =	shalt  }
0x43: {  	_ =	shalt  }
0x44: {  	_ =	shalt  }
0x45: {  	_ =	shalt  }
0x46: {  	_ =	shalt  }
0x47: {  	_ =	shalt  }
0x48: {  	_ =	shalt  }
0x49: {  	_ =	shalt  }
0x4a: {  	_ =	shalt  }
0x4b: {  	_ =	shalt  }
0x4c: {  	_ =	shalt  }
0x4d: {  	_ =	shalt  }
0x4e: {  	_ =	shalt  }
0x4f: {  	_ =	shalt  }
0x50: {  	_ =	shalt  }
0x51: {  	_ =	shalt  }
0x52: {  	_ =	shalt  }
0x53: {  	_ =	shalt  }
0x54: {  	_ =	shalt  }
0x55: {  	_ =	shalt  }
0x56: {  	_ =	shalt  }
0x57: {  	_ =	shalt  }
0x58: {  	_ =	shalt  }
0x59: {  	_ =	shalt  }
0x5a: {  	_ =	shalt  }
0x5b: {  	_ =	shalt  }
0x5c: {  	_ =	shalt  }
0x5d: {  	_ =	shalt  }
0x5e: {  	_ =	shalt  }
0x5f: {  	_ =	shalt  }
0x60: {  	_ =	shalt  }
0x61: {  	_ =	shalt  }
0x62: {  	_ =	shalt  }
0x63: {  	_ =	shalt  }
0x64: {  	_ =	shalt  }
0x65: {  	_ =	shalt  }
0x66: {  	_ =	shalt  }
0x67: {  	_ =	shalt  }
0x68: {  	_ =	shalt  }
0x69: {  	_ =	shalt  }
0x6a: {  	_ =	shalt  }
0x6b: {  	_ =	shalt  }
0x6c: {  	_ =	shalt  }
0x6d: {  	_ =	shalt  }
0x6e: {  	_ =	shalt  }
0x6f: {  	_ =	shalt  }
0x70: {  	_ =	shalt  }
0x71: {  	_ =	shalt  }
0x72: {  	_ =	shalt  }
0x73: {  	_ =	shalt  }
0x74: {  	_ =	shalt  }
0x75: {  	_ =	shalt  }
0x76: {  	_ =	shalt  }
0x77: {  	_ =	shalt  }
0x78: {  	_ =	shalt  }
0x79: {  	_ =	shalt  }
0x7a: {  	_ =	shalt  }
0x7b: {  	_ =	shalt  }
0x7c: {  	_ =	shalt  }
0x7d: {  	_ =	shalt  }
0x7e: {  	_ =	shalt  }
0x7f: {  	_ =	shalt  }
0x80: {  	_ =	shalt  }
0x81: {  	_ =	shalt  }
0x82: {  	_ =	shalt  }
0x83: {  	_ =	shalt  }
0x84: {  	_ =	shalt  }
0x85: {  	_ =	shalt  }
0x86: {  	_ =	shalt  }
0x87: {  	_ =	shalt  }
.Lfunc_end0:
.L_simem_size_0:
called_computation_lowered:
.L_overlay_start_0:
0x88: {  	s2 =	sld [smem:$0x3FD9]  }
0x89: {  	s3 =	sld [smem:$0x3FFE];
	_ =	sdelay $0x1  }
0x8a: {  	s1 =	srdreg.scid  }
0x8b: {  	s0 =	sand.u32 $0x1, s1  }
0x8c: {  	s18 =	sshll.u32 s0, $0xA;
	s2 =	sadd.s32 s3, s2  }
0x8d: {  	s2 =	sadd.s32 s2, s18  }
0x8e: {  	[smem:$0x3FC2] =	sst s2  }
0x8f: {  	_ = 	snop  }
0x90: {  	s2 =	sld [smem:$0x3FC9]  }
0x91: {  	s19 =	sld [smem:$0x3FC8]  }
0x92: {  	s4 =	sld [smem:$0x3FC7]  }
0x93: {  	s5 =	sld [smem:$0x3FC6]  }
0x94: {  	s6 =	sld [smem:$0x3FC5]  }
0x95: {  	s7 =	sld [smem:$0x3FC4]  }
0x96: {  	s8 =	sld [smem:$0x3FD0];
	(tm) =	ssettm $0x1  }
0x97: {  	s9 =	sld [smem:$0x3FFB];
	_ =	sdelay $0x3  }
0x98: {  	_ =	strace s9  }
0x99: {  	s9 =	sld [smem:$0x3FFC];
	_ =	sdelay $0x3  }
0x9a: {  	_ =	strace s9  }
0x9b: {  	s9 =	sld [smem:$0x3FFD];
	_ =	sdelay $0x3  }
0x9c: {  	_ =	strace s9  }
0x9d: {  	_ =	strace $0x8FFFFFFF  }
0x9e: {  	s20 =	sld [smem:$0x3FDB];
	_ =	sdelay $0x1  }
0x9f: {  	s10 =	simm.s32 $_scs_section_size  }
0xa0: {  	s11 =	simm.s32 $_size__tile_overlayer_lowered;
	s12 =	simm.s32 $_tile_overlayer_lowered  }
0xa1: {  	s23 =	simm.s32 $0x1BFF;
	s22 =	sshll.u32 s12, $0x1;
	s9 =	sadd.s32 s10, s20  }
0xa2: {  	s13 =	simm.s32 $0x0;
	s21 =	sshll.u32 s11, $0x1;
	s11 =	sadd.s32 s22, s9  }
0xa3: {  	[timem:s13], [sflag:s23] =	dma.local [hbm:s11], s21  }
0xa4: {  	_ =	swait.ge [sflag:s23], s21  }
0xa5: {  	s10 =	ssub.s32 $0x0, s21;
	[sflag:s23] =	ssyncset.done $0x0  }
0xa6: {  	[sflag:s23] =	ssyncadd.s32 s10;
	_ =	sdelay $0x1  }
0xa7: {  	s24 =	simm.s32 $0x1B8B  }
0xa8: {  	_ =	swait.ge [sflag:s24], $0x1  }
0xa9: {  	[sflag:s24] =	ssyncset.done $0x0  }
0xaa: {  	s25 =	simm.s32 $0x1B8E;
	[sflag:s24] =	ssyncadd.s32 $0xFFFFFFFF  }
0xab: {  	s26 =	simm.s32 $execute0_lowered;
	[smem:$0x3FD2] =	sst s25  }
0xac: {  	s10 =	sshll.u32 s26, $0x1;
	_ =	strace $0x80000046;
	[dreg:$0x1] =	wrdreg $0xFFFFFFFF  }
0xad: {  	s28 =	simm.s32 $_size_execute0_lowered;
	s9 =	sadd.s32 s9, s10;
	[dreg:$0x0] =	wrdreg $0x0  }
0xae: {  	s10 =	sshll.u32 s28, $0x1;
	[dreg:$0x2] =	wrdreg s9  }
0xaf: {  	[dreg:$0x3] =	wrdreg s10  }
0xb0: {  	[dreg:$0x4] =	wrdreg $0xC0  }
0xb1: {  	_ =	task [dreg:s13], $0x5FFFF  }
0xb2: {  	[dreg:$0x1] =	wrdreg $0xFFFFFFFF  }
0xb3: {  	[dreg:$0x0] =	wrdreg $0x60  }
0xb4: {  	[dreg:$0x2] =	wrdreg s2  }
0xb5: {  	[dreg:$0x3] =	wrdreg s19  }
0xb6: {  	[dreg:$0x4] =	wrdreg s4  }
0xb7: {  	[dreg:$0x5] =	wrdreg s5  }
0xb8: {  	[dreg:$0x6] =	wrdreg s6  }
0xb9: {  	[dreg:$0x7] =	wrdreg s7  }
0xba: {  	[dreg:$0x8] =	wrdreg s8  }
0xbb: {  	[dreg:$0x9] =	wrdreg $0x9  }
0xbc: {  	_ =	task.clear_ibuf [dreg:s13], $0xAFFFF;
	_ =	strace $0x90000046  }
0xbd: {  	s29 =	simm.s32 $0x9;
	_ =	strace $0x80000048  }
0xbe: {  	_ =	swait.ge [sflag:s29], $0x1  }
0xbf: {  	[sflag:s29] =	ssyncadd.s32 $0xFFFFFFFF  }
0xc0: {  	_ =	strace $0x90000048  }
0xc1: {  	_ =	sfence  }
0xc2: {  	s30 =	sld [smem:$0x0];
	_ =	sdelay $0x2  }
0xc3: {  	s31 =	sshll.u32 s1, $0xD;
	s1 =	sshrl.u32 s1, $0x2  }
0xc4: {  	s3 =	sand.u32 $0x4000, s31;
	s1 =	sadd.s32 s1, s30  }
0xc5: {  	s0 =	sor.u32 s3, s0;
	s1 =	sshll.u32 s1, $0x11  }
0xc6: {  	s0 =	sor.u32 s1, s0  }
0xc7: {  	s0 =	sadd.s32 $0x8F2B, s0  }
0xc8: {  	[sflag:s0] =	ssyncadd.remote.s32 $0x1  }
0xc9: {  	_ =	sfence.sel $0xFFFF  }
0xca: {  	[dreg:$0x0] =	wrdreg $0xFFFFFFFF;
	(pc) =	sbr.abs _section_cstart, $3  }
0xcb: {  	[dreg:$0x1] =	wrdreg $0xFFFFFFFF  }
0xcc: {  	_ =	task.clear_ibuf [dreg:s13], $0x2FFFF;
	_ =	strace $0x9FFFFFFF  }
0xcd: {  	(tm) =	ssettm $0x7FFFFFFF  }
tec
execute0_lowered:
.L_overlay_start_1:
0x0: {  	(tag) =	ssettag $0x1  }
0x1: {  	s0 =	rddreg [dreg:$0x0]  }
0x2: {  	s2 =	rddreg [dreg:$0x1]  }
0x3: {  	s3 =	rddreg [dreg:$0x2]  }
0x4: {  	s4 =	rddreg [dreg:$0x3]  }
0x5: {  	s5 =	rddreg [dreg:$0x4]  }
0x6: {  	s6 =	rddreg [dreg:$0x5]  }
0x7: {  	s8 =	rddreg [dreg:$0x6]  }
0x8: {  	s1 =	srdreg.scid;
	s9 =	simm.s32 $0x0;
	s10 =	stileid.u32  }
0x9: {  	s15 =	simm.s32 $0x6;
	s16 =	simm.s32 $0x17E00;
	s17 =	simm.s32 $0x2  }
0xa: {  	s18 =	simm.s32 $0x140;
	s19 =	simm.s32 $0x1180;
	s20 =	simm.s32 $0x1480  }
0xb: {  	s21 =	simm.s32 $0x5;
	s22 =	simm.s32 $0x15600;
	s23 =	simm.s32 $0x1  }
0xc: {  	s24 =	simm.s32 $0x1000;
	s25 =	simm.s32 $0x1300;
	s1 =	sand.u32 $0x1, s1  }
.Ltmp0:
0xd: {  	s13 =	simm.s32 $0x0;
	s7 =	ssub.s32 $0x2, s1;
	(pc) =	sbr.rel .LBB2_1-.Ltmp0, $4  }
0xe: {  	[smem:$0x7FF] =	sst s9;
	s10 =	sshll.u32 s10, $0x1;
	s11 =	sshrl.u32 s7, $0x1  }
0xf: {  	_ =	strace $0x80000047;
	s10 =	sor.u32 s1, s10;
	s31 =	ssub.s32 s7, s11  }
0x10: {  	s12 =	sor.u32 $0xFFFFFFC0, s10;
	s14 =	ssub.s32 $0xC55, s10;
	s1 =	smax.u32 s31, $0x1  }
0x11: {  	p0 =	sgt.u32 s10, $0x14;
	s11 =	sor.u32 $0xFFFFFFA0, s10;
	[dreg:$0x8] =	wrdreg s1  }
.LBB2_15:
0x12: {  	s1 =	simm.s32 @!p0 $0x8  }
0x13: {  	_ =	swait.ge @!p0 [sflag:s1], $0x2800  }
0x14: {  	s13 =	rddreg [dreg:$0x9]  }
0x15: {  	s7 =	rddreg [dreg:$0x8];
	s13 =	sadd.s32 $0x1, s13  }
0x16: {  	p1 =	sne.s32 s13, s7  }
.Ltmp1:
0x17: {  	_ = 	snop;
	(pc) =	sbr.rel @!p1 .LBB2_16-.Ltmp1, $3  }
0x18: {  	_ =	sdelay $0x1  }
0x19: {  	[sflag:s1] =	ssyncset.done @!p0 $0x0  }
0x1a: {  	[sflag:s1] =	ssyncadd.s32 @!p0 $0xFFFFD800  }
.LBB2_1:
.Ltmp2:
0x1b: {  	(pc) =	sbr.rel .LBB2_2-.Ltmp2, $2  }
0x1c: {  	_ =	sdelay $0x2  }
0x1d: {  	[dreg:$0x9] =	wrdreg s13;
	s28 =	simm.s32 $0x0  }
.LBB2_14:
0x1e: {  	s1 =	sor.u32 $0x20, s30  }
0x1f: {  	p1 =	sgt.u32 s1, $0xC34  }
0x20: {  	s1 =	smul.u32 @!p1 $0x50, s1;
	_ =	sdelay $0x1  }
0x21: {  	s1 =	sshrl.u32 @!p1 s1, $0x3  }
0x22: {  	s13 =	simm.s32 @!p1 $0x0;
	s26 =	simm.s32 @!p1 $0x200;
	s7 =	sadd.s32 @!p1 s2, s1  }
0x23: {  	[tilespmem:s26], [sflag:$0x2] =	stream.linear.gather @!p1 [hbm4b:s7+s13], $0x50, $0x38;
	[tilespmem:$0x1A600] =	vst v63  }
0x24: {  	s7 =	sadd.s32 @!p1 s3, s1;
	s26 =	simm.s32 @!p1 $0x600  }
0x25: {  	[tilespmem:s26], [sflag:$0x2] =	stream.linear.gather @!p1 [hbm4b:s7+s13], $0x50, $0x38;
	[tilespmem:$0x1A600] =	vst v63  }
0x26: {  	s7 =	sadd.s32 @!p1 s4, s1;
	s26 =	simm.s32 @!p1 $0xA00  }
0x27: {  	[tilespmem:s26], [sflag:$0x2] =	stream.linear.gather @!p1 [hbm4b:s7+s13], $0x50, $0x38;
	[tilespmem:$0x1A600] =	vst v63  }
0x28: {  	s7 =	sadd.s32 @!p1 s5, s1;
	s26 =	simm.s32 @!p1 $0xE00  }
0x29: {  	[tilespmem:s26], [sflag:$0x2] =	stream.linear.gather @!p1 [hbm4b:s7+s13], $0x50, $0x38;
	[tilespmem:$0x1A600] =	vst v63  }
0x2a: {  	s7 =	sadd.s32 @!p1 $0x7A12, s1  }
0x2b: {  	s29 =	simm.s32 @!p1 $0x280;
	s26 =	sadd.s32 @!p1 s2, s7  }
0x2c: {  	[tilespmem:s29], [sflag:$0x2] =	stream.linear.gather @!p1 [hbm4b:s26+s13], $0x50, $0x38;
	[tilespmem:$0x1A600] =	vst v63  }
0x2d: {  	s26 =	sadd.s32 @!p1 s3, s7;
	s29 =	simm.s32 @!p1 $0x680  }
0x2e: {  	[tilespmem:s29], [sflag:$0x2] =	stream.linear.gather @!p1 [hbm4b:s26+s13], $0x50, $0x38;
	[tilespmem:$0x1A600] =	vst v63  }
0x2f: {  	s26 =	sadd.s32 @!p1 s4, s7;
	s29 =	simm.s32 @!p1 $0xA80  }
0x30: {  	[tilespmem:s29], [sflag:$0x2] =	stream.linear.gather @!p1 [hbm4b:s26+s13], $0x50, $0x38;
	[tilespmem:$0x1A600] =	vst v63  }
0x31: {  	s7 =	sadd.s32 @!p1 s5, s7;
	s26 =	simm.s32 @!p1 $0xE80  }
0x32: {  	[tilespmem:s26], [sflag:$0x2] =	stream.linear.gather @!p1 [hbm4b:s7+s13], $0x50, $0x38;
	[tilespmem:$0x1A600] =	vst v63  }
0x33: {  	s7 =	sadd.s32 @!p1 $0xF424, s1  }
0x34: {  	s29 =	simm.s32 @!p1 $0x300;
	s26 =	sadd.s32 @!p1 s2, s7  }
0x35: {  	[tilespmem:s29], [sflag:$0x2] =	stream.linear.gather @!p1 [hbm4b:s26+s13], $0x50, $0x38;
	[tilespmem:$0x1A600] =	vst v63  }
0x36: {  	s26 =	sadd.s32 @!p1 s3, s7;
	s29 =	simm.s32 @!p1 $0x700  }
0x37: {  	[tilespmem:s29], [sflag:$0x2] =	stream.linear.gather @!p1 [hbm4b:s26+s13], $0x50, $0x38;
	[tilespmem:$0x1A600] =	vst v63  }
0x38: {  	s26 =	sadd.s32 @!p1 s4, s7;
	s29 =	simm.s32 @!p1 $0xB00  }
0x39: {  	[tilespmem:s29], [sflag:$0x2] =	stream.linear.gather @!p1 [hbm4b:s26+s13], $0x50, $0x38;
	[tilespmem:$0x1A600] =	vst v63  }
0x3a: {  	s1 =	sadd.s32 @!p1 $0x16E36, s1;
	s7 =	sadd.s32 @!p1 s5, s7;
	s26 =	simm.s32 @!p1 $0xF00  }
0x3b: {  	[tilespmem:s26], [sflag:$0x2] =	stream.linear.gather @!p1 [hbm4b:s7+s13], $0x50, $0x38;
	[tilespmem:$0x1A600] =	vst v63  }
0x3c: {  	s7 =	sadd.s32 @!p1 s2, s1;
	s26 =	simm.s32 @!p1 $0x380  }
0x3d: {  	[tilespmem:s26], [sflag:$0x2] =	stream.linear.gather @!p1 [hbm4b:s7+s13], $0x50, $0x38;
	[tilespmem:$0x1A600] =	vst v63  }
0x3e: {  	s7 =	sadd.s32 @!p1 s3, s1;
	s26 =	simm.s32 @!p1 $0x780  }
0x3f: {  	[tilespmem:s26], [sflag:$0x2] =	stream.linear.gather @!p1 [hbm4b:s7+s13], $0x50, $0x38;
	[tilespmem:$0x1A600] =	vst v63  }
0x40: {  	s7 =	sadd.s32 @!p1 s4, s1;
	s26 =	simm.s32 @!p1 $0xB80  }
0x41: {  	[tilespmem:s26], [sflag:$0x2] =	stream.linear.gather @!p1 [hbm4b:s7+s13], $0x50, $0x38;
	[tilespmem:$0x1A600] =	vst v63  }
0x42: {  	s28 =	sadd.s32 $0x1, s28;
	s1 =	sadd.s32 @!p1 s5, s1;
	s7 =	simm.s32 @!p1 $0xF80  }
0x43: {  	[tilespmem:s7], [sflag:$0x2] =	stream.linear.gather @!p1 [hbm4b:s1+s13], $0x50, $0x38;
	[tilespmem:$0x1A600] =	vst v63  }
0x44: {  	p1 =	sne.s32 s28, $0x33  }
.Ltmp3:
0x45: {  	_ = 	snop;
	(pc) =	sbr.rel @!p1 .LBB2_15-.Ltmp3, $1  }
0x46: {  	_ =	sdelay $0x3  }
.LBB2_2:
0x47: {  	s30 =	sshll.u32 s28, $0x6  }
0x48: {  	p1 =	slt.u32 s28, $0x2;
	s29 =	sadd.s32 s11, s30  }
0x49: {  	p3 =	sgt.s32 @!p1 s29, $0xC34  }
0x4a: {  	p3 =	por p1, p3  }
.Ltmp4:
0x4b: {  	p2 =	slt.u32 s28, $0x3;
	(pc) =	sbr.rel @p3 .LBB2_6-.Ltmp4, $4  }
0x4c: {  	s1 =	simm.s32 @!p2 $0x8  }
0x4d: {  	_ =	swait.ge @!p2 [sflag:s1], $0x2800  }
0x4e: {  	[sflag:s1] =	ssyncset.done @!p2 $0x0  }
0x4f: {  	[sflag:s1] =	ssyncadd.s32 @!p2 $0xFFFFD800  }
0x50: {  	_ =	swait.ge [sflag:s15], $0xA000  }
0x51: {  	[sflag:s15] =	ssyncset.done $0x0  }
0x52: {  	s31 =	simm.s32 $0x0;
	[sflag:s15] =	ssyncadd.s32 $0xFFFF6000  }
0x53: {  	v0 =	vld [tilespmem:s31+$0x12F90]  }
0x54: {  	v1 =	vld [tilespmem:s31+$0xB600]  }
0x55: {  	v2 =	vld [tilespmem:s31+$0xB610]  }
0x56: {  	v3 =	vld [tilespmem:s31+$0xDE00]  }
0x57: {  	v4 =	vld [tilespmem:s31+$0xDE10]  }
0x58: {  	v5 =	vld [tilespmem:s31+$0x10600];
	[tilespmem:s31+$0x17FF0] =	vst v0  }
0x59: {  	[tilespmem:s31+$0x17E00] =	vst v1;
	v0 =	vld [tilespmem:s31+$0x10610]  }
0x5a: {  	[tilespmem:s31+$0x17E10] =	vst v2;
	v1 =	vld [tilespmem:s31+$0x12E00]  }
0x5b: {  	[tilespmem:s31+$0x17E20] =	vst v3;
	v2 =	vld [tilespmem:s31+$0x12E10]  }
0x5c: {  	[tilespmem:s31+$0x17E30] =	vst v4;
	v3 =	vld [tilespmem:s31+$0xB680]  }
0x5d: {  	[tilespmem:s31+$0x17E40] =	vst v5;
	v4 =	vld [tilespmem:s31+$0xB690]  }
0x5e: {  	v5 =	vld [tilespmem:s31+$0x12F10];
	[tilespmem:s31+$0x17E50] =	vst v0  }
0x5f: {  	v0 =	vld [tilespmem:s31+$0xDE80];
	[tilespmem:s31+$0x17E60] =	vst v1  }
0x60: {  	v1 =	vld [tilespmem:s31+$0xDE90];
	[tilespmem:s31+$0x17E70] =	vst v2  }
0x61: {  	v2 =	vld [tilespmem:s31+$0x10680];
	[tilespmem:s31+$0x17E80] =	vst v3  }
0x62: {  	[tilespmem:s31+$0x17E90] =	vst v4;
	v4 =	vld [tilespmem:s31+$0x12E80]  }
0x63: {  	v3 =	vld [tilespmem:s31+$0x10690];
	[tilespmem:s31+$0x17F70] =	vst v5  }
0x64: {  	[tilespmem:s31+$0x17EA0] =	vst v0;
	v0 =	vld [tilespmem:s31+$0x12E90]  }
0x65: {  	[tilespmem:s31+$0x17EB0] =	vst v1;
	v1 =	vld [tilespmem:s31+$0xB700]  }
0x66: {  	[tilespmem:s31+$0x17EC0] =	vst v2;
	v2 =	vld [tilespmem:s31+$0xB710]  }
0x67: {  	[tilespmem:s31+$0x17EE0] =	vst v4;
	v4 =	vld [tilespmem:s31+$0xDF10]  }
0x68: {  	[tilespmem:s31+$0x17ED0] =	vst v3;
	v3 =	vld [tilespmem:s31+$0xDF00]  }
0x69: {  	[tilespmem:s31+$0x17EF0] =	vst v0;
	v0 =	vld [tilespmem:s31+$0x10700]  }
0x6a: {  	[tilespmem:s31+$0x17F00] =	vst v1;
	v1 =	vld [tilespmem:s31+$0x10710]  }
0x6b: {  	[tilespmem:s31+$0x17F10] =	vst v2;
	v2 =	vld [tilespmem:s31+$0x12F00]  }
0x6c: {  	[tilespmem:s31+$0x17F30] =	vst v4;
	v4 =	vld [tilespmem:s31+$0xB780]  }
0x6d: {  	[tilespmem:s31+$0x17F20] =	vst v3;
	v3 =	vld [tilespmem:s31+$0xB790]  }
0x6e: {  	[tilespmem:s31+$0x17F40] =	vst v0;
	v0 =	vld [tilespmem:s31+$0xDF80]  }
0x6f: {  	[tilespmem:s31+$0x17F50] =	vst v1;
	v1 =	vld [tilespmem:s31+$0xDF90]  }
0x70: {  	[tilespmem:s31+$0x17F60] =	vst v2;
	v2 =	vld [tilespmem:s31+$0x10780]  }
0x71: {  	s1 =	simm.s32 $0x0;
	s7 =	simm.s32 $0x800;
	[tilespmem:s31+$0x17F80] =	vst v4;
	v4 =	vld [tilespmem:s31+$0x10790]  }
.LBB2_4:
0x72: {  	s13 =	sshra.s32 s7, $0x2;
	s1 =	sadd.s32 $0x4, s1;
	[tilespmem:s31+$0x17F90] =	vst v3;
	v3 =	vld [tilespmem:s31+$0x12F80]  }
0x73: {  	v5 =	vld [tilespmem:s13+$0x12F90];
	p2 =	slt.u32 s1, $0x4C;
	[tilespmem:s31+$0x17FA0] =	vst v0  }
0x74: {  	v0 =	vld [tilespmem:s13+$0xB600];
	[tilespmem:s31+$0x17FB0] =	vst v1  }
0x75: {  	v1 =	vld [tilespmem:s13+$0xB610];
	[tilespmem:s31+$0x17FC0] =	vst v2  }
0x76: {  	v2 =	vld [tilespmem:s13+$0xDE00];
	[tilespmem:s31+$0x17FD0] =	vst v4  }
0x77: {  	v4 =	vld [tilespmem:s13+$0xDE10];
	[tilespmem:s31+$0x17FE0] =	vst v3;
	s31 =	smov.u32 s13  }
0x78: {  	v3 =	vld [tilespmem:s31+$0x10600];
	[tilespmem:s31+$0x17FF0] =	vst v5  }
0x79: {  	[tilespmem:s31+$0x17E00] =	vst v0;
	v0 =	vld [tilespmem:s31+$0x10610]  }
0x7a: {  	[tilespmem:s31+$0x17E10] =	vst v1;
	v1 =	vld [tilespmem:s31+$0x12E00]  }
0x7b: {  	[tilespmem:s31+$0x17E20] =	vst v2;
	v2 =	vld [tilespmem:s31+$0x12E10]  }
0x7c: {  	[tilespmem:s31+$0x17E30] =	vst v4;
	v4 =	vld [tilespmem:s31+$0xB680]  }
0x7d: {  	[tilespmem:s31+$0x17E40] =	vst v3;
	v3 =	vld [tilespmem:s31+$0xB690]  }
0x7e: {  	[tilespmem:s31+$0x17E50] =	vst v0;
	v0 =	vld [tilespmem:s31+$0xDE80]  }
0x7f: {  	[tilespmem:s31+$0x17E60] =	vst v1;
	v1 =	vld [tilespmem:s31+$0xDE90]  }
0x80: {  	[tilespmem:s31+$0x17E70] =	vst v2;
	v2 =	vld [tilespmem:s31+$0x10680]  }
0x81: {  	[tilespmem:s31+$0x17E80] =	vst v4;
	v4 =	vld [tilespmem:s31+$0x10690]  }
0x82: {  	[tilespmem:s31+$0x17E90] =	vst v3;
	v3 =	vld [tilespmem:s31+$0x12E80]  }
0x83: {  	[tilespmem:s31+$0x17EA0] =	vst v0;
	v0 =	vld [tilespmem:s31+$0x12E90]  }
0x84: {  	[tilespmem:s31+$0x17EB0] =	vst v1;
	v1 =	vld [tilespmem:s31+$0xB700]  }
0x85: {  	[tilespmem:s31+$0x17EC0] =	vst v2;
	v2 =	vld [tilespmem:s31+$0xB710]  }
0x86: {  	[tilespmem:s31+$0x17ED0] =	vst v4;
	v4 =	vld [tilespmem:s31+$0xDF00]  }
0x87: {  	[tilespmem:s31+$0x17EE0] =	vst v3;
	v3 =	vld [tilespmem:s31+$0xDF10]  }
0x88: {  	[tilespmem:s31+$0x17EF0] =	vst v0;
	v0 =	vld [tilespmem:s31+$0x10700]  }
0x89: {  	[tilespmem:s31+$0x17F00] =	vst v1;
	v1 =	vld [tilespmem:s31+$0x10710]  }
0x8a: {  	[tilespmem:s31+$0x17F10] =	vst v2;
	v2 =	vld [tilespmem:s31+$0x12F00]  }
0x8b: {  	[tilespmem:s31+$0x17F20] =	vst v4;
	v4 =	vld [tilespmem:s31+$0x12F10]  }
0x8c: {  	[tilespmem:s31+$0x17F30] =	vst v3;
	v5 =	vld [tilespmem:s31+$0xB780]  }
.Ltmp5:
0x8d: {  	[tilespmem:s31+$0x17F40] =	vst v0;
	v3 =	vld [tilespmem:s31+$0xB790];
	(pc) =	sbr.rel @p2 .LBB2_4-.Ltmp5, $4  }
0x8e: {  	[tilespmem:s31+$0x17F50] =	vst v1;
	v0 =	vld [tilespmem:s31+$0xDF80]  }
0x8f: {  	[tilespmem:s31+$0x17F60] =	vst v2;
	v1 =	vld [tilespmem:s31+$0xDF90]  }
0x90: {  	[tilespmem:s31+$0x17F70] =	vst v4;
	v2 =	vld [tilespmem:s31+$0x10780]  }
0x91: {  	s7 =	sadd.s32 $0x800, s7;
	[tilespmem:s31+$0x17F80] =	vst v5;
	v4 =	vld [tilespmem:s31+$0x10790]  }
0x92: {  	[tilespmem:s31+$0x17F90] =	vst v3;
	v63 =	vld [tilespmem:s31+$0x12F80]  }
0x93: {  	[tilespmem:s31+$0x17FA0] =	vst v0  }
0x94: {  	s1 =	smul.u32 $0x2800, s29;
	[tilespmem:s31+$0x17FB0] =	vst v1  }
0x95: {  	[tilespmem:s31+$0x17FC0] =	vst v2  }
0x96: {  	s1 =	sshrl.u32 s1, $0x3;
	[tilespmem:s31+$0x17FD0] =	vst v4  }
0x97: {  	s1 =	sadd.s32 s8, s1;
	[tilespmem:s31+$0x17FE0] =	vst v63  }
0x98: {  	[hbm4b:s1+s9] =	stream.linear.scatter [tilespmem:s16], [sflag:$0x8], $0x2800, $0x38;
	[tilespmem:$0x1A600] =	vst v63  }
.LBB2_6:
0x99: {  	s29 =	sadd.s32 s12, s30  }
0x9a: {  	p2 =	sne.s32 s28, $0x0;
	p4 =	slt.u32 s30, s14;
	p3 =	slt.s32 s29, $0xC35  }
0x9b: {  	p3 =	por !p2, !p3;
	p2 =	por !p2, !p4  }
0x9c: {  	p3 =	por !p3, !p3;
	p2 =	por !p2, !p2  }
.Ltmp6:
0x9d: {  	s1 =	simm.s32 @p3 $0x3;
	(pc) =	sbr.rel @!p2 .LBB2_8-.Ltmp6, $4  }
0x9e: {  	_ =	swait.ge @p3 [sflag:s1], $0x140  }
0x9f: {  	s7 =	simm.s32 @p3 $0x1300;
	[sflag:s1] =	ssyncset.done @p3 $0x0  }
0xa0: {  	s13 =	simm.s32 @p3 $0x1600;
	[sflag:s1] =	ssyncadd.s32 @p3 $0xFFFFFEC0;
	s1 =	simm.s32 @p3 $0x140  }
0xa1: {  	[tilespmem:s13], [sflag:$0x5] =	stream.indirect.gather @p3 [hbm4b:s0+s1], $0x80, s7, s1, $0xb8;
	[tilespmem:$0x1A600] =	vst v63  }
0xa2: {  	_ =	swait.ge [sflag:s17], $0x50  }
0xa3: {  	[sflag:s17] =	ssyncset.done $0x0  }
0xa4: {  	[sflag:s17] =	ssyncadd.s32 $0xFFFFFFB0  }
0xa5: {  	_ =	swait.ge [sflag:s17], $0x50  }
0xa6: {  	[sflag:s17] =	ssyncset.done $0x0  }
0xa7: {  	[sflag:s17] =	ssyncadd.s32 $0xFFFFFFB0  }
0xa8: {  	_ =	swait.ge [sflag:s17], $0x50  }
0xa9: {  	[sflag:s17] =	ssyncset.done $0x0  }
0xaa: {  	[sflag:s17] =	ssyncadd.s32 $0xFFFFFFB0  }
0xab: {  	_ =	swait.ge [sflag:s17], $0x50  }
0xac: {  	[sflag:s17] =	ssyncset.done $0x0  }
0xad: {  	[sflag:s17] =	ssyncadd.s32 $0xFFFFFFB0  }
0xae: {  	_ =	swait.ge [sflag:s17], $0x50  }
0xaf: {  	[sflag:s17] =	ssyncset.done $0x0  }
0xb0: {  	[sflag:s17] =	ssyncadd.s32 $0xFFFFFFB0  }
0xb1: {  	_ =	swait.ge [sflag:s17], $0x50  }
0xb2: {  	[sflag:s17] =	ssyncset.done $0x0  }
0xb3: {  	[sflag:s17] =	ssyncadd.s32 $0xFFFFFFB0  }
0xb4: {  	_ =	swait.ge [sflag:s17], $0x50  }
0xb5: {  	[sflag:s17] =	ssyncset.done $0x0  }
0xb6: {  	[sflag:s17] =	ssyncadd.s32 $0xFFFFFFB0  }
0xb7: {  	_ =	swait.ge [sflag:s17], $0x50  }
0xb8: {  	[sflag:s17] =	ssyncset.done $0x0  }
0xb9: {  	[sflag:s17] =	ssyncadd.s32 $0xFFFFFFB0  }
0xba: {  	_ =	swait.ge [sflag:s17], $0x50  }
0xbb: {  	[sflag:s17] =	ssyncset.done $0x0  }
0xbc: {  	[sflag:s17] =	ssyncadd.s32 $0xFFFFFFB0  }
0xbd: {  	_ =	swait.ge [sflag:s17], $0x50  }
0xbe: {  	[sflag:s17] =	ssyncset.done $0x0  }
0xbf: {  	[sflag:s17] =	ssyncadd.s32 $0xFFFFFFB0  }
0xc0: {  	_ =	swait.ge [sflag:s17], $0x50  }
0xc1: {  	[sflag:s17] =	ssyncset.done $0x0  }
0xc2: {  	[sflag:s17] =	ssyncadd.s32 $0xFFFFFFB0  }
0xc3: {  	_ =	swait.ge [sflag:s17], $0x50  }
0xc4: {  	[sflag:s17] =	ssyncset.done $0x0  }
0xc5: {  	[sflag:s17] =	ssyncadd.s32 $0xFFFFFFB0  }
0xc6: {  	_ =	swait.ge [sflag:s17], $0x50  }
0xc7: {  	[sflag:s17] =	ssyncset.done $0x0  }
0xc8: {  	[sflag:s17] =	ssyncadd.s32 $0xFFFFFFB0  }
0xc9: {  	_ =	swait.ge [sflag:s17], $0x50  }
0xca: {  	[sflag:s17] =	ssyncset.done $0x0  }
0xcb: {  	[sflag:s17] =	ssyncadd.s32 $0xFFFFFFB0  }
0xcc: {  	_ =	swait.ge [sflag:s17], $0x50  }
0xcd: {  	[sflag:s17] =	ssyncset.done $0x0  }
0xce: {  	[sflag:s17] =	ssyncadd.s32 $0xFFFFFFB0  }
0xcf: {  	_ =	swait.ge [sflag:s17], $0x50  }
0xd0: {  	[sflag:s17] =	ssyncset.done $0x0  }
0xd1: {  	[sflag:s17] =	ssyncadd.s32 $0xFFFFFFB0  }
0xd2: {  	v0 =	vld [tilespmem:$0x200]  }
0xd3: {  	v1 =	vld [tilespmem:$0x600]  }
0xd4: {  	v2 =	vld [tilespmem:$0xA00]  }
0xd5: {  	v3 =	vld [tilespmem:$0xE00]  }
0xd6: {  	v4 =	vld [tilespmem:$0x210]  }
0xd7: {  	v5 =	vld [tilespmem:$0x610]  }
0xd8: {  	v6 =	vld [tilespmem:$0xA10]  }
0xd9: {  	v7 =	vld [tilespmem:$0xE10]  }
0xda: {  	v8 =	vld [tilespmem:$0x220]  }
0xdb: {  	v9 =	vld [tilespmem:$0x620]  }
0xdc: {  	v10 =	vld [tilespmem:$0xA20]  }
0xdd: {  	v11 =	vld [tilespmem:$0xE20]  }
0xde: {  	v12 =	vld [tilespmem:$0x230]  }
0xdf: {  	v13 =	vld [tilespmem:$0x630]  }
0xe0: {  	v14 =	vld [tilespmem:$0xA30]  }
0xe1: {  	v15 =	vld [tilespmem:$0xE30]  }
0xe2: {  	v16 =	vld [tilespmem:$0x240]  }
0xe3: {  	v17 =	vld [tilespmem:$0x640]  }
0xe4: {  	v18 =	vld [tilespmem:$0xA40]  }
0xe5: {  	v19 =	vld [tilespmem:$0xE40]  }
0xe6: {  	v20 =	vld [tilespmem:$0x280]  }
0xe7: {  	v21 =	vld [tilespmem:$0x680]  }
0xe8: {  	v22 =	vld [tilespmem:$0xA80]  }
0xe9: {  	v23 =	vld [tilespmem:$0xE80]  }
0xea: {  	v24 =	vld [tilespmem:$0x290]  }
0xeb: {  	v25 =	vld [tilespmem:$0x690]  }
0xec: {  	v26 =	vld [tilespmem:$0xA90]  }
0xed: {  	v27 =	vld [tilespmem:$0xE90]  }
0xee: {  	v28 =	vld [tilespmem:$0x2A0]  }
0xef: {  	v29 =	vld [tilespmem:$0x6A0]  }
0xf0: {  	v30 =	vld [tilespmem:$0xAA0]  }
0xf1: {  	v31 =	vld [tilespmem:$0xEA0]  }
0xf2: {  	v32 =	vld [tilespmem:$0x2B0]  }
0xf3: {  	v33 =	vld [tilespmem:$0x6B0]  }
0xf4: {  	v34 =	vld [tilespmem:$0xAB0]  }
0xf5: {  	v35 =	vld [tilespmem:$0xEB0]  }
0xf6: {  	v36 =	vld [tilespmem:$0x2C0]  }
0xf7: {  	v37 =	vld [tilespmem:$0x6C0]  }
0xf8: {  	v38 =	vld [tilespmem:$0xAC0]  }
0xf9: {  	v39 =	vld [tilespmem:$0xEC0]  }
0xfa: {  	v40 =	vld [tilespmem:$0x300]  }
0xfb: {  	v59 =	vld [tilespmem:$0x310]  }
0xfc: {  	v51 =	vld [tilespmem:$0x340]  }
0xfd: {  	v41 =	vld [tilespmem:$0x700];
	v0 =	vmul.u32 $0x79, v0;
	v57 =	vmul.u32 $0x79, v4  }
0xfe: {  	v42 =	vld [tilespmem:$0xF00];
	v58 =	vmul.u32 $0x79, v8;
	v60 =	vmul.u32 $0x79, v12;
	v61 =	vmul.u32 $0x79, v16  }
0xff: {  	v63 =	vld [tilespmem:$0x320];
	v20 =	vmul.u32 $0x79, v20;
	v43 =	vmul.u32 $0x79, v24;
	v47 =	vmul.u32 $0x79, v28  }
0x100: {  	v44 =	vld [tilespmem:$0x330];
	v48 =	vmul.u32 $0x79, v32;
	v50 =	vmul.u32 $0x79, v36;
	v55 =	vmul.u32 $0x79, v40  }
0x101: {  	v45 =	vld [tilespmem:$0x730];
	v8 =	vmul.u32 $0x79, v59;
	v36 =	vmul.u32 $0x79, v51;
	v0 =	vadd.s32 v1, v0  }
0x102: {  	v46 =	vld [tilespmem:$0xB30];
	v1 =	vadd.s32 v5, v57;
	v5 =	vadd.s32 v9, v58;
	v62 =	vadd.s32 v13, v60  }
0x103: {  	v49 =	vld [tilespmem:$0xF30];
	v13 =	vadd.s32 v21, v20;
	v20 =	vadd.s32 v33, v48;
	v0 =	vmul.u32 $0x79, v0  }
0x104: {  	v52 =	vld [tilespmem:$0x740];
	v9 =	vmul.u32 $0x79, v63;
	v1 =	vmul.u32 $0x79, v1;
	v5 =	vmul.u32 $0x79, v5  }
0x105: {  	v60 =	vld [tilespmem:$0x390];
	v13 =	vmul.u32 $0x79, v13;
	v20 =	vmul.u32 $0x79, v20;
	v0 =	vadd.s32 v2, v0  }
0x106: {  	v53 =	vld [tilespmem:$0xB40];
	v1 =	vadd.s32 v6, v1;
	v5 =	vadd.s32 v10, v5;
	v6 =	vadd.s32 v17, v61  }
0x107: {  	v54 =	vld [tilespmem:$0xF40];
	v13 =	vadd.s32 v22, v13;
	v22 =	vadd.s32 v37, v50;
	v20 =	vadd.s32 v34, v20  }
0x108: {  	v56 =	vld [tilespmem:$0x380];
	v61 =	vmul.u32 $0x79, v44;
	v0 =	vmul.u32 $0x79, v0;
	v1 =	vmul.u32 $0x79, v1  }
0x109: {  	v4 =	vld [tilespmem:$0xB00];
	v5 =	vmul.u32 $0x79, v5;
	v6 =	vmul.u32 $0x79, v6;
	v13 =	vmul.u32 $0x79, v13  }
0x10a: {  	v2 =	vld [tilespmem:$0x710];
	v22 =	vmul.u32 $0x79, v22;
	v20 =	vmul.u32 $0x79, v20;
	v44 =	vmul.u32 $0x79, v60  }
0x10b: {  	v12 =	vld [tilespmem:$0xB10];
	v0 =	vadd.s32 v3, v0;
	v3 =	vmul.u32 $0x79, v62;
	v1 =	vadd.s32 v7, v1  }
0x10c: {  	v16 =	vld [tilespmem:$0xF10];
	v5 =	vadd.s32 v11, v5;
	v6 =	vadd.s32 v18, v6;
	v13 =	vadd.s32 v23, v13  }
0x10d: {  	v59 =	vld [tilespmem:$0xF80];
	v22 =	vadd.s32 v38, v22;
	v20 =	vadd.s32 v35, v20;
	v35 =	vadd.s32 v45, v61  }
0x10e: {  	v62 =	vld [tilespmem:$0x790];
	v6 =	vmul.u32 $0x79, v6;
	v22 =	vmul.u32 $0x79, v22;
	v3 =	vadd.s32 v14, v3  }
0x10f: {  	v38 =	vld [tilespmem:$0x3A0];
	v14 =	vadd.s32 v25, v43;
	v2 =	vadd.s32 v2, v8;
	v3 =	vmul.u32 $0x79, v3  }
0x110: {  	v40 =	vld [tilespmem:$0x7A0];
	v14 =	vmul.u32 $0x79, v14;
	v6 =	vadd.s32 v19, v6;
	v19 =	vadd.s32 v29, v47  }
0x111: {  	v57 =	vld [tilespmem:$0x780];
	v22 =	vadd.s32 v39, v22;
	v2 =	vmul.u32 $0x79, v2;
	v39 =	vadd.s32 v52, v36  }
0x112: {  	v43 =	vld [tilespmem:$0x3C0];
	v19 =	vmul.u32 $0x79, v19;
	v3 =	vadd.s32 v15, v3;
	v14 =	vadd.s32 v26, v14  }
0x113: {  	v58 =	vld [tilespmem:$0xB80];
	v2 =	vadd.s32 v12, v2;
	v11 =	vadd.s32 v62, v44;
	v14 =	vmul.u32 $0x79, v14  }
0x114: {  	v10 =	vld [tilespmem:$0x720];
	[tilespmem:$0x11A0] =	vst v5;
	v5 =	vmul.u32 $0x79, v38;
	v19 =	vadd.s32 v30, v19;
	v2 =	vmul.u32 $0x79, v2  }
0x115: {  	v33 =	vld [tilespmem:$0xB90];
	[tilespmem:$0x11B0] =	vst v3;
	v3 =	vmul.u32 $0x79, v39;
	v14 =	vadd.s32 v27, v14;
	v27 =	vadd.s32 v41, v55  }
0x116: {  	v7 =	vld [tilespmem:$0xB20];
	[tilespmem:$0x1180] =	vst v0;
	v11 =	vmul.u32 $0x79, v11;
	v19 =	vmul.u32 $0x79, v19;
	v27 =	vmul.u32 $0x79, v27  }
0x117: {  	[tilespmem:$0x1190] =	vst v1;
	v5 =	vadd.s32 v40, v5;
	v51 =	vmul.u32 $0x79, v43;
	v41 =	vld [tilespmem:$0x3B0];
	v2 =	vadd.s32 v16, v2  }
0x118: {  	v45 =	vld [tilespmem:$0x7B0];
	[tilespmem:$0x11D0] =	vst v13;
	v3 =	vadd.s32 v53, v3;
	v5 =	vmul.u32 $0x79, v5;
	v4 =	vadd.s32 v4, v27  }
0x119: {  	[tilespmem:$0x1200] =	vst v20;
	v47 =	vld [tilespmem:$0xBA0];
	v27 =	vadd.s32 v10, v9;
	v63 =	vmul.u32 $0x79, v4;
	v4 =	vmul.u32 $0x79, v35  }
0x11a: {  	v17 =	vld [tilespmem:$0xF20];
	[tilespmem:$0x11C0] =	vst v6;
	v19 =	vadd.s32 v31, v19;
	v3 =	vmul.u32 $0x79, v3;
	v34 =	vmul.u32 $0x79, v27  }
0x11b: {  	[tilespmem:$0x1210] =	vst v22;
	v0 =	vadd.s32 v42, v63;
	v4 =	vadd.s32 v46, v4;
	v42 =	vmul.u32 $0x79, v56;
	v46 =	vld [tilespmem:$0x7C0]  }
0x11c: {  	v48 =	vld [tilespmem:$0xBB0];
	[tilespmem:$0x11E0] =	vst v14;
	v3 =	vadd.s32 v54, v3;
	v6 =	vmul.u32 $0x79, v41;
	v1 =	vadd.s32 v7, v34  }
0x11d: {  	v53 =	vld [tilespmem:$0xFA0];
	[tilespmem:$0x1230] =	vst v2;
	v1 =	vmul.u32 $0x79, v1;
	v4 =	vmul.u32 $0x79, v4;
	v8 =	vadd.s32 v57, v42  }
0x11e: {  	v50 =	vld [tilespmem:$0xBC0];
	[tilespmem:$0x11F0] =	vst v19;
	v56 =	vadd.s32 v47, v5;
	v6 =	vadd.s32 v45, v6;
	v8 =	vmul.u32 $0x79, v8  }
0x11f: {  	v37 =	vld [tilespmem:$0xF90];
	[tilespmem:$0x1220] =	vst v0;
	v6 =	vmul.u32 $0x79, v6;
	v1 =	vadd.s32 v17, v1;
	v4 =	vadd.s32 v49, v4  }
0x120: {  	v55 =	vld [tilespmem:$0xFB0];
	[tilespmem:$0x1250] =	vst v4;
	v4 =	vmul.u32 $0x79, v56;
	v49 =	vadd.s32 v58, v8;
	v54 =	vadd.s32 v46, v51  }
0x121: {  	v52 =	vadd.s32 v33, v11;
	v57 =	vld [tilespmem:$0xFC0];
	[tilespmem:$0x1240] =	vst v1;
	v0 =	vmul.u32 $0x79, v49;
	v1 =	vmul.u32 $0x79, v54  }
0x122: {  	v2 =	vmul.u32 $0x79, v52;
	[tilespmem:$0x1260] =	vst v3;
	v58 =	vadd.s32 v48, v6;
	v61 =	vadd.s32 v53, v4  }
0x123: {  	v60 =	vmul.u32 $0x79, v58;
	[tilespmem:$0x1290] =	vst v61;
	v0 =	vadd.s32 v59, v0;
	v1 =	vadd.s32 v50, v1  }
0x124: {  	v59 =	vadd.s32 v37, v2;
	[tilespmem:$0x1270] =	vst v0;
	v1 =	vmul.u32 $0x79, v1  }
0x125: {  	v62 =	vadd.s32 v55, v60;
	[tilespmem:$0x1280] =	vst v59  }
0x126: {  	[tilespmem:$0x12A0] =	vst v62;
	v63 =	vadd.s32 v57, v1  }
0x127: {  	[tilespmem:$0x12B0] =	vst v63  }
0x128: {  	[tilespmem:s20], [sflag:$0x4] =	stream.indirect.gather [hbm4b:s6+s18], $0x1, s19, s18, $0xb8;
	[tilespmem:$0x1A600] =	vst v63  }
.LBB2_8:
0x129: {  	s30 =	sor.u32 s10, s30  }
0x12a: {  	p4 =	sgt.u32 s30, $0xC34  }
0x12b: {  	s1 =	smul.u32 @!p4 $0x50, s30;
	_ =	sdelay $0x1  }
0x12c: {  	s1 =	sshrl.u32 @!p4 s1, $0x3  }
0x12d: {  	s13 =	simm.s32 @!p4 $0x0;
	s7 =	sadd.s32 @!p4 s2, s1  }
0x12e: {  	[tilespmem:s13], [sflag:$0x1] =	stream.linear.gather @!p4 [hbm4b:s7+s13], $0x50, $0x38;
	[tilespmem:$0x1A600] =	vst v63  }
0x12f: {  	s31 =	simm.s32 @!p4 $0x400;
	s7 =	sadd.s32 @!p4 s3, s1  }
0x130: {  	[tilespmem:s31], [sflag:$0x1] =	stream.linear.gather @!p4 [hbm4b:s7+s13], $0x50, $0x38;
	[tilespmem:$0x1A600] =	vst v63  }
0x131: {  	s7 =	sadd.s32 @!p4 s4, s1;
	s31 =	simm.s32 @!p4 $0x800  }
0x132: {  	[tilespmem:s31], [sflag:$0x1] =	stream.linear.gather @!p4 [hbm4b:s7+s13], $0x50, $0x38;
	[tilespmem:$0x1A600] =	vst v63  }
0x133: {  	s7 =	sadd.s32 @!p4 s5, s1;
	s31 =	simm.s32 @!p4 $0xC00  }
0x134: {  	[tilespmem:s31], [sflag:$0x1] =	stream.linear.gather @!p4 [hbm4b:s7+s13], $0x50, $0x38;
	[tilespmem:$0x1A600] =	vst v63  }
0x135: {  	s7 =	sadd.s32 @!p4 $0x7A12, s1  }
0x136: {  	s26 =	simm.s32 @!p4 $0x80;
	s31 =	sadd.s32 @!p4 s2, s7  }
0x137: {  	[tilespmem:s26], [sflag:$0x1] =	stream.linear.gather @!p4 [hbm4b:s31+s13], $0x50, $0x38;
	[tilespmem:$0x1A600] =	vst v63  }
0x138: {  	s26 =	sadd.s32 @!p4 s3, s7;
	s31 =	simm.s32 @!p4 $0x480  }
0x139: {  	[tilespmem:s31], [sflag:$0x1] =	stream.linear.gather @!p4 [hbm4b:s26+s13], $0x50, $0x38;
	[tilespmem:$0x1A600] =	vst v63  }
0x13a: {  	s26 =	sadd.s32 @!p4 s4, s7;
	s31 =	simm.s32 @!p4 $0x880  }
0x13b: {  	[tilespmem:s31], [sflag:$0x1] =	stream.linear.gather @!p4 [hbm4b:s26+s13], $0x50, $0x38;
	[tilespmem:$0x1A600] =	vst v63  }
0x13c: {  	s7 =	sadd.s32 @!p4 s5, s7;
	s26 =	simm.s32 @!p4 $0xC80  }
0x13d: {  	[tilespmem:s26], [sflag:$0x1] =	stream.linear.gather @!p4 [hbm4b:s7+s13], $0x50, $0x38;
	[tilespmem:$0x1A600] =	vst v63  }
0x13e: {  	s7 =	sadd.s32 @!p4 $0xF424, s1  }
0x13f: {  	s31 =	simm.s32 @!p4 $0x100;
	s26 =	sadd.s32 @!p4 s2, s7  }
0x140: {  	[tilespmem:s31], [sflag:$0x1] =	stream.linear.gather @!p4 [hbm4b:s26+s13], $0x50, $0x38;
	[tilespmem:$0x1A600] =	vst v63  }
0x141: {  	s26 =	sadd.s32 @!p4 s3, s7;
	s31 =	simm.s32 @!p4 $0x500  }
0x142: {  	[tilespmem:s31], [sflag:$0x1] =	stream.linear.gather @!p4 [hbm4b:s26+s13], $0x50, $0x38;
	[tilespmem:$0x1A600] =	vst v63  }
0x143: {  	s26 =	sadd.s32 @!p4 s4, s7;
	s31 =	simm.s32 @!p4 $0x900  }
0x144: {  	[tilespmem:s31], [sflag:$0x1] =	stream.linear.gather @!p4 [hbm4b:s26+s13], $0x50, $0x38;
	[tilespmem:$0x1A600] =	vst v63  }
0x145: {  	s1 =	sadd.s32 @!p4 $0x16E36, s1;
	s7 =	sadd.s32 @!p4 s5, s7;
	s26 =	simm.s32 @!p4 $0xD00  }
0x146: {  	[tilespmem:s26], [sflag:$0x1] =	stream.linear.gather @!p4 [hbm4b:s7+s13], $0x50, $0x38;
	[tilespmem:$0x1A600] =	vst v63  }
0x147: {  	s7 =	sadd.s32 @!p4 s2, s1;
	s26 =	simm.s32 @!p4 $0x180  }
0x148: {  	[tilespmem:s26], [sflag:$0x1] =	stream.linear.gather @!p4 [hbm4b:s7+s13], $0x50, $0x38;
	[tilespmem:$0x1A600] =	vst v63  }
0x149: {  	s7 =	sadd.s32 @!p4 s3, s1;
	s26 =	simm.s32 @!p4 $0x580  }
0x14a: {  	[tilespmem:s26], [sflag:$0x1] =	stream.linear.gather @!p4 [hbm4b:s7+s13], $0x50, $0x38;
	[tilespmem:$0x1A600] =	vst v63  }
0x14b: {  	s7 =	sadd.s32 @!p4 s4, s1;
	s26 =	simm.s32 @!p4 $0x980  }
0x14c: {  	[tilespmem:s26], [sflag:$0x1] =	stream.linear.gather @!p4 [hbm4b:s7+s13], $0x50, $0x38;
	[tilespmem:$0x1A600] =	vst v63  }
0x14d: {  	s1 =	sadd.s32 @!p4 s5, s1;
	s7 =	simm.s32 @!p4 $0xD80  }
0x14e: {  	[tilespmem:s7], [sflag:$0x1] =	stream.linear.gather @!p4 [hbm4b:s1+s13], $0x50, $0x38;
	[tilespmem:$0x1A600] =	vst v63  }
.Ltmp7:
0x14f: {  	_ = 	snop;
	(pc) =	sbr.rel @!p3 .LBB2_12-.Ltmp7, $4  }
0x150: {  	s1 =	simm.s32 @!p1 $0x7  }
0x151: {  	_ =	swait.ge @!p1 [sflag:s1], $0x2800  }
0x152: {  	[sflag:s1] =	ssyncset.done @!p1 $0x0  }
0x153: {  	[sflag:s1] =	ssyncadd.s32 @!p1 $0xFFFFD800  }
0x154: {  	_ =	swait.ge [sflag:s21], $0xA000  }
0x155: {  	[sflag:s21] =	ssyncset.done $0x0  }
0x156: {  	s31 =	simm.s32 $0x0;
	[sflag:s21] =	ssyncadd.s32 $0xFFFF6000  }
0x157: {  	v0 =	vld [tilespmem:s31+$0x8F90]  }
0x158: {  	v1 =	vld [tilespmem:s31+$0x1600]  }
0x159: {  	v2 =	vld [tilespmem:s31+$0x1610]  }
0x15a: {  	v3 =	vld [tilespmem:s31+$0x3E00]  }
0x15b: {  	v4 =	vld [tilespmem:s31+$0x3E10]  }
0x15c: {  	v5 =	vld [tilespmem:s31+$0x6600];
	[tilespmem:s31+$0x157F0] =	vst v0  }
0x15d: {  	[tilespmem:s31+$0x15600] =	vst v1;
	v0 =	vld [tilespmem:s31+$0x6610]  }
0x15e: {  	[tilespmem:s31+$0x15610] =	vst v2;
	v1 =	vld [tilespmem:s31+$0x8E00]  }
0x15f: {  	[tilespmem:s31+$0x15620] =	vst v3;
	v2 =	vld [tilespmem:s31+$0x8E10]  }
0x160: {  	[tilespmem:s31+$0x15630] =	vst v4;
	v3 =	vld [tilespmem:s31+$0x1680]  }
0x161: {  	[tilespmem:s31+$0x15640] =	vst v5;
	v4 =	vld [tilespmem:s31+$0x1690]  }
0x162: {  	v5 =	vld [tilespmem:s31+$0x8F10];
	[tilespmem:s31+$0x15650] =	vst v0  }
0x163: {  	v0 =	vld [tilespmem:s31+$0x3E80];
	[tilespmem:s31+$0x15660] =	vst v1  }
0x164: {  	v1 =	vld [tilespmem:s31+$0x3E90];
	[tilespmem:s31+$0x15670] =	vst v2  }
0x165: {  	v2 =	vld [tilespmem:s31+$0x6680];
	[tilespmem:s31+$0x15680] =	vst v3  }
0x166: {  	[tilespmem:s31+$0x15690] =	vst v4;
	v4 =	vld [tilespmem:s31+$0x8E80]  }
0x167: {  	v3 =	vld [tilespmem:s31+$0x6690];
	[tilespmem:s31+$0x15770] =	vst v5  }
0x168: {  	[tilespmem:s31+$0x156A0] =	vst v0;
	v0 =	vld [tilespmem:s31+$0x8E90]  }
0x169: {  	[tilespmem:s31+$0x156B0] =	vst v1;
	v1 =	vld [tilespmem:s31+$0x1700]  }
0x16a: {  	[tilespmem:s31+$0x156C0] =	vst v2;
	v2 =	vld [tilespmem:s31+$0x1710]  }
0x16b: {  	[tilespmem:s31+$0x156E0] =	vst v4;
	v4 =	vld [tilespmem:s31+$0x3F10]  }
0x16c: {  	[tilespmem:s31+$0x156D0] =	vst v3;
	v3 =	vld [tilespmem:s31+$0x3F00]  }
0x16d: {  	[tilespmem:s31+$0x156F0] =	vst v0;
	v0 =	vld [tilespmem:s31+$0x6700]  }
0x16e: {  	[tilespmem:s31+$0x15700] =	vst v1;
	v1 =	vld [tilespmem:s31+$0x6710]  }
0x16f: {  	[tilespmem:s31+$0x15710] =	vst v2;
	v2 =	vld [tilespmem:s31+$0x8F00]  }
0x170: {  	[tilespmem:s31+$0x15730] =	vst v4;
	v4 =	vld [tilespmem:s31+$0x1780]  }
0x171: {  	[tilespmem:s31+$0x15720] =	vst v3;
	v3 =	vld [tilespmem:s31+$0x1790]  }
0x172: {  	[tilespmem:s31+$0x15740] =	vst v0;
	v0 =	vld [tilespmem:s31+$0x3F80]  }
0x173: {  	[tilespmem:s31+$0x15750] =	vst v1;
	v1 =	vld [tilespmem:s31+$0x3F90]  }
0x174: {  	[tilespmem:s31+$0x15760] =	vst v2;
	v2 =	vld [tilespmem:s31+$0x6780]  }
0x175: {  	s1 =	simm.s32 $0x0;
	s7 =	simm.s32 $0x800;
	[tilespmem:s31+$0x15780] =	vst v4;
	v4 =	vld [tilespmem:s31+$0x6790]  }
.LBB2_10:
0x176: {  	s13 =	sshra.s32 s7, $0x2;
	s1 =	sadd.s32 $0x4, s1;
	[tilespmem:s31+$0x15790] =	vst v3;
	v3 =	vld [tilespmem:s31+$0x8F80]  }
0x177: {  	v5 =	vld [tilespmem:s13+$0x8F90];
	p1 =	slt.u32 s1, $0x4C;
	[tilespmem:s31+$0x157A0] =	vst v0  }
0x178: {  	v0 =	vld [tilespmem:s13+$0x1600];
	[tilespmem:s31+$0x157B0] =	vst v1  }
0x179: {  	v1 =	vld [tilespmem:s13+$0x1610];
	[tilespmem:s31+$0x157C0] =	vst v2  }
0x17a: {  	v2 =	vld [tilespmem:s13+$0x3E00];
	[tilespmem:s31+$0x157D0] =	vst v4  }
0x17b: {  	v4 =	vld [tilespmem:s13+$0x3E10];
	[tilespmem:s31+$0x157E0] =	vst v3;
	s31 =	smov.u32 s13  }
0x17c: {  	v3 =	vld [tilespmem:s31+$0x6600];
	[tilespmem:s31+$0x157F0] =	vst v5  }
0x17d: {  	[tilespmem:s31+$0x15600] =	vst v0;
	v0 =	vld [tilespmem:s31+$0x6610]  }
0x17e: {  	[tilespmem:s31+$0x15610] =	vst v1;
	v1 =	vld [tilespmem:s31+$0x8E00]  }
0x17f: {  	[tilespmem:s31+$0x15620] =	vst v2;
	v2 =	vld [tilespmem:s31+$0x8E10]  }
0x180: {  	[tilespmem:s31+$0x15630] =	vst v4;
	v4 =	vld [tilespmem:s31+$0x1680]  }
0x181: {  	[tilespmem:s31+$0x15640] =	vst v3;
	v3 =	vld [tilespmem:s31+$0x1690]  }
0x182: {  	[tilespmem:s31+$0x15650] =	vst v0;
	v0 =	vld [tilespmem:s31+$0x3E80]  }
0x183: {  	[tilespmem:s31+$0x15660] =	vst v1;
	v1 =	vld [tilespmem:s31+$0x3E90]  }
0x184: {  	[tilespmem:s31+$0x15670] =	vst v2;
	v2 =	vld [tilespmem:s31+$0x6680]  }
0x185: {  	[tilespmem:s31+$0x15680] =	vst v4;
	v4 =	vld [tilespmem:s31+$0x6690]  }
0x186: {  	[tilespmem:s31+$0x15690] =	vst v3;
	v3 =	vld [tilespmem:s31+$0x8E80]  }
0x187: {  	[tilespmem:s31+$0x156A0] =	vst v0;
	v0 =	vld [tilespmem:s31+$0x8E90]  }
0x188: {  	[tilespmem:s31+$0x156B0] =	vst v1;
	v1 =	vld [tilespmem:s31+$0x1700]  }
0x189: {  	[tilespmem:s31+$0x156C0] =	vst v2;
	v2 =	vld [tilespmem:s31+$0x1710]  }
0x18a: {  	[tilespmem:s31+$0x156D0] =	vst v4;
	v4 =	vld [tilespmem:s31+$0x3F00]  }
0x18b: {  	[tilespmem:s31+$0x156E0] =	vst v3;
	v3 =	vld [tilespmem:s31+$0x3F10]  }
0x18c: {  	[tilespmem:s31+$0x156F0] =	vst v0;
	v0 =	vld [tilespmem:s31+$0x6700]  }
0x18d: {  	[tilespmem:s31+$0x15700] =	vst v1;
	v1 =	vld [tilespmem:s31+$0x6710]  }
0x18e: {  	[tilespmem:s31+$0x15710] =	vst v2;
	v2 =	vld [tilespmem:s31+$0x8F00]  }
0x18f: {  	[tilespmem:s31+$0x15720] =	vst v4;
	v4 =	vld [tilespmem:s31+$0x8F10]  }
0x190: {  	[tilespmem:s31+$0x15730] =	vst v3;
	v5 =	vld [tilespmem:s31+$0x1780]  }
.Ltmp8:
0x191: {  	[tilespmem:s31+$0x15740] =	vst v0;
	v3 =	vld [tilespmem:s31+$0x1790];
	(pc) =	sbr.rel @p1 .LBB2_10-.Ltmp8, $4  }
0x192: {  	[tilespmem:s31+$0x15750] =	vst v1;
	v0 =	vld [tilespmem:s31+$0x3F80]  }
0x193: {  	[tilespmem:s31+$0x15760] =	vst v2;
	v1 =	vld [tilespmem:s31+$0x3F90]  }
0x194: {  	[tilespmem:s31+$0x15770] =	vst v4;
	v2 =	vld [tilespmem:s31+$0x6780]  }
0x195: {  	s7 =	sadd.s32 $0x800, s7;
	[tilespmem:s31+$0x15780] =	vst v5;
	v4 =	vld [tilespmem:s31+$0x6790]  }
0x196: {  	[tilespmem:s31+$0x15790] =	vst v3;
	v63 =	vld [tilespmem:s31+$0x8F80]  }
0x197: {  	[tilespmem:s31+$0x157A0] =	vst v0  }
0x198: {  	s1 =	smul.u32 $0x2800, s29;
	[tilespmem:s31+$0x157B0] =	vst v1  }
0x199: {  	[tilespmem:s31+$0x157C0] =	vst v2  }
0x19a: {  	s1 =	sshrl.u32 s1, $0x3;
	[tilespmem:s31+$0x157D0] =	vst v4  }
0x19b: {  	s1 =	sadd.s32 s8, s1;
	[tilespmem:s31+$0x157E0] =	vst v63  }
0x19c: {  	[hbm4b:s1+s9] =	stream.linear.scatter [tilespmem:s22], [sflag:$0x7], $0x2800, $0x38;
	[tilespmem:$0x1A600] =	vst v63  }
.LBB2_12:
.Ltmp9:
0x19d: {  	s1 =	simm.s32 @p2 $0x4;
	(pc) =	sbr.rel @p4 .LBB2_14-.Ltmp9, $4  }
0x19e: {  	_ =	swait.ge @p2 [sflag:s1], $0x140  }
0x19f: {  	s7 =	simm.s32 @p2 $0x1480;
	[sflag:s1] =	ssyncset.done @p2 $0x0  }
0x1a0: {  	s13 =	simm.s32 @p2 $0xB600;
	[sflag:s1] =	ssyncadd.s32 @p2 $0xFFFFFEC0;
	s1 =	simm.s32 @p2 $0x140  }
0x1a1: {  	[tilespmem:s13], [sflag:$0x6] =	stream.indirect.gather @p2 [hbm4b:s0+s1], $0x80, s7, s1, $0xb8;
	[tilespmem:$0x1A600] =	vst v63  }
0x1a2: {  	_ =	swait.ge [sflag:s23], $0x50  }
0x1a3: {  	[sflag:s23] =	ssyncset.done $0x0  }
0x1a4: {  	[sflag:s23] =	ssyncadd.s32 $0xFFFFFFB0  }
0x1a5: {  	_ =	swait.ge [sflag:s23], $0x50  }
0x1a6: {  	[sflag:s23] =	ssyncset.done $0x0  }
0x1a7: {  	[sflag:s23] =	ssyncadd.s32 $0xFFFFFFB0  }
0x1a8: {  	_ =	swait.ge [sflag:s23], $0x50  }
0x1a9: {  	[sflag:s23] =	ssyncset.done $0x0  }
0x1aa: {  	[sflag:s23] =	ssyncadd.s32 $0xFFFFFFB0  }
0x1ab: {  	_ =	swait.ge [sflag:s23], $0x50  }
0x1ac: {  	[sflag:s23] =	ssyncset.done $0x0  }
0x1ad: {  	[sflag:s23] =	ssyncadd.s32 $0xFFFFFFB0  }
0x1ae: {  	_ =	swait.ge [sflag:s23], $0x50  }
0x1af: {  	[sflag:s23] =	ssyncset.done $0x0  }
0x1b0: {  	[sflag:s23] =	ssyncadd.s32 $0xFFFFFFB0  }
0x1b1: {  	_ =	swait.ge [sflag:s23], $0x50  }
0x1b2: {  	[sflag:s23] =	ssyncset.done $0x0  }
0x1b3: {  	[sflag:s23] =	ssyncadd.s32 $0xFFFFFFB0  }
0x1b4: {  	_ =	swait.ge [sflag:s23], $0x50  }
0x1b5: {  	[sflag:s23] =	ssyncset.done $0x0  }
0x1b6: {  	[sflag:s23] =	ssyncadd.s32 $0xFFFFFFB0  }
0x1b7: {  	_ =	swait.ge [sflag:s23], $0x50  }
0x1b8: {  	[sflag:s23] =	ssyncset.done $0x0  }
0x1b9: {  	[sflag:s23] =	ssyncadd.s32 $0xFFFFFFB0  }
0x1ba: {  	_ =	swait.ge [sflag:s23], $0x50  }
0x1bb: {  	[sflag:s23] =	ssyncset.done $0x0  }
0x1bc: {  	[sflag:s23] =	ssyncadd.s32 $0xFFFFFFB0  }
0x1bd: {  	_ =	swait.ge [sflag:s23], $0x50  }
0x1be: {  	[sflag:s23] =	ssyncset.done $0x0  }
0x1bf: {  	[sflag:s23] =	ssyncadd.s32 $0xFFFFFFB0  }
0x1c0: {  	_ =	swait.ge [sflag:s23], $0x50  }
0x1c1: {  	[sflag:s23] =	ssyncset.done $0x0  }
0x1c2: {  	[sflag:s23] =	ssyncadd.s32 $0xFFFFFFB0  }
0x1c3: {  	_ =	swait.ge [sflag:s23], $0x50  }
0x1c4: {  	[sflag:s23] =	ssyncset.done $0x0  }
0x1c5: {  	[sflag:s23] =	ssyncadd.s32 $0xFFFFFFB0  }
0x1c6: {  	_ =	swait.ge [sflag:s23], $0x50  }
0x1c7: {  	[sflag:s23] =	ssyncset.done $0x0  }
0x1c8: {  	[sflag:s23] =	ssyncadd.s32 $0xFFFFFFB0  }
0x1c9: {  	_ =	swait.ge [sflag:s23], $0x50  }
0x1ca: {  	[sflag:s23] =	ssyncset.done $0x0  }
0x1cb: {  	[sflag:s23] =	ssyncadd.s32 $0xFFFFFFB0  }
0x1cc: {  	_ =	swait.ge [sflag:s23], $0x50  }
0x1cd: {  	[sflag:s23] =	ssyncset.done $0x0  }
0x1ce: {  	[sflag:s23] =	ssyncadd.s32 $0xFFFFFFB0  }
0x1cf: {  	_ =	swait.ge [sflag:s23], $0x50  }
0x1d0: {  	[sflag:s23] =	ssyncset.done $0x0  }
0x1d1: {  	[sflag:s23] =	ssyncadd.s32 $0xFFFFFFB0  }
0x1d2: {  	v0 =	vld [tilespmem:$0x0]  }
0x1d3: {  	v1 =	vld [tilespmem:$0x400]  }
0x1d4: {  	v2 =	vld [tilespmem:$0x800]  }
0x1d5: {  	v3 =	vld [tilespmem:$0xC00]  }
0x1d6: {  	v4 =	vld [tilespmem:$0x10]  }
0x1d7: {  	v5 =	vld [tilespmem:$0x410]  }
0x1d8: {  	v6 =	vld [tilespmem:$0x810]  }
0x1d9: {  	v7 =	vld [tilespmem:$0xC10]  }
0x1da: {  	v8 =	vld [tilespmem:$0x20]  }
0x1db: {  	v9 =	vld [tilespmem:$0x420]  }
0x1dc: {  	v10 =	vld [tilespmem:$0x820]  }
0x1dd: {  	v11 =	vld [tilespmem:$0xC20]  }
0x1de: {  	v12 =	vld [tilespmem:$0x30]  }
0x1df: {  	v13 =	vld [tilespmem:$0x430]  }
0x1e0: {  	v14 =	vld [tilespmem:$0x830]  }
0x1e1: {  	v15 =	vld [tilespmem:$0xC30]  }
0x1e2: {  	v16 =	vld [tilespmem:$0x40]  }
0x1e3: {  	v17 =	vld [tilespmem:$0x440]  }
0x1e4: {  	v18 =	vld [tilespmem:$0x840]  }
0x1e5: {  	v19 =	vld [tilespmem:$0xC40]  }
0x1e6: {  	v20 =	vld [tilespmem:$0x80]  }
0x1e7: {  	v21 =	vld [tilespmem:$0x480]  }
0x1e8: {  	v22 =	vld [tilespmem:$0x880]  }
0x1e9: {  	v23 =	vld [tilespmem:$0xC80]  }
0x1ea: {  	v24 =	vld [tilespmem:$0x90]  }
0x1eb: {  	v25 =	vld [tilespmem:$0x490]  }
0x1ec: {  	v26 =	vld [tilespmem:$0x890]  }
0x1ed: {  	v27 =	vld [tilespmem:$0xC90]  }
0x1ee: {  	v28 =	vld [tilespmem:$0xA0]  }
0x1ef: {  	v29 =	vld [tilespmem:$0x4A0]  }
0x1f0: {  	v30 =	vld [tilespmem:$0x8A0]  }
0x1f1: {  	v31 =	vld [tilespmem:$0xCA0]  }
0x1f2: {  	v32 =	vld [tilespmem:$0xB0]  }
0x1f3: {  	v33 =	vld [tilespmem:$0x4B0]  }
0x1f4: {  	v34 =	vld [tilespmem:$0x8B0]  }
0x1f5: {  	v35 =	vld [tilespmem:$0xCB0]  }
0x1f6: {  	v36 =	vld [tilespmem:$0xC0]  }
0x1f7: {  	v37 =	vld [tilespmem:$0x4C0]  }
0x1f8: {  	v38 =	vld [tilespmem:$0x8C0]  }
0x1f9: {  	v39 =	vld [tilespmem:$0xCC0]  }
0x1fa: {  	v40 =	vld [tilespmem:$0x100]  }
0x1fb: {  	v59 =	vld [tilespmem:$0x110]  }
0x1fc: {  	v51 =	vld [tilespmem:$0x140]  }
0x1fd: {  	v41 =	vld [tilespmem:$0x500];
	v0 =	vmul.u32 $0x79, v0;
	v57 =	vmul.u32 $0x79, v4  }
0x1fe: {  	v42 =	vld [tilespmem:$0xD00];
	v58 =	vmul.u32 $0x79, v8;
	v60 =	vmul.u32 $0x79, v12;
	v61 =	vmul.u32 $0x79, v16  }
0x1ff: {  	v63 =	vld [tilespmem:$0x120];
	v20 =	vmul.u32 $0x79, v20;
	v43 =	vmul.u32 $0x79, v24;
	v47 =	vmul.u32 $0x79, v28  }
0x200: {  	v44 =	vld [tilespmem:$0x130];
	v48 =	vmul.u32 $0x79, v32;
	v50 =	vmul.u32 $0x79, v36;
	v55 =	vmul.u32 $0x79, v40  }
0x201: {  	v45 =	vld [tilespmem:$0x530];
	v8 =	vmul.u32 $0x79, v59;
	v36 =	vmul.u32 $0x79, v51;
	v0 =	vadd.s32 v1, v0  }
0x202: {  	v46 =	vld [tilespmem:$0x930];
	v1 =	vadd.s32 v5, v57;
	v5 =	vadd.s32 v9, v58;
	v62 =	vadd.s32 v13, v60  }
0x203: {  	v49 =	vld [tilespmem:$0xD30];
	v13 =	vadd.s32 v21, v20;
	v20 =	vadd.s32 v33, v48;
	v0 =	vmul.u32 $0x79, v0  }
0x204: {  	v52 =	vld [tilespmem:$0x540];
	v9 =	vmul.u32 $0x79, v63;
	v1 =	vmul.u32 $0x79, v1;
	v5 =	vmul.u32 $0x79, v5  }
0x205: {  	v60 =	vld [tilespmem:$0x190];
	v13 =	vmul.u32 $0x79, v13;
	v20 =	vmul.u32 $0x79, v20;
	v0 =	vadd.s32 v2, v0  }
0x206: {  	v53 =	vld [tilespmem:$0x940];
	v1 =	vadd.s32 v6, v1;
	v5 =	vadd.s32 v10, v5;
	v6 =	vadd.s32 v17, v61  }
0x207: {  	v54 =	vld [tilespmem:$0xD40];
	v13 =	vadd.s32 v22, v13;
	v22 =	vadd.s32 v37, v50;
	v20 =	vadd.s32 v34, v20  }
0x208: {  	v56 =	vld [tilespmem:$0x180];
	v61 =	vmul.u32 $0x79, v44;
	v0 =	vmul.u32 $0x79, v0;
	v1 =	vmul.u32 $0x79, v1  }
0x209: {  	v4 =	vld [tilespmem:$0x900];
	v5 =	vmul.u32 $0x79, v5;
	v6 =	vmul.u32 $0x79, v6;
	v13 =	vmul.u32 $0x79, v13  }
0x20a: {  	v2 =	vld [tilespmem:$0x510];
	v22 =	vmul.u32 $0x79, v22;
	v20 =	vmul.u32 $0x79, v20;
	v44 =	vmul.u32 $0x79, v60  }
0x20b: {  	v12 =	vld [tilespmem:$0x910];
	v0 =	vadd.s32 v3, v0;
	v3 =	vmul.u32 $0x79, v62;
	v1 =	vadd.s32 v7, v1  }
0x20c: {  	v16 =	vld [tilespmem:$0xD10];
	v5 =	vadd.s32 v11, v5;
	v6 =	vadd.s32 v18, v6;
	v13 =	vadd.s32 v23, v13  }
0x20d: {  	v59 =	vld [tilespmem:$0xD80];
	v22 =	vadd.s32 v38, v22;
	v20 =	vadd.s32 v35, v20;
	v35 =	vadd.s32 v45, v61  }
0x20e: {  	v62 =	vld [tilespmem:$0x590];
	v6 =	vmul.u32 $0x79, v6;
	v22 =	vmul.u32 $0x79, v22;
	v3 =	vadd.s32 v14, v3  }
0x20f: {  	v38 =	vld [tilespmem:$0x1A0];
	v14 =	vadd.s32 v25, v43;
	v2 =	vadd.s32 v2, v8;
	v3 =	vmul.u32 $0x79, v3  }
0x210: {  	v40 =	vld [tilespmem:$0x5A0];
	v14 =	vmul.u32 $0x79, v14;
	v6 =	vadd.s32 v19, v6;
	v19 =	vadd.s32 v29, v47  }
0x211: {  	v57 =	vld [tilespmem:$0x580];
	v22 =	vadd.s32 v39, v22;
	v2 =	vmul.u32 $0x79, v2;
	v39 =	vadd.s32 v52, v36  }
0x212: {  	v43 =	vld [tilespmem:$0x1C0];
	v19 =	vmul.u32 $0x79, v19;
	v3 =	vadd.s32 v15, v3;
	v14 =	vadd.s32 v26, v14  }
0x213: {  	v58 =	vld [tilespmem:$0x980];
	v2 =	vadd.s32 v12, v2;
	v11 =	vadd.s32 v62, v44;
	v14 =	vmul.u32 $0x79, v14  }
0x214: {  	v10 =	vld [tilespmem:$0x520];
	[tilespmem:$0x1020] =	vst v5;
	v5 =	vmul.u32 $0x79, v38;
	v19 =	vadd.s32 v30, v19;
	v2 =	vmul.u32 $0x79, v2  }
0x215: {  	v33 =	vld [tilespmem:$0x990];
	[tilespmem:$0x1030] =	vst v3;
	v3 =	vmul.u32 $0x79, v39;
	v14 =	vadd.s32 v27, v14;
	v27 =	vadd.s32 v41, v55  }
0x216: {  	v7 =	vld [tilespmem:$0x920];
	[tilespmem:$0x1000] =	vst v0;
	v11 =	vmul.u32 $0x79, v11;
	v19 =	vmul.u32 $0x79, v19;
	v27 =	vmul.u32 $0x79, v27  }
0x217: {  	[tilespmem:$0x1010] =	vst v1;
	v5 =	vadd.s32 v40, v5;
	v51 =	vmul.u32 $0x79, v43;
	v41 =	vld [tilespmem:$0x1B0];
	v2 =	vadd.s32 v16, v2  }
0x218: {  	v45 =	vld [tilespmem:$0x5B0];
	[tilespmem:$0x1050] =	vst v13;
	v3 =	vadd.s32 v53, v3;
	v5 =	vmul.u32 $0x79, v5;
	v4 =	vadd.s32 v4, v27  }
0x219: {  	[tilespmem:$0x1080] =	vst v20;
	v47 =	vld [tilespmem:$0x9A0];
	v27 =	vadd.s32 v10, v9;
	v63 =	vmul.u32 $0x79, v4;
	v4 =	vmul.u32 $0x79, v35  }
0x21a: {  	v17 =	vld [tilespmem:$0xD20];
	[tilespmem:$0x1040] =	vst v6;
	v19 =	vadd.s32 v31, v19;
	v3 =	vmul.u32 $0x79, v3;
	v34 =	vmul.u32 $0x79, v27  }
0x21b: {  	[tilespmem:$0x1090] =	vst v22;
	v0 =	vadd.s32 v42, v63;
	v4 =	vadd.s32 v46, v4;
	v42 =	vmul.u32 $0x79, v56;
	v46 =	vld [tilespmem:$0x5C0]  }
0x21c: {  	v48 =	vld [tilespmem:$0x9B0];
	[tilespmem:$0x1060] =	vst v14;
	v3 =	vadd.s32 v54, v3;
	v6 =	vmul.u32 $0x79, v41;
	v1 =	vadd.s32 v7, v34  }
0x21d: {  	v53 =	vld [tilespmem:$0xDA0];
	[tilespmem:$0x10B0] =	vst v2;
	v1 =	vmul.u32 $0x79, v1;
	v4 =	vmul.u32 $0x79, v4;
	v8 =	vadd.s32 v57, v42  }
0x21e: {  	v50 =	vld [tilespmem:$0x9C0];
	[tilespmem:$0x1070] =	vst v19;
	v56 =	vadd.s32 v47, v5;
	v6 =	vadd.s32 v45, v6;
	v8 =	vmul.u32 $0x79, v8  }
0x21f: {  	v37 =	vld [tilespmem:$0xD90];
	[tilespmem:$0x10A0] =	vst v0;
	v6 =	vmul.u32 $0x79, v6;
	v1 =	vadd.s32 v17, v1;
	v4 =	vadd.s32 v49, v4  }
0x220: {  	v55 =	vld [tilespmem:$0xDB0];
	[tilespmem:$0x10D0] =	vst v4;
	v4 =	vmul.u32 $0x79, v56;
	v49 =	vadd.s32 v58, v8;
	v54 =	vadd.s32 v46, v51  }
0x221: {  	v52 =	vadd.s32 v33, v11;
	v57 =	vld [tilespmem:$0xDC0];
	[tilespmem:$0x10C0] =	vst v1;
	v0 =	vmul.u32 $0x79, v49;
	v1 =	vmul.u32 $0x79, v54  }
0x222: {  	v2 =	vmul.u32 $0x79, v52;
	[tilespmem:$0x10E0] =	vst v3;
	v58 =	vadd.s32 v48, v6;
	v61 =	vadd.s32 v53, v4  }
0x223: {  	v60 =	vmul.u32 $0x79, v58;
	[tilespmem:$0x1110] =	vst v61;
	v0 =	vadd.s32 v59, v0;
	v1 =	vadd.s32 v50, v1  }
.Ltmp10:
0x224: {  	v59 =	vadd.s32 v37, v2;
	[tilespmem:$0x10F0] =	vst v0;
	v1 =	vmul.u32 $0x79, v1;
	(pc) =	sbr.rel .LBB2_14-.Ltmp10, $4  }
0x225: {  	v62 =	vadd.s32 v55, v60;
	[tilespmem:$0x1100] =	vst v59  }
0x226: {  	[tilespmem:$0x1120] =	vst v62;
	v63 =	vadd.s32 v57, v1  }
0x227: {  	[tilespmem:$0x1130] =	vst v63  }
0x228: {  	[tilespmem:s25], [sflag:$0x3] =	stream.indirect.gather [hbm4b:s6+s18], $0x1, s24, s18, $0xb8;
	[tilespmem:$0x1A600] =	vst v63  }
.LBB2_16:
0x229: {  	_ =	sfence.sel $0x180000  }
0x22a: {  	[bflag:$0x0] =	sbarrier.arrive $0xFFFF  }
0x22b: {  	_ =	strace $0x90000047  }
0x22c: {  	s0 =	stileid.u32;
	[bflag:$0x2] =	sbarrier.arrive $0xFFFF  }
0x22d: {  	p0 =	sne.s32 s0, $0x0;
	s0 =	rddreg [dreg:$0x7]  }
0x22e: {  	s0 =	sadd.s32 @!p0 $0x100000, s0  }
0x22f: {  	[sflag:s0] =	ssyncadd.tile.s32 @!p0 $0x1;
	_ =	shalt  }
.Lfunc_end2:
_tile_overlayer_lowered:
.L_overlay_start_2:
0x230: {  	(tag) =	ssettag $0x2  }
0x231: {  	s0 =	rddreg [dreg:$0x0];
	s2 =	stileid.u32  }
0x232: {  	s1 =	rddreg [dreg:$0x1];
	p0 =	sne.s32 s2, $0x0  }
0x233: {  	s3 =	rddreg [dreg:$0x2];
	[bflag:$0x3] =	sbarrier.arrive $0xFFFF;
	s2 =	simm.s32 @!p0 $0x1C09  }
0x234: {  	[timem:s3], [sflag:s2] =	dma.local @!p0 [hbm:s0], s1  }
0x235: {  	s0 =	simm.s32 @!p0 $0x9  }
0x236: {  	_ =	swait.ge @!p0 [sflag:s0], s1  }
0x237: {  	s1 =	ssub.s32 @!p0 $0x0, s1;
	[sflag:s0] =	ssyncset.done @!p0 $0x0  }
0x238: {  	[sflag:s0] =	ssyncadd.s32 @!p0 s1  }
0x239: {  	[bflag:$0x3] =	sbarrier.arrive $0xFFFF  }
0x23a: {  	_ =	shalt  }

</sc_bundles>
